<compile_context>
chip_gen: v7x
topology: tpu7x:2x2x1
jax: 0.10.2.dev20260603
libtpu: 0.0.44.dev20260713+nightly
codegen_flags: <defaults>
</compile_context>

<pallas_src>
import functools

import jax
import jax.numpy as jnp
from jax import lax
from jax.experimental import pallas as pl
from jax.experimental.pallas import tpu as pltpu
from jax.experimental.pallas import tpu_sc as plsc

VOCAB_SIZE = 1000000
EMBED_DIM = 64
SEQ_LEN = 200
BATCH = 1024

ROWS = BATCH * SEQ_LEN
NUM_WORKERS = 32
ROWS_PER_WORKER = ROWS // NUM_WORKERS
SEQ_PER_CHUNK = 2
CHUNK = SEQ_PER_CHUNK * SEQ_LEN
NUM_CHUNKS = ROWS_PER_WORKER // CHUNK
LANES = 16
VPR = EMBED_DIM // LANES


def _body(x_hbm, tok_hbm, pos_hbm, out_hbm,
          idx_a, idx_b, buf_a, buf_b, pos_v,
          gsem_a, gsem_b, ssem_a, ssem_b):
    wid = lax.axis_index("s") * 2 + lax.axis_index("c")
    base0 = wid * ROWS_PER_WORKER

    idx_v = (idx_a, idx_b)
    buf_v = (buf_a, buf_b)
    gsem = (gsem_a, gsem_b)
    ssem = (ssem_a, ssem_b)

    pltpu.sync_copy(pos_hbm, pos_v)

    gather = [None, None]
    store = [None, None]

    def launch(c):
        b = c % 2
        pltpu.sync_copy(x_hbm.at[pl.ds(base0 + c * CHUNK, CHUNK)], idx_v[b])
        gather[b] = pltpu.async_copy(tok_hbm.at[idx_v[b]], buf_v[b], gsem[b])

    launch(0)
    for c in range(NUM_CHUNKS):
        b = c % 2
        nb = (c + 1) % 2
        if c + 1 < NUM_CHUNKS:
            if store[nb] is not None:
                store[nb].wait()
            launch(c + 1)
        gather[b].wait()

        def row_body(r, carry):
            for j in range(VPR):
                sl = pl.ds(j * LANES, LANES)
                plsc.addupdate(buf_v[b].at[r, sl], pos_v[r, sl])
            return carry

        lax.fori_loop(0, CHUNK, row_body, 0, unroll=4)
        store[b] = pltpu.async_copy(
            buf_v[b], out_hbm.at[pl.ds(base0 + c * CHUNK, CHUNK)], ssem[b])

    store[(NUM_CHUNKS - 1) % 2].wait()
    store[NUM_CHUNKS % 2].wait()


def kernel(x, token_table, pos_table):
    xf = x.reshape(ROWS).astype(jnp.int32)
    pos_tiled = jnp.tile(pos_table, (SEQ_PER_CHUNK, 1))
    mesh = plsc.VectorSubcoreMesh(core_axis_name="c", subcore_axis_name="s")
    run = functools.partial(
        pl.kernel,
        mesh=mesh,
        out_type=jax.ShapeDtypeStruct((ROWS, EMBED_DIM), jnp.float32),
        scratch_types=[
            pltpu.VMEM((CHUNK,), jnp.int32),
            pltpu.VMEM((CHUNK,), jnp.int32),
            pltpu.VMEM((CHUNK, EMBED_DIM), jnp.float32),
            pltpu.VMEM((CHUNK, EMBED_DIM), jnp.float32),
            pltpu.VMEM((CHUNK, EMBED_DIM), jnp.float32),
            pltpu.SemaphoreType.DMA,
            pltpu.SemaphoreType.DMA,
            pltpu.SemaphoreType.DMA,
            pltpu.SemaphoreType.DMA,
        ],
        compiler_params=pltpu.CompilerParams(use_tc_tiling_on_sc=False),
    )(_body)
    out = run(xf, token_table, pos_tiled)
    return out.reshape(BATCH, SEQ_LEN, EMBED_DIM)

# --- scband reference (transcript-rebuilt; emitter-appended) ---
"""Pipeline reference for scband-embedding-layer-35227321761888 (READ-ONLY COPY).

The authoritative reference and input builder live on the scoring server;
editing this copy changes nothing except your own understanding.
"""

import jax, jax.numpy as jnp
import numpy as np

VOCAB_SIZE = 1000000
EMBED_DIM = 64
SEQ_LEN = 200
BATCH = 1024

def setup_inputs(seed: int = 0) -> dict:
    key = jax.random.key(seed)
    k1, k2, k3 = jax.random.split(key, 3)
    x = jax.random.randint(k1, (BATCH, SEQ_LEN), 0, VOCAB_SIZE, dtype=jnp.int64 if jax.config.jax_enable_x64 else jnp.int32)
    token_table = jax.random.normal(k2, (VOCAB_SIZE, EMBED_DIM), dtype=jnp.float32) * 0.02
    pos_table = jax.random.normal(k3, (SEQ_LEN, EMBED_DIM), dtype=jnp.float32) * 0.02
    return {"x": x, "token_table": token_table, "pos_table": pos_table}

def reference(x, token_table, pos_table):
    seq_len = x.shape[1]
    positions = jnp.arange(seq_len, dtype=x.dtype)[None, :]
    positions = jnp.broadcast_to(positions, x.shape)
    token_embeddings = jnp.take(token_table, x, axis=0)
    position_embeddings = jnp.take(pos_table, positions, axis=0)
    embeddings = token_embeddings + position_embeddings
    return embeddings

if __name__ == "__main__":
    import jax
    _d = setup_inputs()
    print(jax.jit(kernel)(*tuple(_d.values())))

</pallas_src>

<mosaic_0001>
#map = affine_map<(d0, d1) -> (0)>
#map1 = affine_map<(d0, d1) -> (0, 0)>
module attributes {stable_mosaic.version = 14 : i64} {
  func.func @_body(%arg0: i32, %arg1: i32, %arg2: memref<204800xi32, #tpu.memory_space<hbm>>, %arg3: memref<1000000x64xf32, #tpu.memory_space<hbm>>, %arg4: memref<400x64xf32, #tpu.memory_space<hbm>>, %arg5: memref<204800x64xf32, #tpu.memory_space<hbm>>, %arg6: memref<400xi32, #tpu.memory_space<vmem>>, %arg7: memref<400xi32, #tpu.memory_space<vmem>>, %arg8: memref<400x64xf32, #tpu.memory_space<vmem>>, %arg9: memref<400x64xf32, #tpu.memory_space<vmem>>, %arg10: memref<400x64xf32, #tpu.memory_space<vmem>>, %arg11: memref<!tpu.dma_semaphore, #tpu.memory_space<semaphore_mem>>, %arg12: memref<!tpu.dma_semaphore, #tpu.memory_space<semaphore_mem>>, %arg13: memref<!tpu.dma_semaphore, #tpu.memory_space<semaphore_mem>>, %arg14: memref<!tpu.dma_semaphore, #tpu.memory_space<semaphore_mem>>) attributes {dimension_semantics = [#tpu.dimension_semantics<core_parallel>, #tpu.dimension_semantics<subcore_parallel>], iteration_bounds = array<i64: 2, 16>, scalar_prefetch = 0 : i64, scratch_operands = 9 : i64, tpu.core_type = #tpu.core_type<sc_vector_subcore>, window_params = [{transform_indices = #map}, {transform_indices = #map1}, {transform_indices = #map1}, {transform_indices = #map1}]} {
    %mul3A = arith.constant 2 : i32
    %mul3A_0 = arith.muli %arg1, %mul3A : i32
    %add3A = arith.addi %mul3A_0, %arg0 : i32
    %mul3A_1 = arith.constant 6400 : i32
    %mul3A_2 = arith.muli %add3A, %mul3A_1 : i32
    "tpu.region"() ({
      %run_scoped3A = tpu.sem_alloc : memref<!tpu.dma_semaphore, #tpu.memory_space<semaphore_mem>>
      tpu.enqueue_dma source(%arg4 : memref<400x64xf32, #tpu.memory_space<hbm>>) target(%arg10 : memref<400x64xf32, #tpu.memory_space<vmem>>) target_semaphore(%run_scoped3A : memref<!tpu.dma_semaphore, #tpu.memory_space<semaphore_mem>>)
      tpu.wait_dma2 semaphore(%run_scoped3A : memref<!tpu.dma_semaphore, #tpu.memory_space<semaphore_mem>>) src(%arg4 : memref<400x64xf32, #tpu.memory_space<hbm>>) dst(%arg10 : memref<400x64xf32, #tpu.memory_space<vmem>>)
      tpu.yield
    }) : () -> ()
    %add3A_3 = arith.constant 0 : i32
    %add3A_4 = arith.addi %mul3A_2, %add3A_3 : i32
    "tpu.region"() ({
      %run_scoped3A = tpu.sem_alloc : memref<!tpu.dma_semaphore, #tpu.memory_space<semaphore_mem>>
      %dma_start3A_384 = tpu.memref_slice %arg2[%add3A_4] : memref<204800xi32, #tpu.memory_space<hbm>> -> memref<400xi32, #tpu.memory_space<hbm>>
      %dma_start3A_385 = tpu.memref_slice %arg2[%add3A_4] : memref<204800xi32, #tpu.memory_space<hbm>> -> memref<400xi32, #tpu.memory_space<hbm>>
      tpu.enqueue_dma source(%dma_start3A_385 : memref<400xi32, #tpu.memory_space<hbm>>) target(%arg6 : memref<400xi32, #tpu.memory_space<vmem>>) target_semaphore(%run_scoped3A : memref<!tpu.dma_semaphore, #tpu.memory_space<semaphore_mem>>)
      %dma_wait3A_386 = tpu.memref_slice %arg2[%add3A_4] : memref<204800xi32, #tpu.memory_space<hbm>> -> memref<400xi32, #tpu.memory_space<hbm>>
      %dma_wait3A_387 = tpu.memref_slice %arg2[%add3A_4] : memref<204800xi32, #tpu.memory_space<hbm>> -> memref<400xi32, #tpu.memory_space<hbm>>
      tpu.wait_dma2 semaphore(%run_scoped3A : memref<!tpu.dma_semaphore, #tpu.memory_space<semaphore_mem>>) src(%dma_wait3A_387 : memref<400xi32, #tpu.memory_space<hbm>>) dst(%arg6 : memref<400xi32, #tpu.memory_space<vmem>>)
      tpu.yield
    }) : () -> ()
    %dma_start3A = arith.constant 0 : i32
    %dma_start3A_5 = arith.constant 0 : i32
    %dma_start3A_6 = tpu.memref_slice %arg3[%dma_start3A, %dma_start3A_5] : memref<1000000x64xf32, #tpu.memory_space<hbm>> -> memref<1000000x64xf32, #tpu.memory_space<hbm>>
    tpu.enqueue_indirect_dma source(%dma_start3A_6 : memref<1000000x64xf32, #tpu.memory_space<hbm>>) target(%arg8 : memref<400x64xf32, #tpu.memory_space<vmem>>) offsets(%arg6 : memref<400xi32, #tpu.memory_space<vmem>>) semaphore(%arg11 : memref<!tpu.dma_semaphore, #tpu.memory_space<semaphore_mem>>)
    %add3A_7 = arith.constant 400 : i32
    %add3A_8 = arith.addi %mul3A_2, %add3A_7 : i32
    "tpu.region"() ({
      %run_scoped3A = tpu.sem_alloc : memref<!tpu.dma_semaphore, #tpu.memory_space<semaphore_mem>>
      %dma_start3A_384 = tpu.memref_slice %arg2[%add3A_8] : memref<204800xi32, #tpu.memory_space<hbm>> -> memref<400xi32, #tpu.memory_space<hbm>>
      %dma_start3A_385 = tpu.memref_slice %arg2[%add3A_8] : memref<204800xi32, #tpu.memory_space<hbm>> -> memref<400xi32, #tpu.memory_space<hbm>>
      tpu.enqueue_dma source(%dma_start3A_385 : memref<400xi32, #tpu.memory_space<hbm>>) target(%arg7 : memref<400xi32, #tpu.memory_space<vmem>>) target_semaphore(%run_scoped3A : memref<!tpu.dma_semaphore, #tpu.memory_space<semaphore_mem>>)
      %dma_wait3A_386 = tpu.memref_slice %arg2[%add3A_8] : memref<204800xi32, #tpu.memory_space<hbm>> -> memref<400xi32, #tpu.memory_space<hbm>>
      %dma_wait3A_387 = tpu.memref_slice %arg2[%add3A_8] : memref<204800xi32, #tpu.memory_space<hbm>> -> memref<400xi32, #tpu.memory_space<hbm>>
      tpu.wait_dma2 semaphore(%run_scoped3A : memref<!tpu.dma_semaphore, #tpu.memory_space<semaphore_mem>>) src(%dma_wait3A_387 : memref<400xi32, #tpu.memory_space<hbm>>) dst(%arg7 : memref<400xi32, #tpu.memory_space<vmem>>)
      tpu.yield
    }) : () -> ()
    %dma_start3A_9 = arith.constant 0 : i32
    %dma_start3A_10 = arith.constant 0 : i32
    %dma_start3A_11 = tpu.memref_slice %arg3[%dma_start3A_9, %dma_start3A_10] : memref<1000000x64xf32, #tpu.memory_space<hbm>> -> memref<1000000x64xf32, #tpu.memory_space<hbm>>
    tpu.enqueue_indirect_dma source(%dma_start3A_11 : memref<1000000x64xf32, #tpu.memory_space<hbm>>) target(%arg9 : memref<400x64xf32, #tpu.memory_space<vmem>>) offsets(%arg7 : memref<400xi32, #tpu.memory_space<vmem>>) semaphore(%arg12 : memref<!tpu.dma_semaphore, #tpu.memory_space<semaphore_mem>>)
    %dma_wait3A = arith.constant 0 : i32
    %dma_wait3A_12 = arith.constant 0 : i32
    %dma_wait3A_13 = tpu.memref_slice %arg3[%dma_wait3A, %dma_wait3A_12] : memref<1000000x64xf32, #tpu.memory_space<hbm>> -> memref<1000000x64xf32, #tpu.memory_space<hbm>>
    tpu.wait_indirect_dma semaphore(%arg11 : memref<!tpu.dma_semaphore, #tpu.memory_space<semaphore_mem>>) src(%dma_wait3A_13 : memref<1000000x64xf32, #tpu.memory_space<hbm>>) dst(%arg8 : memref<400x64xf32, #tpu.memory_space<vmem>>)
    %scan3A = arith.constant 0 : i32
    %scan3A_14 = arith.constant 0 : i32
    %scan3A_15 = arith.constant 400 : i32
    %scan3A_16 = arith.addi %scan3A_14, %scan3A_15 : i32
    %scan3A_17 = arith.constant 4 : i32
    scf.for %scan3A_384 = %scan3A_14 to %scan3A_16 step %scan3A_17  : i32 {
      %get3A = arith.index_cast %scan3A_384 : i32 to index
      %get3A_385 = arith.constant 0 : index
      %get3A_386 = tpu.vector_load %arg10[%get3A, %get3A_385] {strides = array<i32>} : memref<400x64xf32, #tpu.memory_space<vmem>>, vector<1x16xf32>,
      %get3A_387 = vector.shape_cast %get3A_386 : vector<1x16xf32> to vector<16xf32>
      %swap3A = arith.index_cast %scan3A_384 : i32 to index
      %swap3A_388 = arith.constant 0 : index
      %swap3A_389 = tpu.vector_load %arg8[%swap3A, %swap3A_388] {strides = array<i32>} : memref<400x64xf32, #tpu.memory_space<vmem>>, vector<1x16xf32>,
      %swap3A_390 = vector.shape_cast %swap3A_389 : vector<1x16xf32> to vector<16xf32>
      %swap3A_391 = vector.shape_cast %get3A_387 : vector<16xf32> to vector<1x16xf32>
      tpu.vector_store %arg8[%swap3A, %swap3A_388], %swap3A_391 {add = true, strides = array<i32>} : memref<400x64xf32, #tpu.memory_space<vmem>>, vector<1x16xf32>,
      %get3A_392 = arith.index_cast %scan3A_384 : i32 to index
      %get3A_393 = arith.constant 16 : index
      %get3A_394 = tpu.vector_load %arg10[%get3A_392, %get3A_393] {strides = array<i32>} : memref<400x64xf32, #tpu.memory_space<vmem>>, vector<1x16xf32>,
      %get3A_395 = vector.shape_cast %get3A_394 : vector<1x16xf32> to vector<16xf32>
      %swap3A_396 = arith.index_cast %scan3A_384 : i32 to index
      %swap3A_397 = arith.constant 16 : index
      %swap3A_398 = tpu.vector_load %arg8[%swap3A_396, %swap3A_397] {strides = array<i32>} : memref<400x64xf32, #tpu.memory_space<vmem>>, vector<1x16xf32>,
      %swap3A_399 = vector.shape_cast %swap3A_398 : vector<1x16xf32> to vector<16xf32>
      %swap3A_400 = vector.shape_cast %get3A_395 : vector<16xf32> to vector<1x16xf32>
      tpu.vector_store %arg8[%swap3A_396, %swap3A_397], %swap3A_400 {add = true, strides = array<i32>} : memref<400x64xf32, #tpu.memory_space<vmem>>, vector<1x16xf32>,
      %get3A_401 = arith.index_cast %scan3A_384 : i32 to index
      %get3A_402 = arith.constant 32 : index
      %get3A_403 = tpu.vector_load %arg10[%get3A_401, %get3A_402] {strides = array<i32>} : memref<400x64xf32, #tpu.memory_space<vmem>>, vector<1x16xf32>,
      %get3A_404 = vector.shape_cast %get3A_403 : vector<1x16xf32> to vector<16xf32>
      %swap3A_405 = arith.index_cast %scan3A_384 : i32 to index
      %swap3A_406 = arith.constant 32 : index
      %swap3A_407 = tpu.vector_load %arg8[%swap3A_405, %swap3A_406] {strides = array<i32>} : memref<400x64xf32, #tpu.memory_space<vmem>>, vector<1x16xf32>,
      %swap3A_408 = vector.shape_cast %swap3A_407 : vector<1x16xf32> to vector<16xf32>
      %swap3A_409 = vector.shape_cast %get3A_404 : vector<16xf32> to vector<1x16xf32>
      tpu.vector_store %arg8[%swap3A_405, %swap3A_406], %swap3A_409 {add = true, strides = array<i32>} : memref<400x64xf32, #tpu.memory_space<vmem>>, vector<1x16xf32>,
      %get3A_410 = arith.index_cast %scan3A_384 : i32 to index
      %get3A_411 = arith.constant 48 : index
      %get3A_412 = tpu.vector_load %arg10[%get3A_410, %get3A_411] {strides = array<i32>} : memref<400x64xf32, #tpu.memory_space<vmem>>, vector<1x16xf32>,
      %get3A_413 = vector.shape_cast %get3A_412 : vector<1x16xf32> to vector<16xf32>
      %swap3A_414 = arith.index_cast %scan3A_384 : i32 to index
      %swap3A_415 = arith.constant 48 : index
      %swap3A_416 = tpu.vector_load %arg8[%swap3A_414, %swap3A_415] {strides = array<i32>} : memref<400x64xf32, #tpu.memory_space<vmem>>, vector<1x16xf32>,
      %swap3A_417 = vector.shape_cast %swap3A_416 : vector<1x16xf32> to vector<16xf32>
      %swap3A_418 = vector.shape_cast %get3A_413 : vector<16xf32> to vector<1x16xf32>
      tpu.vector_store %arg8[%swap3A_414, %swap3A_415], %swap3A_418 {add = true, strides = array<i32>} : memref<400x64xf32, #tpu.memory_space<vmem>>, vector<1x16xf32>,
      %scan3A_419 = arith.constant 1 : i32
      %scan3A_420 = arith.addi %scan3A_384, %scan3A_419 : i32
      %get3A_421 = arith.index_cast %scan3A_420 : i32 to index
      %get3A_422 = arith.constant 0 : index
      %get3A_423 = tpu.vector_load %arg10[%get3A_421, %get3A_422] {strides = array<i32>} : memref<400x64xf32, #tpu.memory_space<vmem>>, vector<1x16xf32>,
      %get3A_424 = vector.shape_cast %get3A_423 : vector<1x16xf32> to vector<16xf32>
      %swap3A_425 = arith.index_cast %scan3A_420 : i32 to index
      %swap3A_426 = arith.constant 0 : index
      %swap3A_427 = tpu.vector_load %arg8[%swap3A_425, %swap3A_426] {strides = array<i32>} : memref<400x64xf32, #tpu.memory_space<vmem>>, vector<1x16xf32>,
      %swap3A_428 = vector.shape_cast %swap3A_427 : vector<1x16xf32> to vector<16xf32>
      %swap3A_429 = vector.shape_cast %get3A_424 : vector<16xf32> to vector<1x16xf32>
      tpu.vector_store %arg8[%swap3A_425, %swap3A_426], %swap3A_429 {add = true, strides = array<i32>} : memref<400x64xf32, #tpu.memory_space<vmem>>, vector<1x16xf32>,
      %get3A_430 = arith.index_cast %scan3A_420 : i32 to index
      %get3A_431 = arith.constant 16 : index
      %get3A_432 = tpu.vector_load %arg10[%get3A_430, %get3A_431] {strides = array<i32>} : memref<400x64xf32, #tpu.memory_space<vmem>>, vector<1x16xf32>,
      %get3A_433 = vector.shape_cast %get3A_432 : vector<1x16xf32> to vector<16xf32>
      %swap3A_434 = arith.index_cast %scan3A_420 : i32 to index
      %swap3A_435 = arith.constant 16 : index
      %swap3A_436 = tpu.vector_load %arg8[%swap3A_434, %swap3A_435] {strides = array<i32>} : memref<400x64xf32, #tpu.memory_space<vmem>>, vector<1x16xf32>,
      %swap3A_437 = vector.shape_cast %swap3A_436 : vector<1x16xf32> to vector<16xf32>
      %swap3A_438 = vector.shape_cast %get3A_433 : vector<16xf32> to vector<1x16xf32>
      tpu.vector_store %arg8[%swap3A_434, %swap3A_435], %swap3A_438 {add = true, strides = array<i32>} : memref<400x64xf32, #tpu.memory_space<vmem>>, vector<1x16xf32>,
      %get3A_439 = arith.index_cast %scan3A_420 : i32 to index
      %get3A_440 = arith.constant 32 : index
      %get3A_441 = tpu.vector_load %arg10[%get3A_439, %get3A_440] {strides = array<i32>} : memref<400x64xf32, #tpu.memory_space<vmem>>, vector<1x16xf32>,
      %get3A_442 = vector.shape_cast %get3A_441 : vector<1x16xf32> to vector<16xf32>
      %swap3A_443 = arith.index_cast %scan3A_420 : i32 to index
      %swap3A_444 = arith.constant 32 : index
      %swap3A_445 = tpu.vector_load %arg8[%swap3A_443, %swap3A_444] {strides = array<i32>} : memref<400x64xf32, #tpu.memory_space<vmem>>, vector<1x16xf32>,
      %swap3A_446 = vector.shape_cast %swap3A_445 : vector<1x16xf32> to vector<16xf32>
      %swap3A_447 = vector.shape_cast %get3A_442 : vector<16xf32> to vector<1x16xf32>
      tpu.vector_store %arg8[%swap3A_443, %swap3A_444], %swap3A_447 {add = true, strides = array<i32>} : memref<400x64xf32, #tpu.memory_space<vmem>>, vector<1x16xf32>,
      %get3A_448 = arith.index_cast %scan3A_420 : i32 to index
      %get3A_449 = arith.constant 48 : index
      %get3A_450 = tpu.vector_load %arg10[%get3A_448, %get3A_449] {strides = array<i32>} : memref<400x64xf32, #tpu.memory_space<vmem>>, vector<1x16xf32>,
      %get3A_451 = vector.shape_cast %get3A_450 : vector<1x16xf32> to vector<16xf32>
      %swap3A_452 = arith.index_cast %scan3A_420 : i32 to index
      %swap3A_453 = arith.constant 48 : index
      %swap3A_454 = tpu.vector_load %arg8[%swap3A_452, %swap3A_453] {strides = array<i32>} : memref<400x64xf32, #tpu.memory_space<vmem>>, vector<1x16xf32>,
      %swap3A_455 = vector.shape_cast %swap3A_454 : vector<1x16xf32> to vector<16xf32>
      %swap3A_456 = vector.shape_cast %get3A_451 : vector<16xf32> to vector<1x16xf32>
      tpu.vector_store %arg8[%swap3A_452, %swap3A_453], %swap3A_456 {add = true, strides = array<i32>} : memref<400x64xf32, #tpu.memory_space<vmem>>, vector<1x16xf32>,
      %scan3A_457 = arith.constant 2 : i32
      %scan3A_458 = arith.addi %scan3A_384, %scan3A_457 : i32
      %get3A_459 = arith.index_cast %scan3A_458 : i32 to index
      %get3A_460 = arith.constant 0 : index
      %get3A_461 = tpu.vector_load %arg10[%get3A_459, %get3A_460] {strides = array<i32>} : memref<400x64xf32, #tpu.memory_space<vmem>>, vector<1x16xf32>,
      %get3A_462 = vector.shape_cast %get3A_461 : vector<1x16xf32> to vector<16xf32>
      %swap3A_463 = arith.index_cast %scan3A_458 : i32 to index
      %swap3A_464 = arith.constant 0 : index
      %swap3A_465 = tpu.vector_load %arg8[%swap3A_463, %swap3A_464] {strides = array<i32>} : memref<400x64xf32, #tpu.memory_space<vmem>>, vector<1x16xf32>,
      %swap3A_466 = vector.shape_cast %swap3A_465 : vector<1x16xf32> to vector<16xf32>
      %swap3A_467 = vector.shape_cast %get3A_462 : vector<16xf32> to vector<1x16xf32>
      tpu.vector_store %arg8[%swap3A_463, %swap3A_464], %swap3A_467 {add = true, strides = array<i32>} : memref<400x64xf32, #tpu.memory_space<vmem>>, vector<1x16xf32>,
      %get3A_468 = arith.index_cast %scan3A_458 : i32 to index
      %get3A_469 = arith.constant 16 : index
      %get3A_470 = tpu.vector_load %arg10[%get3A_468, %get3A_469] {strides = array<i32>} : memref<400x64xf32, #tpu.memory_space<vmem>>, vector<1x16xf32>,
      %get3A_471 = vector.shape_cast %get3A_470 : vector<1x16xf32> to vector<16xf32>
      %swap3A_472 = arith.index_cast %scan3A_458 : i32 to index
      %swap3A_473 = arith.constant 16 : index
      %swap3A_474 = tpu.vector_load %arg8[%swap3A_472, %swap3A_473] {strides = array<i32>} : memref<400x64xf32, #tpu.memory_space<vmem>>, vector<1x16xf32>,
      %swap3A_475 = vector.shape_cast %swap3A_474 : vector<1x16xf32> to vector<16xf32>
      %swap3A_476 = vector.shape_cast %get3A_471 : vector<16xf32> to vector<1x16xf32>
      tpu.vector_store %arg8[%swap3A_472, %swap3A_473], %swap3A_476 {add = true, strides = array<i32>} : memref<400x64xf32, #tpu.memory_space<vmem>>, vector<1x16xf32>,
      %get3A_477 = arith.index_cast %scan3A_458 : i32 to index
      %get3A_478 = arith.constant 32 : index
      %get3A_479 = tpu.vector_load %arg10[%get3A_477, %get3A_478] {strides = array<i32>} : memref<400x64xf32, #tpu.memory_space<vmem>>, vector<1x16xf32>,
      %get3A_480 = vector.shape_cast %get3A_479 : vector<1x16xf32> to vector<16xf32>
      %swap3A_481 = arith.index_cast %scan3A_458 : i32 to index
      %swap3A_482 = arith.constant 32 : index
      %swap3A_483 = tpu.vector_load %arg8[%swap3A_481, %swap3A_482] {strides = array<i32>} : memref<400x64xf32, #tpu.memory_space<vmem>>, vector<1x16xf32>,
      %swap3A_484 = vector.shape_cast %swap3A_483 : vector<1x16xf32> to vector<16xf32>
      %swap3A_485 = vector.shape_cast %get3A_480 : vector<16xf32> to vector<1x16xf32>
      tpu.vector_store %arg8[%swap3A_481, %swap3A_482], %swap3A_485 {add = true, strides = array<i32>} : memref<400x64xf32, #tpu.memory_space<vmem>>, vector<1x16xf32>,
      %get3A_486 = arith.index_cast %scan3A_458 : i32 to index
      %get3A_487 = arith.constant 48 : index
      %get3A_488 = tpu.vector_load %arg10[%get3A_486, %get3A_487] {strides = array<i32>} : memref<400x64xf32, #tpu.memory_space<vmem>>, vector<1x16xf32>,
      %get3A_489 = vector.shape_cast %get3A_488 : vector<1x16xf32> to vector<16xf32>
      %swap3A_490 = arith.index_cast %scan3A_458 : i32 to index
      %swap3A_491 = arith.constant 48 : index
      %swap3A_492 = tpu.vector_load %arg8[%swap3A_490, %swap3A_491] {strides = array<i32>} : memref<400x64xf32, #tpu.memory_space<vmem>>, vector<1x16xf32>,
      %swap3A_493 = vector.shape_cast %swap3A_492 : vector<1x16xf32> to vector<16xf32>
      %swap3A_494 = vector.shape_cast %get3A_489 : vector<16xf32> to vector<1x16xf32>
      tpu.vector_store %arg8[%swap3A_490, %swap3A_491], %swap3A_494 {add = true, strides = array<i32>} : memref<400x64xf32, #tpu.memory_space<vmem>>, vector<1x16xf32>,
      %scan3A_495 = arith.constant 3 : i32
      %scan3A_496 = arith.addi %scan3A_384, %scan3A_495 : i32
      %get3A_497 = arith.index_cast %scan3A_496 : i32 to index
      %get3A_498 = arith.constant 0 : index
      %get3A_499 = tpu.vector_load %arg10[%get3A_497, %get3A_498] {strides = array<i32>} : memref<400x64xf32, #tpu.memory_space<vmem>>, vector<1x16xf32>,
      %get3A_500 = vector.shape_cast %get3A_499 : vector<1x16xf32> to vector<16xf32>
      %swap3A_501 = arith.index_cast %scan3A_496 : i32 to index
      %swap3A_502 = arith.constant 0 : index
      %swap3A_503 = tpu.vector_load %arg8[%swap3A_501, %swap3A_502] {strides = array<i32>} : memref<400x64xf32, #tpu.memory_space<vmem>>, vector<1x16xf32>,
      %swap3A_504 = vector.shape_cast %swap3A_503 : vector<1x16xf32> to vector<16xf32>
      %swap3A_505 = vector.shape_cast %get3A_500 : vector<16xf32> to vector<1x16xf32>
      tpu.vector_store %arg8[%swap3A_501, %swap3A_502], %swap3A_505 {add = true, strides = array<i32>} : memref<400x64xf32, #tpu.memory_space<vmem>>, vector<1x16xf32>,
      %get3A_506 = arith.index_cast %scan3A_496 : i32 to index
      %get3A_507 = arith.constant 16 : index
      %get3A_508 = tpu.vector_load %arg10[%get3A_506, %get3A_507] {strides = array<i32>} : memref<400x64xf32, #tpu.memory_space<vmem>>, vector<1x16xf32>,
      %get3A_509 = vector.shape_cast %get3A_508 : vector<1x16xf32> to vector<16xf32>
      %swap3A_510 = arith.index_cast %scan3A_496 : i32 to index
      %swap3A_511 = arith.constant 16 : index
      %swap3A_512 = tpu.vector_load %arg8[%swap3A_510, %swap3A_511] {strides = array<i32>} : memref<400x64xf32, #tpu.memory_space<vmem>>, vector<1x16xf32>,
      %swap3A_513 = vector.shape_cast %swap3A_512 : vector<1x16xf32> to vector<16xf32>
      %swap3A_514 = vector.shape_cast %get3A_509 : vector<16xf32> to vector<1x16xf32>
      tpu.vector_store %arg8[%swap3A_510, %swap3A_511], %swap3A_514 {add = true, strides = array<i32>} : memref<400x64xf32, #tpu.memory_space<vmem>>, vector<1x16xf32>,
      %get3A_515 = arith.index_cast %scan3A_496 : i32 to index
      %get3A_516 = arith.constant 32 : index
      %get3A_517 = tpu.vector_load %arg10[%get3A_515, %get3A_516] {strides = array<i32>} : memref<400x64xf32, #tpu.memory_space<vmem>>, vector<1x16xf32>,
      %get3A_518 = vector.shape_cast %get3A_517 : vector<1x16xf32> to vector<16xf32>
      %swap3A_519 = arith.index_cast %scan3A_496 : i32 to index
      %swap3A_520 = arith.constant 32 : index
      %swap3A_521 = tpu.vector_load %arg8[%swap3A_519, %swap3A_520] {strides = array<i32>} : memref<400x64xf32, #tpu.memory_space<vmem>>, vector<1x16xf32>,
      %swap3A_522 = vector.shape_cast %swap3A_521 : vector<1x16xf32> to vector<16xf32>
      %swap3A_523 = vector.shape_cast %get3A_518 : vector<16xf32> to vector<1x16xf32>
      tpu.vector_store %arg8[%swap3A_519, %swap3A_520], %swap3A_523 {add = true, strides = array<i32>} : memref<400x64xf32, #tpu.memory_space<vmem>>, vector<1x16xf32>,
      %get3A_524 = arith.index_cast %scan3A_496 : i32 to index
      %get3A_525 = arith.constant 48 : index
      %get3A_526 = tpu.vector_load %arg10[%get3A_524, %get3A_525] {strides = array<i32>} : memref<400x64xf32, #tpu.memory_space<vmem>>, vector<1x16xf32>,
      %get3A_527 = vector.shape_cast %get3A_526 : vector<1x16xf32> to vector<16xf32>
      %swap3A_528 = arith.index_cast %scan3A_496 : i32 to index
      %swap3A_529 = arith.constant 48 : index
      %swap3A_530 = tpu.vector_load %arg8[%swap3A_528, %swap3A_529] {strides = array<i32>} : memref<400x64xf32, #tpu.memory_space<vmem>>, vector<1x16xf32>,
      %swap3A_531 = vector.shape_cast %swap3A_530 : vector<1x16xf32> to vector<16xf32>
      %swap3A_532 = vector.shape_cast %get3A_527 : vector<16xf32> to vector<1x16xf32>
      tpu.vector_store %arg8[%swap3A_528, %swap3A_529], %swap3A_532 {add = true, strides = array<i32>} : memref<400x64xf32, #tpu.memory_space<vmem>>, vector<1x16xf32>,
    }
    %scan3A_18 = arith.constant 400 : i32
    %add3A_19 = arith.constant 0 : i32
    %add3A_20 = arith.addi %mul3A_2, %add3A_19 : i32
    %dma_start3A_21 = arith.constant 0 : i32
    %dma_start3A_22 = tpu.memref_slice %arg5[%add3A_20, %dma_start3A_21] : memref<204800x64xf32, #tpu.memory_space<hbm>> -> memref<400x64xf32, #tpu.memory_space<hbm>>
    %dma_start3A_23 = arith.constant 0 : i32
    %dma_start3A_24 = tpu.memref_slice %arg5[%add3A_20, %dma_start3A_23] : memref<204800x64xf32, #tpu.memory_space<hbm>> -> memref<400x64xf32, #tpu.memory_space<hbm>>
    tpu.enqueue_dma source(%arg8 : memref<400x64xf32, #tpu.memory_space<vmem>>) target(%dma_start3A_24 : memref<400x64xf32, #tpu.memory_space<hbm>>) target_semaphore(%arg13 : memref<!tpu.dma_semaphore, #tpu.memory_space<semaphore_mem>>)
    %dma_wait3A_25 = arith.constant 0 : i32
    %dma_wait3A_26 = tpu.memref_slice %arg5[%add3A_20, %dma_wait3A_25] : memref<204800x64xf32, #tpu.memory_space<hbm>> -> memref<400x64xf32, #tpu.memory_space<hbm>>
    %dma_wait3A_27 = arith.constant 0 : i32
    %dma_wait3A_28 = tpu.memref_slice %arg5[%add3A_20, %dma_wait3A_27] : memref<204800x64xf32, #tpu.memory_space<hbm>> -> memref<400x64xf32, #tpu.memory_space<hbm>>
    tpu.wait_dma2 semaphore(%arg13 : memref<!tpu.dma_semaphore, #tpu.memory_space<semaphore_mem>>) src(%arg8 : memref<400x64xf32, #tpu.memory_space<vmem>>) dst(%dma_wait3A_28 : memref<400x64xf32, #tpu.memory_space<hbm>>)
    %add3A_29 = arith.constant 800 : i32
    %add3A_30 = arith.addi %mul3A_2, %add3A_29 : i32
    "tpu.region"() ({
      %run_scoped3A = tpu.sem_alloc : memref<!tpu.dma_semaphore, #tpu.memory_space<semaphore_mem>>
      %dma_start3A_384 = tpu.memref_slice %arg2[%add3A_30] : memref<204800xi32, #tpu.memory_space<hbm>> -> memref<400xi32, #tpu.memory_space<hbm>>
      %dma_start3A_385 = tpu.memref_slice %arg2[%add3A_30] : memref<204800xi32, #tpu.memory_space<hbm>> -> memref<400xi32, #tpu.memory_space<hbm>>
      tpu.enqueue_dma source(%dma_start3A_385 : memref<400xi32, #tpu.memory_space<hbm>>) target(%arg6 : memref<400xi32, #tpu.memory_space<vmem>>) target_semaphore(%run_scoped3A : memref<!tpu.dma_semaphore, #tpu.memory_space<semaphore_mem>>)
      %dma_wait3A_386 = tpu.memref_slice %arg2[%add3A_30] : memref<204800xi32, #tpu.memory_space<hbm>> -> memref<400xi32, #tpu.memory_space<hbm>>
      %dma_wait3A_387 = tpu.memref_slice %arg2[%add3A_30] : memref<204800xi32, #tpu.memory_space<hbm>> -> memref<400xi32, #tpu.memory_space<hbm>>
      tpu.wait_dma2 semaphore(%run_scoped3A : memref<!tpu.dma_semaphore, #tpu.memory_space<semaphore_mem>>) src(%dma_wait3A_387 : memref<400xi32, #tpu.memory_space<hbm>>) dst(%arg6 : memref<400xi32, #tpu.memory_space<vmem>>)
      tpu.yield
    }) : () -> ()
    %dma_start3A_31 = arith.constant 0 : i32
    %dma_start3A_32 = arith.constant 0 : i32
    %dma_start3A_33 = tpu.memref_slice %arg3[%dma_start3A_31, %dma_start3A_32] : memref<1000000x64xf32, #tpu.memory_space<hbm>> -> memref<1000000x64xf32, #tpu.memory_space<hbm>>
    tpu.enqueue_indirect_dma source(%dma_start3A_33 : memref<1000000x64xf32, #tpu.memory_space<hbm>>) target(%arg8 : memref<400x64xf32, #tpu.memory_space<vmem>>) offsets(%arg6 : memref<400xi32, #tpu.memory_space<vmem>>) semaphore(%arg11 : memref<!tpu.dma_semaphore, #tpu.memory_space<semaphore_mem>>)
    %dma_wait3A_34 = arith.constant 0 : i32
    %dma_wait3A_35 = arith.constant 0 : i32
    %dma_wait3A_36 = tpu.memref_slice %arg3[%dma_wait3A_34, %dma_wait3A_35] : memref<1000000x64xf32, #tpu.memory_space<hbm>> -> memref<1000000x64xf32, #tpu.memory_space<hbm>>
    tpu.wait_indirect_dma semaphore(%arg12 : memref<!tpu.dma_semaphore, #tpu.memory_space<semaphore_mem>>) src(%dma_wait3A_36 : memref<1000000x64xf32, #tpu.memory_space<hbm>>) dst(%arg9 : memref<400x64xf32, #tpu.memory_space<vmem>>)
    %scan3A_37 = arith.constant 0 : i32
    %scan3A_38 = arith.constant 0 : i32
    %scan3A_39 = arith.constant 400 : i32
    %scan3A_40 = arith.addi %scan3A_38, %scan3A_39 : i32
    %scan3A_41 = arith.constant 4 : i32
    scf.for %scan3A_384 = %scan3A_38 to %scan3A_40 step %scan3A_41  : i32 {
      %get3A = arith.index_cast %scan3A_384 : i32 to index
      %get3A_385 = arith.constant 0 : index
      %get3A_386 = tpu.vector_load %arg10[%get3A, %get3A_385] {strides = array<i32>} : memref<400x64xf32, #tpu.memory_space<vmem>>, vector<1x16xf32>,
      %get3A_387 = vector.shape_cast %get3A_386 : vector<1x16xf32> to vector<16xf32>
      %swap3A = arith.index_cast %scan3A_384 : i32 to index
      %swap3A_388 = arith.constant 0 : index
      %swap3A_389 = tpu.vector_load %arg9[%swap3A, %swap3A_388] {strides = array<i32>} : memref<400x64xf32, #tpu.memory_space<vmem>>, vector<1x16xf32>,
      %swap3A_390 = vector.shape_cast %swap3A_389 : vector<1x16xf32> to vector<16xf32>
      %swap3A_391 = vector.shape_cast %get3A_387 : vector<16xf32> to vector<1x16xf32>
      tpu.vector_store %arg9[%swap3A, %swap3A_388], %swap3A_391 {add = true, strides = array<i32>} : memref<400x64xf32, #tpu.memory_space<vmem>>, vector<1x16xf32>,
      %get3A_392 = arith.index_cast %scan3A_384 : i32 to index
      %get3A_393 = arith.constant 16 : index
      %get3A_394 = tpu.vector_load %arg10[%get3A_392, %get3A_393] {strides = array<i32>} : memref<400x64xf32, #tpu.memory_space<vmem>>, vector<1x16xf32>,
      %get3A_395 = vector.shape_cast %get3A_394 : vector<1x16xf32> to vector<16xf32>
      %swap3A_396 = arith.index_cast %scan3A_384 : i32 to index
      %swap3A_397 = arith.constant 16 : index
      %swap3A_398 = tpu.vector_load %arg9[%swap3A_396, %swap3A_397] {strides = array<i32>} : memref<400x64xf32, #tpu.memory_space<vmem>>, vector<1x16xf32>,
      %swap3A_399 = vector.shape_cast %swap3A_398 : vector<1x16xf32> to vector<16xf32>
      %swap3A_400 = vector.shape_cast %get3A_395 : vector<16xf32> to vector<1x16xf32>
      tpu.vector_store %arg9[%swap3A_396, %swap3A_397], %swap3A_400 {add = true, strides = array<i32>} : memref<400x64xf32, #tpu.memory_space<vmem>>, vector<1x16xf32>,
      %get3A_401 = arith.index_cast %scan3A_384 : i32 to index
      %get3A_402 = arith.constant 32 : index
      %get3A_403 = tpu.vector_load %arg10[%get3A_401, %get3A_402] {strides = array<i32>} : memref<400x64xf32, #tpu.memory_space<vmem>>, vector<1x16xf32>,
      %get3A_404 = vector.shape_cast %get3A_403 : vector<1x16xf32> to vector<16xf32>
      %swap3A_405 = arith.index_cast %scan3A_384 : i32 to index
      %swap3A_406 = arith.constant 32 : index
      %swap3A_407 = tpu.vector_load %arg9[%swap3A_405, %swap3A_406] {strides = array<i32>} : memref<400x64xf32, #tpu.memory_space<vmem>>, vector<1x16xf32>,
      %swap3A_408 = vector.shape_cast %swap3A_407 : vector<1x16xf32> to vector<16xf32>
      %swap3A_409 = vector.shape_cast %get3A_404 : vector<16xf32> to vector<1x16xf32>
      tpu.vector_store %arg9[%swap3A_405, %swap3A_406], %swap3A_409 {add = true, strides = array<i32>} : memref<400x64xf32, #tpu.memory_space<vmem>>, vector<1x16xf32>,
      %get3A_410 = arith.index_cast %scan3A_384 : i32 to index
      %get3A_411 = arith.constant 48 : index
      %get3A_412 = tpu.vector_load %arg10[%get3A_410, %get3A_411] {strides = array<i32>} : memref<400x64xf32, #tpu.memory_space<vmem>>, vector<1x16xf32>,
      %get3A_413 = vector.shape_cast %get3A_412 : vector<1x16xf32> to vector<16xf32>
      %swap3A_414 = arith.index_cast %scan3A_384 : i32 to index
      %swap3A_415 = arith.constant 48 : index
      %swap3A_416 = tpu.vector_load %arg9[%swap3A_414, %swap3A_415] {strides = array<i32>} : memref<400x64xf32, #tpu.memory_space<vmem>>, vector<1x16xf32>,
      %swap3A_417 = vector.shape_cast %swap3A_416 : vector<1x16xf32> to vector<16xf32>
      %swap3A_418 = vector.shape_cast %get3A_413 : vector<16xf32> to vector<1x16xf32>
      tpu.vector_store %arg9[%swap3A_414, %swap3A_415], %swap3A_418 {add = true, strides = array<i32>} : memref<400x64xf32, #tpu.memory_space<vmem>>, vector<1x16xf32>,
      %scan3A_419 = arith.constant 1 : i32
      %scan3A_420 = arith.addi %scan3A_384, %scan3A_419 : i32
      %get3A_421 = arith.index_cast %scan3A_420 : i32 to index
      %get3A_422 = arith.constant 0 : index
      %get3A_423 = tpu.vector_load %arg10[%get3A_421, %get3A_422] {strides = array<i32>} : memref<400x64xf32, #tpu.memory_space<vmem>>, vector<1x16xf32>,
      %get3A_424 = vector.shape_cast %get3A_423 : vector<1x16xf32> to vector<16xf32>
      %swap3A_425 = arith.index_cast %scan3A_420 : i32 to index
      %swap3A_426 = arith.constant 0 : index
      %swap3A_427 = tpu.vector_load %arg9[%swap3A_425, %swap3A_426] {strides = array<i32>} : memref<400x64xf32, #tpu.memory_space<vmem>>, vector<1x16xf32>,
      %swap3A_428 = vector.shape_cast %swap3A_427 : vector<1x16xf32> to vector<16xf32>
      %swap3A_429 = vector.shape_cast %get3A_424 : vector<16xf32> to vector<1x16xf32>
      tpu.vector_store %arg9[%swap3A_425, %swap3A_426], %swap3A_429 {add = true, strides = array<i32>} : memref<400x64xf32, #tpu.memory_space<vmem>>, vector<1x16xf32>,
      %get3A_430 = arith.index_cast %scan3A_420 : i32 to index
      %get3A_431 = arith.constant 16 : index
      %get3A_432 = tpu.vector_load %arg10[%get3A_430, %get3A_431] {strides = array<i32>} : memref<400x64xf32, #tpu.memory_space<vmem>>, vector<1x16xf32>,
      %get3A_433 = vector.shape_cast %get3A_432 : vector<1x16xf32> to vector<16xf32>
      %swap3A_434 = arith.index_cast %scan3A_420 : i32 to index
      %swap3A_435 = arith.constant 16 : index
      %swap3A_436 = tpu.vector_load %arg9[%swap3A_434, %swap3A_435] {strides = array<i32>} : memref<400x64xf32, #tpu.memory_space<vmem>>, vector<1x16xf32>,
      %swap3A_437 = vector.shape_cast %swap3A_436 : vector<1x16xf32> to vector<16xf32>
      %swap3A_438 = vector.shape_cast %get3A_433 : vector<16xf32> to vector<1x16xf32>
      tpu.vector_store %arg9[%swap3A_434, %swap3A_435], %swap3A_438 {add = true, strides = array<i32>} : memref<400x64xf32, #tpu.memory_space<vmem>>, vector<1x16xf32>,
      %get3A_439 = arith.index_cast %scan3A_420 : i32 to index
      %get3A_440 = arith.constant 32 : index
      %get3A_441 = tpu.vector_load %arg10[%get3A_439, %get3A_440] {strides = array<i32>} : memref<400x64xf32, #tpu.memory_space<vmem>>, vector<1x16xf32>,
      %get3A_442 = vector.shape_cast %get3A_441 : vector<1x16xf32> to vector<16xf32>
      %swap3A_443 = arith.index_cast %scan3A_420 : i32 to index
      %swap3A_444 = arith.constant 32 : index
      %swap3A_445 = tpu.vector_load %arg9[%swap3A_443, %swap3A_444] {strides = array<i32>} : memref<400x64xf32, #tpu.memory_space<vmem>>, vector<1x16xf32>,
      %swap3A_446 = vector.shape_cast %swap3A_445 : vector<1x16xf32> to vector<16xf32>
      %swap3A_447 = vector.shape_cast %get3A_442 : vector<16xf32> to vector<1x16xf32>
      tpu.vector_store %arg9[%swap3A_443, %swap3A_444], %swap3A_447 {add = true, strides = array<i32>} : memref<400x64xf32, #tpu.memory_space<vmem>>, vector<1x16xf32>,
      %get3A_448 = arith.index_cast %scan3A_420 : i32 to index
      %get3A_449 = arith.constant 48 : index
      %get3A_450 = tpu.vector_load %arg10[%get3A_448, %get3A_449] {strides = array<i32>} : memref<400x64xf32, #tpu.memory_space<vmem>>, vector<1x16xf32>,
      %get3A_451 = vector.shape_cast %get3A_450 : vector<1x16xf32> to vector<16xf32>
      %swap3A_452 = arith.index_cast %scan3A_420 : i32 to index
      %swap3A_453 = arith.constant 48 : index
      %swap3A_454 = tpu.vector_load %arg9[%swap3A_452, %swap3A_453] {strides = array<i32>} : memref<400x64xf32, #tpu.memory_space<vmem>>, vector<1x16xf32>,
      %swap3A_455 = vector.shape_cast %swap3A_454 : vector<1x16xf32> to vector<16xf32>
      %swap3A_456 = vector.shape_cast %get3A_451 : vector<16xf32> to vector<1x16xf32>
      tpu.vector_store %arg9[%swap3A_452, %swap3A_453], %swap3A_456 {add = true, strides = array<i32>} : memref<400x64xf32, #tpu.memory_space<vmem>>, vector<1x16xf32>,
      %scan3A_457 = arith.constant 2 : i32
      %scan3A_458 = arith.addi %scan3A_384, %scan3A_457 : i32
      %get3A_459 = arith.index_cast %scan3A_458 : i32 to index
      %get3A_460 = arith.constant 0 : index
      %get3A_461 = tpu.vector_load %arg10[%get3A_459, %get3A_460] {strides = array<i32>} : memref<400x64xf32, #tpu.memory_space<vmem>>, vector<1x16xf32>,
      %get3A_462 = vector.shape_cast %get3A_461 : vector<1x16xf32> to vector<16xf32>
      %swap3A_463 = arith.index_cast %scan3A_458 : i32 to index
      %swap3A_464 = arith.constant 0 : index
      %swap3A_465 = tpu.vector_load %arg9[%swap3A_463, %swap3A_464] {strides = array<i32>} : memref<400x64xf32, #tpu.memory_space<vmem>>, vector<1x16xf32>,
      %swap3A_466 = vector.shape_cast %swap3A_465 : vector<1x16xf32> to vector<16xf32>
      %swap3A_467 = vector.shape_cast %get3A_462 : vector<16xf32> to vector<1x16xf32>
      tpu.vector_store %arg9[%swap3A_463, %swap3A_464], %swap3A_467 {add = true, strides = array<i32>} : memref<400x64xf32, #tpu.memory_space<vmem>>, vector<1x16xf32>,
      %get3A_468 = arith.index_cast %scan3A_458 : i32 to index
      %get3A_469 = arith.constant 16 : index
      %get3A_470 = tpu.vector_load %arg10[%get3A_468, %get3A_469] {strides = array<i32>} : memref<400x64xf32, #tpu.memory_space<vmem>>, vector<1x16xf32>,
      %get3A_471 = vector.shape_cast %get3A_470 : vector<1x16xf32> to vector<16xf32>
      %swap3A_472 = arith.index_cast %scan3A_458 : i32 to index
      %swap3A_473 = arith.constant 16 : index
      %swap3A_474 = tpu.vector_load %arg9[%swap3A_472, %swap3A_473] {strides = array<i32>} : memref<400x64xf32, #tpu.memory_space<vmem>>, vector<1x16xf32>,
      %swap3A_475 = vector.shape_cast %swap3A_474 : vector<1x16xf32> to vector<16xf32>
      %swap3A_476 = vector.shape_cast %get3A_471 : vector<16xf32> to vector<1x16xf32>
      tpu.vector_store %arg9[%swap3A_472, %swap3A_473], %swap3A_476 {add = true, strides = array<i32>} : memref<400x64xf32, #tpu.memory_space<vmem>>, vector<1x16xf32>,
      %get3A_477 = arith.index_cast %scan3A_458 : i32 to index
      %get3A_478 = arith.constant 32 : index
      %get3A_479 = tpu.vector_load %arg10[%get3A_477, %get3A_478] {strides = array<i32>} : memref<400x64xf32, #tpu.memory_space<vmem>>, vector<1x16xf32>,
      %get3A_480 = vector.shape_cast %get3A_479 : vector<1x16xf32> to vector<16xf32>
      %swap3A_481 = arith.index_cast %scan3A_458 : i32 to index
      %swap3A_482 = arith.constant 32 : index
      %swap3A_483 = tpu.vector_load %arg9[%swap3A_481, %swap3A_482] {strides = array<i32>} : memref<400x64xf32, #tpu.memory_space<vmem>>, vector<1x16xf32>,
      %swap3A_484 = vector.shape_cast %swap3A_483 : vector<1x16xf32> to vector<16xf32>
      %swap3A_485 = vector.shape_cast %get3A_480 : vector<16xf32> to vector<1x16xf32>
      tpu.vector_store %arg9[%swap3A_481, %swap3A_482], %swap3A_485 {add = true, strides = array<i32>} : memref<400x64xf32, #tpu.memory_space<vmem>>, vector<1x16xf32>,
      %get3A_486 = arith.index_cast %scan3A_458 : i32 to index
      %get3A_487 = arith.constant 48 : index
      %get3A_488 = tpu.vector_load %arg10[%get3A_486, %get3A_487] {strides = array<i32>} : memref<400x64xf32, #tpu.memory_space<vmem>>, vector<1x16xf32>,
      %get3A_489 = vector.shape_cast %get3A_488 : vector<1x16xf32> to vector<16xf32>
      %swap3A_490 = arith.index_cast %scan3A_458 : i32 to index
      %swap3A_491 = arith.constant 48 : index
      %swap3A_492 = tpu.vector_load %arg9[%swap3A_490, %swap3A_491] {strides = array<i32>} : memref<400x64xf32, #tpu.memory_space<vmem>>, vector<1x16xf32>,
      %swap3A_493 = vector.shape_cast %swap3A_492 : vector<1x16xf32> to vector<16xf32>
      %swap3A_494 = vector.shape_cast %get3A_489 : vector<16xf32> to vector<1x16xf32>
      tpu.vector_store %arg9[%swap3A_490, %swap3A_491], %swap3A_494 {add = true, strides = array<i32>} : memref<400x64xf32, #tpu.memory_space<vmem>>, vector<1x16xf32>,
      %scan3A_495 = arith.constant 3 : i32
      %scan3A_496 = arith.addi %scan3A_384, %scan3A_495 : i32
      %get3A_497 = arith.index_cast %scan3A_496 : i32 to index
      %get3A_498 = arith.constant 0 : index
      %get3A_499 = tpu.vector_load %arg10[%get3A_497, %get3A_498] {strides = array<i32>} : memref<400x64xf32, #tpu.memory_space<vmem>>, vector<1x16xf32>,
      %get3A_500 = vector.shape_cast %get3A_499 : vector<1x16xf32> to vector<16xf32>
      %swap3A_501 = arith.index_cast %scan3A_496 : i32 to index
      %swap3A_502 = arith.constant 0 : index
      %swap3A_503 = tpu.vector_load %arg9[%swap3A_501, %swap3A_502] {strides = array<i32>} : memref<400x64xf32, #tpu.memory_space<vmem>>, vector<1x16xf32>,
      %swap3A_504 = vector.shape_cast %swap3A_503 : vector<1x16xf32> to vector<16xf32>
      %swap3A_505 = vector.shape_cast %get3A_500 : vector<16xf32> to vector<1x16xf32>
      tpu.vector_store %arg9[%swap3A_501, %swap3A_502], %swap3A_505 {add = true, strides = array<i32>} : memref<400x64xf32, #tpu.memory_space<vmem>>, vector<1x16xf32>,
      %get3A_506 = arith.index_cast %scan3A_496 : i32 to index
      %get3A_507 = arith.constant 16 : index
      %get3A_508 = tpu.vector_load %arg10[%get3A_506, %get3A_507] {strides = array<i32>} : memref<400x64xf32, #tpu.memory_space<vmem>>, vector<1x16xf32>,
      %get3A_509 = vector.shape_cast %get3A_508 : vector<1x16xf32> to vector<16xf32>
      %swap3A_510 = arith.index_cast %scan3A_496 : i32 to index
      %swap3A_511 = arith.constant 16 : index
      %swap3A_512 = tpu.vector_load %arg9[%swap3A_510, %swap3A_511] {strides = array<i32>} : memref<400x64xf32, #tpu.memory_space<vmem>>, vector<1x16xf32>,
      %swap3A_513 = vector.shape_cast %swap3A_512 : vector<1x16xf32> to vector<16xf32>
      %swap3A_514 = vector.shape_cast %get3A_509 : vector<16xf32> to vector<1x16xf32>
      tpu.vector_store %arg9[%swap3A_510, %swap3A_511], %swap3A_514 {add = true, strides = array<i32>} : memref<400x64xf32, #tpu.memory_space<vmem>>, vector<1x16xf32>,
      %get3A_515 = arith.index_cast %scan3A_496 : i32 to index
      %get3A_516 = arith.constant 32 : index
      %get3A_517 = tpu.vector_load %arg10[%get3A_515, %get3A_516] {strides = array<i32>} : memref<400x64xf32, #tpu.memory_space<vmem>>, vector<1x16xf32>,
      %get3A_518 = vector.shape_cast %get3A_517 : vector<1x16xf32> to vector<16xf32>
      %swap3A_519 = arith.index_cast %scan3A_496 : i32 to index
      %swap3A_520 = arith.constant 32 : index
      %swap3A_521 = tpu.vector_load %arg9[%swap3A_519, %swap3A_520] {strides = array<i32>} : memref<400x64xf32, #tpu.memory_space<vmem>>, vector<1x16xf32>,
      %swap3A_522 = vector.shape_cast %swap3A_521 : vector<1x16xf32> to vector<16xf32>
      %swap3A_523 = vector.shape_cast %get3A_518 : vector<16xf32> to vector<1x16xf32>
      tpu.vector_store %arg9[%swap3A_519, %swap3A_520], %swap3A_523 {add = true, strides = array<i32>} : memref<400x64xf32, #tpu.memory_space<vmem>>, vector<1x16xf32>,
      %get3A_524 = arith.index_cast %scan3A_496 : i32 to index
      %get3A_525 = arith.constant 48 : index
      %get3A_526 = tpu.vector_load %arg10[%get3A_524, %get3A_525] {strides = array<i32>} : memref<400x64xf32, #tpu.memory_space<vmem>>, vector<1x16xf32>,
      %get3A_527 = vector.shape_cast %get3A_526 : vector<1x16xf32> to vector<16xf32>
      %swap3A_528 = arith.index_cast %scan3A_496 : i32 to index
      %swap3A_529 = arith.constant 48 : index
      %swap3A_530 = tpu.vector_load %arg9[%swap3A_528, %swap3A_529] {strides = array<i32>} : memref<400x64xf32, #tpu.memory_space<vmem>>, vector<1x16xf32>,
      %swap3A_531 = vector.shape_cast %swap3A_530 : vector<1x16xf32> to vector<16xf32>
      %swap3A_532 = vector.shape_cast %get3A_527 : vector<16xf32> to vector<1x16xf32>
      tpu.vector_store %arg9[%swap3A_528, %swap3A_529], %swap3A_532 {add = true, strides = array<i32>} : memref<400x64xf32, #tpu.memory_space<vmem>>, vector<1x16xf32>,
    }
    %scan3A_42 = arith.constant 400 : i32
    %add3A_43 = arith.constant 400 : i32
    %add3A_44 = arith.addi %mul3A_2, %add3A_43 : i32
    %dma_start3A_45 = arith.constant 0 : i32
    %dma_start3A_46 = tpu.memref_slice %arg5[%add3A_44, %dma_start3A_45] : memref<204800x64xf32, #tpu.memory_space<hbm>> -> memref<400x64xf32, #tpu.memory_space<hbm>>
    %dma_start3A_47 = arith.constant 0 : i32
    %dma_start3A_48 = tpu.memref_slice %arg5[%add3A_44, %dma_start3A_47] : memref<204800x64xf32, #tpu.memory_space<hbm>> -> memref<400x64xf32, #tpu.memory_space<hbm>>
    tpu.enqueue_dma source(%arg9 : memref<400x64xf32, #tpu.memory_space<vmem>>) target(%dma_start3A_48 : memref<400x64xf32, #tpu.memory_space<hbm>>) target_semaphore(%arg14 : memref<!tpu.dma_semaphore, #tpu.memory_space<semaphore_mem>>)
    %dma_wait3A_49 = arith.constant 0 : i32
    %dma_wait3A_50 = tpu.memref_slice %arg5[%add3A_44, %dma_wait3A_49] : memref<204800x64xf32, #tpu.memory_space<hbm>> -> memref<400x64xf32, #tpu.memory_space<hbm>>
    %dma_wait3A_51 = arith.constant 0 : i32
    %dma_wait3A_52 = tpu.memref_slice %arg5[%add3A_44, %dma_wait3A_51] : memref<204800x64xf32, #tpu.memory_space<hbm>> -> memref<400x64xf32, #tpu.memory_space<hbm>>
    tpu.wait_dma2 semaphore(%arg14 : memref<!tpu.dma_semaphore, #tpu.memory_space<semaphore_mem>>) src(%arg9 : memref<400x64xf32, #tpu.memory_space<vmem>>) dst(%dma_wait3A_52 : memref<400x64xf32, #tpu.memory_space<hbm>>)
    %add3A_53 = arith.constant 1200 : i32
    %add3A_54 = arith.addi %mul3A_2, %add3A_53 : i32
    "tpu.region"() ({
      %run_scoped3A = tpu.sem_alloc : memref<!tpu.dma_semaphore, #tpu.memory_space<semaphore_mem>>
      %dma_start3A_384 = tpu.memref_slice %arg2[%add3A_54] : memref<204800xi32, #tpu.memory_space<hbm>> -> memref<400xi32, #tpu.memory_space<hbm>>
      %dma_start3A_385 = tpu.memref_slice %arg2[%add3A_54] : memref<204800xi32, #tpu.memory_space<hbm>> -> memref<400xi32, #tpu.memory_space<hbm>>
      tpu.enqueue_dma source(%dma_start3A_385 : memref<400xi32, #tpu.memory_space<hbm>>) target(%arg7 : memref<400xi32, #tpu.memory_space<vmem>>) target_semaphore(%run_scoped3A : memref<!tpu.dma_semaphore, #tpu.memory_space<semaphore_mem>>)
      %dma_wait3A_386 = tpu.memref_slice %arg2[%add3A_54] : memref<204800xi32, #tpu.memory_space<hbm>> -> memref<400xi32, #tpu.memory_space<hbm>>
      %dma_wait3A_387 = tpu.memref_slice %arg2[%add3A_54] : memref<204800xi32, #tpu.memory_space<hbm>> -> memref<400xi32, #tpu.memory_space<hbm>>
      tpu.wait_dma2 semaphore(%run_scoped3A : memref<!tpu.dma_semaphore, #tpu.memory_space<semaphore_mem>>) src(%dma_wait3A_387 : memref<400xi32, #tpu.memory_space<hbm>>) dst(%arg7 : memref<400xi32, #tpu.memory_space<vmem>>)
      tpu.yield
    }) : () -> ()
    %dma_start3A_55 = arith.constant 0 : i32
    %dma_start3A_56 = arith.constant 0 : i32
    %dma_start3A_57 = tpu.memref_slice %arg3[%dma_start3A_55, %dma_start3A_56] : memref<1000000x64xf32, #tpu.memory_space<hbm>> -> memref<1000000x64xf32, #tpu.memory_space<hbm>>
    tpu.enqueue_indirect_dma source(%dma_start3A_57 : memref<1000000x64xf32, #tpu.memory_space<hbm>>) target(%arg9 : memref<400x64xf32, #tpu.memory_space<vmem>>) offsets(%arg7 : memref<400xi32, #tpu.memory_space<vmem>>) semaphore(%arg12 : memref<!tpu.dma_semaphore, #tpu.memory_space<semaphore_mem>>)
    %dma_wait3A_58 = arith.constant 0 : i32
    %dma_wait3A_59 = arith.constant 0 : i32
    %dma_wait3A_60 = tpu.memref_slice %arg3[%dma_wait3A_58, %dma_wait3A_59] : memref<1000000x64xf32, #tpu.memory_space<hbm>> -> memref<1000000x64xf32, #tpu.memory_space<hbm>>
    tpu.wait_indirect_dma semaphore(%arg11 : memref<!tpu.dma_semaphore, #tpu.memory_space<semaphore_mem>>) src(%dma_wait3A_60 : memref<1000000x64xf32, #tpu.memory_space<hbm>>) dst(%arg8 : memref<400x64xf32, #tpu.memory_space<vmem>>)
    %scan3A_61 = arith.constant 0 : i32
    %scan3A_62 = arith.constant 0 : i32
    %scan3A_63 = arith.constant 400 : i32
    %scan3A_64 = arith.addi %scan3A_62, %scan3A_63 : i32
    %scan3A_65 = arith.constant 4 : i32
    scf.for %scan3A_384 = %scan3A_62 to %scan3A_64 step %scan3A_65  : i32 {
      %get3A = arith.index_cast %scan3A_384 : i32 to index
      %get3A_385 = arith.constant 0 : index
      %get3A_386 = tpu.vector_load %arg10[%get3A, %get3A_385] {strides = array<i32>} : memref<400x64xf32, #tpu.memory_space<vmem>>, vector<1x16xf32>,
      %get3A_387 = vector.shape_cast %get3A_386 : vector<1x16xf32> to vector<16xf32>
      %swap3A = arith.index_cast %scan3A_384 : i32 to index
      %swap3A_388 = arith.constant 0 : index
      %swap3A_389 = tpu.vector_load %arg8[%swap3A, %swap3A_388] {strides = array<i32>} : memref<400x64xf32, #tpu.memory_space<vmem>>, vector<1x16xf32>,
      %swap3A_390 = vector.shape_cast %swap3A_389 : vector<1x16xf32> to vector<16xf32>
      %swap3A_391 = vector.shape_cast %get3A_387 : vector<16xf32> to vector<1x16xf32>
      tpu.vector_store %arg8[%swap3A, %swap3A_388], %swap3A_391 {add = true, strides = array<i32>} : memref<400x64xf32, #tpu.memory_space<vmem>>, vector<1x16xf32>,
      %get3A_392 = arith.index_cast %scan3A_384 : i32 to index
      %get3A_393 = arith.constant 16 : index
      %get3A_394 = tpu.vector_load %arg10[%get3A_392, %get3A_393] {strides = array<i32>} : memref<400x64xf32, #tpu.memory_space<vmem>>, vector<1x16xf32>,
      %get3A_395 = vector.shape_cast %get3A_394 : vector<1x16xf32> to vector<16xf32>
      %swap3A_396 = arith.index_cast %scan3A_384 : i32 to index
      %swap3A_397 = arith.constant 16 : index
      %swap3A_398 = tpu.vector_load %arg8[%swap3A_396, %swap3A_397] {strides = array<i32>} : memref<400x64xf32, #tpu.memory_space<vmem>>, vector<1x16xf32>,
      %swap3A_399 = vector.shape_cast %swap3A_398 : vector<1x16xf32> to vector<16xf32>
      %swap3A_400 = vector.shape_cast %get3A_395 : vector<16xf32> to vector<1x16xf32>
      tpu.vector_store %arg8[%swap3A_396, %swap3A_397], %swap3A_400 {add = true, strides = array<i32>} : memref<400x64xf32, #tpu.memory_space<vmem>>, vector<1x16xf32>,
      %get3A_401 = arith.index_cast %scan3A_384 : i32 to index
      %get3A_402 = arith.constant 32 : index
      %get3A_403 = tpu.vector_load %arg10[%get3A_401, %get3A_402] {strides = array<i32>} : memref<400x64xf32, #tpu.memory_space<vmem>>, vector<1x16xf32>,
      %get3A_404 = vector.shape_cast %get3A_403 : vector<1x16xf32> to vector<16xf32>
      %swap3A_405 = arith.index_cast %scan3A_384 : i32 to index
      %swap3A_406 = arith.constant 32 : index
      %swap3A_407 = tpu.vector_load %arg8[%swap3A_405, %swap3A_406] {strides = array<i32>} : memref<400x64xf32, #tpu.memory_space<vmem>>, vector<1x16xf32>,
      %swap3A_408 = vector.shape_cast %swap3A_407 : vector<1x16xf32> to vector<16xf32>
      %swap3A_409 = vector.shape_cast %get3A_404 : vector<16xf32> to vector<1x16xf32>
      tpu.vector_store %arg8[%swap3A_405, %swap3A_406], %swap3A_409 {add = true, strides = array<i32>} : memref<400x64xf32, #tpu.memory_space<vmem>>, vector<1x16xf32>,
      %get3A_410 = arith.index_cast %scan3A_384 : i32 to index
      %get3A_411 = arith.constant 48 : index
      %get3A_412 = tpu.vector_load %arg10[%get3A_410, %get3A_411] {strides = array<i32>} : memref<400x64xf32, #tpu.memory_space<vmem>>, vector<1x16xf32>,
      %get3A_413 = vector.shape_cast %get3A_412 : vector<1x16xf32> to vector<16xf32>
      %swap3A_414 = arith.index_cast %scan3A_384 : i32 to index
      %swap3A_415 = arith.constant 48 : index
      %swap3A_416 = tpu.vector_load %arg8[%swap3A_414, %swap3A_415] {strides = array<i32>} : memref<400x64xf32, #tpu.memory_space<vmem>>, vector<1x16xf32>,
      %swap3A_417 = vector.shape_cast %swap3A_416 : vector<1x16xf32> to vector<16xf32>
      %swap3A_418 = vector.shape_cast %get3A_413 : vector<16xf32> to vector<1x16xf32>
      tpu.vector_store %arg8[%swap3A_414, %swap3A_415], %swap3A_418 {add = true, strides = array<i32>} : memref<400x64xf32, #tpu.memory_space<vmem>>, vector<1x16xf32>,
      %scan3A_419 = arith.constant 1 : i32
      %scan3A_420 = arith.addi %scan3A_384, %scan3A_419 : i32
      %get3A_421 = arith.index_cast %scan3A_420 : i32 to index
      %get3A_422 = arith.constant 0 : index
      %get3A_423 = tpu.vector_load %arg10[%get3A_421, %get3A_422] {strides = array<i32>} : memref<400x64xf32, #tpu.memory_space<vmem>>, vector<1x16xf32>,
      %get3A_424 = vector.shape_cast %get3A_423 : vector<1x16xf32> to vector<16xf32>
      %swap3A_425 = arith.index_cast %scan3A_420 : i32 to index
      %swap3A_426 = arith.constant 0 : index
      %swap3A_427 = tpu.vector_load %arg8[%swap3A_425, %swap3A_426] {strides = array<i32>} : memref<400x64xf32, #tpu.memory_space<vmem>>, vector<1x16xf32>,
      %swap3A_428 = vector.shape_cast %swap3A_427 : vector<1x16xf32> to vector<16xf32>
      %swap3A_429 = vector.shape_cast %get3A_424 : vector<16xf32> to vector<1x16xf32>
      tpu.vector_store %arg8[%swap3A_425, %swap3A_426], %swap3A_429 {add = true, strides = array<i32>} : memref<400x64xf32, #tpu.memory_space<vmem>>, vector<1x16xf32>,
      %get3A_430 = arith.index_cast %scan3A_420 : i32 to index
      %get3A_431 = arith.constant 16 : index
      %get3A_432 = tpu.vector_load %arg10[%get3A_430, %get3A_431] {strides = array<i32>} : memref<400x64xf32, #tpu.memory_space<vmem>>, vector<1x16xf32>,
      %get3A_433 = vector.shape_cast %get3A_432 : vector<1x16xf32> to vector<16xf32>
      %swap3A_434 = arith.index_cast %scan3A_420 : i32 to index
      %swap3A_435 = arith.constant 16 : index
      %swap3A_436 = tpu.vector_load %arg8[%swap3A_434, %swap3A_435] {strides = array<i32>} : memref<400x64xf32, #tpu.memory_space<vmem>>, vector<1x16xf32>,
      %swap3A_437 = vector.shape_cast %swap3A_436 : vector<1x16xf32> to vector<16xf32>
      %swap3A_438 = vector.shape_cast %get3A_433 : vector<16xf32> to vector<1x16xf32>
      tpu.vector_store %arg8[%swap3A_434, %swap3A_435], %swap3A_438 {add = true, strides = array<i32>} : memref<400x64xf32, #tpu.memory_space<vmem>>, vector<1x16xf32>,
      %get3A_439 = arith.index_cast %scan3A_420 : i32 to index
      %get3A_440 = arith.constant 32 : index
      %get3A_441 = tpu.vector_load %arg10[%get3A_439, %get3A_440] {strides = array<i32>} : memref<400x64xf32, #tpu.memory_space<vmem>>, vector<1x16xf32>,
      %get3A_442 = vector.shape_cast %get3A_441 : vector<1x16xf32> to vector<16xf32>
      %swap3A_443 = arith.index_cast %scan3A_420 : i32 to index
      %swap3A_444 = arith.constant 32 : index
      %swap3A_445 = tpu.vector_load %arg8[%swap3A_443, %swap3A_444] {strides = array<i32>} : memref<400x64xf32, #tpu.memory_space<vmem>>, vector<1x16xf32>,
      %swap3A_446 = vector.shape_cast %swap3A_445 : vector<1x16xf32> to vector<16xf32>
      %swap3A_447 = vector.shape_cast %get3A_442 : vector<16xf32> to vector<1x16xf32>
      tpu.vector_store %arg8[%swap3A_443, %swap3A_444], %swap3A_447 {add = true, strides = array<i32>} : memref<400x64xf32, #tpu.memory_space<vmem>>, vector<1x16xf32>,
      %get3A_448 = arith.index_cast %scan3A_420 : i32 to index
      %get3A_449 = arith.constant 48 : index
      %get3A_450 = tpu.vector_load %arg10[%get3A_448, %get3A_449] {strides = array<i32>} : memref<400x64xf32, #tpu.memory_space<vmem>>, vector<1x16xf32>,
      %get3A_451 = vector.shape_cast %get3A_450 : vector<1x16xf32> to vector<16xf32>
      %swap3A_452 = arith.index_cast %scan3A_420 : i32 to index
      %swap3A_453 = arith.constant 48 : index
      %swap3A_454 = tpu.vector_load %arg8[%swap3A_452, %swap3A_453] {strides = array<i32>} : memref<400x64xf32, #tpu.memory_space<vmem>>, vector<1x16xf32>,
      %swap3A_455 = vector.shape_cast %swap3A_454 : vector<1x16xf32> to vector<16xf32>
      %swap3A_456 = vector.shape_cast %get3A_451 : vector<16xf32> to vector<1x16xf32>
      tpu.vector_store %arg8[%swap3A_452, %swap3A_453], %swap3A_456 {add = true, strides = array<i32>} : memref<400x64xf32, #tpu.memory_space<vmem>>, vector<1x16xf32>,
      %scan3A_457 = arith.constant 2 : i32
      %scan3A_458 = arith.addi %scan3A_384, %scan3A_457 : i32
      %get3A_459 = arith.index_cast %scan3A_458 : i32 to index
      %get3A_460 = arith.constant 0 : index
      %get3A_461 = tpu.vector_load %arg10[%get3A_459, %get3A_460] {strides = array<i32>} : memref<400x64xf32, #tpu.memory_space<vmem>>, vector<1x16xf32>,
      %get3A_462 = vector.shape_cast %get3A_461 : vector<1x16xf32> to vector<16xf32>
      %swap3A_463 = arith.index_cast %scan3A_458 : i32 to index
      %swap3A_464 = arith.constant 0 : index
      %swap3A_465 = tpu.vector_load %arg8[%swap3A_463, %swap3A_464] {strides = array<i32>} : memref<400x64xf32, #tpu.memory_space<vmem>>, vector<1x16xf32>,
      %swap3A_466 = vector.shape_cast %swap3A_465 : vector<1x16xf32> to vector<16xf32>
      %swap3A_467 = vector.shape_cast %get3A_462 : vector<16xf32> to vector<1x16xf32>
      tpu.vector_store %arg8[%swap3A_463, %swap3A_464], %swap3A_467 {add = true, strides = array<i32>} : memref<400x64xf32, #tpu.memory_space<vmem>>, vector<1x16xf32>,
      %get3A_468 = arith.index_cast %scan3A_458 : i32 to index
      %get3A_469 = arith.constant 16 : index
      %get3A_470 = tpu.vector_load %arg10[%get3A_468, %get3A_469] {strides = array<i32>} : memref<400x64xf32, #tpu.memory_space<vmem>>, vector<1x16xf32>,
      %get3A_471 = vector.shape_cast %get3A_470 : vector<1x16xf32> to vector<16xf32>
      %swap3A_472 = arith.index_cast %scan3A_458 : i32 to index
      %swap3A_473 = arith.constant 16 : index
      %swap3A_474 = tpu.vector_load %arg8[%swap3A_472, %swap3A_473] {strides = array<i32>} : memref<400x64xf32, #tpu.memory_space<vmem>>, vector<1x16xf32>,
      %swap3A_475 = vector.shape_cast %swap3A_474 : vector<1x16xf32> to vector<16xf32>
      %swap3A_476 = vector.shape_cast %get3A_471 : vector<16xf32> to vector<1x16xf32>
      tpu.vector_store %arg8[%swap3A_472, %swap3A_473], %swap3A_476 {add = true, strides = array<i32>} : memref<400x64xf32, #tpu.memory_space<vmem>>, vector<1x16xf32>,
      %get3A_477 = arith.index_cast %scan3A_458 : i32 to index
      %get3A_478 = arith.constant 32 : index
      %get3A_479 = tpu.vector_load %arg10[%get3A_477, %get3A_478] {strides = array<i32>} : memref<400x64xf32, #tpu.memory_space<vmem>>, vector<1x16xf32>,
      %get3A_480 = vector.shape_cast %get3A_479 : vector<1x16xf32> to vector<16xf32>
      %swap3A_481 = arith.index_cast %scan3A_458 : i32 to index
      %swap3A_482 = arith.constant 32 : index
      %swap3A_483 = tpu.vector_load %arg8[%swap3A_481, %swap3A_482] {strides = array<i32>} : memref<400x64xf32, #tpu.memory_space<vmem>>, vector<1x16xf32>,
      %swap3A_484 = vector.shape_cast %swap3A_483 : vector<1x16xf32> to vector<16xf32>
      %swap3A_485 = vector.shape_cast %get3A_480 : vector<16xf32> to vector<1x16xf32>
      tpu.vector_store %arg8[%swap3A_481, %swap3A_482], %swap3A_485 {add = true, strides = array<i32>} : memref<400x64xf32, #tpu.memory_space<vmem>>, vector<1x16xf32>,
      %get3A_486 = arith.index_cast %scan3A_458 : i32 to index
      %get3A_487 = arith.constant 48 : index
      %get3A_488 = tpu.vector_load %arg10[%get3A_486, %get3A_487] {strides = array<i32>} : memref<400x64xf32, #tpu.memory_space<vmem>>, vector<1x16xf32>,
      %get3A_489 = vector.shape_cast %get3A_488 : vector<1x16xf32> to vector<16xf32>
      %swap3A_490 = arith.index_cast %scan3A_458 : i32 to index
      %swap3A_491 = arith.constant 48 : index
      %swap3A_492 = tpu.vector_load %arg8[%swap3A_490, %swap3A_491] {strides = array<i32>} : memref<400x64xf32, #tpu.memory_space<vmem>>, vector<1x16xf32>,
      %swap3A_493 = vector.shape_cast %swap3A_492 : vector<1x16xf32> to vector<16xf32>
      %swap3A_494 = vector.shape_cast %get3A_489 : vector<16xf32> to vector<1x16xf32>
      tpu.vector_store %arg8[%swap3A_490, %swap3A_491], %swap3A_494 {add = true, strides = array<i32>} : memref<400x64xf32, #tpu.memory_space<vmem>>, vector<1x16xf32>,
      %scan3A_495 = arith.constant 3 : i32
      %scan3A_496 = arith.addi %scan3A_384, %scan3A_495 : i32
      %get3A_497 = arith.index_cast %scan3A_496 : i32 to index
      %get3A_498 = arith.constant 0 : index
      %get3A_499 = tpu.vector_load %arg10[%get3A_497, %get3A_498] {strides = array<i32>} : memref<400x64xf32, #tpu.memory_space<vmem>>, vector<1x16xf32>,
      %get3A_500 = vector.shape_cast %get3A_499 : vector<1x16xf32> to vector<16xf32>
      %swap3A_501 = arith.index_cast %scan3A_496 : i32 to index
      %swap3A_502 = arith.constant 0 : index
      %swap3A_503 = tpu.vector_load %arg8[%swap3A_501, %swap3A_502] {strides = array<i32>} : memref<400x64xf32, #tpu.memory_space<vmem>>, vector<1x16xf32>,
      %swap3A_504 = vector.shape_cast %swap3A_503 : vector<1x16xf32> to vector<16xf32>
      %swap3A_505 = vector.shape_cast %get3A_500 : vector<16xf32> to vector<1x16xf32>
      tpu.vector_store %arg8[%swap3A_501, %swap3A_502], %swap3A_505 {add = true, strides = array<i32>} : memref<400x64xf32, #tpu.memory_space<vmem>>, vector<1x16xf32>,
      %get3A_506 = arith.index_cast %scan3A_496 : i32 to index
      %get3A_507 = arith.constant 16 : index
      %get3A_508 = tpu.vector_load %arg10[%get3A_506, %get3A_507] {strides = array<i32>} : memref<400x64xf32, #tpu.memory_space<vmem>>, vector<1x16xf32>,
      %get3A_509 = vector.shape_cast %get3A_508 : vector<1x16xf32> to vector<16xf32>
      %swap3A_510 = arith.index_cast %scan3A_496 : i32 to index
      %swap3A_511 = arith.constant 16 : index
      %swap3A_512 = tpu.vector_load %arg8[%swap3A_510, %swap3A_511] {strides = array<i32>} : memref<400x64xf32, #tpu.memory_space<vmem>>, vector<1x16xf32>,
      %swap3A_513 = vector.shape_cast %swap3A_512 : vector<1x16xf32> to vector<16xf32>
      %swap3A_514 = vector.shape_cast %get3A_509 : vector<16xf32> to vector<1x16xf32>
      tpu.vector_store %arg8[%swap3A_510, %swap3A_511], %swap3A_514 {add = true, strides = array<i32>} : memref<400x64xf32, #tpu.memory_space<vmem>>, vector<1x16xf32>,
      %get3A_515 = arith.index_cast %scan3A_496 : i32 to index
      %get3A_516 = arith.constant 32 : index
      %get3A_517 = tpu.vector_load %arg10[%get3A_515, %get3A_516] {strides = array<i32>} : memref<400x64xf32, #tpu.memory_space<vmem>>, vector<1x16xf32>,
      %get3A_518 = vector.shape_cast %get3A_517 : vector<1x16xf32> to vector<16xf32>
      %swap3A_519 = arith.index_cast %scan3A_496 : i32 to index
      %swap3A_520 = arith.constant 32 : index
      %swap3A_521 = tpu.vector_load %arg8[%swap3A_519, %swap3A_520] {strides = array<i32>} : memref<400x64xf32, #tpu.memory_space<vmem>>, vector<1x16xf32>,
      %swap3A_522 = vector.shape_cast %swap3A_521 : vector<1x16xf32> to vector<16xf32>
      %swap3A_523 = vector.shape_cast %get3A_518 : vector<16xf32> to vector<1x16xf32>
      tpu.vector_store %arg8[%swap3A_519, %swap3A_520], %swap3A_523 {add = true, strides = array<i32>} : memref<400x64xf32, #tpu.memory_space<vmem>>, vector<1x16xf32>,
      %get3A_524 = arith.index_cast %scan3A_496 : i32 to index
      %get3A_525 = arith.constant 48 : index
      %get3A_526 = tpu.vector_load %arg10[%get3A_524, %get3A_525] {strides = array<i32>} : memref<400x64xf32, #tpu.memory_space<vmem>>, vector<1x16xf32>,
      %get3A_527 = vector.shape_cast %get3A_526 : vector<1x16xf32> to vector<16xf32>
      %swap3A_528 = arith.index_cast %scan3A_496 : i32 to index
      %swap3A_529 = arith.constant 48 : index
      %swap3A_530 = tpu.vector_load %arg8[%swap3A_528, %swap3A_529] {strides = array<i32>} : memref<400x64xf32, #tpu.memory_space<vmem>>, vector<1x16xf32>,
      %swap3A_531 = vector.shape_cast %swap3A_530 : vector<1x16xf32> to vector<16xf32>
      %swap3A_532 = vector.shape_cast %get3A_527 : vector<16xf32> to vector<1x16xf32>
      tpu.vector_store %arg8[%swap3A_528, %swap3A_529], %swap3A_532 {add = true, strides = array<i32>} : memref<400x64xf32, #tpu.memory_space<vmem>>, vector<1x16xf32>,
    }
    %scan3A_66 = arith.constant 400 : i32
    %add3A_67 = arith.constant 800 : i32
    %add3A_68 = arith.addi %mul3A_2, %add3A_67 : i32
    %dma_start3A_69 = arith.constant 0 : i32
    %dma_start3A_70 = tpu.memref_slice %arg5[%add3A_68, %dma_start3A_69] : memref<204800x64xf32, #tpu.memory_space<hbm>> -> memref<400x64xf32, #tpu.memory_space<hbm>>
    %dma_start3A_71 = arith.constant 0 : i32
    %dma_start3A_72 = tpu.memref_slice %arg5[%add3A_68, %dma_start3A_71] : memref<204800x64xf32, #tpu.memory_space<hbm>> -> memref<400x64xf32, #tpu.memory_space<hbm>>
    tpu.enqueue_dma source(%arg8 : memref<400x64xf32, #tpu.memory_space<vmem>>) target(%dma_start3A_72 : memref<400x64xf32, #tpu.memory_space<hbm>>) target_semaphore(%arg13 : memref<!tpu.dma_semaphore, #tpu.memory_space<semaphore_mem>>)
    %dma_wait3A_73 = arith.constant 0 : i32
    %dma_wait3A_74 = tpu.memref_slice %arg5[%add3A_68, %dma_wait3A_73] : memref<204800x64xf32, #tpu.memory_space<hbm>> -> memref<400x64xf32, #tpu.memory_space<hbm>>
    %dma_wait3A_75 = arith.constant 0 : i32
    %dma_wait3A_76 = tpu.memref_slice %arg5[%add3A_68, %dma_wait3A_75] : memref<204800x64xf32, #tpu.memory_space<hbm>> -> memref<400x64xf32, #tpu.memory_space<hbm>>
    tpu.wait_dma2 semaphore(%arg13 : memref<!tpu.dma_semaphore, #tpu.memory_space<semaphore_mem>>) src(%arg8 : memref<400x64xf32, #tpu.memory_space<vmem>>) dst(%dma_wait3A_76 : memref<400x64xf32, #tpu.memory_space<hbm>>)
    %add3A_77 = arith.constant 1600 : i32
    %add3A_78 = arith.addi %mul3A_2, %add3A_77 : i32
    "tpu.region"() ({
      %run_scoped3A = tpu.sem_alloc : memref<!tpu.dma_semaphore, #tpu.memory_space<semaphore_mem>>
      %dma_start3A_384 = tpu.memref_slice %arg2[%add3A_78] : memref<204800xi32, #tpu.memory_space<hbm>> -> memref<400xi32, #tpu.memory_space<hbm>>
      %dma_start3A_385 = tpu.memref_slice %arg2[%add3A_78] : memref<204800xi32, #tpu.memory_space<hbm>> -> memref<400xi32, #tpu.memory_space<hbm>>
      tpu.enqueue_dma source(%dma_start3A_385 : memref<400xi32, #tpu.memory_space<hbm>>) target(%arg6 : memref<400xi32, #tpu.memory_space<vmem>>) target_semaphore(%run_scoped3A : memref<!tpu.dma_semaphore, #tpu.memory_space<semaphore_mem>>)
      %dma_wait3A_386 = tpu.memref_slice %arg2[%add3A_78] : memref<204800xi32, #tpu.memory_space<hbm>> -> memref<400xi32, #tpu.memory_space<hbm>>
      %dma_wait3A_387 = tpu.memref_slice %arg2[%add3A_78] : memref<204800xi32, #tpu.memory_space<hbm>> -> memref<400xi32, #tpu.memory_space<hbm>>
      tpu.wait_dma2 semaphore(%run_scoped3A : memref<!tpu.dma_semaphore, #tpu.memory_space<semaphore_mem>>) src(%dma_wait3A_387 : memref<400xi32, #tpu.memory_space<hbm>>) dst(%arg6 : memref<400xi32, #tpu.memory_space<vmem>>)
      tpu.yield
    }) : () -> ()
    %dma_start3A_79 = arith.constant 0 : i32
    %dma_start3A_80 = arith.constant 0 : i32
    %dma_start3A_81 = tpu.memref_slice %arg3[%dma_start3A_79, %dma_start3A_80] : memref<1000000x64xf32, #tpu.memory_space<hbm>> -> memref<1000000x64xf32, #tpu.memory_space<hbm>>
    tpu.enqueue_indirect_dma source(%dma_start3A_81 : memref<1000000x64xf32, #tpu.memory_space<hbm>>) target(%arg8 : memref<400x64xf32, #tpu.memory_space<vmem>>) offsets(%arg6 : memref<400xi32, #tpu.memory_space<vmem>>) semaphore(%arg11 : memref<!tpu.dma_semaphore, #tpu.memory_space<semaphore_mem>>)
    %dma_wait3A_82 = arith.constant 0 : i32
    %dma_wait3A_83 = arith.constant 0 : i32
    %dma_wait3A_84 = tpu.memref_slice %arg3[%dma_wait3A_82, %dma_wait3A_83] : memref<1000000x64xf32, #tpu.memory_space<hbm>> -> memref<1000000x64xf32, #tpu.memory_space<hbm>>
    tpu.wait_indirect_dma semaphore(%arg12 : memref<!tpu.dma_semaphore, #tpu.memory_space<semaphore_mem>>) src(%dma_wait3A_84 : memref<1000000x64xf32, #tpu.memory_space<hbm>>) dst(%arg9 : memref<400x64xf32, #tpu.memory_space<vmem>>)
    %scan3A_85 = arith.constant 0 : i32
    %scan3A_86 = arith.constant 0 : i32
    %scan3A_87 = arith.constant 400 : i32
    %scan3A_88 = arith.addi %scan3A_86, %scan3A_87 : i32
    %scan3A_89 = arith.constant 4 : i32
    scf.for %scan3A_384 = %scan3A_86 to %scan3A_88 step %scan3A_89  : i32 {
      %get3A = arith.index_cast %scan3A_384 : i32 to index
      %get3A_385 = arith.constant 0 : index
      %get3A_386 = tpu.vector_load %arg10[%get3A, %get3A_385] {strides = array<i32>} : memref<400x64xf32, #tpu.memory_space<vmem>>, vector<1x16xf32>,
      %get3A_387 = vector.shape_cast %get3A_386 : vector<1x16xf32> to vector<16xf32>
      %swap3A = arith.index_cast %scan3A_384 : i32 to index
      %swap3A_388 = arith.constant 0 : index
      %swap3A_389 = tpu.vector_load %arg9[%swap3A, %swap3A_388] {strides = array<i32>} : memref<400x64xf32, #tpu.memory_space<vmem>>, vector<1x16xf32>,
      %swap3A_390 = vector.shape_cast %swap3A_389 : vector<1x16xf32> to vector<16xf32>
      %swap3A_391 = vector.shape_cast %get3A_387 : vector<16xf32> to vector<1x16xf32>
      tpu.vector_store %arg9[%swap3A, %swap3A_388], %swap3A_391 {add = true, strides = array<i32>} : memref<400x64xf32, #tpu.memory_space<vmem>>, vector<1x16xf32>,
      %get3A_392 = arith.index_cast %scan3A_384 : i32 to index
      %get3A_393 = arith.constant 16 : index
      %get3A_394 = tpu.vector_load %arg10[%get3A_392, %get3A_393] {strides = array<i32>} : memref<400x64xf32, #tpu.memory_space<vmem>>, vector<1x16xf32>,
      %get3A_395 = vector.shape_cast %get3A_394 : vector<1x16xf32> to vector<16xf32>
      %swap3A_396 = arith.index_cast %scan3A_384 : i32 to index
      %swap3A_397 = arith.constant 16 : index
      %swap3A_398 = tpu.vector_load %arg9[%swap3A_396, %swap3A_397] {strides = array<i32>} : memref<400x64xf32, #tpu.memory_space<vmem>>, vector<1x16xf32>,
      %swap3A_399 = vector.shape_cast %swap3A_398 : vector<1x16xf32> to vector<16xf32>
      %swap3A_400 = vector.shape_cast %get3A_395 : vector<16xf32> to vector<1x16xf32>
      tpu.vector_store %arg9[%swap3A_396, %swap3A_397], %swap3A_400 {add = true, strides = array<i32>} : memref<400x64xf32, #tpu.memory_space<vmem>>, vector<1x16xf32>,
      %get3A_401 = arith.index_cast %scan3A_384 : i32 to index
      %get3A_402 = arith.constant 32 : index
      %get3A_403 = tpu.vector_load %arg10[%get3A_401, %get3A_402] {strides = array<i32>} : memref<400x64xf32, #tpu.memory_space<vmem>>, vector<1x16xf32>,
      %get3A_404 = vector.shape_cast %get3A_403 : vector<1x16xf32> to vector<16xf32>
      %swap3A_405 = arith.index_cast %scan3A_384 : i32 to index
      %swap3A_406 = arith.constant 32 : index
      %swap3A_407 = tpu.vector_load %arg9[%swap3A_405, %swap3A_406] {strides = array<i32>} : memref<400x64xf32, #tpu.memory_space<vmem>>, vector<1x16xf32>,
      %swap3A_408 = vector.shape_cast %swap3A_407 : vector<1x16xf32> to vector<16xf32>
      %swap3A_409 = vector.shape_cast %get3A_404 : vector<16xf32> to vector<1x16xf32>
      tpu.vector_store %arg9[%swap3A_405, %swap3A_406], %swap3A_409 {add = true, strides = array<i32>} : memref<400x64xf32, #tpu.memory_space<vmem>>, vector<1x16xf32>,
      %get3A_410 = arith.index_cast %scan3A_384 : i32 to index
      %get3A_411 = arith.constant 48 : index
      %get3A_412 = tpu.vector_load %arg10[%get3A_410, %get3A_411] {strides = array<i32>} : memref<400x64xf32, #tpu.memory_space<vmem>>, vector<1x16xf32>,
      %get3A_413 = vector.shape_cast %get3A_412 : vector<1x16xf32> to vector<16xf32>
      %swap3A_414 = arith.index_cast %scan3A_384 : i32 to index
      %swap3A_415 = arith.constant 48 : index
      %swap3A_416 = tpu.vector_load %arg9[%swap3A_414, %swap3A_415] {strides = array<i32>} : memref<400x64xf32, #tpu.memory_space<vmem>>, vector<1x16xf32>,
      %swap3A_417 = vector.shape_cast %swap3A_416 : vector<1x16xf32> to vector<16xf32>
      %swap3A_418 = vector.shape_cast %get3A_413 : vector<16xf32> to vector<1x16xf32>
      tpu.vector_store %arg9[%swap3A_414, %swap3A_415], %swap3A_418 {add = true, strides = array<i32>} : memref<400x64xf32, #tpu.memory_space<vmem>>, vector<1x16xf32>,
      %scan3A_419 = arith.constant 1 : i32
      %scan3A_420 = arith.addi %scan3A_384, %scan3A_419 : i32
      %get3A_421 = arith.index_cast %scan3A_420 : i32 to index
      %get3A_422 = arith.constant 0 : index
      %get3A_423 = tpu.vector_load %arg10[%get3A_421, %get3A_422] {strides = array<i32>} : memref<400x64xf32, #tpu.memory_space<vmem>>, vector<1x16xf32>,
      %get3A_424 = vector.shape_cast %get3A_423 : vector<1x16xf32> to vector<16xf32>
      %swap3A_425 = arith.index_cast %scan3A_420 : i32 to index
      %swap3A_426 = arith.constant 0 : index
      %swap3A_427 = tpu.vector_load %arg9[%swap3A_425, %swap3A_426] {strides = array<i32>} : memref<400x64xf32, #tpu.memory_space<vmem>>, vector<1x16xf32>,
      %swap3A_428 = vector.shape_cast %swap3A_427 : vector<1x16xf32> to vector<16xf32>
      %swap3A_429 = vector.shape_cast %get3A_424 : vector<16xf32> to vector<1x16xf32>
      tpu.vector_store %arg9[%swap3A_425, %swap3A_426], %swap3A_429 {add = true, strides = array<i32>} : memref<400x64xf32, #tpu.memory_space<vmem>>, vector<1x16xf32>,
      %get3A_430 = arith.index_cast %scan3A_420 : i32 to index
      %get3A_431 = arith.constant 16 : index
      %get3A_432 = tpu.vector_load %arg10[%get3A_430, %get3A_431] {strides = array<i32>} : memref<400x64xf32, #tpu.memory_space<vmem>>, vector<1x16xf32>,
      %get3A_433 = vector.shape_cast %get3A_432 : vector<1x16xf32> to vector<16xf32>
      %swap3A_434 = arith.index_cast %scan3A_420 : i32 to index
      %swap3A_435 = arith.constant 16 : index
      %swap3A_436 = tpu.vector_load %arg9[%swap3A_434, %swap3A_435] {strides = array<i32>} : memref<400x64xf32, #tpu.memory_space<vmem>>, vector<1x16xf32>,
      %swap3A_437 = vector.shape_cast %swap3A_436 : vector<1x16xf32> to vector<16xf32>
      %swap3A_438 = vector.shape_cast %get3A_433 : vector<16xf32> to vector<1x16xf32>
      tpu.vector_store %arg9[%swap3A_434, %swap3A_435], %swap3A_438 {add = true, strides = array<i32>} : memref<400x64xf32, #tpu.memory_space<vmem>>, vector<1x16xf32>,
      %get3A_439 = arith.index_cast %scan3A_420 : i32 to index
      %get3A_440 = arith.constant 32 : index
      %get3A_441 = tpu.vector_load %arg10[%get3A_439, %get3A_440] {strides = array<i32>} : memref<400x64xf32, #tpu.memory_space<vmem>>, vector<1x16xf32>,
      %get3A_442 = vector.shape_cast %get3A_441 : vector<1x16xf32> to vector<16xf32>
      %swap3A_443 = arith.index_cast %scan3A_420 : i32 to index
      %swap3A_444 = arith.constant 32 : index
      %swap3A_445 = tpu.vector_load %arg9[%swap3A_443, %swap3A_444] {strides = array<i32>} : memref<400x64xf32, #tpu.memory_space<vmem>>, vector<1x16xf32>,
      %swap3A_446 = vector.shape_cast %swap3A_445 : vector<1x16xf32> to vector<16xf32>
      %swap3A_447 = vector.shape_cast %get3A_442 : vector<16xf32> to vector<1x16xf32>
      tpu.vector_store %arg9[%swap3A_443, %swap3A_444], %swap3A_447 {add = true, strides = array<i32>} : memref<400x64xf32, #tpu.memory_space<vmem>>, vector<1x16xf32>,
      %get3A_448 = arith.index_cast %scan3A_420 : i32 to index
      %get3A_449 = arith.constant 48 : index
      %get3A_450 = tpu.vector_load %arg10[%get3A_448, %get3A_449] {strides = array<i32>} : memref<400x64xf32, #tpu.memory_space<vmem>>, vector<1x16xf32>,
      %get3A_451 = vector.shape_cast %get3A_450 : vector<1x16xf32> to vector<16xf32>
      %swap3A_452 = arith.index_cast %scan3A_420 : i32 to index
      %swap3A_453 = arith.constant 48 : index
      %swap3A_454 = tpu.vector_load %arg9[%swap3A_452, %swap3A_453] {strides = array<i32>} : memref<400x64xf32, #tpu.memory_space<vmem>>, vector<1x16xf32>,
      %swap3A_455 = vector.shape_cast %swap3A_454 : vector<1x16xf32> to vector<16xf32>
      %swap3A_456 = vector.shape_cast %get3A_451 : vector<16xf32> to vector<1x16xf32>
      tpu.vector_store %arg9[%swap3A_452, %swap3A_453], %swap3A_456 {add = true, strides = array<i32>} : memref<400x64xf32, #tpu.memory_space<vmem>>, vector<1x16xf32>,
      %scan3A_457 = arith.constant 2 : i32
      %scan3A_458 = arith.addi %scan3A_384, %scan3A_457 : i32
      %get3A_459 = arith.index_cast %scan3A_458 : i32 to index
      %get3A_460 = arith.constant 0 : index
      %get3A_461 = tpu.vector_load %arg10[%get3A_459, %get3A_460] {strides = array<i32>} : memref<400x64xf32, #tpu.memory_space<vmem>>, vector<1x16xf32>,
      %get3A_462 = vector.shape_cast %get3A_461 : vector<1x16xf32> to vector<16xf32>
      %swap3A_463 = arith.index_cast %scan3A_458 : i32 to index
      %swap3A_464 = arith.constant 0 : index
      %swap3A_465 = tpu.vector_load %arg9[%swap3A_463, %swap3A_464] {strides = array<i32>} : memref<400x64xf32, #tpu.memory_space<vmem>>, vector<1x16xf32>,
      %swap3A_466 = vector.shape_cast %swap3A_465 : vector<1x16xf32> to vector<16xf32>
      %swap3A_467 = vector.shape_cast %get3A_462 : vector<16xf32> to vector<1x16xf32>
      tpu.vector_store %arg9[%swap3A_463, %swap3A_464], %swap3A_467 {add = true, strides = array<i32>} : memref<400x64xf32, #tpu.memory_space<vmem>>, vector<1x16xf32>,
      %get3A_468 = arith.index_cast %scan3A_458 : i32 to index
      %get3A_469 = arith.constant 16 : index
      %get3A_470 = tpu.vector_load %arg10[%get3A_468, %get3A_469] {strides = array<i32>} : memref<400x64xf32, #tpu.memory_space<vmem>>, vector<1x16xf32>,
      %get3A_471 = vector.shape_cast %get3A_470 : vector<1x16xf32> to vector<16xf32>
      %swap3A_472 = arith.index_cast %scan3A_458 : i32 to index
      %swap3A_473 = arith.constant 16 : index
      %swap3A_474 = tpu.vector_load %arg9[%swap3A_472, %swap3A_473] {strides = array<i32>} : memref<400x64xf32, #tpu.memory_space<vmem>>, vector<1x16xf32>,
      %swap3A_475 = vector.shape_cast %swap3A_474 : vector<1x16xf32> to vector<16xf32>
      %swap3A_476 = vector.shape_cast %get3A_471 : vector<16xf32> to vector<1x16xf32>
      tpu.vector_store %arg9[%swap3A_472, %swap3A_473], %swap3A_476 {add = true, strides = array<i32>} : memref<400x64xf32, #tpu.memory_space<vmem>>, vector<1x16xf32>,
      %get3A_477 = arith.index_cast %scan3A_458 : i32 to index
      %get3A_478 = arith.constant 32 : index
      %get3A_479 = tpu.vector_load %arg10[%get3A_477, %get3A_478] {strides = array<i32>} : memref<400x64xf32, #tpu.memory_space<vmem>>, vector<1x16xf32>,
      %get3A_480 = vector.shape_cast %get3A_479 : vector<1x16xf32> to vector<16xf32>
      %swap3A_481 = arith.index_cast %scan3A_458 : i32 to index
      %swap3A_482 = arith.constant 32 : index
      %swap3A_483 = tpu.vector_load %arg9[%swap3A_481, %swap3A_482] {strides = array<i32>} : memref<400x64xf32, #tpu.memory_space<vmem>>, vector<1x16xf32>,
      %swap3A_484 = vector.shape_cast %swap3A_483 : vector<1x16xf32> to vector<16xf32>
      %swap3A_485 = vector.shape_cast %get3A_480 : vector<16xf32> to vector<1x16xf32>
      tpu.vector_store %arg9[%swap3A_481, %swap3A_482], %swap3A_485 {add = true, strides = array<i32>} : memref<400x64xf32, #tpu.memory_space<vmem>>, vector<1x16xf32>,
      %get3A_486 = arith.index_cast %scan3A_458 : i32 to index
      %get3A_487 = arith.constant 48 : index
      %get3A_488 = tpu.vector_load %arg10[%get3A_486, %get3A_487] {strides = array<i32>} : memref<400x64xf32, #tpu.memory_space<vmem>>, vector<1x16xf32>,
      %get3A_489 = vector.shape_cast %get3A_488 : vector<1x16xf32> to vector<16xf32>
      %swap3A_490 = arith.index_cast %scan3A_458 : i32 to index
      %swap3A_491 = arith.constant 48 : index
      %swap3A_492 = tpu.vector_load %arg9[%swap3A_490, %swap3A_491] {strides = array<i32>} : memref<400x64xf32, #tpu.memory_space<vmem>>, vector<1x16xf32>,
      %swap3A_493 = vector.shape_cast %swap3A_492 : vector<1x16xf32> to vector<16xf32>
      %swap3A_494 = vector.shape_cast %get3A_489 : vector<16xf32> to vector<1x16xf32>
      tpu.vector_store %arg9[%swap3A_490, %swap3A_491], %swap3A_494 {add = true, strides = array<i32>} : memref<400x64xf32, #tpu.memory_space<vmem>>, vector<1x16xf32>,
      %scan3A_495 = arith.constant 3 : i32
      %scan3A_496 = arith.addi %scan3A_384, %scan3A_495 : i32
      %get3A_497 = arith.index_cast %scan3A_496 : i32 to index
      %get3A_498 = arith.constant 0 : index
      %get3A_499 = tpu.vector_load %arg10[%get3A_497, %get3A_498] {strides = array<i32>} : memref<400x64xf32, #tpu.memory_space<vmem>>, vector<1x16xf32>,
      %get3A_500 = vector.shape_cast %get3A_499 : vector<1x16xf32> to vector<16xf32>
      %swap3A_501 = arith.index_cast %scan3A_496 : i32 to index
      %swap3A_502 = arith.constant 0 : index
      %swap3A_503 = tpu.vector_load %arg9[%swap3A_501, %swap3A_502] {strides = array<i32>} : memref<400x64xf32, #tpu.memory_space<vmem>>, vector<1x16xf32>,
      %swap3A_504 = vector.shape_cast %swap3A_503 : vector<1x16xf32> to vector<16xf32>
      %swap3A_505 = vector.shape_cast %get3A_500 : vector<16xf32> to vector<1x16xf32>
      tpu.vector_store %arg9[%swap3A_501, %swap3A_502], %swap3A_505 {add = true, strides = array<i32>} : memref<400x64xf32, #tpu.memory_space<vmem>>, vector<1x16xf32>,
      %get3A_506 = arith.index_cast %scan3A_496 : i32 to index
      %get3A_507 = arith.constant 16 : index
      %get3A_508 = tpu.vector_load %arg10[%get3A_506, %get3A_507] {strides = array<i32>} : memref<400x64xf32, #tpu.memory_space<vmem>>, vector<1x16xf32>,
      %get3A_509 = vector.shape_cast %get3A_508 : vector<1x16xf32> to vector<16xf32>
      %swap3A_510 = arith.index_cast %scan3A_496 : i32 to index
      %swap3A_511 = arith.constant 16 : index
      %swap3A_512 = tpu.vector_load %arg9[%swap3A_510, %swap3A_511] {strides = array<i32>} : memref<400x64xf32, #tpu.memory_space<vmem>>, vector<1x16xf32>,
      %swap3A_513 = vector.shape_cast %swap3A_512 : vector<1x16xf32> to vector<16xf32>
      %swap3A_514 = vector.shape_cast %get3A_509 : vector<16xf32> to vector<1x16xf32>
      tpu.vector_store %arg9[%swap3A_510, %swap3A_511], %swap3A_514 {add = true, strides = array<i32>} : memref<400x64xf32, #tpu.memory_space<vmem>>, vector<1x16xf32>,
      %get3A_515 = arith.index_cast %scan3A_496 : i32 to index
      %get3A_516 = arith.constant 32 : index
      %get3A_517 = tpu.vector_load %arg10[%get3A_515, %get3A_516] {strides = array<i32>} : memref<400x64xf32, #tpu.memory_space<vmem>>, vector<1x16xf32>,
      %get3A_518 = vector.shape_cast %get3A_517 : vector<1x16xf32> to vector<16xf32>
      %swap3A_519 = arith.index_cast %scan3A_496 : i32 to index
      %swap3A_520 = arith.constant 32 : index
      %swap3A_521 = tpu.vector_load %arg9[%swap3A_519, %swap3A_520] {strides = array<i32>} : memref<400x64xf32, #tpu.memory_space<vmem>>, vector<1x16xf32>,
      %swap3A_522 = vector.shape_cast %swap3A_521 : vector<1x16xf32> to vector<16xf32>
      %swap3A_523 = vector.shape_cast %get3A_518 : vector<16xf32> to vector<1x16xf32>
      tpu.vector_store %arg9[%swap3A_519, %swap3A_520], %swap3A_523 {add = true, strides = array<i32>} : memref<400x64xf32, #tpu.memory_space<vmem>>, vector<1x16xf32>,
      %get3A_524 = arith.index_cast %scan3A_496 : i32 to index
      %get3A_525 = arith.constant 48 : index
      %get3A_526 = tpu.vector_load %arg10[%get3A_524, %get3A_525] {strides = array<i32>} : memref<400x64xf32, #tpu.memory_space<vmem>>, vector<1x16xf32>,
      %get3A_527 = vector.shape_cast %get3A_526 : vector<1x16xf32> to vector<16xf32>
      %swap3A_528 = arith.index_cast %scan3A_496 : i32 to index
      %swap3A_529 = arith.constant 48 : index
      %swap3A_530 = tpu.vector_load %arg9[%swap3A_528, %swap3A_529] {strides = array<i32>} : memref<400x64xf32, #tpu.memory_space<vmem>>, vector<1x16xf32>,
      %swap3A_531 = vector.shape_cast %swap3A_530 : vector<1x16xf32> to vector<16xf32>
      %swap3A_532 = vector.shape_cast %get3A_527 : vector<16xf32> to vector<1x16xf32>
      tpu.vector_store %arg9[%swap3A_528, %swap3A_529], %swap3A_532 {add = true, strides = array<i32>} : memref<400x64xf32, #tpu.memory_space<vmem>>, vector<1x16xf32>,
    }
    %scan3A_90 = arith.constant 400 : i32
    %add3A_91 = arith.constant 1200 : i32
    %add3A_92 = arith.addi %mul3A_2, %add3A_91 : i32
    %dma_start3A_93 = arith.constant 0 : i32
    %dma_start3A_94 = tpu.memref_slice %arg5[%add3A_92, %dma_start3A_93] : memref<204800x64xf32, #tpu.memory_space<hbm>> -> memref<400x64xf32, #tpu.memory_space<hbm>>
    %dma_start3A_95 = arith.constant 0 : i32
    %dma_start3A_96 = tpu.memref_slice %arg5[%add3A_92, %dma_start3A_95] : memref<204800x64xf32, #tpu.memory_space<hbm>> -> memref<400x64xf32, #tpu.memory_space<hbm>>
    tpu.enqueue_dma source(%arg9 : memref<400x64xf32, #tpu.memory_space<vmem>>) target(%dma_start3A_96 : memref<400x64xf32, #tpu.memory_space<hbm>>) target_semaphore(%arg14 : memref<!tpu.dma_semaphore, #tpu.memory_space<semaphore_mem>>)
    %dma_wait3A_97 = arith.constant 0 : i32
    %dma_wait3A_98 = tpu.memref_slice %arg5[%add3A_92, %dma_wait3A_97] : memref<204800x64xf32, #tpu.memory_space<hbm>> -> memref<400x64xf32, #tpu.memory_space<hbm>>
    %dma_wait3A_99 = arith.constant 0 : i32
    %dma_wait3A_100 = tpu.memref_slice %arg5[%add3A_92, %dma_wait3A_99] : memref<204800x64xf32, #tpu.memory_space<hbm>> -> memref<400x64xf32, #tpu.memory_space<hbm>>
    tpu.wait_dma2 semaphore(%arg14 : memref<!tpu.dma_semaphore, #tpu.memory_space<semaphore_mem>>) src(%arg9 : memref<400x64xf32, #tpu.memory_space<vmem>>) dst(%dma_wait3A_100 : memref<400x64xf32, #tpu.memory_space<hbm>>)
    %add3A_101 = arith.constant 2000 : i32
    %add3A_102 = arith.addi %mul3A_2, %add3A_101 : i32
    "tpu.region"() ({
      %run_scoped3A = tpu.sem_alloc : memref<!tpu.dma_semaphore, #tpu.memory_space<semaphore_mem>>
      %dma_start3A_384 = tpu.memref_slice %arg2[%add3A_102] : memref<204800xi32, #tpu.memory_space<hbm>> -> memref<400xi32, #tpu.memory_space<hbm>>
      %dma_start3A_385 = tpu.memref_slice %arg2[%add3A_102] : memref<204800xi32, #tpu.memory_space<hbm>> -> memref<400xi32, #tpu.memory_space<hbm>>
      tpu.enqueue_dma source(%dma_start3A_385 : memref<400xi32, #tpu.memory_space<hbm>>) target(%arg7 : memref<400xi32, #tpu.memory_space<vmem>>) target_semaphore(%run_scoped3A : memref<!tpu.dma_semaphore, #tpu.memory_space<semaphore_mem>>)
      %dma_wait3A_386 = tpu.memref_slice %arg2[%add3A_102] : memref<204800xi32, #tpu.memory_space<hbm>> -> memref<400xi32, #tpu.memory_space<hbm>>
      %dma_wait3A_387 = tpu.memref_slice %arg2[%add3A_102] : memref<204800xi32, #tpu.memory_space<hbm>> -> memref<400xi32, #tpu.memory_space<hbm>>
      tpu.wait_dma2 semaphore(%run_scoped3A : memref<!tpu.dma_semaphore, #tpu.memory_space<semaphore_mem>>) src(%dma_wait3A_387 : memref<400xi32, #tpu.memory_space<hbm>>) dst(%arg7 : memref<400xi32, #tpu.memory_space<vmem>>)
      tpu.yield
    }) : () -> ()
    %dma_start3A_103 = arith.constant 0 : i32
    %dma_start3A_104 = arith.constant 0 : i32
    %dma_start3A_105 = tpu.memref_slice %arg3[%dma_start3A_103, %dma_start3A_104] : memref<1000000x64xf32, #tpu.memory_space<hbm>> -> memref<1000000x64xf32, #tpu.memory_space<hbm>>
    tpu.enqueue_indirect_dma source(%dma_start3A_105 : memref<1000000x64xf32, #tpu.memory_space<hbm>>) target(%arg9 : memref<400x64xf32, #tpu.memory_space<vmem>>) offsets(%arg7 : memref<400xi32, #tpu.memory_space<vmem>>) semaphore(%arg12 : memref<!tpu.dma_semaphore, #tpu.memory_space<semaphore_mem>>)
    %dma_wait3A_106 = arith.constant 0 : i32
    %dma_wait3A_107 = arith.constant 0 : i32
    %dma_wait3A_108 = tpu.memref_slice %arg3[%dma_wait3A_106, %dma_wait3A_107] : memref<1000000x64xf32, #tpu.memory_space<hbm>> -> memref<1000000x64xf32, #tpu.memory_space<hbm>>
    tpu.wait_indirect_dma semaphore(%arg11 : memref<!tpu.dma_semaphore, #tpu.memory_space<semaphore_mem>>) src(%dma_wait3A_108 : memref<1000000x64xf32, #tpu.memory_space<hbm>>) dst(%arg8 : memref<400x64xf32, #tpu.memory_space<vmem>>)
    %scan3A_109 = arith.constant 0 : i32
    %scan3A_110 = arith.constant 0 : i32
    %scan3A_111 = arith.constant 400 : i32
    %scan3A_112 = arith.addi %scan3A_110, %scan3A_111 : i32
    %scan3A_113 = arith.constant 4 : i32
    scf.for %scan3A_384 = %scan3A_110 to %scan3A_112 step %scan3A_113  : i32 {
      %get3A = arith.index_cast %scan3A_384 : i32 to index
      %get3A_385 = arith.constant 0 : index
      %get3A_386 = tpu.vector_load %arg10[%get3A, %get3A_385] {strides = array<i32>} : memref<400x64xf32, #tpu.memory_space<vmem>>, vector<1x16xf32>,
      %get3A_387 = vector.shape_cast %get3A_386 : vector<1x16xf32> to vector<16xf32>
      %swap3A = arith.index_cast %scan3A_384 : i32 to index
      %swap3A_388 = arith.constant 0 : index
      %swap3A_389 = tpu.vector_load %arg8[%swap3A, %swap3A_388] {strides = array<i32>} : memref<400x64xf32, #tpu.memory_space<vmem>>, vector<1x16xf32>,
      %swap3A_390 = vector.shape_cast %swap3A_389 : vector<1x16xf32> to vector<16xf32>
      %swap3A_391 = vector.shape_cast %get3A_387 : vector<16xf32> to vector<1x16xf32>
      tpu.vector_store %arg8[%swap3A, %swap3A_388], %swap3A_391 {add = true, strides = array<i32>} : memref<400x64xf32, #tpu.memory_space<vmem>>, vector<1x16xf32>,
      %get3A_392 = arith.index_cast %scan3A_384 : i32 to index
      %get3A_393 = arith.constant 16 : index
      %get3A_394 = tpu.vector_load %arg10[%get3A_392, %get3A_393] {strides = array<i32>} : memref<400x64xf32, #tpu.memory_space<vmem>>, vector<1x16xf32>,
      %get3A_395 = vector.shape_cast %get3A_394 : vector<1x16xf32> to vector<16xf32>
      %swap3A_396 = arith.index_cast %scan3A_384 : i32 to index
      %swap3A_397 = arith.constant 16 : index
      %swap3A_398 = tpu.vector_load %arg8[%swap3A_396, %swap3A_397] {strides = array<i32>} : memref<400x64xf32, #tpu.memory_space<vmem>>, vector<1x16xf32>,
      %swap3A_399 = vector.shape_cast %swap3A_398 : vector<1x16xf32> to vector<16xf32>
      %swap3A_400 = vector.shape_cast %get3A_395 : vector<16xf32> to vector<1x16xf32>
      tpu.vector_store %arg8[%swap3A_396, %swap3A_397], %swap3A_400 {add = true, strides = array<i32>} : memref<400x64xf32, #tpu.memory_space<vmem>>, vector<1x16xf32>,
      %get3A_401 = arith.index_cast %scan3A_384 : i32 to index
      %get3A_402 = arith.constant 32 : index
      %get3A_403 = tpu.vector_load %arg10[%get3A_401, %get3A_402] {strides = array<i32>} : memref<400x64xf32, #tpu.memory_space<vmem>>, vector<1x16xf32>,
      %get3A_404 = vector.shape_cast %get3A_403 : vector<1x16xf32> to vector<16xf32>
      %swap3A_405 = arith.index_cast %scan3A_384 : i32 to index
      %swap3A_406 = arith.constant 32 : index
      %swap3A_407 = tpu.vector_load %arg8[%swap3A_405, %swap3A_406] {strides = array<i32>} : memref<400x64xf32, #tpu.memory_space<vmem>>, vector<1x16xf32>,
      %swap3A_408 = vector.shape_cast %swap3A_407 : vector<1x16xf32> to vector<16xf32>
      %swap3A_409 = vector.shape_cast %get3A_404 : vector<16xf32> to vector<1x16xf32>
      tpu.vector_store %arg8[%swap3A_405, %swap3A_406], %swap3A_409 {add = true, strides = array<i32>} : memref<400x64xf32, #tpu.memory_space<vmem>>, vector<1x16xf32>,
      %get3A_410 = arith.index_cast %scan3A_384 : i32 to index
      %get3A_411 = arith.constant 48 : index
      %get3A_412 = tpu.vector_load %arg10[%get3A_410, %get3A_411] {strides = array<i32>} : memref<400x64xf32, #tpu.memory_space<vmem>>, vector<1x16xf32>,
      %get3A_413 = vector.shape_cast %get3A_412 : vector<1x16xf32> to vector<16xf32>
      %swap3A_414 = arith.index_cast %scan3A_384 : i32 to index
      %swap3A_415 = arith.constant 48 : index
      %swap3A_416 = tpu.vector_load %arg8[%swap3A_414, %swap3A_415] {strides = array<i32>} : memref<400x64xf32, #tpu.memory_space<vmem>>, vector<1x16xf32>,
      %swap3A_417 = vector.shape_cast %swap3A_416 : vector<1x16xf32> to vector<16xf32>
      %swap3A_418 = vector.shape_cast %get3A_413 : vector<16xf32> to vector<1x16xf32>
      tpu.vector_store %arg8[%swap3A_414, %swap3A_415], %swap3A_418 {add = true, strides = array<i32>} : memref<400x64xf32, #tpu.memory_space<vmem>>, vector<1x16xf32>,
      %scan3A_419 = arith.constant 1 : i32
      %scan3A_420 = arith.addi %scan3A_384, %scan3A_419 : i32
      %get3A_421 = arith.index_cast %scan3A_420 : i32 to index
      %get3A_422 = arith.constant 0 : index
      %get3A_423 = tpu.vector_load %arg10[%get3A_421, %get3A_422] {strides = array<i32>} : memref<400x64xf32, #tpu.memory_space<vmem>>, vector<1x16xf32>,
      %get3A_424 = vector.shape_cast %get3A_423 : vector<1x16xf32> to vector<16xf32>
      %swap3A_425 = arith.index_cast %scan3A_420 : i32 to index
      %swap3A_426 = arith.constant 0 : index
      %swap3A_427 = tpu.vector_load %arg8[%swap3A_425, %swap3A_426] {strides = array<i32>} : memref<400x64xf32, #tpu.memory_space<vmem>>, vector<1x16xf32>,
      %swap3A_428 = vector.shape_cast %swap3A_427 : vector<1x16xf32> to vector<16xf32>
      %swap3A_429 = vector.shape_cast %get3A_424 : vector<16xf32> to vector<1x16xf32>
      tpu.vector_store %arg8[%swap3A_425, %swap3A_426], %swap3A_429 {add = true, strides = array<i32>} : memref<400x64xf32, #tpu.memory_space<vmem>>, vector<1x16xf32>,
      %get3A_430 = arith.index_cast %scan3A_420 : i32 to index
      %get3A_431 = arith.constant 16 : index
      %get3A_432 = tpu.vector_load %arg10[%get3A_430, %get3A_431] {strides = array<i32>} : memref<400x64xf32, #tpu.memory_space<vmem>>, vector<1x16xf32>,
      %get3A_433 = vector.shape_cast %get3A_432 : vector<1x16xf32> to vector<16xf32>
      %swap3A_434 = arith.index_cast %scan3A_420 : i32 to index
      %swap3A_435 = arith.constant 16 : index
      %swap3A_436 = tpu.vector_load %arg8[%swap3A_434, %swap3A_435] {strides = array<i32>} : memref<400x64xf32, #tpu.memory_space<vmem>>, vector<1x16xf32>,
      %swap3A_437 = vector.shape_cast %swap3A_436 : vector<1x16xf32> to vector<16xf32>
      %swap3A_438 = vector.shape_cast %get3A_433 : vector<16xf32> to vector<1x16xf32>
      tpu.vector_store %arg8[%swap3A_434, %swap3A_435], %swap3A_438 {add = true, strides = array<i32>} : memref<400x64xf32, #tpu.memory_space<vmem>>, vector<1x16xf32>,
      %get3A_439 = arith.index_cast %scan3A_420 : i32 to index
      %get3A_440 = arith.constant 32 : index
      %get3A_441 = tpu.vector_load %arg10[%get3A_439, %get3A_440] {strides = array<i32>} : memref<400x64xf32, #tpu.memory_space<vmem>>, vector<1x16xf32>,
      %get3A_442 = vector.shape_cast %get3A_441 : vector<1x16xf32> to vector<16xf32>
      %swap3A_443 = arith.index_cast %scan3A_420 : i32 to index
      %swap3A_444 = arith.constant 32 : index
      %swap3A_445 = tpu.vector_load %arg8[%swap3A_443, %swap3A_444] {strides = array<i32>} : memref<400x64xf32, #tpu.memory_space<vmem>>, vector<1x16xf32>,
      %swap3A_446 = vector.shape_cast %swap3A_445 : vector<1x16xf32> to vector<16xf32>
      %swap3A_447 = vector.shape_cast %get3A_442 : vector<16xf32> to vector<1x16xf32>
      tpu.vector_store %arg8[%swap3A_443, %swap3A_444], %swap3A_447 {add = true, strides = array<i32>} : memref<400x64xf32, #tpu.memory_space<vmem>>, vector<1x16xf32>,
      %get3A_448 = arith.index_cast %scan3A_420 : i32 to index
      %get3A_449 = arith.constant 48 : index
      %get3A_450 = tpu.vector_load %arg10[%get3A_448, %get3A_449] {strides = array<i32>} : memref<400x64xf32, #tpu.memory_space<vmem>>, vector<1x16xf32>,
      %get3A_451 = vector.shape_cast %get3A_450 : vector<1x16xf32> to vector<16xf32>
      %swap3A_452 = arith.index_cast %scan3A_420 : i32 to index
      %swap3A_453 = arith.constant 48 : index
      %swap3A_454 = tpu.vector_load %arg8[%swap3A_452, %swap3A_453] {strides = array<i32>} : memref<400x64xf32, #tpu.memory_space<vmem>>, vector<1x16xf32>,
      %swap3A_455 = vector.shape_cast %swap3A_454 : vector<1x16xf32> to vector<16xf32>
      %swap3A_456 = vector.shape_cast %get3A_451 : vector<16xf32> to vector<1x16xf32>
      tpu.vector_store %arg8[%swap3A_452, %swap3A_453], %swap3A_456 {add = true, strides = array<i32>} : memref<400x64xf32, #tpu.memory_space<vmem>>, vector<1x16xf32>,
      %scan3A_457 = arith.constant 2 : i32
      %scan3A_458 = arith.addi %scan3A_384, %scan3A_457 : i32
      %get3A_459 = arith.index_cast %scan3A_458 : i32 to index
      %get3A_460 = arith.constant 0 : index
      %get3A_461 = tpu.vector_load %arg10[%get3A_459, %get3A_460] {strides = array<i32>} : memref<400x64xf32, #tpu.memory_space<vmem>>, vector<1x16xf32>,
      %get3A_462 = vector.shape_cast %get3A_461 : vector<1x16xf32> to vector<16xf32>
      %swap3A_463 = arith.index_cast %scan3A_458 : i32 to index
      %swap3A_464 = arith.constant 0 : index
      %swap3A_465 = tpu.vector_load %arg8[%swap3A_463, %swap3A_464] {strides = array<i32>} : memref<400x64xf32, #tpu.memory_space<vmem>>, vector<1x16xf32>,
      %swap3A_466 = vector.shape_cast %swap3A_465 : vector<1x16xf32> to vector<16xf32>
      %swap3A_467 = vector.shape_cast %get3A_462 : vector<16xf32> to vector<1x16xf32>
      tpu.vector_store %arg8[%swap3A_463, %swap3A_464], %swap3A_467 {add = true, strides = array<i32>} : memref<400x64xf32, #tpu.memory_space<vmem>>, vector<1x16xf32>,
      %get3A_468 = arith.index_cast %scan3A_458 : i32 to index
      %get3A_469 = arith.constant 16 : index
      %get3A_470 = tpu.vector_load %arg10[%get3A_468, %get3A_469] {strides = array<i32>} : memref<400x64xf32, #tpu.memory_space<vmem>>, vector<1x16xf32>,
      %get3A_471 = vector.shape_cast %get3A_470 : vector<1x16xf32> to vector<16xf32>
      %swap3A_472 = arith.index_cast %scan3A_458 : i32 to index
      %swap3A_473 = arith.constant 16 : index
      %swap3A_474 = tpu.vector_load %arg8[%swap3A_472, %swap3A_473] {strides = array<i32>} : memref<400x64xf32, #tpu.memory_space<vmem>>, vector<1x16xf32>,
      %swap3A_475 = vector.shape_cast %swap3A_474 : vector<1x16xf32> to vector<16xf32>
      %swap3A_476 = vector.shape_cast %get3A_471 : vector<16xf32> to vector<1x16xf32>
      tpu.vector_store %arg8[%swap3A_472, %swap3A_473], %swap3A_476 {add = true, strides = array<i32>} : memref<400x64xf32, #tpu.memory_space<vmem>>, vector<1x16xf32>,
      %get3A_477 = arith.index_cast %scan3A_458 : i32 to index
      %get3A_478 = arith.constant 32 : index
      %get3A_479 = tpu.vector_load %arg10[%get3A_477, %get3A_478] {strides = array<i32>} : memref<400x64xf32, #tpu.memory_space<vmem>>, vector<1x16xf32>,
      %get3A_480 = vector.shape_cast %get3A_479 : vector<1x16xf32> to vector<16xf32>
      %swap3A_481 = arith.index_cast %scan3A_458 : i32 to index
      %swap3A_482 = arith.constant 32 : index
      %swap3A_483 = tpu.vector_load %arg8[%swap3A_481, %swap3A_482] {strides = array<i32>} : memref<400x64xf32, #tpu.memory_space<vmem>>, vector<1x16xf32>,
      %swap3A_484 = vector.shape_cast %swap3A_483 : vector<1x16xf32> to vector<16xf32>
      %swap3A_485 = vector.shape_cast %get3A_480 : vector<16xf32> to vector<1x16xf32>
      tpu.vector_store %arg8[%swap3A_481, %swap3A_482], %swap3A_485 {add = true, strides = array<i32>} : memref<400x64xf32, #tpu.memory_space<vmem>>, vector<1x16xf32>,
      %get3A_486 = arith.index_cast %scan3A_458 : i32 to index
      %get3A_487 = arith.constant 48 : index
      %get3A_488 = tpu.vector_load %arg10[%get3A_486, %get3A_487] {strides = array<i32>} : memref<400x64xf32, #tpu.memory_space<vmem>>, vector<1x16xf32>,
      %get3A_489 = vector.shape_cast %get3A_488 : vector<1x16xf32> to vector<16xf32>
      %swap3A_490 = arith.index_cast %scan3A_458 : i32 to index
      %swap3A_491 = arith.constant 48 : index
      %swap3A_492 = tpu.vector_load %arg8[%swap3A_490, %swap3A_491] {strides = array<i32>} : memref<400x64xf32, #tpu.memory_space<vmem>>, vector<1x16xf32>,
      %swap3A_493 = vector.shape_cast %swap3A_492 : vector<1x16xf32> to vector<16xf32>
      %swap3A_494 = vector.shape_cast %get3A_489 : vector<16xf32> to vector<1x16xf32>
      tpu.vector_store %arg8[%swap3A_490, %swap3A_491], %swap3A_494 {add = true, strides = array<i32>} : memref<400x64xf32, #tpu.memory_space<vmem>>, vector<1x16xf32>,
      %scan3A_495 = arith.constant 3 : i32
      %scan3A_496 = arith.addi %scan3A_384, %scan3A_495 : i32
      %get3A_497 = arith.index_cast %scan3A_496 : i32 to index
      %get3A_498 = arith.constant 0 : index
      %get3A_499 = tpu.vector_load %arg10[%get3A_497, %get3A_498] {strides = array<i32>} : memref<400x64xf32, #tpu.memory_space<vmem>>, vector<1x16xf32>,
      %get3A_500 = vector.shape_cast %get3A_499 : vector<1x16xf32> to vector<16xf32>
      %swap3A_501 = arith.index_cast %scan3A_496 : i32 to index
      %swap3A_502 = arith.constant 0 : index
      %swap3A_503 = tpu.vector_load %arg8[%swap3A_501, %swap3A_502] {strides = array<i32>} : memref<400x64xf32, #tpu.memory_space<vmem>>, vector<1x16xf32>,
      %swap3A_504 = vector.shape_cast %swap3A_503 : vector<1x16xf32> to vector<16xf32>
      %swap3A_505 = vector.shape_cast %get3A_500 : vector<16xf32> to vector<1x16xf32>
      tpu.vector_store %arg8[%swap3A_501, %swap3A_502], %swap3A_505 {add = true, strides = array<i32>} : memref<400x64xf32, #tpu.memory_space<vmem>>, vector<1x16xf32>,
      %get3A_506 = arith.index_cast %scan3A_496 : i32 to index
      %get3A_507 = arith.constant 16 : index
      %get3A_508 = tpu.vector_load %arg10[%get3A_506, %get3A_507] {strides = array<i32>} : memref<400x64xf32, #tpu.memory_space<vmem>>, vector<1x16xf32>,
      %get3A_509 = vector.shape_cast %get3A_508 : vector<1x16xf32> to vector<16xf32>
      %swap3A_510 = arith.index_cast %scan3A_496 : i32 to index
      %swap3A_511 = arith.constant 16 : index
      %swap3A_512 = tpu.vector_load %arg8[%swap3A_510, %swap3A_511] {strides = array<i32>} : memref<400x64xf32, #tpu.memory_space<vmem>>, vector<1x16xf32>,
      %swap3A_513 = vector.shape_cast %swap3A_512 : vector<1x16xf32> to vector<16xf32>
      %swap3A_514 = vector.shape_cast %get3A_509 : vector<16xf32> to vector<1x16xf32>
      tpu.vector_store %arg8[%swap3A_510, %swap3A_511], %swap3A_514 {add = true, strides = array<i32>} : memref<400x64xf32, #tpu.memory_space<vmem>>, vector<1x16xf32>,
      %get3A_515 = arith.index_cast %scan3A_496 : i32 to index
      %get3A_516 = arith.constant 32 : index
      %get3A_517 = tpu.vector_load %arg10[%get3A_515, %get3A_516] {strides = array<i32>} : memref<400x64xf32, #tpu.memory_space<vmem>>, vector<1x16xf32>,
      %get3A_518 = vector.shape_cast %get3A_517 : vector<1x16xf32> to vector<16xf32>
      %swap3A_519 = arith.index_cast %scan3A_496 : i32 to index
      %swap3A_520 = arith.constant 32 : index
      %swap3A_521 = tpu.vector_load %arg8[%swap3A_519, %swap3A_520] {strides = array<i32>} : memref<400x64xf32, #tpu.memory_space<vmem>>, vector<1x16xf32>,
      %swap3A_522 = vector.shape_cast %swap3A_521 : vector<1x16xf32> to vector<16xf32>
      %swap3A_523 = vector.shape_cast %get3A_518 : vector<16xf32> to vector<1x16xf32>
      tpu.vector_store %arg8[%swap3A_519, %swap3A_520], %swap3A_523 {add = true, strides = array<i32>} : memref<400x64xf32, #tpu.memory_space<vmem>>, vector<1x16xf32>,
      %get3A_524 = arith.index_cast %scan3A_496 : i32 to index
      %get3A_525 = arith.constant 48 : index
      %get3A_526 = tpu.vector_load %arg10[%get3A_524, %get3A_525] {strides = array<i32>} : memref<400x64xf32, #tpu.memory_space<vmem>>, vector<1x16xf32>,
      %get3A_527 = vector.shape_cast %get3A_526 : vector<1x16xf32> to vector<16xf32>
      %swap3A_528 = arith.index_cast %scan3A_496 : i32 to index
      %swap3A_529 = arith.constant 48 : index
      %swap3A_530 = tpu.vector_load %arg8[%swap3A_528, %swap3A_529] {strides = array<i32>} : memref<400x64xf32, #tpu.memory_space<vmem>>, vector<1x16xf32>,
      %swap3A_531 = vector.shape_cast %swap3A_530 : vector<1x16xf32> to vector<16xf32>
      %swap3A_532 = vector.shape_cast %get3A_527 : vector<16xf32> to vector<1x16xf32>
      tpu.vector_store %arg8[%swap3A_528, %swap3A_529], %swap3A_532 {add = true, strides = array<i32>} : memref<400x64xf32, #tpu.memory_space<vmem>>, vector<1x16xf32>,
    }
    %scan3A_114 = arith.constant 400 : i32
    %add3A_115 = arith.constant 1600 : i32
    %add3A_116 = arith.addi %mul3A_2, %add3A_115 : i32
    %dma_start3A_117 = arith.constant 0 : i32
    %dma_start3A_118 = tpu.memref_slice %arg5[%add3A_116, %dma_start3A_117] : memref<204800x64xf32, #tpu.memory_space<hbm>> -> memref<400x64xf32, #tpu.memory_space<hbm>>
    %dma_start3A_119 = arith.constant 0 : i32
    %dma_start3A_120 = tpu.memref_slice %arg5[%add3A_116, %dma_start3A_119] : memref<204800x64xf32, #tpu.memory_space<hbm>> -> memref<400x64xf32, #tpu.memory_space<hbm>>
    tpu.enqueue_dma source(%arg8 : memref<400x64xf32, #tpu.memory_space<vmem>>) target(%dma_start3A_120 : memref<400x64xf32, #tpu.memory_space<hbm>>) target_semaphore(%arg13 : memref<!tpu.dma_semaphore, #tpu.memory_space<semaphore_mem>>)
    %dma_wait3A_121 = arith.constant 0 : i32
    %dma_wait3A_122 = tpu.memref_slice %arg5[%add3A_116, %dma_wait3A_121] : memref<204800x64xf32, #tpu.memory_space<hbm>> -> memref<400x64xf32, #tpu.memory_space<hbm>>
    %dma_wait3A_123 = arith.constant 0 : i32
    %dma_wait3A_124 = tpu.memref_slice %arg5[%add3A_116, %dma_wait3A_123] : memref<204800x64xf32, #tpu.memory_space<hbm>> -> memref<400x64xf32, #tpu.memory_space<hbm>>
    tpu.wait_dma2 semaphore(%arg13 : memref<!tpu.dma_semaphore, #tpu.memory_space<semaphore_mem>>) src(%arg8 : memref<400x64xf32, #tpu.memory_space<vmem>>) dst(%dma_wait3A_124 : memref<400x64xf32, #tpu.memory_space<hbm>>)
    %add3A_125 = arith.constant 2400 : i32
    %add3A_126 = arith.addi %mul3A_2, %add3A_125 : i32
    "tpu.region"() ({
      %run_scoped3A = tpu.sem_alloc : memref<!tpu.dma_semaphore, #tpu.memory_space<semaphore_mem>>
      %dma_start3A_384 = tpu.memref_slice %arg2[%add3A_126] : memref<204800xi32, #tpu.memory_space<hbm>> -> memref<400xi32, #tpu.memory_space<hbm>>
      %dma_start3A_385 = tpu.memref_slice %arg2[%add3A_126] : memref<204800xi32, #tpu.memory_space<hbm>> -> memref<400xi32, #tpu.memory_space<hbm>>
      tpu.enqueue_dma source(%dma_start3A_385 : memref<400xi32, #tpu.memory_space<hbm>>) target(%arg6 : memref<400xi32, #tpu.memory_space<vmem>>) target_semaphore(%run_scoped3A : memref<!tpu.dma_semaphore, #tpu.memory_space<semaphore_mem>>)
      %dma_wait3A_386 = tpu.memref_slice %arg2[%add3A_126] : memref<204800xi32, #tpu.memory_space<hbm>> -> memref<400xi32, #tpu.memory_space<hbm>>
      %dma_wait3A_387 = tpu.memref_slice %arg2[%add3A_126] : memref<204800xi32, #tpu.memory_space<hbm>> -> memref<400xi32, #tpu.memory_space<hbm>>
      tpu.wait_dma2 semaphore(%run_scoped3A : memref<!tpu.dma_semaphore, #tpu.memory_space<semaphore_mem>>) src(%dma_wait3A_387 : memref<400xi32, #tpu.memory_space<hbm>>) dst(%arg6 : memref<400xi32, #tpu.memory_space<vmem>>)
      tpu.yield
    }) : () -> ()
    %dma_start3A_127 = arith.constant 0 : i32
    %dma_start3A_128 = arith.constant 0 : i32
    %dma_start3A_129 = tpu.memref_slice %arg3[%dma_start3A_127, %dma_start3A_128] : memref<1000000x64xf32, #tpu.memory_space<hbm>> -> memref<1000000x64xf32, #tpu.memory_space<hbm>>
    tpu.enqueue_indirect_dma source(%dma_start3A_129 : memref<1000000x64xf32, #tpu.memory_space<hbm>>) target(%arg8 : memref<400x64xf32, #tpu.memory_space<vmem>>) offsets(%arg6 : memref<400xi32, #tpu.memory_space<vmem>>) semaphore(%arg11 : memref<!tpu.dma_semaphore, #tpu.memory_space<semaphore_mem>>)
    %dma_wait3A_130 = arith.constant 0 : i32
    %dma_wait3A_131 = arith.constant 0 : i32
    %dma_wait3A_132 = tpu.memref_slice %arg3[%dma_wait3A_130, %dma_wait3A_131] : memref<1000000x64xf32, #tpu.memory_space<hbm>> -> memref<1000000x64xf32, #tpu.memory_space<hbm>>
    tpu.wait_indirect_dma semaphore(%arg12 : memref<!tpu.dma_semaphore, #tpu.memory_space<semaphore_mem>>) src(%dma_wait3A_132 : memref<1000000x64xf32, #tpu.memory_space<hbm>>) dst(%arg9 : memref<400x64xf32, #tpu.memory_space<vmem>>)
    %scan3A_133 = arith.constant 0 : i32
    %scan3A_134 = arith.constant 0 : i32
    %scan3A_135 = arith.constant 400 : i32
    %scan3A_136 = arith.addi %scan3A_134, %scan3A_135 : i32
    %scan3A_137 = arith.constant 4 : i32
    scf.for %scan3A_384 = %scan3A_134 to %scan3A_136 step %scan3A_137  : i32 {
      %get3A = arith.index_cast %scan3A_384 : i32 to index
      %get3A_385 = arith.constant 0 : index
      %get3A_386 = tpu.vector_load %arg10[%get3A, %get3A_385] {strides = array<i32>} : memref<400x64xf32, #tpu.memory_space<vmem>>, vector<1x16xf32>,
      %get3A_387 = vector.shape_cast %get3A_386 : vector<1x16xf32> to vector<16xf32>
      %swap3A = arith.index_cast %scan3A_384 : i32 to index
      %swap3A_388 = arith.constant 0 : index
      %swap3A_389 = tpu.vector_load %arg9[%swap3A, %swap3A_388] {strides = array<i32>} : memref<400x64xf32, #tpu.memory_space<vmem>>, vector<1x16xf32>,
      %swap3A_390 = vector.shape_cast %swap3A_389 : vector<1x16xf32> to vector<16xf32>
      %swap3A_391 = vector.shape_cast %get3A_387 : vector<16xf32> to vector<1x16xf32>
      tpu.vector_store %arg9[%swap3A, %swap3A_388], %swap3A_391 {add = true, strides = array<i32>} : memref<400x64xf32, #tpu.memory_space<vmem>>, vector<1x16xf32>,
      %get3A_392 = arith.index_cast %scan3A_384 : i32 to index
      %get3A_393 = arith.constant 16 : index
      %get3A_394 = tpu.vector_load %arg10[%get3A_392, %get3A_393] {strides = array<i32>} : memref<400x64xf32, #tpu.memory_space<vmem>>, vector<1x16xf32>,
      %get3A_395 = vector.shape_cast %get3A_394 : vector<1x16xf32> to vector<16xf32>
      %swap3A_396 = arith.index_cast %scan3A_384 : i32 to index
      %swap3A_397 = arith.constant 16 : index
      %swap3A_398 = tpu.vector_load %arg9[%swap3A_396, %swap3A_397] {strides = array<i32>} : memref<400x64xf32, #tpu.memory_space<vmem>>, vector<1x16xf32>,
      %swap3A_399 = vector.shape_cast %swap3A_398 : vector<1x16xf32> to vector<16xf32>
      %swap3A_400 = vector.shape_cast %get3A_395 : vector<16xf32> to vector<1x16xf32>
      tpu.vector_store %arg9[%swap3A_396, %swap3A_397], %swap3A_400 {add = true, strides = array<i32>} : memref<400x64xf32, #tpu.memory_space<vmem>>, vector<1x16xf32>,
      %get3A_401 = arith.index_cast %scan3A_384 : i32 to index
      %get3A_402 = arith.constant 32 : index
      %get3A_403 = tpu.vector_load %arg10[%get3A_401, %get3A_402] {strides = array<i32>} : memref<400x64xf32, #tpu.memory_space<vmem>>, vector<1x16xf32>,
      %get3A_404 = vector.shape_cast %get3A_403 : vector<1x16xf32> to vector<16xf32>
      %swap3A_405 = arith.index_cast %scan3A_384 : i32 to index
      %swap3A_406 = arith.constant 32 : index
      %swap3A_407 = tpu.vector_load %arg9[%swap3A_405, %swap3A_406] {strides = array<i32>} : memref<400x64xf32, #tpu.memory_space<vmem>>, vector<1x16xf32>,
      %swap3A_408 = vector.shape_cast %swap3A_407 : vector<1x16xf32> to vector<16xf32>
      %swap3A_409 = vector.shape_cast %get3A_404 : vector<16xf32> to vector<1x16xf32>
      tpu.vector_store %arg9[%swap3A_405, %swap3A_406], %swap3A_409 {add = true, strides = array<i32>} : memref<400x64xf32, #tpu.memory_space<vmem>>, vector<1x16xf32>,
      %get3A_410 = arith.index_cast %scan3A_384 : i32 to index
      %get3A_411 = arith.constant 48 : index
      %get3A_412 = tpu.vector_load %arg10[%get3A_410, %get3A_411] {strides = array<i32>} : memref<400x64xf32, #tpu.memory_space<vmem>>, vector<1x16xf32>,
      %get3A_413 = vector.shape_cast %get3A_412 : vector<1x16xf32> to vector<16xf32>
      %swap3A_414 = arith.index_cast %scan3A_384 : i32 to index
      %swap3A_415 = arith.constant 48 : index
      %swap3A_416 = tpu.vector_load %arg9[%swap3A_414, %swap3A_415] {strides = array<i32>} : memref<400x64xf32, #tpu.memory_space<vmem>>, vector<1x16xf32>,
      %swap3A_417 = vector.shape_cast %swap3A_416 : vector<1x16xf32> to vector<16xf32>
      %swap3A_418 = vector.shape_cast %get3A_413 : vector<16xf32> to vector<1x16xf32>
      tpu.vector_store %arg9[%swap3A_414, %swap3A_415], %swap3A_418 {add = true, strides = array<i32>} : memref<400x64xf32, #tpu.memory_space<vmem>>, vector<1x16xf32>,
      %scan3A_419 = arith.constant 1 : i32
      %scan3A_420 = arith.addi %scan3A_384, %scan3A_419 : i32
      %get3A_421 = arith.index_cast %scan3A_420 : i32 to index
      %get3A_422 = arith.constant 0 : index
      %get3A_423 = tpu.vector_load %arg10[%get3A_421, %get3A_422] {strides = array<i32>} : memref<400x64xf32, #tpu.memory_space<vmem>>, vector<1x16xf32>,
      %get3A_424 = vector.shape_cast %get3A_423 : vector<1x16xf32> to vector<16xf32>
      %swap3A_425 = arith.index_cast %scan3A_420 : i32 to index
      %swap3A_426 = arith.constant 0 : index
      %swap3A_427 = tpu.vector_load %arg9[%swap3A_425, %swap3A_426] {strides = array<i32>} : memref<400x64xf32, #tpu.memory_space<vmem>>, vector<1x16xf32>,
      %swap3A_428 = vector.shape_cast %swap3A_427 : vector<1x16xf32> to vector<16xf32>
      %swap3A_429 = vector.shape_cast %get3A_424 : vector<16xf32> to vector<1x16xf32>
      tpu.vector_store %arg9[%swap3A_425, %swap3A_426], %swap3A_429 {add = true, strides = array<i32>} : memref<400x64xf32, #tpu.memory_space<vmem>>, vector<1x16xf32>,
      %get3A_430 = arith.index_cast %scan3A_420 : i32 to index
      %get3A_431 = arith.constant 16 : index
      %get3A_432 = tpu.vector_load %arg10[%get3A_430, %get3A_431] {strides = array<i32>} : memref<400x64xf32, #tpu.memory_space<vmem>>, vector<1x16xf32>,
      %get3A_433 = vector.shape_cast %get3A_432 : vector<1x16xf32> to vector<16xf32>
      %swap3A_434 = arith.index_cast %scan3A_420 : i32 to index
      %swap3A_435 = arith.constant 16 : index
      %swap3A_436 = tpu.vector_load %arg9[%swap3A_434, %swap3A_435] {strides = array<i32>} : memref<400x64xf32, #tpu.memory_space<vmem>>, vector<1x16xf32>,
      %swap3A_437 = vector.shape_cast %swap3A_436 : vector<1x16xf32> to vector<16xf32>
      %swap3A_438 = vector.shape_cast %get3A_433 : vector<16xf32> to vector<1x16xf32>
      tpu.vector_store %arg9[%swap3A_434, %swap3A_435], %swap3A_438 {add = true, strides = array<i32>} : memref<400x64xf32, #tpu.memory_space<vmem>>, vector<1x16xf32>,
      %get3A_439 = arith.index_cast %scan3A_420 : i32 to index
      %get3A_440 = arith.constant 32 : index
      %get3A_441 = tpu.vector_load %arg10[%get3A_439, %get3A_440] {strides = array<i32>} : memref<400x64xf32, #tpu.memory_space<vmem>>, vector<1x16xf32>,
      %get3A_442 = vector.shape_cast %get3A_441 : vector<1x16xf32> to vector<16xf32>
      %swap3A_443 = arith.index_cast %scan3A_420 : i32 to index
      %swap3A_444 = arith.constant 32 : index
      %swap3A_445 = tpu.vector_load %arg9[%swap3A_443, %swap3A_444] {strides = array<i32>} : memref<400x64xf32, #tpu.memory_space<vmem>>, vector<1x16xf32>,
      %swap3A_446 = vector.shape_cast %swap3A_445 : vector<1x16xf32> to vector<16xf32>
      %swap3A_447 = vector.shape_cast %get3A_442 : vector<16xf32> to vector<1x16xf32>
      tpu.vector_store %arg9[%swap3A_443, %swap3A_444], %swap3A_447 {add = true, strides = array<i32>} : memref<400x64xf32, #tpu.memory_space<vmem>>, vector<1x16xf32>,
      %get3A_448 = arith.index_cast %scan3A_420 : i32 to index
      %get3A_449 = arith.constant 48 : index
      %get3A_450 = tpu.vector_load %arg10[%get3A_448, %get3A_449] {strides = array<i32>} : memref<400x64xf32, #tpu.memory_space<vmem>>, vector<1x16xf32>,
      %get3A_451 = vector.shape_cast %get3A_450 : vector<1x16xf32> to vector<16xf32>
      %swap3A_452 = arith.index_cast %scan3A_420 : i32 to index
      %swap3A_453 = arith.constant 48 : index
      %swap3A_454 = tpu.vector_load %arg9[%swap3A_452, %swap3A_453] {strides = array<i32>} : memref<400x64xf32, #tpu.memory_space<vmem>>, vector<1x16xf32>,
      %swap3A_455 = vector.shape_cast %swap3A_454 : vector<1x16xf32> to vector<16xf32>
      %swap3A_456 = vector.shape_cast %get3A_451 : vector<16xf32> to vector<1x16xf32>
      tpu.vector_store %arg9[%swap3A_452, %swap3A_453], %swap3A_456 {add = true, strides = array<i32>} : memref<400x64xf32, #tpu.memory_space<vmem>>, vector<1x16xf32>,
      %scan3A_457 = arith.constant 2 : i32
      %scan3A_458 = arith.addi %scan3A_384, %scan3A_457 : i32
      %get3A_459 = arith.index_cast %scan3A_458 : i32 to index
      %get3A_460 = arith.constant 0 : index
      %get3A_461 = tpu.vector_load %arg10[%get3A_459, %get3A_460] {strides = array<i32>} : memref<400x64xf32, #tpu.memory_space<vmem>>, vector<1x16xf32>,
      %get3A_462 = vector.shape_cast %get3A_461 : vector<1x16xf32> to vector<16xf32>
      %swap3A_463 = arith.index_cast %scan3A_458 : i32 to index
      %swap3A_464 = arith.constant 0 : index
      %swap3A_465 = tpu.vector_load %arg9[%swap3A_463, %swap3A_464] {strides = array<i32>} : memref<400x64xf32, #tpu.memory_space<vmem>>, vector<1x16xf32>,
      %swap3A_466 = vector.shape_cast %swap3A_465 : vector<1x16xf32> to vector<16xf32>
      %swap3A_467 = vector.shape_cast %get3A_462 : vector<16xf32> to vector<1x16xf32>
      tpu.vector_store %arg9[%swap3A_463, %swap3A_464], %swap3A_467 {add = true, strides = array<i32>} : memref<400x64xf32, #tpu.memory_space<vmem>>, vector<1x16xf32>,
      %get3A_468 = arith.index_cast %scan3A_458 : i32 to index
      %get3A_469 = arith.constant 16 : index
      %get3A_470 = tpu.vector_load %arg10[%get3A_468, %get3A_469] {strides = array<i32>} : memref<400x64xf32, #tpu.memory_space<vmem>>, vector<1x16xf32>,
      %get3A_471 = vector.shape_cast %get3A_470 : vector<1x16xf32> to vector<16xf32>
      %swap3A_472 = arith.index_cast %scan3A_458 : i32 to index
      %swap3A_473 = arith.constant 16 : index
      %swap3A_474 = tpu.vector_load %arg9[%swap3A_472, %swap3A_473] {strides = array<i32>} : memref<400x64xf32, #tpu.memory_space<vmem>>, vector<1x16xf32>,
      %swap3A_475 = vector.shape_cast %swap3A_474 : vector<1x16xf32> to vector<16xf32>
      %swap3A_476 = vector.shape_cast %get3A_471 : vector<16xf32> to vector<1x16xf32>
      tpu.vector_store %arg9[%swap3A_472, %swap3A_473], %swap3A_476 {add = true, strides = array<i32>} : memref<400x64xf32, #tpu.memory_space<vmem>>, vector<1x16xf32>,
      %get3A_477 = arith.index_cast %scan3A_458 : i32 to index
      %get3A_478 = arith.constant 32 : index
      %get3A_479 = tpu.vector_load %arg10[%get3A_477, %get3A_478] {strides = array<i32>} : memref<400x64xf32, #tpu.memory_space<vmem>>, vector<1x16xf32>,
      %get3A_480 = vector.shape_cast %get3A_479 : vector<1x16xf32> to vector<16xf32>
      %swap3A_481 = arith.index_cast %scan3A_458 : i32 to index
      %swap3A_482 = arith.constant 32 : index
      %swap3A_483 = tpu.vector_load %arg9[%swap3A_481, %swap3A_482] {strides = array<i32>} : memref<400x64xf32, #tpu.memory_space<vmem>>, vector<1x16xf32>,
      %swap3A_484 = vector.shape_cast %swap3A_483 : vector<1x16xf32> to vector<16xf32>
      %swap3A_485 = vector.shape_cast %get3A_480 : vector<16xf32> to vector<1x16xf32>
      tpu.vector_store %arg9[%swap3A_481, %swap3A_482], %swap3A_485 {add = true, strides = array<i32>} : memref<400x64xf32, #tpu.memory_space<vmem>>, vector<1x16xf32>,
      %get3A_486 = arith.index_cast %scan3A_458 : i32 to index
      %get3A_487 = arith.constant 48 : index
      %get3A_488 = tpu.vector_load %arg10[%get3A_486, %get3A_487] {strides = array<i32>} : memref<400x64xf32, #tpu.memory_space<vmem>>, vector<1x16xf32>,
      %get3A_489 = vector.shape_cast %get3A_488 : vector<1x16xf32> to vector<16xf32>
      %swap3A_490 = arith.index_cast %scan3A_458 : i32 to index
      %swap3A_491 = arith.constant 48 : index
      %swap3A_492 = tpu.vector_load %arg9[%swap3A_490, %swap3A_491] {strides = array<i32>} : memref<400x64xf32, #tpu.memory_space<vmem>>, vector<1x16xf32>,
      %swap3A_493 = vector.shape_cast %swap3A_492 : vector<1x16xf32> to vector<16xf32>
      %swap3A_494 = vector.shape_cast %get3A_489 : vector<16xf32> to vector<1x16xf32>
      tpu.vector_store %arg9[%swap3A_490, %swap3A_491], %swap3A_494 {add = true, strides = array<i32>} : memref<400x64xf32, #tpu.memory_space<vmem>>, vector<1x16xf32>,
      %scan3A_495 = arith.constant 3 : i32
      %scan3A_496 = arith.addi %scan3A_384, %scan3A_495 : i32
      %get3A_497 = arith.index_cast %scan3A_496 : i32 to index
      %get3A_498 = arith.constant 0 : index
      %get3A_499 = tpu.vector_load %arg10[%get3A_497, %get3A_498] {strides = array<i32>} : memref<400x64xf32, #tpu.memory_space<vmem>>, vector<1x16xf32>,
      %get3A_500 = vector.shape_cast %get3A_499 : vector<1x16xf32> to vector<16xf32>
      %swap3A_501 = arith.index_cast %scan3A_496 : i32 to index
      %swap3A_502 = arith.constant 0 : index
      %swap3A_503 = tpu.vector_load %arg9[%swap3A_501, %swap3A_502] {strides = array<i32>} : memref<400x64xf32, #tpu.memory_space<vmem>>, vector<1x16xf32>,
      %swap3A_504 = vector.shape_cast %swap3A_503 : vector<1x16xf32> to vector<16xf32>
      %swap3A_505 = vector.shape_cast %get3A_500 : vector<16xf32> to vector<1x16xf32>
      tpu.vector_store %arg9[%swap3A_501, %swap3A_502], %swap3A_505 {add = true, strides = array<i32>} : memref<400x64xf32, #tpu.memory_space<vmem>>, vector<1x16xf32>,
      %get3A_506 = arith.index_cast %scan3A_496 : i32 to index
      %get3A_507 = arith.constant 16 : index
      %get3A_508 = tpu.vector_load %arg10[%get3A_506, %get3A_507] {strides = array<i32>} : memref<400x64xf32, #tpu.memory_space<vmem>>, vector<1x16xf32>,
      %get3A_509 = vector.shape_cast %get3A_508 : vector<1x16xf32> to vector<16xf32>
      %swap3A_510 = arith.index_cast %scan3A_496 : i32 to index
      %swap3A_511 = arith.constant 16 : index
      %swap3A_512 = tpu.vector_load %arg9[%swap3A_510, %swap3A_511] {strides = array<i32>} : memref<400x64xf32, #tpu.memory_space<vmem>>, vector<1x16xf32>,
      %swap3A_513 = vector.shape_cast %swap3A_512 : vector<1x16xf32> to vector<16xf32>
      %swap3A_514 = vector.shape_cast %get3A_509 : vector<16xf32> to vector<1x16xf32>
      tpu.vector_store %arg9[%swap3A_510, %swap3A_511], %swap3A_514 {add = true, strides = array<i32>} : memref<400x64xf32, #tpu.memory_space<vmem>>, vector<1x16xf32>,
      %get3A_515 = arith.index_cast %scan3A_496 : i32 to index
      %get3A_516 = arith.constant 32 : index
      %get3A_517 = tpu.vector_load %arg10[%get3A_515, %get3A_516] {strides = array<i32>} : memref<400x64xf32, #tpu.memory_space<vmem>>, vector<1x16xf32>,
      %get3A_518 = vector.shape_cast %get3A_517 : vector<1x16xf32> to vector<16xf32>
      %swap3A_519 = arith.index_cast %scan3A_496 : i32 to index
      %swap3A_520 = arith.constant 32 : index
      %swap3A_521 = tpu.vector_load %arg9[%swap3A_519, %swap3A_520] {strides = array<i32>} : memref<400x64xf32, #tpu.memory_space<vmem>>, vector<1x16xf32>,
      %swap3A_522 = vector.shape_cast %swap3A_521 : vector<1x16xf32> to vector<16xf32>
      %swap3A_523 = vector.shape_cast %get3A_518 : vector<16xf32> to vector<1x16xf32>
      tpu.vector_store %arg9[%swap3A_519, %swap3A_520], %swap3A_523 {add = true, strides = array<i32>} : memref<400x64xf32, #tpu.memory_space<vmem>>, vector<1x16xf32>,
      %get3A_524 = arith.index_cast %scan3A_496 : i32 to index
      %get3A_525 = arith.constant 48 : index
      %get3A_526 = tpu.vector_load %arg10[%get3A_524, %get3A_525] {strides = array<i32>} : memref<400x64xf32, #tpu.memory_space<vmem>>, vector<1x16xf32>,
      %get3A_527 = vector.shape_cast %get3A_526 : vector<1x16xf32> to vector<16xf32>
      %swap3A_528 = arith.index_cast %scan3A_496 : i32 to index
      %swap3A_529 = arith.constant 48 : index
      %swap3A_530 = tpu.vector_load %arg9[%swap3A_528, %swap3A_529] {strides = array<i32>} : memref<400x64xf32, #tpu.memory_space<vmem>>, vector<1x16xf32>,
      %swap3A_531 = vector.shape_cast %swap3A_530 : vector<1x16xf32> to vector<16xf32>
      %swap3A_532 = vector.shape_cast %get3A_527 : vector<16xf32> to vector<1x16xf32>
      tpu.vector_store %arg9[%swap3A_528, %swap3A_529], %swap3A_532 {add = true, strides = array<i32>} : memref<400x64xf32, #tpu.memory_space<vmem>>, vector<1x16xf32>,
    }
    %scan3A_138 = arith.constant 400 : i32
    %add3A_139 = arith.constant 2000 : i32
    %add3A_140 = arith.addi %mul3A_2, %add3A_139 : i32
    %dma_start3A_141 = arith.constant 0 : i32
    %dma_start3A_142 = tpu.memref_slice %arg5[%add3A_140, %dma_start3A_141] : memref<204800x64xf32, #tpu.memory_space<hbm>> -> memref<400x64xf32, #tpu.memory_space<hbm>>
    %dma_start3A_143 = arith.constant 0 : i32
    %dma_start3A_144 = tpu.memref_slice %arg5[%add3A_140, %dma_start3A_143] : memref<204800x64xf32, #tpu.memory_space<hbm>> -> memref<400x64xf32, #tpu.memory_space<hbm>>
    tpu.enqueue_dma source(%arg9 : memref<400x64xf32, #tpu.memory_space<vmem>>) target(%dma_start3A_144 : memref<400x64xf32, #tpu.memory_space<hbm>>) target_semaphore(%arg14 : memref<!tpu.dma_semaphore, #tpu.memory_space<semaphore_mem>>)
    %dma_wait3A_145 = arith.constant 0 : i32
    %dma_wait3A_146 = tpu.memref_slice %arg5[%add3A_140, %dma_wait3A_145] : memref<204800x64xf32, #tpu.memory_space<hbm>> -> memref<400x64xf32, #tpu.memory_space<hbm>>
    %dma_wait3A_147 = arith.constant 0 : i32
    %dma_wait3A_148 = tpu.memref_slice %arg5[%add3A_140, %dma_wait3A_147] : memref<204800x64xf32, #tpu.memory_space<hbm>> -> memref<400x64xf32, #tpu.memory_space<hbm>>
    tpu.wait_dma2 semaphore(%arg14 : memref<!tpu.dma_semaphore, #tpu.memory_space<semaphore_mem>>) src(%arg9 : memref<400x64xf32, #tpu.memory_space<vmem>>) dst(%dma_wait3A_148 : memref<400x64xf32, #tpu.memory_space<hbm>>)
    %add3A_149 = arith.constant 2800 : i32
    %add3A_150 = arith.addi %mul3A_2, %add3A_149 : i32
    "tpu.region"() ({
      %run_scoped3A = tpu.sem_alloc : memref<!tpu.dma_semaphore, #tpu.memory_space<semaphore_mem>>
      %dma_start3A_384 = tpu.memref_slice %arg2[%add3A_150] : memref<204800xi32, #tpu.memory_space<hbm>> -> memref<400xi32, #tpu.memory_space<hbm>>
      %dma_start3A_385 = tpu.memref_slice %arg2[%add3A_150] : memref<204800xi32, #tpu.memory_space<hbm>> -> memref<400xi32, #tpu.memory_space<hbm>>
      tpu.enqueue_dma source(%dma_start3A_385 : memref<400xi32, #tpu.memory_space<hbm>>) target(%arg7 : memref<400xi32, #tpu.memory_space<vmem>>) target_semaphore(%run_scoped3A : memref<!tpu.dma_semaphore, #tpu.memory_space<semaphore_mem>>)
      %dma_wait3A_386 = tpu.memref_slice %arg2[%add3A_150] : memref<204800xi32, #tpu.memory_space<hbm>> -> memref<400xi32, #tpu.memory_space<hbm>>
      %dma_wait3A_387 = tpu.memref_slice %arg2[%add3A_150] : memref<204800xi32, #tpu.memory_space<hbm>> -> memref<400xi32, #tpu.memory_space<hbm>>
      tpu.wait_dma2 semaphore(%run_scoped3A : memref<!tpu.dma_semaphore, #tpu.memory_space<semaphore_mem>>) src(%dma_wait3A_387 : memref<400xi32, #tpu.memory_space<hbm>>) dst(%arg7 : memref<400xi32, #tpu.memory_space<vmem>>)
      tpu.yield
    }) : () -> ()
    %dma_start3A_151 = arith.constant 0 : i32
    %dma_start3A_152 = arith.constant 0 : i32
    %dma_start3A_153 = tpu.memref_slice %arg3[%dma_start3A_151, %dma_start3A_152] : memref<1000000x64xf32, #tpu.memory_space<hbm>> -> memref<1000000x64xf32, #tpu.memory_space<hbm>>
    tpu.enqueue_indirect_dma source(%dma_start3A_153 : memref<1000000x64xf32, #tpu.memory_space<hbm>>) target(%arg9 : memref<400x64xf32, #tpu.memory_space<vmem>>) offsets(%arg7 : memref<400xi32, #tpu.memory_space<vmem>>) semaphore(%arg12 : memref<!tpu.dma_semaphore, #tpu.memory_space<semaphore_mem>>)
    %dma_wait3A_154 = arith.constant 0 : i32
    %dma_wait3A_155 = arith.constant 0 : i32
    %dma_wait3A_156 = tpu.memref_slice %arg3[%dma_wait3A_154, %dma_wait3A_155] : memref<1000000x64xf32, #tpu.memory_space<hbm>> -> memref<1000000x64xf32, #tpu.memory_space<hbm>>
    tpu.wait_indirect_dma semaphore(%arg11 : memref<!tpu.dma_semaphore, #tpu.memory_space<semaphore_mem>>) src(%dma_wait3A_156 : memref<1000000x64xf32, #tpu.memory_space<hbm>>) dst(%arg8 : memref<400x64xf32, #tpu.memory_space<vmem>>)
    %scan3A_157 = arith.constant 0 : i32
    %scan3A_158 = arith.constant 0 : i32
    %scan3A_159 = arith.constant 400 : i32
    %scan3A_160 = arith.addi %scan3A_158, %scan3A_159 : i32
    %scan3A_161 = arith.constant 4 : i32
    scf.for %scan3A_384 = %scan3A_158 to %scan3A_160 step %scan3A_161  : i32 {
      %get3A = arith.index_cast %scan3A_384 : i32 to index
      %get3A_385 = arith.constant 0 : index
      %get3A_386 = tpu.vector_load %arg10[%get3A, %get3A_385] {strides = array<i32>} : memref<400x64xf32, #tpu.memory_space<vmem>>, vector<1x16xf32>,
      %get3A_387 = vector.shape_cast %get3A_386 : vector<1x16xf32> to vector<16xf32>
      %swap3A = arith.index_cast %scan3A_384 : i32 to index
      %swap3A_388 = arith.constant 0 : index
      %swap3A_389 = tpu.vector_load %arg8[%swap3A, %swap3A_388] {strides = array<i32>} : memref<400x64xf32, #tpu.memory_space<vmem>>, vector<1x16xf32>,
      %swap3A_390 = vector.shape_cast %swap3A_389 : vector<1x16xf32> to vector<16xf32>
      %swap3A_391 = vector.shape_cast %get3A_387 : vector<16xf32> to vector<1x16xf32>
      tpu.vector_store %arg8[%swap3A, %swap3A_388], %swap3A_391 {add = true, strides = array<i32>} : memref<400x64xf32, #tpu.memory_space<vmem>>, vector<1x16xf32>,
      %get3A_392 = arith.index_cast %scan3A_384 : i32 to index
      %get3A_393 = arith.constant 16 : index
      %get3A_394 = tpu.vector_load %arg10[%get3A_392, %get3A_393] {strides = array<i32>} : memref<400x64xf32, #tpu.memory_space<vmem>>, vector<1x16xf32>,
      %get3A_395 = vector.shape_cast %get3A_394 : vector<1x16xf32> to vector<16xf32>
      %swap3A_396 = arith.index_cast %scan3A_384 : i32 to index
      %swap3A_397 = arith.constant 16 : index
      %swap3A_398 = tpu.vector_load %arg8[%swap3A_396, %swap3A_397] {strides = array<i32>} : memref<400x64xf32, #tpu.memory_space<vmem>>, vector<1x16xf32>,
      %swap3A_399 = vector.shape_cast %swap3A_398 : vector<1x16xf32> to vector<16xf32>
      %swap3A_400 = vector.shape_cast %get3A_395 : vector<16xf32> to vector<1x16xf32>
      tpu.vector_store %arg8[%swap3A_396, %swap3A_397], %swap3A_400 {add = true, strides = array<i32>} : memref<400x64xf32, #tpu.memory_space<vmem>>, vector<1x16xf32>,
      %get3A_401 = arith.index_cast %scan3A_384 : i32 to index
      %get3A_402 = arith.constant 32 : index
      %get3A_403 = tpu.vector_load %arg10[%get3A_401, %get3A_402] {strides = array<i32>} : memref<400x64xf32, #tpu.memory_space<vmem>>, vector<1x16xf32>,
      %get3A_404 = vector.shape_cast %get3A_403 : vector<1x16xf32> to vector<16xf32>
      %swap3A_405 = arith.index_cast %scan3A_384 : i32 to index
      %swap3A_406 = arith.constant 32 : index
      %swap3A_407 = tpu.vector_load %arg8[%swap3A_405, %swap3A_406] {strides = array<i32>} : memref<400x64xf32, #tpu.memory_space<vmem>>, vector<1x16xf32>,
      %swap3A_408 = vector.shape_cast %swap3A_407 : vector<1x16xf32> to vector<16xf32>
      %swap3A_409 = vector.shape_cast %get3A_404 : vector<16xf32> to vector<1x16xf32>
      tpu.vector_store %arg8[%swap3A_405, %swap3A_406], %swap3A_409 {add = true, strides = array<i32>} : memref<400x64xf32, #tpu.memory_space<vmem>>, vector<1x16xf32>,
      %get3A_410 = arith.index_cast %scan3A_384 : i32 to index
      %get3A_411 = arith.constant 48 : index
      %get3A_412 = tpu.vector_load %arg10[%get3A_410, %get3A_411] {strides = array<i32>} : memref<400x64xf32, #tpu.memory_space<vmem>>, vector<1x16xf32>,
      %get3A_413 = vector.shape_cast %get3A_412 : vector<1x16xf32> to vector<16xf32>
      %swap3A_414 = arith.index_cast %scan3A_384 : i32 to index
      %swap3A_415 = arith.constant 48 : index
      %swap3A_416 = tpu.vector_load %arg8[%swap3A_414, %swap3A_415] {strides = array<i32>} : memref<400x64xf32, #tpu.memory_space<vmem>>, vector<1x16xf32>,
      %swap3A_417 = vector.shape_cast %swap3A_416 : vector<1x16xf32> to vector<16xf32>
      %swap3A_418 = vector.shape_cast %get3A_413 : vector<16xf32> to vector<1x16xf32>
      tpu.vector_store %arg8[%swap3A_414, %swap3A_415], %swap3A_418 {add = true, strides = array<i32>} : memref<400x64xf32, #tpu.memory_space<vmem>>, vector<1x16xf32>,
      %scan3A_419 = arith.constant 1 : i32
      %scan3A_420 = arith.addi %scan3A_384, %scan3A_419 : i32
      %get3A_421 = arith.index_cast %scan3A_420 : i32 to index
      %get3A_422 = arith.constant 0 : index
      %get3A_423 = tpu.vector_load %arg10[%get3A_421, %get3A_422] {strides = array<i32>} : memref<400x64xf32, #tpu.memory_space<vmem>>, vector<1x16xf32>,
      %get3A_424 = vector.shape_cast %get3A_423 : vector<1x16xf32> to vector<16xf32>
      %swap3A_425 = arith.index_cast %scan3A_420 : i32 to index
      %swap3A_426 = arith.constant 0 : index
      %swap3A_427 = tpu.vector_load %arg8[%swap3A_425, %swap3A_426] {strides = array<i32>} : memref<400x64xf32, #tpu.memory_space<vmem>>, vector<1x16xf32>,
      %swap3A_428 = vector.shape_cast %swap3A_427 : vector<1x16xf32> to vector<16xf32>
      %swap3A_429 = vector.shape_cast %get3A_424 : vector<16xf32> to vector<1x16xf32>
      tpu.vector_store %arg8[%swap3A_425, %swap3A_426], %swap3A_429 {add = true, strides = array<i32>} : memref<400x64xf32, #tpu.memory_space<vmem>>, vector<1x16xf32>,
      %get3A_430 = arith.index_cast %scan3A_420 : i32 to index
      %get3A_431 = arith.constant 16 : index
      %get3A_432 = tpu.vector_load %arg10[%get3A_430, %get3A_431] {strides = array<i32>} : memref<400x64xf32, #tpu.memory_space<vmem>>, vector<1x16xf32>,
      %get3A_433 = vector.shape_cast %get3A_432 : vector<1x16xf32> to vector<16xf32>
      %swap3A_434 = arith.index_cast %scan3A_420 : i32 to index
      %swap3A_435 = arith.constant 16 : index
      %swap3A_436 = tpu.vector_load %arg8[%swap3A_434, %swap3A_435] {strides = array<i32>} : memref<400x64xf32, #tpu.memory_space<vmem>>, vector<1x16xf32>,
      %swap3A_437 = vector.shape_cast %swap3A_436 : vector<1x16xf32> to vector<16xf32>
      %swap3A_438 = vector.shape_cast %get3A_433 : vector<16xf32> to vector<1x16xf32>
      tpu.vector_store %arg8[%swap3A_434, %swap3A_435], %swap3A_438 {add = true, strides = array<i32>} : memref<400x64xf32, #tpu.memory_space<vmem>>, vector<1x16xf32>,
      %get3A_439 = arith.index_cast %scan3A_420 : i32 to index
      %get3A_440 = arith.constant 32 : index
      %get3A_441 = tpu.vector_load %arg10[%get3A_439, %get3A_440] {strides = array<i32>} : memref<400x64xf32, #tpu.memory_space<vmem>>, vector<1x16xf32>,
      %get3A_442 = vector.shape_cast %get3A_441 : vector<1x16xf32> to vector<16xf32>
      %swap3A_443 = arith.index_cast %scan3A_420 : i32 to index
      %swap3A_444 = arith.constant 32 : index
      %swap3A_445 = tpu.vector_load %arg8[%swap3A_443, %swap3A_444] {strides = array<i32>} : memref<400x64xf32, #tpu.memory_space<vmem>>, vector<1x16xf32>,
      %swap3A_446 = vector.shape_cast %swap3A_445 : vector<1x16xf32> to vector<16xf32>
      %swap3A_447 = vector.shape_cast %get3A_442 : vector<16xf32> to vector<1x16xf32>
      tpu.vector_store %arg8[%swap3A_443, %swap3A_444], %swap3A_447 {add = true, strides = array<i32>} : memref<400x64xf32, #tpu.memory_space<vmem>>, vector<1x16xf32>,
      %get3A_448 = arith.index_cast %scan3A_420 : i32 to index
      %get3A_449 = arith.constant 48 : index
      %get3A_450 = tpu.vector_load %arg10[%get3A_448, %get3A_449] {strides = array<i32>} : memref<400x64xf32, #tpu.memory_space<vmem>>, vector<1x16xf32>,
      %get3A_451 = vector.shape_cast %get3A_450 : vector<1x16xf32> to vector<16xf32>
      %swap3A_452 = arith.index_cast %scan3A_420 : i32 to index
      %swap3A_453 = arith.constant 48 : index
      %swap3A_454 = tpu.vector_load %arg8[%swap3A_452, %swap3A_453] {strides = array<i32>} : memref<400x64xf32, #tpu.memory_space<vmem>>, vector<1x16xf32>,
      %swap3A_455 = vector.shape_cast %swap3A_454 : vector<1x16xf32> to vector<16xf32>
      %swap3A_456 = vector.shape_cast %get3A_451 : vector<16xf32> to vector<1x16xf32>
      tpu.vector_store %arg8[%swap3A_452, %swap3A_453], %swap3A_456 {add = true, strides = array<i32>} : memref<400x64xf32, #tpu.memory_space<vmem>>, vector<1x16xf32>,
      %scan3A_457 = arith.constant 2 : i32
      %scan3A_458 = arith.addi %scan3A_384, %scan3A_457 : i32
      %get3A_459 = arith.index_cast %scan3A_458 : i32 to index
      %get3A_460 = arith.constant 0 : index
      %get3A_461 = tpu.vector_load %arg10[%get3A_459, %get3A_460] {strides = array<i32>} : memref<400x64xf32, #tpu.memory_space<vmem>>, vector<1x16xf32>,
      %get3A_462 = vector.shape_cast %get3A_461 : vector<1x16xf32> to vector<16xf32>
      %swap3A_463 = arith.index_cast %scan3A_458 : i32 to index
      %swap3A_464 = arith.constant 0 : index
      %swap3A_465 = tpu.vector_load %arg8[%swap3A_463, %swap3A_464] {strides = array<i32>} : memref<400x64xf32, #tpu.memory_space<vmem>>, vector<1x16xf32>,
      %swap3A_466 = vector.shape_cast %swap3A_465 : vector<1x16xf32> to vector<16xf32>
      %swap3A_467 = vector.shape_cast %get3A_462 : vector<16xf32> to vector<1x16xf32>
      tpu.vector_store %arg8[%swap3A_463, %swap3A_464], %swap3A_467 {add = true, strides = array<i32>} : memref<400x64xf32, #tpu.memory_space<vmem>>, vector<1x16xf32>,
      %get3A_468 = arith.index_cast %scan3A_458 : i32 to index
      %get3A_469 = arith.constant 16 : index
      %get3A_470 = tpu.vector_load %arg10[%get3A_468, %get3A_469] {strides = array<i32>} : memref<400x64xf32, #tpu.memory_space<vmem>>, vector<1x16xf32>,
      %get3A_471 = vector.shape_cast %get3A_470 : vector<1x16xf32> to vector<16xf32>
      %swap3A_472 = arith.index_cast %scan3A_458 : i32 to index
      %swap3A_473 = arith.constant 16 : index
      %swap3A_474 = tpu.vector_load %arg8[%swap3A_472, %swap3A_473] {strides = array<i32>} : memref<400x64xf32, #tpu.memory_space<vmem>>, vector<1x16xf32>,
      %swap3A_475 = vector.shape_cast %swap3A_474 : vector<1x16xf32> to vector<16xf32>
      %swap3A_476 = vector.shape_cast %get3A_471 : vector<16xf32> to vector<1x16xf32>
      tpu.vector_store %arg8[%swap3A_472, %swap3A_473], %swap3A_476 {add = true, strides = array<i32>} : memref<400x64xf32, #tpu.memory_space<vmem>>, vector<1x16xf32>,
      %get3A_477 = arith.index_cast %scan3A_458 : i32 to index
      %get3A_478 = arith.constant 32 : index
      %get3A_479 = tpu.vector_load %arg10[%get3A_477, %get3A_478] {strides = array<i32>} : memref<400x64xf32, #tpu.memory_space<vmem>>, vector<1x16xf32>,
      %get3A_480 = vector.shape_cast %get3A_479 : vector<1x16xf32> to vector<16xf32>
      %swap3A_481 = arith.index_cast %scan3A_458 : i32 to index
      %swap3A_482 = arith.constant 32 : index
      %swap3A_483 = tpu.vector_load %arg8[%swap3A_481, %swap3A_482] {strides = array<i32>} : memref<400x64xf32, #tpu.memory_space<vmem>>, vector<1x16xf32>,
      %swap3A_484 = vector.shape_cast %swap3A_483 : vector<1x16xf32> to vector<16xf32>
      %swap3A_485 = vector.shape_cast %get3A_480 : vector<16xf32> to vector<1x16xf32>
      tpu.vector_store %arg8[%swap3A_481, %swap3A_482], %swap3A_485 {add = true, strides = array<i32>} : memref<400x64xf32, #tpu.memory_space<vmem>>, vector<1x16xf32>,
      %get3A_486 = arith.index_cast %scan3A_458 : i32 to index
      %get3A_487 = arith.constant 48 : index
      %get3A_488 = tpu.vector_load %arg10[%get3A_486, %get3A_487] {strides = array<i32>} : memref<400x64xf32, #tpu.memory_space<vmem>>, vector<1x16xf32>,
      %get3A_489 = vector.shape_cast %get3A_488 : vector<1x16xf32> to vector<16xf32>
      %swap3A_490 = arith.index_cast %scan3A_458 : i32 to index
      %swap3A_491 = arith.constant 48 : index
      %swap3A_492 = tpu.vector_load %arg8[%swap3A_490, %swap3A_491] {strides = array<i32>} : memref<400x64xf32, #tpu.memory_space<vmem>>, vector<1x16xf32>,
      %swap3A_493 = vector.shape_cast %swap3A_492 : vector<1x16xf32> to vector<16xf32>
      %swap3A_494 = vector.shape_cast %get3A_489 : vector<16xf32> to vector<1x16xf32>
      tpu.vector_store %arg8[%swap3A_490, %swap3A_491], %swap3A_494 {add = true, strides = array<i32>} : memref<400x64xf32, #tpu.memory_space<vmem>>, vector<1x16xf32>,
      %scan3A_495 = arith.constant 3 : i32
      %scan3A_496 = arith.addi %scan3A_384, %scan3A_495 : i32
      %get3A_497 = arith.index_cast %scan3A_496 : i32 to index
      %get3A_498 = arith.constant 0 : index
      %get3A_499 = tpu.vector_load %arg10[%get3A_497, %get3A_498] {strides = array<i32>} : memref<400x64xf32, #tpu.memory_space<vmem>>, vector<1x16xf32>,
      %get3A_500 = vector.shape_cast %get3A_499 : vector<1x16xf32> to vector<16xf32>
      %swap3A_501 = arith.index_cast %scan3A_496 : i32 to index
      %swap3A_502 = arith.constant 0 : index
      %swap3A_503 = tpu.vector_load %arg8[%swap3A_501, %swap3A_502] {strides = array<i32>} : memref<400x64xf32, #tpu.memory_space<vmem>>, vector<1x16xf32>,
      %swap3A_504 = vector.shape_cast %swap3A_503 : vector<1x16xf32> to vector<16xf32>
      %swap3A_505 = vector.shape_cast %get3A_500 : vector<16xf32> to vector<1x16xf32>
      tpu.vector_store %arg8[%swap3A_501, %swap3A_502], %swap3A_505 {add = true, strides = array<i32>} : memref<400x64xf32, #tpu.memory_space<vmem>>, vector<1x16xf32>,
      %get3A_506 = arith.index_cast %scan3A_496 : i32 to index
      %get3A_507 = arith.constant 16 : index
      %get3A_508 = tpu.vector_load %arg10[%get3A_506, %get3A_507] {strides = array<i32>} : memref<400x64xf32, #tpu.memory_space<vmem>>, vector<1x16xf32>,
      %get3A_509 = vector.shape_cast %get3A_508 : vector<1x16xf32> to vector<16xf32>
      %swap3A_510 = arith.index_cast %scan3A_496 : i32 to index
      %swap3A_511 = arith.constant 16 : index
      %swap3A_512 = tpu.vector_load %arg8[%swap3A_510, %swap3A_511] {strides = array<i32>} : memref<400x64xf32, #tpu.memory_space<vmem>>, vector<1x16xf32>,
      %swap3A_513 = vector.shape_cast %swap3A_512 : vector<1x16xf32> to vector<16xf32>
      %swap3A_514 = vector.shape_cast %get3A_509 : vector<16xf32> to vector<1x16xf32>
      tpu.vector_store %arg8[%swap3A_510, %swap3A_511], %swap3A_514 {add = true, strides = array<i32>} : memref<400x64xf32, #tpu.memory_space<vmem>>, vector<1x16xf32>,
      %get3A_515 = arith.index_cast %scan3A_496 : i32 to index
      %get3A_516 = arith.constant 32 : index
      %get3A_517 = tpu.vector_load %arg10[%get3A_515, %get3A_516] {strides = array<i32>} : memref<400x64xf32, #tpu.memory_space<vmem>>, vector<1x16xf32>,
      %get3A_518 = vector.shape_cast %get3A_517 : vector<1x16xf32> to vector<16xf32>
      %swap3A_519 = arith.index_cast %scan3A_496 : i32 to index
      %swap3A_520 = arith.constant 32 : index
      %swap3A_521 = tpu.vector_load %arg8[%swap3A_519, %swap3A_520] {strides = array<i32>} : memref<400x64xf32, #tpu.memory_space<vmem>>, vector<1x16xf32>,
      %swap3A_522 = vector.shape_cast %swap3A_521 : vector<1x16xf32> to vector<16xf32>
      %swap3A_523 = vector.shape_cast %get3A_518 : vector<16xf32> to vector<1x16xf32>
      tpu.vector_store %arg8[%swap3A_519, %swap3A_520], %swap3A_523 {add = true, strides = array<i32>} : memref<400x64xf32, #tpu.memory_space<vmem>>, vector<1x16xf32>,
      %get3A_524 = arith.index_cast %scan3A_496 : i32 to index
      %get3A_525 = arith.constant 48 : index
      %get3A_526 = tpu.vector_load %arg10[%get3A_524, %get3A_525] {strides = array<i32>} : memref<400x64xf32, #tpu.memory_space<vmem>>, vector<1x16xf32>,
      %get3A_527 = vector.shape_cast %get3A_526 : vector<1x16xf32> to vector<16xf32>
      %swap3A_528 = arith.index_cast %scan3A_496 : i32 to index
      %swap3A_529 = arith.constant 48 : index
      %swap3A_530 = tpu.vector_load %arg8[%swap3A_528, %swap3A_529] {strides = array<i32>} : memref<400x64xf32, #tpu.memory_space<vmem>>, vector<1x16xf32>,
      %swap3A_531 = vector.shape_cast %swap3A_530 : vector<1x16xf32> to vector<16xf32>
      %swap3A_532 = vector.shape_cast %get3A_527 : vector<16xf32> to vector<1x16xf32>
      tpu.vector_store %arg8[%swap3A_528, %swap3A_529], %swap3A_532 {add = true, strides = array<i32>} : memref<400x64xf32, #tpu.memory_space<vmem>>, vector<1x16xf32>,
    }
    %scan3A_162 = arith.constant 400 : i32
    %add3A_163 = arith.constant 2400 : i32
    %add3A_164 = arith.addi %mul3A_2, %add3A_163 : i32
    %dma_start3A_165 = arith.constant 0 : i32
    %dma_start3A_166 = tpu.memref_slice %arg5[%add3A_164, %dma_start3A_165] : memref<204800x64xf32, #tpu.memory_space<hbm>> -> memref<400x64xf32, #tpu.memory_space<hbm>>
    %dma_start3A_167 = arith.constant 0 : i32
    %dma_start3A_168 = tpu.memref_slice %arg5[%add3A_164, %dma_start3A_167] : memref<204800x64xf32, #tpu.memory_space<hbm>> -> memref<400x64xf32, #tpu.memory_space<hbm>>
    tpu.enqueue_dma source(%arg8 : memref<400x64xf32, #tpu.memory_space<vmem>>) target(%dma_start3A_168 : memref<400x64xf32, #tpu.memory_space<hbm>>) target_semaphore(%arg13 : memref<!tpu.dma_semaphore, #tpu.memory_space<semaphore_mem>>)
    %dma_wait3A_169 = arith.constant 0 : i32
    %dma_wait3A_170 = tpu.memref_slice %arg5[%add3A_164, %dma_wait3A_169] : memref<204800x64xf32, #tpu.memory_space<hbm>> -> memref<400x64xf32, #tpu.memory_space<hbm>>
    %dma_wait3A_171 = arith.constant 0 : i32
    %dma_wait3A_172 = tpu.memref_slice %arg5[%add3A_164, %dma_wait3A_171] : memref<204800x64xf32, #tpu.memory_space<hbm>> -> memref<400x64xf32, #tpu.memory_space<hbm>>
    tpu.wait_dma2 semaphore(%arg13 : memref<!tpu.dma_semaphore, #tpu.memory_space<semaphore_mem>>) src(%arg8 : memref<400x64xf32, #tpu.memory_space<vmem>>) dst(%dma_wait3A_172 : memref<400x64xf32, #tpu.memory_space<hbm>>)
    %add3A_173 = arith.constant 3200 : i32
    %add3A_174 = arith.addi %mul3A_2, %add3A_173 : i32
    "tpu.region"() ({
      %run_scoped3A = tpu.sem_alloc : memref<!tpu.dma_semaphore, #tpu.memory_space<semaphore_mem>>
      %dma_start3A_384 = tpu.memref_slice %arg2[%add3A_174] : memref<204800xi32, #tpu.memory_space<hbm>> -> memref<400xi32, #tpu.memory_space<hbm>>
      %dma_start3A_385 = tpu.memref_slice %arg2[%add3A_174] : memref<204800xi32, #tpu.memory_space<hbm>> -> memref<400xi32, #tpu.memory_space<hbm>>
      tpu.enqueue_dma source(%dma_start3A_385 : memref<400xi32, #tpu.memory_space<hbm>>) target(%arg6 : memref<400xi32, #tpu.memory_space<vmem>>) target_semaphore(%run_scoped3A : memref<!tpu.dma_semaphore, #tpu.memory_space<semaphore_mem>>)
      %dma_wait3A_386 = tpu.memref_slice %arg2[%add3A_174] : memref<204800xi32, #tpu.memory_space<hbm>> -> memref<400xi32, #tpu.memory_space<hbm>>
      %dma_wait3A_387 = tpu.memref_slice %arg2[%add3A_174] : memref<204800xi32, #tpu.memory_space<hbm>> -> memref<400xi32, #tpu.memory_space<hbm>>
      tpu.wait_dma2 semaphore(%run_scoped3A : memref<!tpu.dma_semaphore, #tpu.memory_space<semaphore_mem>>) src(%dma_wait3A_387 : memref<400xi32, #tpu.memory_space<hbm>>) dst(%arg6 : memref<400xi32, #tpu.memory_space<vmem>>)
      tpu.yield
    }) : () -> ()
    %dma_start3A_175 = arith.constant 0 : i32
    %dma_start3A_176 = arith.constant 0 : i32
    %dma_start3A_177 = tpu.memref_slice %arg3[%dma_start3A_175, %dma_start3A_176] : memref<1000000x64xf32, #tpu.memory_space<hbm>> -> memref<1000000x64xf32, #tpu.memory_space<hbm>>
    tpu.enqueue_indirect_dma source(%dma_start3A_177 : memref<1000000x64xf32, #tpu.memory_space<hbm>>) target(%arg8 : memref<400x64xf32, #tpu.memory_space<vmem>>) offsets(%arg6 : memref<400xi32, #tpu.memory_space<vmem>>) semaphore(%arg11 : memref<!tpu.dma_semaphore, #tpu.memory_space<semaphore_mem>>)
    %dma_wait3A_178 = arith.constant 0 : i32
    %dma_wait3A_179 = arith.constant 0 : i32
    %dma_wait3A_180 = tpu.memref_slice %arg3[%dma_wait3A_178, %dma_wait3A_179] : memref<1000000x64xf32, #tpu.memory_space<hbm>> -> memref<1000000x64xf32, #tpu.memory_space<hbm>>
    tpu.wait_indirect_dma semaphore(%arg12 : memref<!tpu.dma_semaphore, #tpu.memory_space<semaphore_mem>>) src(%dma_wait3A_180 : memref<1000000x64xf32, #tpu.memory_space<hbm>>) dst(%arg9 : memref<400x64xf32, #tpu.memory_space<vmem>>)
    %scan3A_181 = arith.constant 0 : i32
    %scan3A_182 = arith.constant 0 : i32
    %scan3A_183 = arith.constant 400 : i32
    %scan3A_184 = arith.addi %scan3A_182, %scan3A_183 : i32
    %scan3A_185 = arith.constant 4 : i32
    scf.for %scan3A_384 = %scan3A_182 to %scan3A_184 step %scan3A_185  : i32 {
      %get3A = arith.index_cast %scan3A_384 : i32 to index
      %get3A_385 = arith.constant 0 : index
      %get3A_386 = tpu.vector_load %arg10[%get3A, %get3A_385] {strides = array<i32>} : memref<400x64xf32, #tpu.memory_space<vmem>>, vector<1x16xf32>,
      %get3A_387 = vector.shape_cast %get3A_386 : vector<1x16xf32> to vector<16xf32>
      %swap3A = arith.index_cast %scan3A_384 : i32 to index
      %swap3A_388 = arith.constant 0 : index
      %swap3A_389 = tpu.vector_load %arg9[%swap3A, %swap3A_388] {strides = array<i32>} : memref<400x64xf32, #tpu.memory_space<vmem>>, vector<1x16xf32>,
      %swap3A_390 = vector.shape_cast %swap3A_389 : vector<1x16xf32> to vector<16xf32>
      %swap3A_391 = vector.shape_cast %get3A_387 : vector<16xf32> to vector<1x16xf32>
      tpu.vector_store %arg9[%swap3A, %swap3A_388], %swap3A_391 {add = true, strides = array<i32>} : memref<400x64xf32, #tpu.memory_space<vmem>>, vector<1x16xf32>,
      %get3A_392 = arith.index_cast %scan3A_384 : i32 to index
      %get3A_393 = arith.constant 16 : index
      %get3A_394 = tpu.vector_load %arg10[%get3A_392, %get3A_393] {strides = array<i32>} : memref<400x64xf32, #tpu.memory_space<vmem>>, vector<1x16xf32>,
      %get3A_395 = vector.shape_cast %get3A_394 : vector<1x16xf32> to vector<16xf32>
      %swap3A_396 = arith.index_cast %scan3A_384 : i32 to index
      %swap3A_397 = arith.constant 16 : index
      %swap3A_398 = tpu.vector_load %arg9[%swap3A_396, %swap3A_397] {strides = array<i32>} : memref<400x64xf32, #tpu.memory_space<vmem>>, vector<1x16xf32>,
      %swap3A_399 = vector.shape_cast %swap3A_398 : vector<1x16xf32> to vector<16xf32>
      %swap3A_400 = vector.shape_cast %get3A_395 : vector<16xf32> to vector<1x16xf32>
      tpu.vector_store %arg9[%swap3A_396, %swap3A_397], %swap3A_400 {add = true, strides = array<i32>} : memref<400x64xf32, #tpu.memory_space<vmem>>, vector<1x16xf32>,
      %get3A_401 = arith.index_cast %scan3A_384 : i32 to index
      %get3A_402 = arith.constant 32 : index
      %get3A_403 = tpu.vector_load %arg10[%get3A_401, %get3A_402] {strides = array<i32>} : memref<400x64xf32, #tpu.memory_space<vmem>>, vector<1x16xf32>,
      %get3A_404 = vector.shape_cast %get3A_403 : vector<1x16xf32> to vector<16xf32>
      %swap3A_405 = arith.index_cast %scan3A_384 : i32 to index
      %swap3A_406 = arith.constant 32 : index
      %swap3A_407 = tpu.vector_load %arg9[%swap3A_405, %swap3A_406] {strides = array<i32>} : memref<400x64xf32, #tpu.memory_space<vmem>>, vector<1x16xf32>,
      %swap3A_408 = vector.shape_cast %swap3A_407 : vector<1x16xf32> to vector<16xf32>
      %swap3A_409 = vector.shape_cast %get3A_404 : vector<16xf32> to vector<1x16xf32>
      tpu.vector_store %arg9[%swap3A_405, %swap3A_406], %swap3A_409 {add = true, strides = array<i32>} : memref<400x64xf32, #tpu.memory_space<vmem>>, vector<1x16xf32>,
      %get3A_410 = arith.index_cast %scan3A_384 : i32 to index
      %get3A_411 = arith.constant 48 : index
      %get3A_412 = tpu.vector_load %arg10[%get3A_410, %get3A_411] {strides = array<i32>} : memref<400x64xf32, #tpu.memory_space<vmem>>, vector<1x16xf32>,
      %get3A_413 = vector.shape_cast %get3A_412 : vector<1x16xf32> to vector<16xf32>
      %swap3A_414 = arith.index_cast %scan3A_384 : i32 to index
      %swap3A_415 = arith.constant 48 : index
      %swap3A_416 = tpu.vector_load %arg9[%swap3A_414, %swap3A_415] {strides = array<i32>} : memref<400x64xf32, #tpu.memory_space<vmem>>, vector<1x16xf32>,
      %swap3A_417 = vector.shape_cast %swap3A_416 : vector<1x16xf32> to vector<16xf32>
      %swap3A_418 = vector.shape_cast %get3A_413 : vector<16xf32> to vector<1x16xf32>
      tpu.vector_store %arg9[%swap3A_414, %swap3A_415], %swap3A_418 {add = true, strides = array<i32>} : memref<400x64xf32, #tpu.memory_space<vmem>>, vector<1x16xf32>,
      %scan3A_419 = arith.constant 1 : i32
      %scan3A_420 = arith.addi %scan3A_384, %scan3A_419 : i32
      %get3A_421 = arith.index_cast %scan3A_420 : i32 to index
      %get3A_422 = arith.constant 0 : index
      %get3A_423 = tpu.vector_load %arg10[%get3A_421, %get3A_422] {strides = array<i32>} : memref<400x64xf32, #tpu.memory_space<vmem>>, vector<1x16xf32>,
      %get3A_424 = vector.shape_cast %get3A_423 : vector<1x16xf32> to vector<16xf32>
      %swap3A_425 = arith.index_cast %scan3A_420 : i32 to index
      %swap3A_426 = arith.constant 0 : index
      %swap3A_427 = tpu.vector_load %arg9[%swap3A_425, %swap3A_426] {strides = array<i32>} : memref<400x64xf32, #tpu.memory_space<vmem>>, vector<1x16xf32>,
      %swap3A_428 = vector.shape_cast %swap3A_427 : vector<1x16xf32> to vector<16xf32>
      %swap3A_429 = vector.shape_cast %get3A_424 : vector<16xf32> to vector<1x16xf32>
      tpu.vector_store %arg9[%swap3A_425, %swap3A_426], %swap3A_429 {add = true, strides = array<i32>} : memref<400x64xf32, #tpu.memory_space<vmem>>, vector<1x16xf32>,
      %get3A_430 = arith.index_cast %scan3A_420 : i32 to index
      %get3A_431 = arith.constant 16 : index
      %get3A_432 = tpu.vector_load %arg10[%get3A_430, %get3A_431] {strides = array<i32>} : memref<400x64xf32, #tpu.memory_space<vmem>>, vector<1x16xf32>,
      %get3A_433 = vector.shape_cast %get3A_432 : vector<1x16xf32> to vector<16xf32>
      %swap3A_434 = arith.index_cast %scan3A_420 : i32 to index
      %swap3A_435 = arith.constant 16 : index
      %swap3A_436 = tpu.vector_load %arg9[%swap3A_434, %swap3A_435] {strides = array<i32>} : memref<400x64xf32, #tpu.memory_space<vmem>>, vector<1x16xf32>,
      %swap3A_437 = vector.shape_cast %swap3A_436 : vector<1x16xf32> to vector<16xf32>
      %swap3A_438 = vector.shape_cast %get3A_433 : vector<16xf32> to vector<1x16xf32>
      tpu.vector_store %arg9[%swap3A_434, %swap3A_435], %swap3A_438 {add = true, strides = array<i32>} : memref<400x64xf32, #tpu.memory_space<vmem>>, vector<1x16xf32>,
      %get3A_439 = arith.index_cast %scan3A_420 : i32 to index
      %get3A_440 = arith.constant 32 : index
      %get3A_441 = tpu.vector_load %arg10[%get3A_439, %get3A_440] {strides = array<i32>} : memref<400x64xf32, #tpu.memory_space<vmem>>, vector<1x16xf32>,
      %get3A_442 = vector.shape_cast %get3A_441 : vector<1x16xf32> to vector<16xf32>
      %swap3A_443 = arith.index_cast %scan3A_420 : i32 to index
      %swap3A_444 = arith.constant 32 : index
      %swap3A_445 = tpu.vector_load %arg9[%swap3A_443, %swap3A_444] {strides = array<i32>} : memref<400x64xf32, #tpu.memory_space<vmem>>, vector<1x16xf32>,
      %swap3A_446 = vector.shape_cast %swap3A_445 : vector<1x16xf32> to vector<16xf32>
      %swap3A_447 = vector.shape_cast %get3A_442 : vector<16xf32> to vector<1x16xf32>
      tpu.vector_store %arg9[%swap3A_443, %swap3A_444], %swap3A_447 {add = true, strides = array<i32>} : memref<400x64xf32, #tpu.memory_space<vmem>>, vector<1x16xf32>,
      %get3A_448 = arith.index_cast %scan3A_420 : i32 to index
      %get3A_449 = arith.constant 48 : index
      %get3A_450 = tpu.vector_load %arg10[%get3A_448, %get3A_449] {strides = array<i32>} : memref<400x64xf32, #tpu.memory_space<vmem>>, vector<1x16xf32>,
      %get3A_451 = vector.shape_cast %get3A_450 : vector<1x16xf32> to vector<16xf32>
      %swap3A_452 = arith.index_cast %scan3A_420 : i32 to index
      %swap3A_453 = arith.constant 48 : index
      %swap3A_454 = tpu.vector_load %arg9[%swap3A_452, %swap3A_453] {strides = array<i32>} : memref<400x64xf32, #tpu.memory_space<vmem>>, vector<1x16xf32>,
      %swap3A_455 = vector.shape_cast %swap3A_454 : vector<1x16xf32> to vector<16xf32>
      %swap3A_456 = vector.shape_cast %get3A_451 : vector<16xf32> to vector<1x16xf32>
      tpu.vector_store %arg9[%swap3A_452, %swap3A_453], %swap3A_456 {add = true, strides = array<i32>} : memref<400x64xf32, #tpu.memory_space<vmem>>, vector<1x16xf32>,
      %scan3A_457 = arith.constant 2 : i32
      %scan3A_458 = arith.addi %scan3A_384, %scan3A_457 : i32
      %get3A_459 = arith.index_cast %scan3A_458 : i32 to index
      %get3A_460 = arith.constant 0 : index
      %get3A_461 = tpu.vector_load %arg10[%get3A_459, %get3A_460] {strides = array<i32>} : memref<400x64xf32, #tpu.memory_space<vmem>>, vector<1x16xf32>,
      %get3A_462 = vector.shape_cast %get3A_461 : vector<1x16xf32> to vector<16xf32>
      %swap3A_463 = arith.index_cast %scan3A_458 : i32 to index
      %swap3A_464 = arith.constant 0 : index
      %swap3A_465 = tpu.vector_load %arg9[%swap3A_463, %swap3A_464] {strides = array<i32>} : memref<400x64xf32, #tpu.memory_space<vmem>>, vector<1x16xf32>,
      %swap3A_466 = vector.shape_cast %swap3A_465 : vector<1x16xf32> to vector<16xf32>
      %swap3A_467 = vector.shape_cast %get3A_462 : vector<16xf32> to vector<1x16xf32>
      tpu.vector_store %arg9[%swap3A_463, %swap3A_464], %swap3A_467 {add = true, strides = array<i32>} : memref<400x64xf32, #tpu.memory_space<vmem>>, vector<1x16xf32>,
      %get3A_468 = arith.index_cast %scan3A_458 : i32 to index
      %get3A_469 = arith.constant 16 : index
      %get3A_470 = tpu.vector_load %arg10[%get3A_468, %get3A_469] {strides = array<i32>} : memref<400x64xf32, #tpu.memory_space<vmem>>, vector<1x16xf32>,
      %get3A_471 = vector.shape_cast %get3A_470 : vector<1x16xf32> to vector<16xf32>
      %swap3A_472 = arith.index_cast %scan3A_458 : i32 to index
      %swap3A_473 = arith.constant 16 : index
      %swap3A_474 = tpu.vector_load %arg9[%swap3A_472, %swap3A_473] {strides = array<i32>} : memref<400x64xf32, #tpu.memory_space<vmem>>, vector<1x16xf32>,
      %swap3A_475 = vector.shape_cast %swap3A_474 : vector<1x16xf32> to vector<16xf32>
      %swap3A_476 = vector.shape_cast %get3A_471 : vector<16xf32> to vector<1x16xf32>
      tpu.vector_store %arg9[%swap3A_472, %swap3A_473], %swap3A_476 {add = true, strides = array<i32>} : memref<400x64xf32, #tpu.memory_space<vmem>>, vector<1x16xf32>,
      %get3A_477 = arith.index_cast %scan3A_458 : i32 to index
      %get3A_478 = arith.constant 32 : index
      %get3A_479 = tpu.vector_load %arg10[%get3A_477, %get3A_478] {strides = array<i32>} : memref<400x64xf32, #tpu.memory_space<vmem>>, vector<1x16xf32>,
      %get3A_480 = vector.shape_cast %get3A_479 : vector<1x16xf32> to vector<16xf32>
      %swap3A_481 = arith.index_cast %scan3A_458 : i32 to index
      %swap3A_482 = arith.constant 32 : index
      %swap3A_483 = tpu.vector_load %arg9[%swap3A_481, %swap3A_482] {strides = array<i32>} : memref<400x64xf32, #tpu.memory_space<vmem>>, vector<1x16xf32>,
      %swap3A_484 = vector.shape_cast %swap3A_483 : vector<1x16xf32> to vector<16xf32>
      %swap3A_485 = vector.shape_cast %get3A_480 : vector<16xf32> to vector<1x16xf32>
      tpu.vector_store %arg9[%swap3A_481, %swap3A_482], %swap3A_485 {add = true, strides = array<i32>} : memref<400x64xf32, #tpu.memory_space<vmem>>, vector<1x16xf32>,
      %get3A_486 = arith.index_cast %scan3A_458 : i32 to index
      %get3A_487 = arith.constant 48 : index
      %get3A_488 = tpu.vector_load %arg10[%get3A_486, %get3A_487] {strides = array<i32>} : memref<400x64xf32, #tpu.memory_space<vmem>>, vector<1x16xf32>,
      %get3A_489 = vector.shape_cast %get3A_488 : vector<1x16xf32> to vector<16xf32>
      %swap3A_490 = arith.index_cast %scan3A_458 : i32 to index
      %swap3A_491 = arith.constant 48 : index
      %swap3A_492 = tpu.vector_load %arg9[%swap3A_490, %swap3A_491] {strides = array<i32>} : memref<400x64xf32, #tpu.memory_space<vmem>>, vector<1x16xf32>,
      %swap3A_493 = vector.shape_cast %swap3A_492 : vector<1x16xf32> to vector<16xf32>
      %swap3A_494 = vector.shape_cast %get3A_489 : vector<16xf32> to vector<1x16xf32>
      tpu.vector_store %arg9[%swap3A_490, %swap3A_491], %swap3A_494 {add = true, strides = array<i32>} : memref<400x64xf32, #tpu.memory_space<vmem>>, vector<1x16xf32>,
      %scan3A_495 = arith.constant 3 : i32
      %scan3A_496 = arith.addi %scan3A_384, %scan3A_495 : i32
      %get3A_497 = arith.index_cast %scan3A_496 : i32 to index
      %get3A_498 = arith.constant 0 : index
      %get3A_499 = tpu.vector_load %arg10[%get3A_497, %get3A_498] {strides = array<i32>} : memref<400x64xf32, #tpu.memory_space<vmem>>, vector<1x16xf32>,
      %get3A_500 = vector.shape_cast %get3A_499 : vector<1x16xf32> to vector<16xf32>
      %swap3A_501 = arith.index_cast %scan3A_496 : i32 to index
      %swap3A_502 = arith.constant 0 : index
      %swap3A_503 = tpu.vector_load %arg9[%swap3A_501, %swap3A_502] {strides = array<i32>} : memref<400x64xf32, #tpu.memory_space<vmem>>, vector<1x16xf32>,
      %swap3A_504 = vector.shape_cast %swap3A_503 : vector<1x16xf32> to vector<16xf32>
      %swap3A_505 = vector.shape_cast %get3A_500 : vector<16xf32> to vector<1x16xf32>
      tpu.vector_store %arg9[%swap3A_501, %swap3A_502], %swap3A_505 {add = true, strides = array<i32>} : memref<400x64xf32, #tpu.memory_space<vmem>>, vector<1x16xf32>,
      %get3A_506 = arith.index_cast %scan3A_496 : i32 to index
      %get3A_507 = arith.constant 16 : index
      %get3A_508 = tpu.vector_load %arg10[%get3A_506, %get3A_507] {strides = array<i32>} : memref<400x64xf32, #tpu.memory_space<vmem>>, vector<1x16xf32>,
      %get3A_509 = vector.shape_cast %get3A_508 : vector<1x16xf32> to vector<16xf32>
      %swap3A_510 = arith.index_cast %scan3A_496 : i32 to index
      %swap3A_511 = arith.constant 16 : index
      %swap3A_512 = tpu.vector_load %arg9[%swap3A_510, %swap3A_511] {strides = array<i32>} : memref<400x64xf32, #tpu.memory_space<vmem>>, vector<1x16xf32>,
      %swap3A_513 = vector.shape_cast %swap3A_512 : vector<1x16xf32> to vector<16xf32>
      %swap3A_514 = vector.shape_cast %get3A_509 : vector<16xf32> to vector<1x16xf32>
      tpu.vector_store %arg9[%swap3A_510, %swap3A_511], %swap3A_514 {add = true, strides = array<i32>} : memref<400x64xf32, #tpu.memory_space<vmem>>, vector<1x16xf32>,
      %get3A_515 = arith.index_cast %scan3A_496 : i32 to index
      %get3A_516 = arith.constant 32 : index
      %get3A_517 = tpu.vector_load %arg10[%get3A_515, %get3A_516] {strides = array<i32>} : memref<400x64xf32, #tpu.memory_space<vmem>>, vector<1x16xf32>,
      %get3A_518 = vector.shape_cast %get3A_517 : vector<1x16xf32> to vector<16xf32>
      %swap3A_519 = arith.index_cast %scan3A_496 : i32 to index
      %swap3A_520 = arith.constant 32 : index
      %swap3A_521 = tpu.vector_load %arg9[%swap3A_519, %swap3A_520] {strides = array<i32>} : memref<400x64xf32, #tpu.memory_space<vmem>>, vector<1x16xf32>,
      %swap3A_522 = vector.shape_cast %swap3A_521 : vector<1x16xf32> to vector<16xf32>
      %swap3A_523 = vector.shape_cast %get3A_518 : vector<16xf32> to vector<1x16xf32>
      tpu.vector_store %arg9[%swap3A_519, %swap3A_520], %swap3A_523 {add = true, strides = array<i32>} : memref<400x64xf32, #tpu.memory_space<vmem>>, vector<1x16xf32>,
      %get3A_524 = arith.index_cast %scan3A_496 : i32 to index
      %get3A_525 = arith.constant 48 : index
      %get3A_526 = tpu.vector_load %arg10[%get3A_524, %get3A_525] {strides = array<i32>} : memref<400x64xf32, #tpu.memory_space<vmem>>, vector<1x16xf32>,
      %get3A_527 = vector.shape_cast %get3A_526 : vector<1x16xf32> to vector<16xf32>
      %swap3A_528 = arith.index_cast %scan3A_496 : i32 to index
      %swap3A_529 = arith.constant 48 : index
      %swap3A_530 = tpu.vector_load %arg9[%swap3A_528, %swap3A_529] {strides = array<i32>} : memref<400x64xf32, #tpu.memory_space<vmem>>, vector<1x16xf32>,
      %swap3A_531 = vector.shape_cast %swap3A_530 : vector<1x16xf32> to vector<16xf32>
      %swap3A_532 = vector.shape_cast %get3A_527 : vector<16xf32> to vector<1x16xf32>
      tpu.vector_store %arg9[%swap3A_528, %swap3A_529], %swap3A_532 {add = true, strides = array<i32>} : memref<400x64xf32, #tpu.memory_space<vmem>>, vector<1x16xf32>,
    }
    %scan3A_186 = arith.constant 400 : i32
    %add3A_187 = arith.constant 2800 : i32
    %add3A_188 = arith.addi %mul3A_2, %add3A_187 : i32
    %dma_start3A_189 = arith.constant 0 : i32
    %dma_start3A_190 = tpu.memref_slice %arg5[%add3A_188, %dma_start3A_189] : memref<204800x64xf32, #tpu.memory_space<hbm>> -> memref<400x64xf32, #tpu.memory_space<hbm>>
    %dma_start3A_191 = arith.constant 0 : i32
    %dma_start3A_192 = tpu.memref_slice %arg5[%add3A_188, %dma_start3A_191] : memref<204800x64xf32, #tpu.memory_space<hbm>> -> memref<400x64xf32, #tpu.memory_space<hbm>>
    tpu.enqueue_dma source(%arg9 : memref<400x64xf32, #tpu.memory_space<vmem>>) target(%dma_start3A_192 : memref<400x64xf32, #tpu.memory_space<hbm>>) target_semaphore(%arg14 : memref<!tpu.dma_semaphore, #tpu.memory_space<semaphore_mem>>)
    %dma_wait3A_193 = arith.constant 0 : i32
    %dma_wait3A_194 = tpu.memref_slice %arg5[%add3A_188, %dma_wait3A_193] : memref<204800x64xf32, #tpu.memory_space<hbm>> -> memref<400x64xf32, #tpu.memory_space<hbm>>
    %dma_wait3A_195 = arith.constant 0 : i32
    %dma_wait3A_196 = tpu.memref_slice %arg5[%add3A_188, %dma_wait3A_195] : memref<204800x64xf32, #tpu.memory_space<hbm>> -> memref<400x64xf32, #tpu.memory_space<hbm>>
    tpu.wait_dma2 semaphore(%arg14 : memref<!tpu.dma_semaphore, #tpu.memory_space<semaphore_mem>>) src(%arg9 : memref<400x64xf32, #tpu.memory_space<vmem>>) dst(%dma_wait3A_196 : memref<400x64xf32, #tpu.memory_space<hbm>>)
    %add3A_197 = arith.constant 3600 : i32
    %add3A_198 = arith.addi %mul3A_2, %add3A_197 : i32
    "tpu.region"() ({
      %run_scoped3A = tpu.sem_alloc : memref<!tpu.dma_semaphore, #tpu.memory_space<semaphore_mem>>
      %dma_start3A_384 = tpu.memref_slice %arg2[%add3A_198] : memref<204800xi32, #tpu.memory_space<hbm>> -> memref<400xi32, #tpu.memory_space<hbm>>
      %dma_start3A_385 = tpu.memref_slice %arg2[%add3A_198] : memref<204800xi32, #tpu.memory_space<hbm>> -> memref<400xi32, #tpu.memory_space<hbm>>
      tpu.enqueue_dma source(%dma_start3A_385 : memref<400xi32, #tpu.memory_space<hbm>>) target(%arg7 : memref<400xi32, #tpu.memory_space<vmem>>) target_semaphore(%run_scoped3A : memref<!tpu.dma_semaphore, #tpu.memory_space<semaphore_mem>>)
      %dma_wait3A_386 = tpu.memref_slice %arg2[%add3A_198] : memref<204800xi32, #tpu.memory_space<hbm>> -> memref<400xi32, #tpu.memory_space<hbm>>
      %dma_wait3A_387 = tpu.memref_slice %arg2[%add3A_198] : memref<204800xi32, #tpu.memory_space<hbm>> -> memref<400xi32, #tpu.memory_space<hbm>>
      tpu.wait_dma2 semaphore(%run_scoped3A : memref<!tpu.dma_semaphore, #tpu.memory_space<semaphore_mem>>) src(%dma_wait3A_387 : memref<400xi32, #tpu.memory_space<hbm>>) dst(%arg7 : memref<400xi32, #tpu.memory_space<vmem>>)
      tpu.yield
    }) : () -> ()
    %dma_start3A_199 = arith.constant 0 : i32
    %dma_start3A_200 = arith.constant 0 : i32
    %dma_start3A_201 = tpu.memref_slice %arg3[%dma_start3A_199, %dma_start3A_200] : memref<1000000x64xf32, #tpu.memory_space<hbm>> -> memref<1000000x64xf32, #tpu.memory_space<hbm>>
    tpu.enqueue_indirect_dma source(%dma_start3A_201 : memref<1000000x64xf32, #tpu.memory_space<hbm>>) target(%arg9 : memref<400x64xf32, #tpu.memory_space<vmem>>) offsets(%arg7 : memref<400xi32, #tpu.memory_space<vmem>>) semaphore(%arg12 : memref<!tpu.dma_semaphore, #tpu.memory_space<semaphore_mem>>)
    %dma_wait3A_202 = arith.constant 0 : i32
    %dma_wait3A_203 = arith.constant 0 : i32
    %dma_wait3A_204 = tpu.memref_slice %arg3[%dma_wait3A_202, %dma_wait3A_203] : memref<1000000x64xf32, #tpu.memory_space<hbm>> -> memref<1000000x64xf32, #tpu.memory_space<hbm>>
    tpu.wait_indirect_dma semaphore(%arg11 : memref<!tpu.dma_semaphore, #tpu.memory_space<semaphore_mem>>) src(%dma_wait3A_204 : memref<1000000x64xf32, #tpu.memory_space<hbm>>) dst(%arg8 : memref<400x64xf32, #tpu.memory_space<vmem>>)
    %scan3A_205 = arith.constant 0 : i32
    %scan3A_206 = arith.constant 0 : i32
    %scan3A_207 = arith.constant 400 : i32
    %scan3A_208 = arith.addi %scan3A_206, %scan3A_207 : i32
    %scan3A_209 = arith.constant 4 : i32
    scf.for %scan3A_384 = %scan3A_206 to %scan3A_208 step %scan3A_209  : i32 {
      %get3A = arith.index_cast %scan3A_384 : i32 to index
      %get3A_385 = arith.constant 0 : index
      %get3A_386 = tpu.vector_load %arg10[%get3A, %get3A_385] {strides = array<i32>} : memref<400x64xf32, #tpu.memory_space<vmem>>, vector<1x16xf32>,
      %get3A_387 = vector.shape_cast %get3A_386 : vector<1x16xf32> to vector<16xf32>
      %swap3A = arith.index_cast %scan3A_384 : i32 to index
      %swap3A_388 = arith.constant 0 : index
      %swap3A_389 = tpu.vector_load %arg8[%swap3A, %swap3A_388] {strides = array<i32>} : memref<400x64xf32, #tpu.memory_space<vmem>>, vector<1x16xf32>,
      %swap3A_390 = vector.shape_cast %swap3A_389 : vector<1x16xf32> to vector<16xf32>
      %swap3A_391 = vector.shape_cast %get3A_387 : vector<16xf32> to vector<1x16xf32>
      tpu.vector_store %arg8[%swap3A, %swap3A_388], %swap3A_391 {add = true, strides = array<i32>} : memref<400x64xf32, #tpu.memory_space<vmem>>, vector<1x16xf32>,
      %get3A_392 = arith.index_cast %scan3A_384 : i32 to index
      %get3A_393 = arith.constant 16 : index
      %get3A_394 = tpu.vector_load %arg10[%get3A_392, %get3A_393] {strides = array<i32>} : memref<400x64xf32, #tpu.memory_space<vmem>>, vector<1x16xf32>,
      %get3A_395 = vector.shape_cast %get3A_394 : vector<1x16xf32> to vector<16xf32>
      %swap3A_396 = arith.index_cast %scan3A_384 : i32 to index
      %swap3A_397 = arith.constant 16 : index
      %swap3A_398 = tpu.vector_load %arg8[%swap3A_396, %swap3A_397] {strides = array<i32>} : memref<400x64xf32, #tpu.memory_space<vmem>>, vector<1x16xf32>,
      %swap3A_399 = vector.shape_cast %swap3A_398 : vector<1x16xf32> to vector<16xf32>
      %swap3A_400 = vector.shape_cast %get3A_395 : vector<16xf32> to vector<1x16xf32>
      tpu.vector_store %arg8[%swap3A_396, %swap3A_397], %swap3A_400 {add = true, strides = array<i32>} : memref<400x64xf32, #tpu.memory_space<vmem>>, vector<1x16xf32>,
      %get3A_401 = arith.index_cast %scan3A_384 : i32 to index
      %get3A_402 = arith.constant 32 : index
      %get3A_403 = tpu.vector_load %arg10[%get3A_401, %get3A_402] {strides = array<i32>} : memref<400x64xf32, #tpu.memory_space<vmem>>, vector<1x16xf32>,
      %get3A_404 = vector.shape_cast %get3A_403 : vector<1x16xf32> to vector<16xf32>
      %swap3A_405 = arith.index_cast %scan3A_384 : i32 to index
      %swap3A_406 = arith.constant 32 : index
      %swap3A_407 = tpu.vector_load %arg8[%swap3A_405, %swap3A_406] {strides = array<i32>} : memref<400x64xf32, #tpu.memory_space<vmem>>, vector<1x16xf32>,
      %swap3A_408 = vector.shape_cast %swap3A_407 : vector<1x16xf32> to vector<16xf32>
      %swap3A_409 = vector.shape_cast %get3A_404 : vector<16xf32> to vector<1x16xf32>
      tpu.vector_store %arg8[%swap3A_405, %swap3A_406], %swap3A_409 {add = true, strides = array<i32>} : memref<400x64xf32, #tpu.memory_space<vmem>>, vector<1x16xf32>,
      %get3A_410 = arith.index_cast %scan3A_384 : i32 to index
      %get3A_411 = arith.constant 48 : index
      %get3A_412 = tpu.vector_load %arg10[%get3A_410, %get3A_411] {strides = array<i32>} : memref<400x64xf32, #tpu.memory_space<vmem>>, vector<1x16xf32>,
      %get3A_413 = vector.shape_cast %get3A_412 : vector<1x16xf32> to vector<16xf32>
      %swap3A_414 = arith.index_cast %scan3A_384 : i32 to index
      %swap3A_415 = arith.constant 48 : index
      %swap3A_416 = tpu.vector_load %arg8[%swap3A_414, %swap3A_415] {strides = array<i32>} : memref<400x64xf32, #tpu.memory_space<vmem>>, vector<1x16xf32>,
      %swap3A_417 = vector.shape_cast %swap3A_416 : vector<1x16xf32> to vector<16xf32>
      %swap3A_418 = vector.shape_cast %get3A_413 : vector<16xf32> to vector<1x16xf32>
      tpu.vector_store %arg8[%swap3A_414, %swap3A_415], %swap3A_418 {add = true, strides = array<i32>} : memref<400x64xf32, #tpu.memory_space<vmem>>, vector<1x16xf32>,
      %scan3A_419 = arith.constant 1 : i32
      %scan3A_420 = arith.addi %scan3A_384, %scan3A_419 : i32
      %get3A_421 = arith.index_cast %scan3A_420 : i32 to index
      %get3A_422 = arith.constant 0 : index
      %get3A_423 = tpu.vector_load %arg10[%get3A_421, %get3A_422] {strides = array<i32>} : memref<400x64xf32, #tpu.memory_space<vmem>>, vector<1x16xf32>,
      %get3A_424 = vector.shape_cast %get3A_423 : vector<1x16xf32> to vector<16xf32>
      %swap3A_425 = arith.index_cast %scan3A_420 : i32 to index
      %swap3A_426 = arith.constant 0 : index
      %swap3A_427 = tpu.vector_load %arg8[%swap3A_425, %swap3A_426] {strides = array<i32>} : memref<400x64xf32, #tpu.memory_space<vmem>>, vector<1x16xf32>,
      %swap3A_428 = vector.shape_cast %swap3A_427 : vector<1x16xf32> to vector<16xf32>
      %swap3A_429 = vector.shape_cast %get3A_424 : vector<16xf32> to vector<1x16xf32>
      tpu.vector_store %arg8[%swap3A_425, %swap3A_426], %swap3A_429 {add = true, strides = array<i32>} : memref<400x64xf32, #tpu.memory_space<vmem>>, vector<1x16xf32>,
      %get3A_430 = arith.index_cast %scan3A_420 : i32 to index
      %get3A_431 = arith.constant 16 : index
      %get3A_432 = tpu.vector_load %arg10[%get3A_430, %get3A_431] {strides = array<i32>} : memref<400x64xf32, #tpu.memory_space<vmem>>, vector<1x16xf32>,
      %get3A_433 = vector.shape_cast %get3A_432 : vector<1x16xf32> to vector<16xf32>
      %swap3A_434 = arith.index_cast %scan3A_420 : i32 to index
      %swap3A_435 = arith.constant 16 : index
      %swap3A_436 = tpu.vector_load %arg8[%swap3A_434, %swap3A_435] {strides = array<i32>} : memref<400x64xf32, #tpu.memory_space<vmem>>, vector<1x16xf32>,
      %swap3A_437 = vector.shape_cast %swap3A_436 : vector<1x16xf32> to vector<16xf32>
      %swap3A_438 = vector.shape_cast %get3A_433 : vector<16xf32> to vector<1x16xf32>
      tpu.vector_store %arg8[%swap3A_434, %swap3A_435], %swap3A_438 {add = true, strides = array<i32>} : memref<400x64xf32, #tpu.memory_space<vmem>>, vector<1x16xf32>,
      %get3A_439 = arith.index_cast %scan3A_420 : i32 to index
      %get3A_440 = arith.constant 32 : index
      %get3A_441 = tpu.vector_load %arg10[%get3A_439, %get3A_440] {strides = array<i32>} : memref<400x64xf32, #tpu.memory_space<vmem>>, vector<1x16xf32>,
      %get3A_442 = vector.shape_cast %get3A_441 : vector<1x16xf32> to vector<16xf32>
      %swap3A_443 = arith.index_cast %scan3A_420 : i32 to index
      %swap3A_444 = arith.constant 32 : index
      %swap3A_445 = tpu.vector_load %arg8[%swap3A_443, %swap3A_444] {strides = array<i32>} : memref<400x64xf32, #tpu.memory_space<vmem>>, vector<1x16xf32>,
      %swap3A_446 = vector.shape_cast %swap3A_445 : vector<1x16xf32> to vector<16xf32>
      %swap3A_447 = vector.shape_cast %get3A_442 : vector<16xf32> to vector<1x16xf32>
      tpu.vector_store %arg8[%swap3A_443, %swap3A_444], %swap3A_447 {add = true, strides = array<i32>} : memref<400x64xf32, #tpu.memory_space<vmem>>, vector<1x16xf32>,
      %get3A_448 = arith.index_cast %scan3A_420 : i32 to index
      %get3A_449 = arith.constant 48 : index
      %get3A_450 = tpu.vector_load %arg10[%get3A_448, %get3A_449] {strides = array<i32>} : memref<400x64xf32, #tpu.memory_space<vmem>>, vector<1x16xf32>,
      %get3A_451 = vector.shape_cast %get3A_450 : vector<1x16xf32> to vector<16xf32>
      %swap3A_452 = arith.index_cast %scan3A_420 : i32 to index
      %swap3A_453 = arith.constant 48 : index
      %swap3A_454 = tpu.vector_load %arg8[%swap3A_452, %swap3A_453] {strides = array<i32>} : memref<400x64xf32, #tpu.memory_space<vmem>>, vector<1x16xf32>,
      %swap3A_455 = vector.shape_cast %swap3A_454 : vector<1x16xf32> to vector<16xf32>
      %swap3A_456 = vector.shape_cast %get3A_451 : vector<16xf32> to vector<1x16xf32>
      tpu.vector_store %arg8[%swap3A_452, %swap3A_453], %swap3A_456 {add = true, strides = array<i32>} : memref<400x64xf32, #tpu.memory_space<vmem>>, vector<1x16xf32>,
      %scan3A_457 = arith.constant 2 : i32
      %scan3A_458 = arith.addi %scan3A_384, %scan3A_457 : i32
      %get3A_459 = arith.index_cast %scan3A_458 : i32 to index
      %get3A_460 = arith.constant 0 : index
      %get3A_461 = tpu.vector_load %arg10[%get3A_459, %get3A_460] {strides = array<i32>} : memref<400x64xf32, #tpu.memory_space<vmem>>, vector<1x16xf32>,
      %get3A_462 = vector.shape_cast %get3A_461 : vector<1x16xf32> to vector<16xf32>
      %swap3A_463 = arith.index_cast %scan3A_458 : i32 to index
      %swap3A_464 = arith.constant 0 : index
      %swap3A_465 = tpu.vector_load %arg8[%swap3A_463, %swap3A_464] {strides = array<i32>} : memref<400x64xf32, #tpu.memory_space<vmem>>, vector<1x16xf32>,
      %swap3A_466 = vector.shape_cast %swap3A_465 : vector<1x16xf32> to vector<16xf32>
      %swap3A_467 = vector.shape_cast %get3A_462 : vector<16xf32> to vector<1x16xf32>
      tpu.vector_store %arg8[%swap3A_463, %swap3A_464], %swap3A_467 {add = true, strides = array<i32>} : memref<400x64xf32, #tpu.memory_space<vmem>>, vector<1x16xf32>,
      %get3A_468 = arith.index_cast %scan3A_458 : i32 to index
      %get3A_469 = arith.constant 16 : index
      %get3A_470 = tpu.vector_load %arg10[%get3A_468, %get3A_469] {strides = array<i32>} : memref<400x64xf32, #tpu.memory_space<vmem>>, vector<1x16xf32>,
      %get3A_471 = vector.shape_cast %get3A_470 : vector<1x16xf32> to vector<16xf32>
      %swap3A_472 = arith.index_cast %scan3A_458 : i32 to index
      %swap3A_473 = arith.constant 16 : index
      %swap3A_474 = tpu.vector_load %arg8[%swap3A_472, %swap3A_473] {strides = array<i32>} : memref<400x64xf32, #tpu.memory_space<vmem>>, vector<1x16xf32>,
      %swap3A_475 = vector.shape_cast %swap3A_474 : vector<1x16xf32> to vector<16xf32>
      %swap3A_476 = vector.shape_cast %get3A_471 : vector<16xf32> to vector<1x16xf32>
      tpu.vector_store %arg8[%swap3A_472, %swap3A_473], %swap3A_476 {add = true, strides = array<i32>} : memref<400x64xf32, #tpu.memory_space<vmem>>, vector<1x16xf32>,
      %get3A_477 = arith.index_cast %scan3A_458 : i32 to index
      %get3A_478 = arith.constant 32 : index
      %get3A_479 = tpu.vector_load %arg10[%get3A_477, %get3A_478] {strides = array<i32>} : memref<400x64xf32, #tpu.memory_space<vmem>>, vector<1x16xf32>,
      %get3A_480 = vector.shape_cast %get3A_479 : vector<1x16xf32> to vector<16xf32>
      %swap3A_481 = arith.index_cast %scan3A_458 : i32 to index
      %swap3A_482 = arith.constant 32 : index
      %swap3A_483 = tpu.vector_load %arg8[%swap3A_481, %swap3A_482] {strides = array<i32>} : memref<400x64xf32, #tpu.memory_space<vmem>>, vector<1x16xf32>,
      %swap3A_484 = vector.shape_cast %swap3A_483 : vector<1x16xf32> to vector<16xf32>
      %swap3A_485 = vector.shape_cast %get3A_480 : vector<16xf32> to vector<1x16xf32>
      tpu.vector_store %arg8[%swap3A_481, %swap3A_482], %swap3A_485 {add = true, strides = array<i32>} : memref<400x64xf32, #tpu.memory_space<vmem>>, vector<1x16xf32>,
      %get3A_486 = arith.index_cast %scan3A_458 : i32 to index
      %get3A_487 = arith.constant 48 : index
      %get3A_488 = tpu.vector_load %arg10[%get3A_486, %get3A_487] {strides = array<i32>} : memref<400x64xf32, #tpu.memory_space<vmem>>, vector<1x16xf32>,
      %get3A_489 = vector.shape_cast %get3A_488 : vector<1x16xf32> to vector<16xf32>
      %swap3A_490 = arith.index_cast %scan3A_458 : i32 to index
      %swap3A_491 = arith.constant 48 : index
      %swap3A_492 = tpu.vector_load %arg8[%swap3A_490, %swap3A_491] {strides = array<i32>} : memref<400x64xf32, #tpu.memory_space<vmem>>, vector<1x16xf32>,
      %swap3A_493 = vector.shape_cast %swap3A_492 : vector<1x16xf32> to vector<16xf32>
      %swap3A_494 = vector.shape_cast %get3A_489 : vector<16xf32> to vector<1x16xf32>
      tpu.vector_store %arg8[%swap3A_490, %swap3A_491], %swap3A_494 {add = true, strides = array<i32>} : memref<400x64xf32, #tpu.memory_space<vmem>>, vector<1x16xf32>,
      %scan3A_495 = arith.constant 3 : i32
      %scan3A_496 = arith.addi %scan3A_384, %scan3A_495 : i32
      %get3A_497 = arith.index_cast %scan3A_496 : i32 to index
      %get3A_498 = arith.constant 0 : index
      %get3A_499 = tpu.vector_load %arg10[%get3A_497, %get3A_498] {strides = array<i32>} : memref<400x64xf32, #tpu.memory_space<vmem>>, vector<1x16xf32>,
      %get3A_500 = vector.shape_cast %get3A_499 : vector<1x16xf32> to vector<16xf32>
      %swap3A_501 = arith.index_cast %scan3A_496 : i32 to index
      %swap3A_502 = arith.constant 0 : index
      %swap3A_503 = tpu.vector_load %arg8[%swap3A_501, %swap3A_502] {strides = array<i32>} : memref<400x64xf32, #tpu.memory_space<vmem>>, vector<1x16xf32>,
      %swap3A_504 = vector.shape_cast %swap3A_503 : vector<1x16xf32> to vector<16xf32>
      %swap3A_505 = vector.shape_cast %get3A_500 : vector<16xf32> to vector<1x16xf32>
      tpu.vector_store %arg8[%swap3A_501, %swap3A_502], %swap3A_505 {add = true, strides = array<i32>} : memref<400x64xf32, #tpu.memory_space<vmem>>, vector<1x16xf32>,
      %get3A_506 = arith.index_cast %scan3A_496 : i32 to index
      %get3A_507 = arith.constant 16 : index
      %get3A_508 = tpu.vector_load %arg10[%get3A_506, %get3A_507] {strides = array<i32>} : memref<400x64xf32, #tpu.memory_space<vmem>>, vector<1x16xf32>,
      %get3A_509 = vector.shape_cast %get3A_508 : vector<1x16xf32> to vector<16xf32>
      %swap3A_510 = arith.index_cast %scan3A_496 : i32 to index
      %swap3A_511 = arith.constant 16 : index
      %swap3A_512 = tpu.vector_load %arg8[%swap3A_510, %swap3A_511] {strides = array<i32>} : memref<400x64xf32, #tpu.memory_space<vmem>>, vector<1x16xf32>,
      %swap3A_513 = vector.shape_cast %swap3A_512 : vector<1x16xf32> to vector<16xf32>
      %swap3A_514 = vector.shape_cast %get3A_509 : vector<16xf32> to vector<1x16xf32>
      tpu.vector_store %arg8[%swap3A_510, %swap3A_511], %swap3A_514 {add = true, strides = array<i32>} : memref<400x64xf32, #tpu.memory_space<vmem>>, vector<1x16xf32>,
      %get3A_515 = arith.index_cast %scan3A_496 : i32 to index
      %get3A_516 = arith.constant 32 : index
      %get3A_517 = tpu.vector_load %arg10[%get3A_515, %get3A_516] {strides = array<i32>} : memref<400x64xf32, #tpu.memory_space<vmem>>, vector<1x16xf32>,
      %get3A_518 = vector.shape_cast %get3A_517 : vector<1x16xf32> to vector<16xf32>
      %swap3A_519 = arith.index_cast %scan3A_496 : i32 to index
      %swap3A_520 = arith.constant 32 : index
      %swap3A_521 = tpu.vector_load %arg8[%swap3A_519, %swap3A_520] {strides = array<i32>} : memref<400x64xf32, #tpu.memory_space<vmem>>, vector<1x16xf32>,
      %swap3A_522 = vector.shape_cast %swap3A_521 : vector<1x16xf32> to vector<16xf32>
      %swap3A_523 = vector.shape_cast %get3A_518 : vector<16xf32> to vector<1x16xf32>
      tpu.vector_store %arg8[%swap3A_519, %swap3A_520], %swap3A_523 {add = true, strides = array<i32>} : memref<400x64xf32, #tpu.memory_space<vmem>>, vector<1x16xf32>,
      %get3A_524 = arith.index_cast %scan3A_496 : i32 to index
      %get3A_525 = arith.constant 48 : index
      %get3A_526 = tpu.vector_load %arg10[%get3A_524, %get3A_525] {strides = array<i32>} : memref<400x64xf32, #tpu.memory_space<vmem>>, vector<1x16xf32>,
      %get3A_527 = vector.shape_cast %get3A_526 : vector<1x16xf32> to vector<16xf32>
      %swap3A_528 = arith.index_cast %scan3A_496 : i32 to index
      %swap3A_529 = arith.constant 48 : index
      %swap3A_530 = tpu.vector_load %arg8[%swap3A_528, %swap3A_529] {strides = array<i32>} : memref<400x64xf32, #tpu.memory_space<vmem>>, vector<1x16xf32>,
      %swap3A_531 = vector.shape_cast %swap3A_530 : vector<1x16xf32> to vector<16xf32>
      %swap3A_532 = vector.shape_cast %get3A_527 : vector<16xf32> to vector<1x16xf32>
      tpu.vector_store %arg8[%swap3A_528, %swap3A_529], %swap3A_532 {add = true, strides = array<i32>} : memref<400x64xf32, #tpu.memory_space<vmem>>, vector<1x16xf32>,
    }
    %scan3A_210 = arith.constant 400 : i32
    %add3A_211 = arith.constant 3200 : i32
    %add3A_212 = arith.addi %mul3A_2, %add3A_211 : i32
    %dma_start3A_213 = arith.constant 0 : i32
    %dma_start3A_214 = tpu.memref_slice %arg5[%add3A_212, %dma_start3A_213] : memref<204800x64xf32, #tpu.memory_space<hbm>> -> memref<400x64xf32, #tpu.memory_space<hbm>>
    %dma_start3A_215 = arith.constant 0 : i32
    %dma_start3A_216 = tpu.memref_slice %arg5[%add3A_212, %dma_start3A_215] : memref<204800x64xf32, #tpu.memory_space<hbm>> -> memref<400x64xf32, #tpu.memory_space<hbm>>
    tpu.enqueue_dma source(%arg8 : memref<400x64xf32, #tpu.memory_space<vmem>>) target(%dma_start3A_216 : memref<400x64xf32, #tpu.memory_space<hbm>>) target_semaphore(%arg13 : memref<!tpu.dma_semaphore, #tpu.memory_space<semaphore_mem>>)
    %dma_wait3A_217 = arith.constant 0 : i32
    %dma_wait3A_218 = tpu.memref_slice %arg5[%add3A_212, %dma_wait3A_217] : memref<204800x64xf32, #tpu.memory_space<hbm>> -> memref<400x64xf32, #tpu.memory_space<hbm>>
    %dma_wait3A_219 = arith.constant 0 : i32
    %dma_wait3A_220 = tpu.memref_slice %arg5[%add3A_212, %dma_wait3A_219] : memref<204800x64xf32, #tpu.memory_space<hbm>> -> memref<400x64xf32, #tpu.memory_space<hbm>>
    tpu.wait_dma2 semaphore(%arg13 : memref<!tpu.dma_semaphore, #tpu.memory_space<semaphore_mem>>) src(%arg8 : memref<400x64xf32, #tpu.memory_space<vmem>>) dst(%dma_wait3A_220 : memref<400x64xf32, #tpu.memory_space<hbm>>)
    %add3A_221 = arith.constant 4000 : i32
    %add3A_222 = arith.addi %mul3A_2, %add3A_221 : i32
    "tpu.region"() ({
      %run_scoped3A = tpu.sem_alloc : memref<!tpu.dma_semaphore, #tpu.memory_space<semaphore_mem>>
      %dma_start3A_384 = tpu.memref_slice %arg2[%add3A_222] : memref<204800xi32, #tpu.memory_space<hbm>> -> memref<400xi32, #tpu.memory_space<hbm>>
      %dma_start3A_385 = tpu.memref_slice %arg2[%add3A_222] : memref<204800xi32, #tpu.memory_space<hbm>> -> memref<400xi32, #tpu.memory_space<hbm>>
      tpu.enqueue_dma source(%dma_start3A_385 : memref<400xi32, #tpu.memory_space<hbm>>) target(%arg6 : memref<400xi32, #tpu.memory_space<vmem>>) target_semaphore(%run_scoped3A : memref<!tpu.dma_semaphore, #tpu.memory_space<semaphore_mem>>)
      %dma_wait3A_386 = tpu.memref_slice %arg2[%add3A_222] : memref<204800xi32, #tpu.memory_space<hbm>> -> memref<400xi32, #tpu.memory_space<hbm>>
      %dma_wait3A_387 = tpu.memref_slice %arg2[%add3A_222] : memref<204800xi32, #tpu.memory_space<hbm>> -> memref<400xi32, #tpu.memory_space<hbm>>
      tpu.wait_dma2 semaphore(%run_scoped3A : memref<!tpu.dma_semaphore, #tpu.memory_space<semaphore_mem>>) src(%dma_wait3A_387 : memref<400xi32, #tpu.memory_space<hbm>>) dst(%arg6 : memref<400xi32, #tpu.memory_space<vmem>>)
      tpu.yield
    }) : () -> ()
    %dma_start3A_223 = arith.constant 0 : i32
    %dma_start3A_224 = arith.constant 0 : i32
    %dma_start3A_225 = tpu.memref_slice %arg3[%dma_start3A_223, %dma_start3A_224] : memref<1000000x64xf32, #tpu.memory_space<hbm>> -> memref<1000000x64xf32, #tpu.memory_space<hbm>>
    tpu.enqueue_indirect_dma source(%dma_start3A_225 : memref<1000000x64xf32, #tpu.memory_space<hbm>>) target(%arg8 : memref<400x64xf32, #tpu.memory_space<vmem>>) offsets(%arg6 : memref<400xi32, #tpu.memory_space<vmem>>) semaphore(%arg11 : memref<!tpu.dma_semaphore, #tpu.memory_space<semaphore_mem>>)
    %dma_wait3A_226 = arith.constant 0 : i32
    %dma_wait3A_227 = arith.constant 0 : i32
    %dma_wait3A_228 = tpu.memref_slice %arg3[%dma_wait3A_226, %dma_wait3A_227] : memref<1000000x64xf32, #tpu.memory_space<hbm>> -> memref<1000000x64xf32, #tpu.memory_space<hbm>>
    tpu.wait_indirect_dma semaphore(%arg12 : memref<!tpu.dma_semaphore, #tpu.memory_space<semaphore_mem>>) src(%dma_wait3A_228 : memref<1000000x64xf32, #tpu.memory_space<hbm>>) dst(%arg9 : memref<400x64xf32, #tpu.memory_space<vmem>>)
    %scan3A_229 = arith.constant 0 : i32
    %scan3A_230 = arith.constant 0 : i32
    %scan3A_231 = arith.constant 400 : i32
    %scan3A_232 = arith.addi %scan3A_230, %scan3A_231 : i32
    %scan3A_233 = arith.constant 4 : i32
    scf.for %scan3A_384 = %scan3A_230 to %scan3A_232 step %scan3A_233  : i32 {
      %get3A = arith.index_cast %scan3A_384 : i32 to index
      %get3A_385 = arith.constant 0 : index
      %get3A_386 = tpu.vector_load %arg10[%get3A, %get3A_385] {strides = array<i32>} : memref<400x64xf32, #tpu.memory_space<vmem>>, vector<1x16xf32>,
      %get3A_387 = vector.shape_cast %get3A_386 : vector<1x16xf32> to vector<16xf32>
      %swap3A = arith.index_cast %scan3A_384 : i32 to index
      %swap3A_388 = arith.constant 0 : index
      %swap3A_389 = tpu.vector_load %arg9[%swap3A, %swap3A_388] {strides = array<i32>} : memref<400x64xf32, #tpu.memory_space<vmem>>, vector<1x16xf32>,
      %swap3A_390 = vector.shape_cast %swap3A_389 : vector<1x16xf32> to vector<16xf32>
      %swap3A_391 = vector.shape_cast %get3A_387 : vector<16xf32> to vector<1x16xf32>
      tpu.vector_store %arg9[%swap3A, %swap3A_388], %swap3A_391 {add = true, strides = array<i32>} : memref<400x64xf32, #tpu.memory_space<vmem>>, vector<1x16xf32>,
      %get3A_392 = arith.index_cast %scan3A_384 : i32 to index
      %get3A_393 = arith.constant 16 : index
      %get3A_394 = tpu.vector_load %arg10[%get3A_392, %get3A_393] {strides = array<i32>} : memref<400x64xf32, #tpu.memory_space<vmem>>, vector<1x16xf32>,
      %get3A_395 = vector.shape_cast %get3A_394 : vector<1x16xf32> to vector<16xf32>
      %swap3A_396 = arith.index_cast %scan3A_384 : i32 to index
      %swap3A_397 = arith.constant 16 : index
      %swap3A_398 = tpu.vector_load %arg9[%swap3A_396, %swap3A_397] {strides = array<i32>} : memref<400x64xf32, #tpu.memory_space<vmem>>, vector<1x16xf32>,
      %swap3A_399 = vector.shape_cast %swap3A_398 : vector<1x16xf32> to vector<16xf32>
      %swap3A_400 = vector.shape_cast %get3A_395 : vector<16xf32> to vector<1x16xf32>
      tpu.vector_store %arg9[%swap3A_396, %swap3A_397], %swap3A_400 {add = true, strides = array<i32>} : memref<400x64xf32, #tpu.memory_space<vmem>>, vector<1x16xf32>,
      %get3A_401 = arith.index_cast %scan3A_384 : i32 to index
      %get3A_402 = arith.constant 32 : index
      %get3A_403 = tpu.vector_load %arg10[%get3A_401, %get3A_402] {strides = array<i32>} : memref<400x64xf32, #tpu.memory_space<vmem>>, vector<1x16xf32>,
      %get3A_404 = vector.shape_cast %get3A_403 : vector<1x16xf32> to vector<16xf32>
      %swap3A_405 = arith.index_cast %scan3A_384 : i32 to index
      %swap3A_406 = arith.constant 32 : index
      %swap3A_407 = tpu.vector_load %arg9[%swap3A_405, %swap3A_406] {strides = array<i32>} : memref<400x64xf32, #tpu.memory_space<vmem>>, vector<1x16xf32>,
      %swap3A_408 = vector.shape_cast %swap3A_407 : vector<1x16xf32> to vector<16xf32>
      %swap3A_409 = vector.shape_cast %get3A_404 : vector<16xf32> to vector<1x16xf32>
      tpu.vector_store %arg9[%swap3A_405, %swap3A_406], %swap3A_409 {add = true, strides = array<i32>} : memref<400x64xf32, #tpu.memory_space<vmem>>, vector<1x16xf32>,
      %get3A_410 = arith.index_cast %scan3A_384 : i32 to index
      %get3A_411 = arith.constant 48 : index
      %get3A_412 = tpu.vector_load %arg10[%get3A_410, %get3A_411] {strides = array<i32>} : memref<400x64xf32, #tpu.memory_space<vmem>>, vector<1x16xf32>,
      %get3A_413 = vector.shape_cast %get3A_412 : vector<1x16xf32> to vector<16xf32>
      %swap3A_414 = arith.index_cast %scan3A_384 : i32 to index
      %swap3A_415 = arith.constant 48 : index
      %swap3A_416 = tpu.vector_load %arg9[%swap3A_414, %swap3A_415] {strides = array<i32>} : memref<400x64xf32, #tpu.memory_space<vmem>>, vector<1x16xf32>,
      %swap3A_417 = vector.shape_cast %swap3A_416 : vector<1x16xf32> to vector<16xf32>
      %swap3A_418 = vector.shape_cast %get3A_413 : vector<16xf32> to vector<1x16xf32>
      tpu.vector_store %arg9[%swap3A_414, %swap3A_415], %swap3A_418 {add = true, strides = array<i32>} : memref<400x64xf32, #tpu.memory_space<vmem>>, vector<1x16xf32>,
      %scan3A_419 = arith.constant 1 : i32
      %scan3A_420 = arith.addi %scan3A_384, %scan3A_419 : i32
      %get3A_421 = arith.index_cast %scan3A_420 : i32 to index
      %get3A_422 = arith.constant 0 : index
      %get3A_423 = tpu.vector_load %arg10[%get3A_421, %get3A_422] {strides = array<i32>} : memref<400x64xf32, #tpu.memory_space<vmem>>, vector<1x16xf32>,
      %get3A_424 = vector.shape_cast %get3A_423 : vector<1x16xf32> to vector<16xf32>
      %swap3A_425 = arith.index_cast %scan3A_420 : i32 to index
      %swap3A_426 = arith.constant 0 : index
      %swap3A_427 = tpu.vector_load %arg9[%swap3A_425, %swap3A_426] {strides = array<i32>} : memref<400x64xf32, #tpu.memory_space<vmem>>, vector<1x16xf32>,
      %swap3A_428 = vector.shape_cast %swap3A_427 : vector<1x16xf32> to vector<16xf32>
      %swap3A_429 = vector.shape_cast %get3A_424 : vector<16xf32> to vector<1x16xf32>
      tpu.vector_store %arg9[%swap3A_425, %swap3A_426], %swap3A_429 {add = true, strides = array<i32>} : memref<400x64xf32, #tpu.memory_space<vmem>>, vector<1x16xf32>,
      %get3A_430 = arith.index_cast %scan3A_420 : i32 to index
      %get3A_431 = arith.constant 16 : index
      %get3A_432 = tpu.vector_load %arg10[%get3A_430, %get3A_431] {strides = array<i32>} : memref<400x64xf32, #tpu.memory_space<vmem>>, vector<1x16xf32>,
      %get3A_433 = vector.shape_cast %get3A_432 : vector<1x16xf32> to vector<16xf32>
      %swap3A_434 = arith.index_cast %scan3A_420 : i32 to index
      %swap3A_435 = arith.constant 16 : index
      %swap3A_436 = tpu.vector_load %arg9[%swap3A_434, %swap3A_435] {strides = array<i32>} : memref<400x64xf32, #tpu.memory_space<vmem>>, vector<1x16xf32>,
      %swap3A_437 = vector.shape_cast %swap3A_436 : vector<1x16xf32> to vector<16xf32>
      %swap3A_438 = vector.shape_cast %get3A_433 : vector<16xf32> to vector<1x16xf32>
      tpu.vector_store %arg9[%swap3A_434, %swap3A_435], %swap3A_438 {add = true, strides = array<i32>} : memref<400x64xf32, #tpu.memory_space<vmem>>, vector<1x16xf32>,
      %get3A_439 = arith.index_cast %scan3A_420 : i32 to index
      %get3A_440 = arith.constant 32 : index
      %get3A_441 = tpu.vector_load %arg10[%get3A_439, %get3A_440] {strides = array<i32>} : memref<400x64xf32, #tpu.memory_space<vmem>>, vector<1x16xf32>,
      %get3A_442 = vector.shape_cast %get3A_441 : vector<1x16xf32> to vector<16xf32>
      %swap3A_443 = arith.index_cast %scan3A_420 : i32 to index
      %swap3A_444 = arith.constant 32 : index
      %swap3A_445 = tpu.vector_load %arg9[%swap3A_443, %swap3A_444] {strides = array<i32>} : memref<400x64xf32, #tpu.memory_space<vmem>>, vector<1x16xf32>,
      %swap3A_446 = vector.shape_cast %swap3A_445 : vector<1x16xf32> to vector<16xf32>
      %swap3A_447 = vector.shape_cast %get3A_442 : vector<16xf32> to vector<1x16xf32>
      tpu.vector_store %arg9[%swap3A_443, %swap3A_444], %swap3A_447 {add = true, strides = array<i32>} : memref<400x64xf32, #tpu.memory_space<vmem>>, vector<1x16xf32>,
      %get3A_448 = arith.index_cast %scan3A_420 : i32 to index
      %get3A_449 = arith.constant 48 : index
      %get3A_450 = tpu.vector_load %arg10[%get3A_448, %get3A_449] {strides = array<i32>} : memref<400x64xf32, #tpu.memory_space<vmem>>, vector<1x16xf32>,
      %get3A_451 = vector.shape_cast %get3A_450 : vector<1x16xf32> to vector<16xf32>
      %swap3A_452 = arith.index_cast %scan3A_420 : i32 to index
      %swap3A_453 = arith.constant 48 : index
      %swap3A_454 = tpu.vector_load %arg9[%swap3A_452, %swap3A_453] {strides = array<i32>} : memref<400x64xf32, #tpu.memory_space<vmem>>, vector<1x16xf32>,
      %swap3A_455 = vector.shape_cast %swap3A_454 : vector<1x16xf32> to vector<16xf32>
      %swap3A_456 = vector.shape_cast %get3A_451 : vector<16xf32> to vector<1x16xf32>
      tpu.vector_store %arg9[%swap3A_452, %swap3A_453], %swap3A_456 {add = true, strides = array<i32>} : memref<400x64xf32, #tpu.memory_space<vmem>>, vector<1x16xf32>,
      %scan3A_457 = arith.constant 2 : i32
      %scan3A_458 = arith.addi %scan3A_384, %scan3A_457 : i32
      %get3A_459 = arith.index_cast %scan3A_458 : i32 to index
      %get3A_460 = arith.constant 0 : index
      %get3A_461 = tpu.vector_load %arg10[%get3A_459, %get3A_460] {strides = array<i32>} : memref<400x64xf32, #tpu.memory_space<vmem>>, vector<1x16xf32>,
      %get3A_462 = vector.shape_cast %get3A_461 : vector<1x16xf32> to vector<16xf32>
      %swap3A_463 = arith.index_cast %scan3A_458 : i32 to index
      %swap3A_464 = arith.constant 0 : index
      %swap3A_465 = tpu.vector_load %arg9[%swap3A_463, %swap3A_464] {strides = array<i32>} : memref<400x64xf32, #tpu.memory_space<vmem>>, vector<1x16xf32>,
      %swap3A_466 = vector.shape_cast %swap3A_465 : vector<1x16xf32> to vector<16xf32>
      %swap3A_467 = vector.shape_cast %get3A_462 : vector<16xf32> to vector<1x16xf32>
      tpu.vector_store %arg9[%swap3A_463, %swap3A_464], %swap3A_467 {add = true, strides = array<i32>} : memref<400x64xf32, #tpu.memory_space<vmem>>, vector<1x16xf32>,
      %get3A_468 = arith.index_cast %scan3A_458 : i32 to index
      %get3A_469 = arith.constant 16 : index
      %get3A_470 = tpu.vector_load %arg10[%get3A_468, %get3A_469] {strides = array<i32>} : memref<400x64xf32, #tpu.memory_space<vmem>>, vector<1x16xf32>,
      %get3A_471 = vector.shape_cast %get3A_470 : vector<1x16xf32> to vector<16xf32>
      %swap3A_472 = arith.index_cast %scan3A_458 : i32 to index
      %swap3A_473 = arith.constant 16 : index
      %swap3A_474 = tpu.vector_load %arg9[%swap3A_472, %swap3A_473] {strides = array<i32>} : memref<400x64xf32, #tpu.memory_space<vmem>>, vector<1x16xf32>,
      %swap3A_475 = vector.shape_cast %swap3A_474 : vector<1x16xf32> to vector<16xf32>
      %swap3A_476 = vector.shape_cast %get3A_471 : vector<16xf32> to vector<1x16xf32>
      tpu.vector_store %arg9[%swap3A_472, %swap3A_473], %swap3A_476 {add = true, strides = array<i32>} : memref<400x64xf32, #tpu.memory_space<vmem>>, vector<1x16xf32>,
      %get3A_477 = arith.index_cast %scan3A_458 : i32 to index
      %get3A_478 = arith.constant 32 : index
      %get3A_479 = tpu.vector_load %arg10[%get3A_477, %get3A_478] {strides = array<i32>} : memref<400x64xf32, #tpu.memory_space<vmem>>, vector<1x16xf32>,
      %get3A_480 = vector.shape_cast %get3A_479 : vector<1x16xf32> to vector<16xf32>
      %swap3A_481 = arith.index_cast %scan3A_458 : i32 to index
      %swap3A_482 = arith.constant 32 : index
      %swap3A_483 = tpu.vector_load %arg9[%swap3A_481, %swap3A_482] {strides = array<i32>} : memref<400x64xf32, #tpu.memory_space<vmem>>, vector<1x16xf32>,
      %swap3A_484 = vector.shape_cast %swap3A_483 : vector<1x16xf32> to vector<16xf32>
      %swap3A_485 = vector.shape_cast %get3A_480 : vector<16xf32> to vector<1x16xf32>
      tpu.vector_store %arg9[%swap3A_481, %swap3A_482], %swap3A_485 {add = true, strides = array<i32>} : memref<400x64xf32, #tpu.memory_space<vmem>>, vector<1x16xf32>,
      %get3A_486 = arith.index_cast %scan3A_458 : i32 to index
      %get3A_487 = arith.constant 48 : index
      %get3A_488 = tpu.vector_load %arg10[%get3A_486, %get3A_487] {strides = array<i32>} : memref<400x64xf32, #tpu.memory_space<vmem>>, vector<1x16xf32>,
      %get3A_489 = vector.shape_cast %get3A_488 : vector<1x16xf32> to vector<16xf32>
      %swap3A_490 = arith.index_cast %scan3A_458 : i32 to index
      %swap3A_491 = arith.constant 48 : index
      %swap3A_492 = tpu.vector_load %arg9[%swap3A_490, %swap3A_491] {strides = array<i32>} : memref<400x64xf32, #tpu.memory_space<vmem>>, vector<1x16xf32>,
      %swap3A_493 = vector.shape_cast %swap3A_492 : vector<1x16xf32> to vector<16xf32>
      %swap3A_494 = vector.shape_cast %get3A_489 : vector<16xf32> to vector<1x16xf32>
      tpu.vector_store %arg9[%swap3A_490, %swap3A_491], %swap3A_494 {add = true, strides = array<i32>} : memref<400x64xf32, #tpu.memory_space<vmem>>, vector<1x16xf32>,
      %scan3A_495 = arith.constant 3 : i32
      %scan3A_496 = arith.addi %scan3A_384, %scan3A_495 : i32
      %get3A_497 = arith.index_cast %scan3A_496 : i32 to index
      %get3A_498 = arith.constant 0 : index
      %get3A_499 = tpu.vector_load %arg10[%get3A_497, %get3A_498] {strides = array<i32>} : memref<400x64xf32, #tpu.memory_space<vmem>>, vector<1x16xf32>,
      %get3A_500 = vector.shape_cast %get3A_499 : vector<1x16xf32> to vector<16xf32>
      %swap3A_501 = arith.index_cast %scan3A_496 : i32 to index
      %swap3A_502 = arith.constant 0 : index
      %swap3A_503 = tpu.vector_load %arg9[%swap3A_501, %swap3A_502] {strides = array<i32>} : memref<400x64xf32, #tpu.memory_space<vmem>>, vector<1x16xf32>,
      %swap3A_504 = vector.shape_cast %swap3A_503 : vector<1x16xf32> to vector<16xf32>
      %swap3A_505 = vector.shape_cast %get3A_500 : vector<16xf32> to vector<1x16xf32>
      tpu.vector_store %arg9[%swap3A_501, %swap3A_502], %swap3A_505 {add = true, strides = array<i32>} : memref<400x64xf32, #tpu.memory_space<vmem>>, vector<1x16xf32>,
      %get3A_506 = arith.index_cast %scan3A_496 : i32 to index
      %get3A_507 = arith.constant 16 : index
      %get3A_508 = tpu.vector_load %arg10[%get3A_506, %get3A_507] {strides = array<i32>} : memref<400x64xf32, #tpu.memory_space<vmem>>, vector<1x16xf32>,
      %get3A_509 = vector.shape_cast %get3A_508 : vector<1x16xf32> to vector<16xf32>
      %swap3A_510 = arith.index_cast %scan3A_496 : i32 to index
      %swap3A_511 = arith.constant 16 : index
      %swap3A_512 = tpu.vector_load %arg9[%swap3A_510, %swap3A_511] {strides = array<i32>} : memref<400x64xf32, #tpu.memory_space<vmem>>, vector<1x16xf32>,
      %swap3A_513 = vector.shape_cast %swap3A_512 : vector<1x16xf32> to vector<16xf32>
      %swap3A_514 = vector.shape_cast %get3A_509 : vector<16xf32> to vector<1x16xf32>
      tpu.vector_store %arg9[%swap3A_510, %swap3A_511], %swap3A_514 {add = true, strides = array<i32>} : memref<400x64xf32, #tpu.memory_space<vmem>>, vector<1x16xf32>,
      %get3A_515 = arith.index_cast %scan3A_496 : i32 to index
      %get3A_516 = arith.constant 32 : index
      %get3A_517 = tpu.vector_load %arg10[%get3A_515, %get3A_516] {strides = array<i32>} : memref<400x64xf32, #tpu.memory_space<vmem>>, vector<1x16xf32>,
      %get3A_518 = vector.shape_cast %get3A_517 : vector<1x16xf32> to vector<16xf32>
      %swap3A_519 = arith.index_cast %scan3A_496 : i32 to index
      %swap3A_520 = arith.constant 32 : index
      %swap3A_521 = tpu.vector_load %arg9[%swap3A_519, %swap3A_520] {strides = array<i32>} : memref<400x64xf32, #tpu.memory_space<vmem>>, vector<1x16xf32>,
      %swap3A_522 = vector.shape_cast %swap3A_521 : vector<1x16xf32> to vector<16xf32>
      %swap3A_523 = vector.shape_cast %get3A_518 : vector<16xf32> to vector<1x16xf32>
      tpu.vector_store %arg9[%swap3A_519, %swap3A_520], %swap3A_523 {add = true, strides = array<i32>} : memref<400x64xf32, #tpu.memory_space<vmem>>, vector<1x16xf32>,
      %get3A_524 = arith.index_cast %scan3A_496 : i32 to index
      %get3A_525 = arith.constant 48 : index
      %get3A_526 = tpu.vector_load %arg10[%get3A_524, %get3A_525] {strides = array<i32>} : memref<400x64xf32, #tpu.memory_space<vmem>>, vector<1x16xf32>,
      %get3A_527 = vector.shape_cast %get3A_526 : vector<1x16xf32> to vector<16xf32>
      %swap3A_528 = arith.index_cast %scan3A_496 : i32 to index
      %swap3A_529 = arith.constant 48 : index
      %swap3A_530 = tpu.vector_load %arg9[%swap3A_528, %swap3A_529] {strides = array<i32>} : memref<400x64xf32, #tpu.memory_space<vmem>>, vector<1x16xf32>,
      %swap3A_531 = vector.shape_cast %swap3A_530 : vector<1x16xf32> to vector<16xf32>
      %swap3A_532 = vector.shape_cast %get3A_527 : vector<16xf32> to vector<1x16xf32>
      tpu.vector_store %arg9[%swap3A_528, %swap3A_529], %swap3A_532 {add = true, strides = array<i32>} : memref<400x64xf32, #tpu.memory_space<vmem>>, vector<1x16xf32>,
    }
    %scan3A_234 = arith.constant 400 : i32
    %add3A_235 = arith.constant 3600 : i32
    %add3A_236 = arith.addi %mul3A_2, %add3A_235 : i32
    %dma_start3A_237 = arith.constant 0 : i32
    %dma_start3A_238 = tpu.memref_slice %arg5[%add3A_236, %dma_start3A_237] : memref<204800x64xf32, #tpu.memory_space<hbm>> -> memref<400x64xf32, #tpu.memory_space<hbm>>
    %dma_start3A_239 = arith.constant 0 : i32
    %dma_start3A_240 = tpu.memref_slice %arg5[%add3A_236, %dma_start3A_239] : memref<204800x64xf32, #tpu.memory_space<hbm>> -> memref<400x64xf32, #tpu.memory_space<hbm>>
    tpu.enqueue_dma source(%arg9 : memref<400x64xf32, #tpu.memory_space<vmem>>) target(%dma_start3A_240 : memref<400x64xf32, #tpu.memory_space<hbm>>) target_semaphore(%arg14 : memref<!tpu.dma_semaphore, #tpu.memory_space<semaphore_mem>>)
    %dma_wait3A_241 = arith.constant 0 : i32
    %dma_wait3A_242 = tpu.memref_slice %arg5[%add3A_236, %dma_wait3A_241] : memref<204800x64xf32, #tpu.memory_space<hbm>> -> memref<400x64xf32, #tpu.memory_space<hbm>>
    %dma_wait3A_243 = arith.constant 0 : i32
    %dma_wait3A_244 = tpu.memref_slice %arg5[%add3A_236, %dma_wait3A_243] : memref<204800x64xf32, #tpu.memory_space<hbm>> -> memref<400x64xf32, #tpu.memory_space<hbm>>
    tpu.wait_dma2 semaphore(%arg14 : memref<!tpu.dma_semaphore, #tpu.memory_space<semaphore_mem>>) src(%arg9 : memref<400x64xf32, #tpu.memory_space<vmem>>) dst(%dma_wait3A_244 : memref<400x64xf32, #tpu.memory_space<hbm>>)
    %add3A_245 = arith.constant 4400 : i32
    %add3A_246 = arith.addi %mul3A_2, %add3A_245 : i32
    "tpu.region"() ({
      %run_scoped3A = tpu.sem_alloc : memref<!tpu.dma_semaphore, #tpu.memory_space<semaphore_mem>>
      %dma_start3A_384 = tpu.memref_slice %arg2[%add3A_246] : memref<204800xi32, #tpu.memory_space<hbm>> -> memref<400xi32, #tpu.memory_space<hbm>>
      %dma_start3A_385 = tpu.memref_slice %arg2[%add3A_246] : memref<204800xi32, #tpu.memory_space<hbm>> -> memref<400xi32, #tpu.memory_space<hbm>>
      tpu.enqueue_dma source(%dma_start3A_385 : memref<400xi32, #tpu.memory_space<hbm>>) target(%arg7 : memref<400xi32, #tpu.memory_space<vmem>>) target_semaphore(%run_scoped3A : memref<!tpu.dma_semaphore, #tpu.memory_space<semaphore_mem>>)
      %dma_wait3A_386 = tpu.memref_slice %arg2[%add3A_246] : memref<204800xi32, #tpu.memory_space<hbm>> -> memref<400xi32, #tpu.memory_space<hbm>>
      %dma_wait3A_387 = tpu.memref_slice %arg2[%add3A_246] : memref<204800xi32, #tpu.memory_space<hbm>> -> memref<400xi32, #tpu.memory_space<hbm>>
      tpu.wait_dma2 semaphore(%run_scoped3A : memref<!tpu.dma_semaphore, #tpu.memory_space<semaphore_mem>>) src(%dma_wait3A_387 : memref<400xi32, #tpu.memory_space<hbm>>) dst(%arg7 : memref<400xi32, #tpu.memory_space<vmem>>)
      tpu.yield
    }) : () -> ()
    %dma_start3A_247 = arith.constant 0 : i32
    %dma_start3A_248 = arith.constant 0 : i32
    %dma_start3A_249 = tpu.memref_slice %arg3[%dma_start3A_247, %dma_start3A_248] : memref<1000000x64xf32, #tpu.memory_space<hbm>> -> memref<1000000x64xf32, #tpu.memory_space<hbm>>
    tpu.enqueue_indirect_dma source(%dma_start3A_249 : memref<1000000x64xf32, #tpu.memory_space<hbm>>) target(%arg9 : memref<400x64xf32, #tpu.memory_space<vmem>>) offsets(%arg7 : memref<400xi32, #tpu.memory_space<vmem>>) semaphore(%arg12 : memref<!tpu.dma_semaphore, #tpu.memory_space<semaphore_mem>>)
    %dma_wait3A_250 = arith.constant 0 : i32
    %dma_wait3A_251 = arith.constant 0 : i32
    %dma_wait3A_252 = tpu.memref_slice %arg3[%dma_wait3A_250, %dma_wait3A_251] : memref<1000000x64xf32, #tpu.memory_space<hbm>> -> memref<1000000x64xf32, #tpu.memory_space<hbm>>
    tpu.wait_indirect_dma semaphore(%arg11 : memref<!tpu.dma_semaphore, #tpu.memory_space<semaphore_mem>>) src(%dma_wait3A_252 : memref<1000000x64xf32, #tpu.memory_space<hbm>>) dst(%arg8 : memref<400x64xf32, #tpu.memory_space<vmem>>)
    %scan3A_253 = arith.constant 0 : i32
    %scan3A_254 = arith.constant 0 : i32
    %scan3A_255 = arith.constant 400 : i32
    %scan3A_256 = arith.addi %scan3A_254, %scan3A_255 : i32
    %scan3A_257 = arith.constant 4 : i32
    scf.for %scan3A_384 = %scan3A_254 to %scan3A_256 step %scan3A_257  : i32 {
      %get3A = arith.index_cast %scan3A_384 : i32 to index
      %get3A_385 = arith.constant 0 : index
      %get3A_386 = tpu.vector_load %arg10[%get3A, %get3A_385] {strides = array<i32>} : memref<400x64xf32, #tpu.memory_space<vmem>>, vector<1x16xf32>,
      %get3A_387 = vector.shape_cast %get3A_386 : vector<1x16xf32> to vector<16xf32>
      %swap3A = arith.index_cast %scan3A_384 : i32 to index
      %swap3A_388 = arith.constant 0 : index
      %swap3A_389 = tpu.vector_load %arg8[%swap3A, %swap3A_388] {strides = array<i32>} : memref<400x64xf32, #tpu.memory_space<vmem>>, vector<1x16xf32>,
      %swap3A_390 = vector.shape_cast %swap3A_389 : vector<1x16xf32> to vector<16xf32>
      %swap3A_391 = vector.shape_cast %get3A_387 : vector<16xf32> to vector<1x16xf32>
      tpu.vector_store %arg8[%swap3A, %swap3A_388], %swap3A_391 {add = true, strides = array<i32>} : memref<400x64xf32, #tpu.memory_space<vmem>>, vector<1x16xf32>,
      %get3A_392 = arith.index_cast %scan3A_384 : i32 to index
      %get3A_393 = arith.constant 16 : index
      %get3A_394 = tpu.vector_load %arg10[%get3A_392, %get3A_393] {strides = array<i32>} : memref<400x64xf32, #tpu.memory_space<vmem>>, vector<1x16xf32>,
      %get3A_395 = vector.shape_cast %get3A_394 : vector<1x16xf32> to vector<16xf32>
      %swap3A_396 = arith.index_cast %scan3A_384 : i32 to index
      %swap3A_397 = arith.constant 16 : index
      %swap3A_398 = tpu.vector_load %arg8[%swap3A_396, %swap3A_397] {strides = array<i32>} : memref<400x64xf32, #tpu.memory_space<vmem>>, vector<1x16xf32>,
      %swap3A_399 = vector.shape_cast %swap3A_398 : vector<1x16xf32> to vector<16xf32>
      %swap3A_400 = vector.shape_cast %get3A_395 : vector<16xf32> to vector<1x16xf32>
      tpu.vector_store %arg8[%swap3A_396, %swap3A_397], %swap3A_400 {add = true, strides = array<i32>} : memref<400x64xf32, #tpu.memory_space<vmem>>, vector<1x16xf32>,
      %get3A_401 = arith.index_cast %scan3A_384 : i32 to index
      %get3A_402 = arith.constant 32 : index
      %get3A_403 = tpu.vector_load %arg10[%get3A_401, %get3A_402] {strides = array<i32>} : memref<400x64xf32, #tpu.memory_space<vmem>>, vector<1x16xf32>,
      %get3A_404 = vector.shape_cast %get3A_403 : vector<1x16xf32> to vector<16xf32>
      %swap3A_405 = arith.index_cast %scan3A_384 : i32 to index
      %swap3A_406 = arith.constant 32 : index
      %swap3A_407 = tpu.vector_load %arg8[%swap3A_405, %swap3A_406] {strides = array<i32>} : memref<400x64xf32, #tpu.memory_space<vmem>>, vector<1x16xf32>,
      %swap3A_408 = vector.shape_cast %swap3A_407 : vector<1x16xf32> to vector<16xf32>
      %swap3A_409 = vector.shape_cast %get3A_404 : vector<16xf32> to vector<1x16xf32>
      tpu.vector_store %arg8[%swap3A_405, %swap3A_406], %swap3A_409 {add = true, strides = array<i32>} : memref<400x64xf32, #tpu.memory_space<vmem>>, vector<1x16xf32>,
      %get3A_410 = arith.index_cast %scan3A_384 : i32 to index
      %get3A_411 = arith.constant 48 : index
      %get3A_412 = tpu.vector_load %arg10[%get3A_410, %get3A_411] {strides = array<i32>} : memref<400x64xf32, #tpu.memory_space<vmem>>, vector<1x16xf32>,
      %get3A_413 = vector.shape_cast %get3A_412 : vector<1x16xf32> to vector<16xf32>
      %swap3A_414 = arith.index_cast %scan3A_384 : i32 to index
      %swap3A_415 = arith.constant 48 : index
      %swap3A_416 = tpu.vector_load %arg8[%swap3A_414, %swap3A_415] {strides = array<i32>} : memref<400x64xf32, #tpu.memory_space<vmem>>, vector<1x16xf32>,
      %swap3A_417 = vector.shape_cast %swap3A_416 : vector<1x16xf32> to vector<16xf32>
      %swap3A_418 = vector.shape_cast %get3A_413 : vector<16xf32> to vector<1x16xf32>
      tpu.vector_store %arg8[%swap3A_414, %swap3A_415], %swap3A_418 {add = true, strides = array<i32>} : memref<400x64xf32, #tpu.memory_space<vmem>>, vector<1x16xf32>,
      %scan3A_419 = arith.constant 1 : i32
      %scan3A_420 = arith.addi %scan3A_384, %scan3A_419 : i32
      %get3A_421 = arith.index_cast %scan3A_420 : i32 to index
      %get3A_422 = arith.constant 0 : index
      %get3A_423 = tpu.vector_load %arg10[%get3A_421, %get3A_422] {strides = array<i32>} : memref<400x64xf32, #tpu.memory_space<vmem>>, vector<1x16xf32>,
      %get3A_424 = vector.shape_cast %get3A_423 : vector<1x16xf32> to vector<16xf32>
      %swap3A_425 = arith.index_cast %scan3A_420 : i32 to index
      %swap3A_426 = arith.constant 0 : index
      %swap3A_427 = tpu.vector_load %arg8[%swap3A_425, %swap3A_426] {strides = array<i32>} : memref<400x64xf32, #tpu.memory_space<vmem>>, vector<1x16xf32>,
      %swap3A_428 = vector.shape_cast %swap3A_427 : vector<1x16xf32> to vector<16xf32>
      %swap3A_429 = vector.shape_cast %get3A_424 : vector<16xf32> to vector<1x16xf32>
      tpu.vector_store %arg8[%swap3A_425, %swap3A_426], %swap3A_429 {add = true, strides = array<i32>} : memref<400x64xf32, #tpu.memory_space<vmem>>, vector<1x16xf32>,
      %get3A_430 = arith.index_cast %scan3A_420 : i32 to index
      %get3A_431 = arith.constant 16 : index
      %get3A_432 = tpu.vector_load %arg10[%get3A_430, %get3A_431] {strides = array<i32>} : memref<400x64xf32, #tpu.memory_space<vmem>>, vector<1x16xf32>,
      %get3A_433 = vector.shape_cast %get3A_432 : vector<1x16xf32> to vector<16xf32>
      %swap3A_434 = arith.index_cast %scan3A_420 : i32 to index
      %swap3A_435 = arith.constant 16 : index
      %swap3A_436 = tpu.vector_load %arg8[%swap3A_434, %swap3A_435] {strides = array<i32>} : memref<400x64xf32, #tpu.memory_space<vmem>>, vector<1x16xf32>,
      %swap3A_437 = vector.shape_cast %swap3A_436 : vector<1x16xf32> to vector<16xf32>
      %swap3A_438 = vector.shape_cast %get3A_433 : vector<16xf32> to vector<1x16xf32>
      tpu.vector_store %arg8[%swap3A_434, %swap3A_435], %swap3A_438 {add = true, strides = array<i32>} : memref<400x64xf32, #tpu.memory_space<vmem>>, vector<1x16xf32>,
      %get3A_439 = arith.index_cast %scan3A_420 : i32 to index
      %get3A_440 = arith.constant 32 : index
      %get3A_441 = tpu.vector_load %arg10[%get3A_439, %get3A_440] {strides = array<i32>} : memref<400x64xf32, #tpu.memory_space<vmem>>, vector<1x16xf32>,
      %get3A_442 = vector.shape_cast %get3A_441 : vector<1x16xf32> to vector<16xf32>
      %swap3A_443 = arith.index_cast %scan3A_420 : i32 to index
      %swap3A_444 = arith.constant 32 : index
      %swap3A_445 = tpu.vector_load %arg8[%swap3A_443, %swap3A_444] {strides = array<i32>} : memref<400x64xf32, #tpu.memory_space<vmem>>, vector<1x16xf32>,
      %swap3A_446 = vector.shape_cast %swap3A_445 : vector<1x16xf32> to vector<16xf32>
      %swap3A_447 = vector.shape_cast %get3A_442 : vector<16xf32> to vector<1x16xf32>
      tpu.vector_store %arg8[%swap3A_443, %swap3A_444], %swap3A_447 {add = true, strides = array<i32>} : memref<400x64xf32, #tpu.memory_space<vmem>>, vector<1x16xf32>,
      %get3A_448 = arith.index_cast %scan3A_420 : i32 to index
      %get3A_449 = arith.constant 48 : index
      %get3A_450 = tpu.vector_load %arg10[%get3A_448, %get3A_449] {strides = array<i32>} : memref<400x64xf32, #tpu.memory_space<vmem>>, vector<1x16xf32>,
      %get3A_451 = vector.shape_cast %get3A_450 : vector<1x16xf32> to vector<16xf32>
      %swap3A_452 = arith.index_cast %scan3A_420 : i32 to index
      %swap3A_453 = arith.constant 48 : index
      %swap3A_454 = tpu.vector_load %arg8[%swap3A_452, %swap3A_453] {strides = array<i32>} : memref<400x64xf32, #tpu.memory_space<vmem>>, vector<1x16xf32>,
      %swap3A_455 = vector.shape_cast %swap3A_454 : vector<1x16xf32> to vector<16xf32>
      %swap3A_456 = vector.shape_cast %get3A_451 : vector<16xf32> to vector<1x16xf32>
      tpu.vector_store %arg8[%swap3A_452, %swap3A_453], %swap3A_456 {add = true, strides = array<i32>} : memref<400x64xf32, #tpu.memory_space<vmem>>, vector<1x16xf32>,
      %scan3A_457 = arith.constant 2 : i32
      %scan3A_458 = arith.addi %scan3A_384, %scan3A_457 : i32
      %get3A_459 = arith.index_cast %scan3A_458 : i32 to index
      %get3A_460 = arith.constant 0 : index
      %get3A_461 = tpu.vector_load %arg10[%get3A_459, %get3A_460] {strides = array<i32>} : memref<400x64xf32, #tpu.memory_space<vmem>>, vector<1x16xf32>,
      %get3A_462 = vector.shape_cast %get3A_461 : vector<1x16xf32> to vector<16xf32>
      %swap3A_463 = arith.index_cast %scan3A_458 : i32 to index
      %swap3A_464 = arith.constant 0 : index
      %swap3A_465 = tpu.vector_load %arg8[%swap3A_463, %swap3A_464] {strides = array<i32>} : memref<400x64xf32, #tpu.memory_space<vmem>>, vector<1x16xf32>,
      %swap3A_466 = vector.shape_cast %swap3A_465 : vector<1x16xf32> to vector<16xf32>
      %swap3A_467 = vector.shape_cast %get3A_462 : vector<16xf32> to vector<1x16xf32>
      tpu.vector_store %arg8[%swap3A_463, %swap3A_464], %swap3A_467 {add = true, strides = array<i32>} : memref<400x64xf32, #tpu.memory_space<vmem>>, vector<1x16xf32>,
      %get3A_468 = arith.index_cast %scan3A_458 : i32 to index
      %get3A_469 = arith.constant 16 : index
      %get3A_470 = tpu.vector_load %arg10[%get3A_468, %get3A_469] {strides = array<i32>} : memref<400x64xf32, #tpu.memory_space<vmem>>, vector<1x16xf32>,
      %get3A_471 = vector.shape_cast %get3A_470 : vector<1x16xf32> to vector<16xf32>
      %swap3A_472 = arith.index_cast %scan3A_458 : i32 to index
      %swap3A_473 = arith.constant 16 : index
      %swap3A_474 = tpu.vector_load %arg8[%swap3A_472, %swap3A_473] {strides = array<i32>} : memref<400x64xf32, #tpu.memory_space<vmem>>, vector<1x16xf32>,
      %swap3A_475 = vector.shape_cast %swap3A_474 : vector<1x16xf32> to vector<16xf32>
      %swap3A_476 = vector.shape_cast %get3A_471 : vector<16xf32> to vector<1x16xf32>
      tpu.vector_store %arg8[%swap3A_472, %swap3A_473], %swap3A_476 {add = true, strides = array<i32>} : memref<400x64xf32, #tpu.memory_space<vmem>>, vector<1x16xf32>,
      %get3A_477 = arith.index_cast %scan3A_458 : i32 to index
      %get3A_478 = arith.constant 32 : index
      %get3A_479 = tpu.vector_load %arg10[%get3A_477, %get3A_478] {strides = array<i32>} : memref<400x64xf32, #tpu.memory_space<vmem>>, vector<1x16xf32>,
      %get3A_480 = vector.shape_cast %get3A_479 : vector<1x16xf32> to vector<16xf32>
      %swap3A_481 = arith.index_cast %scan3A_458 : i32 to index
      %swap3A_482 = arith.constant 32 : index
      %swap3A_483 = tpu.vector_load %arg8[%swap3A_481, %swap3A_482] {strides = array<i32>} : memref<400x64xf32, #tpu.memory_space<vmem>>, vector<1x16xf32>,
      %swap3A_484 = vector.shape_cast %swap3A_483 : vector<1x16xf32> to vector<16xf32>
      %swap3A_485 = vector.shape_cast %get3A_480 : vector<16xf32> to vector<1x16xf32>
      tpu.vector_store %arg8[%swap3A_481, %swap3A_482], %swap3A_485 {add = true, strides = array<i32>} : memref<400x64xf32, #tpu.memory_space<vmem>>, vector<1x16xf32>,
      %get3A_486 = arith.index_cast %scan3A_458 : i32 to index
      %get3A_487 = arith.constant 48 : index
      %get3A_488 = tpu.vector_load %arg10[%get3A_486, %get3A_487] {strides = array<i32>} : memref<400x64xf32, #tpu.memory_space<vmem>>, vector<1x16xf32>,
      %get3A_489 = vector.shape_cast %get3A_488 : vector<1x16xf32> to vector<16xf32>
      %swap3A_490 = arith.index_cast %scan3A_458 : i32 to index
      %swap3A_491 = arith.constant 48 : index
      %swap3A_492 = tpu.vector_load %arg8[%swap3A_490, %swap3A_491] {strides = array<i32>} : memref<400x64xf32, #tpu.memory_space<vmem>>, vector<1x16xf32>,
      %swap3A_493 = vector.shape_cast %swap3A_492 : vector<1x16xf32> to vector<16xf32>
      %swap3A_494 = vector.shape_cast %get3A_489 : vector<16xf32> to vector<1x16xf32>
      tpu.vector_store %arg8[%swap3A_490, %swap3A_491], %swap3A_494 {add = true, strides = array<i32>} : memref<400x64xf32, #tpu.memory_space<vmem>>, vector<1x16xf32>,
      %scan3A_495 = arith.constant 3 : i32
      %scan3A_496 = arith.addi %scan3A_384, %scan3A_495 : i32
      %get3A_497 = arith.index_cast %scan3A_496 : i32 to index
      %get3A_498 = arith.constant 0 : index
      %get3A_499 = tpu.vector_load %arg10[%get3A_497, %get3A_498] {strides = array<i32>} : memref<400x64xf32, #tpu.memory_space<vmem>>, vector<1x16xf32>,
      %get3A_500 = vector.shape_cast %get3A_499 : vector<1x16xf32> to vector<16xf32>
      %swap3A_501 = arith.index_cast %scan3A_496 : i32 to index
      %swap3A_502 = arith.constant 0 : index
      %swap3A_503 = tpu.vector_load %arg8[%swap3A_501, %swap3A_502] {strides = array<i32>} : memref<400x64xf32, #tpu.memory_space<vmem>>, vector<1x16xf32>,
      %swap3A_504 = vector.shape_cast %swap3A_503 : vector<1x16xf32> to vector<16xf32>
      %swap3A_505 = vector.shape_cast %get3A_500 : vector<16xf32> to vector<1x16xf32>
      tpu.vector_store %arg8[%swap3A_501, %swap3A_502], %swap3A_505 {add = true, strides = array<i32>} : memref<400x64xf32, #tpu.memory_space<vmem>>, vector<1x16xf32>,
      %get3A_506 = arith.index_cast %scan3A_496 : i32 to index
      %get3A_507 = arith.constant 16 : index
      %get3A_508 = tpu.vector_load %arg10[%get3A_506, %get3A_507] {strides = array<i32>} : memref<400x64xf32, #tpu.memory_space<vmem>>, vector<1x16xf32>,
      %get3A_509 = vector.shape_cast %get3A_508 : vector<1x16xf32> to vector<16xf32>
      %swap3A_510 = arith.index_cast %scan3A_496 : i32 to index
      %swap3A_511 = arith.constant 16 : index
      %swap3A_512 = tpu.vector_load %arg8[%swap3A_510, %swap3A_511] {strides = array<i32>} : memref<400x64xf32, #tpu.memory_space<vmem>>, vector<1x16xf32>,
      %swap3A_513 = vector.shape_cast %swap3A_512 : vector<1x16xf32> to vector<16xf32>
      %swap3A_514 = vector.shape_cast %get3A_509 : vector<16xf32> to vector<1x16xf32>
      tpu.vector_store %arg8[%swap3A_510, %swap3A_511], %swap3A_514 {add = true, strides = array<i32>} : memref<400x64xf32, #tpu.memory_space<vmem>>, vector<1x16xf32>,
      %get3A_515 = arith.index_cast %scan3A_496 : i32 to index
      %get3A_516 = arith.constant 32 : index
      %get3A_517 = tpu.vector_load %arg10[%get3A_515, %get3A_516] {strides = array<i32>} : memref<400x64xf32, #tpu.memory_space<vmem>>, vector<1x16xf32>,
      %get3A_518 = vector.shape_cast %get3A_517 : vector<1x16xf32> to vector<16xf32>
      %swap3A_519 = arith.index_cast %scan3A_496 : i32 to index
      %swap3A_520 = arith.constant 32 : index
      %swap3A_521 = tpu.vector_load %arg8[%swap3A_519, %swap3A_520] {strides = array<i32>} : memref<400x64xf32, #tpu.memory_space<vmem>>, vector<1x16xf32>,
      %swap3A_522 = vector.shape_cast %swap3A_521 : vector<1x16xf32> to vector<16xf32>
      %swap3A_523 = vector.shape_cast %get3A_518 : vector<16xf32> to vector<1x16xf32>
      tpu.vector_store %arg8[%swap3A_519, %swap3A_520], %swap3A_523 {add = true, strides = array<i32>} : memref<400x64xf32, #tpu.memory_space<vmem>>, vector<1x16xf32>,
      %get3A_524 = arith.index_cast %scan3A_496 : i32 to index
      %get3A_525 = arith.constant 48 : index
      %get3A_526 = tpu.vector_load %arg10[%get3A_524, %get3A_525] {strides = array<i32>} : memref<400x64xf32, #tpu.memory_space<vmem>>, vector<1x16xf32>,
      %get3A_527 = vector.shape_cast %get3A_526 : vector<1x16xf32> to vector<16xf32>
      %swap3A_528 = arith.index_cast %scan3A_496 : i32 to index
      %swap3A_529 = arith.constant 48 : index
      %swap3A_530 = tpu.vector_load %arg8[%swap3A_528, %swap3A_529] {strides = array<i32>} : memref<400x64xf32, #tpu.memory_space<vmem>>, vector<1x16xf32>,
      %swap3A_531 = vector.shape_cast %swap3A_530 : vector<1x16xf32> to vector<16xf32>
      %swap3A_532 = vector.shape_cast %get3A_527 : vector<16xf32> to vector<1x16xf32>
      tpu.vector_store %arg8[%swap3A_528, %swap3A_529], %swap3A_532 {add = true, strides = array<i32>} : memref<400x64xf32, #tpu.memory_space<vmem>>, vector<1x16xf32>,
    }
    %scan3A_258 = arith.constant 400 : i32
    %add3A_259 = arith.constant 4000 : i32
    %add3A_260 = arith.addi %mul3A_2, %add3A_259 : i32
    %dma_start3A_261 = arith.constant 0 : i32
    %dma_start3A_262 = tpu.memref_slice %arg5[%add3A_260, %dma_start3A_261] : memref<204800x64xf32, #tpu.memory_space<hbm>> -> memref<400x64xf32, #tpu.memory_space<hbm>>
    %dma_start3A_263 = arith.constant 0 : i32
    %dma_start3A_264 = tpu.memref_slice %arg5[%add3A_260, %dma_start3A_263] : memref<204800x64xf32, #tpu.memory_space<hbm>> -> memref<400x64xf32, #tpu.memory_space<hbm>>
    tpu.enqueue_dma source(%arg8 : memref<400x64xf32, #tpu.memory_space<vmem>>) target(%dma_start3A_264 : memref<400x64xf32, #tpu.memory_space<hbm>>) target_semaphore(%arg13 : memref<!tpu.dma_semaphore, #tpu.memory_space<semaphore_mem>>)
    %dma_wait3A_265 = arith.constant 0 : i32
    %dma_wait3A_266 = tpu.memref_slice %arg5[%add3A_260, %dma_wait3A_265] : memref<204800x64xf32, #tpu.memory_space<hbm>> -> memref<400x64xf32, #tpu.memory_space<hbm>>
    %dma_wait3A_267 = arith.constant 0 : i32
    %dma_wait3A_268 = tpu.memref_slice %arg5[%add3A_260, %dma_wait3A_267] : memref<204800x64xf32, #tpu.memory_space<hbm>> -> memref<400x64xf32, #tpu.memory_space<hbm>>
    tpu.wait_dma2 semaphore(%arg13 : memref<!tpu.dma_semaphore, #tpu.memory_space<semaphore_mem>>) src(%arg8 : memref<400x64xf32, #tpu.memory_space<vmem>>) dst(%dma_wait3A_268 : memref<400x64xf32, #tpu.memory_space<hbm>>)
    %add3A_269 = arith.constant 4800 : i32
    %add3A_270 = arith.addi %mul3A_2, %add3A_269 : i32
    "tpu.region"() ({
      %run_scoped3A = tpu.sem_alloc : memref<!tpu.dma_semaphore, #tpu.memory_space<semaphore_mem>>
      %dma_start3A_384 = tpu.memref_slice %arg2[%add3A_270] : memref<204800xi32, #tpu.memory_space<hbm>> -> memref<400xi32, #tpu.memory_space<hbm>>
      %dma_start3A_385 = tpu.memref_slice %arg2[%add3A_270] : memref<204800xi32, #tpu.memory_space<hbm>> -> memref<400xi32, #tpu.memory_space<hbm>>
      tpu.enqueue_dma source(%dma_start3A_385 : memref<400xi32, #tpu.memory_space<hbm>>) target(%arg6 : memref<400xi32, #tpu.memory_space<vmem>>) target_semaphore(%run_scoped3A : memref<!tpu.dma_semaphore, #tpu.memory_space<semaphore_mem>>)
      %dma_wait3A_386 = tpu.memref_slice %arg2[%add3A_270] : memref<204800xi32, #tpu.memory_space<hbm>> -> memref<400xi32, #tpu.memory_space<hbm>>
      %dma_wait3A_387 = tpu.memref_slice %arg2[%add3A_270] : memref<204800xi32, #tpu.memory_space<hbm>> -> memref<400xi32, #tpu.memory_space<hbm>>
      tpu.wait_dma2 semaphore(%run_scoped3A : memref<!tpu.dma_semaphore, #tpu.memory_space<semaphore_mem>>) src(%dma_wait3A_387 : memref<400xi32, #tpu.memory_space<hbm>>) dst(%arg6 : memref<400xi32, #tpu.memory_space<vmem>>)
      tpu.yield
    }) : () -> ()
    %dma_start3A_271 = arith.constant 0 : i32
    %dma_start3A_272 = arith.constant 0 : i32
    %dma_start3A_273 = tpu.memref_slice %arg3[%dma_start3A_271, %dma_start3A_272] : memref<1000000x64xf32, #tpu.memory_space<hbm>> -> memref<1000000x64xf32, #tpu.memory_space<hbm>>
    tpu.enqueue_indirect_dma source(%dma_start3A_273 : memref<1000000x64xf32, #tpu.memory_space<hbm>>) target(%arg8 : memref<400x64xf32, #tpu.memory_space<vmem>>) offsets(%arg6 : memref<400xi32, #tpu.memory_space<vmem>>) semaphore(%arg11 : memref<!tpu.dma_semaphore, #tpu.memory_space<semaphore_mem>>)
    %dma_wait3A_274 = arith.constant 0 : i32
    %dma_wait3A_275 = arith.constant 0 : i32
    %dma_wait3A_276 = tpu.memref_slice %arg3[%dma_wait3A_274, %dma_wait3A_275] : memref<1000000x64xf32, #tpu.memory_space<hbm>> -> memref<1000000x64xf32, #tpu.memory_space<hbm>>
    tpu.wait_indirect_dma semaphore(%arg12 : memref<!tpu.dma_semaphore, #tpu.memory_space<semaphore_mem>>) src(%dma_wait3A_276 : memref<1000000x64xf32, #tpu.memory_space<hbm>>) dst(%arg9 : memref<400x64xf32, #tpu.memory_space<vmem>>)
    %scan3A_277 = arith.constant 0 : i32
    %scan3A_278 = arith.constant 0 : i32
    %scan3A_279 = arith.constant 400 : i32
    %scan3A_280 = arith.addi %scan3A_278, %scan3A_279 : i32
    %scan3A_281 = arith.constant 4 : i32
    scf.for %scan3A_384 = %scan3A_278 to %scan3A_280 step %scan3A_281  : i32 {
      %get3A = arith.index_cast %scan3A_384 : i32 to index
      %get3A_385 = arith.constant 0 : index
      %get3A_386 = tpu.vector_load %arg10[%get3A, %get3A_385] {strides = array<i32>} : memref<400x64xf32, #tpu.memory_space<vmem>>, vector<1x16xf32>,
      %get3A_387 = vector.shape_cast %get3A_386 : vector<1x16xf32> to vector<16xf32>
      %swap3A = arith.index_cast %scan3A_384 : i32 to index
      %swap3A_388 = arith.constant 0 : index
      %swap3A_389 = tpu.vector_load %arg9[%swap3A, %swap3A_388] {strides = array<i32>} : memref<400x64xf32, #tpu.memory_space<vmem>>, vector<1x16xf32>,
      %swap3A_390 = vector.shape_cast %swap3A_389 : vector<1x16xf32> to vector<16xf32>
      %swap3A_391 = vector.shape_cast %get3A_387 : vector<16xf32> to vector<1x16xf32>
      tpu.vector_store %arg9[%swap3A, %swap3A_388], %swap3A_391 {add = true, strides = array<i32>} : memref<400x64xf32, #tpu.memory_space<vmem>>, vector<1x16xf32>,
      %get3A_392 = arith.index_cast %scan3A_384 : i32 to index
      %get3A_393 = arith.constant 16 : index
      %get3A_394 = tpu.vector_load %arg10[%get3A_392, %get3A_393] {strides = array<i32>} : memref<400x64xf32, #tpu.memory_space<vmem>>, vector<1x16xf32>,
      %get3A_395 = vector.shape_cast %get3A_394 : vector<1x16xf32> to vector<16xf32>
      %swap3A_396 = arith.index_cast %scan3A_384 : i32 to index
      %swap3A_397 = arith.constant 16 : index
      %swap3A_398 = tpu.vector_load %arg9[%swap3A_396, %swap3A_397] {strides = array<i32>} : memref<400x64xf32, #tpu.memory_space<vmem>>, vector<1x16xf32>,
      %swap3A_399 = vector.shape_cast %swap3A_398 : vector<1x16xf32> to vector<16xf32>
      %swap3A_400 = vector.shape_cast %get3A_395 : vector<16xf32> to vector<1x16xf32>
      tpu.vector_store %arg9[%swap3A_396, %swap3A_397], %swap3A_400 {add = true, strides = array<i32>} : memref<400x64xf32, #tpu.memory_space<vmem>>, vector<1x16xf32>,
      %get3A_401 = arith.index_cast %scan3A_384 : i32 to index
      %get3A_402 = arith.constant 32 : index
      %get3A_403 = tpu.vector_load %arg10[%get3A_401, %get3A_402] {strides = array<i32>} : memref<400x64xf32, #tpu.memory_space<vmem>>, vector<1x16xf32>,
      %get3A_404 = vector.shape_cast %get3A_403 : vector<1x16xf32> to vector<16xf32>
      %swap3A_405 = arith.index_cast %scan3A_384 : i32 to index
      %swap3A_406 = arith.constant 32 : index
      %swap3A_407 = tpu.vector_load %arg9[%swap3A_405, %swap3A_406] {strides = array<i32>} : memref<400x64xf32, #tpu.memory_space<vmem>>, vector<1x16xf32>,
      %swap3A_408 = vector.shape_cast %swap3A_407 : vector<1x16xf32> to vector<16xf32>
      %swap3A_409 = vector.shape_cast %get3A_404 : vector<16xf32> to vector<1x16xf32>
      tpu.vector_store %arg9[%swap3A_405, %swap3A_406], %swap3A_409 {add = true, strides = array<i32>} : memref<400x64xf32, #tpu.memory_space<vmem>>, vector<1x16xf32>,
      %get3A_410 = arith.index_cast %scan3A_384 : i32 to index
      %get3A_411 = arith.constant 48 : index
      %get3A_412 = tpu.vector_load %arg10[%get3A_410, %get3A_411] {strides = array<i32>} : memref<400x64xf32, #tpu.memory_space<vmem>>, vector<1x16xf32>,
      %get3A_413 = vector.shape_cast %get3A_412 : vector<1x16xf32> to vector<16xf32>
      %swap3A_414 = arith.index_cast %scan3A_384 : i32 to index
      %swap3A_415 = arith.constant 48 : index
      %swap3A_416 = tpu.vector_load %arg9[%swap3A_414, %swap3A_415] {strides = array<i32>} : memref<400x64xf32, #tpu.memory_space<vmem>>, vector<1x16xf32>,
      %swap3A_417 = vector.shape_cast %swap3A_416 : vector<1x16xf32> to vector<16xf32>
      %swap3A_418 = vector.shape_cast %get3A_413 : vector<16xf32> to vector<1x16xf32>
      tpu.vector_store %arg9[%swap3A_414, %swap3A_415], %swap3A_418 {add = true, strides = array<i32>} : memref<400x64xf32, #tpu.memory_space<vmem>>, vector<1x16xf32>,
      %scan3A_419 = arith.constant 1 : i32
      %scan3A_420 = arith.addi %scan3A_384, %scan3A_419 : i32
      %get3A_421 = arith.index_cast %scan3A_420 : i32 to index
      %get3A_422 = arith.constant 0 : index
      %get3A_423 = tpu.vector_load %arg10[%get3A_421, %get3A_422] {strides = array<i32>} : memref<400x64xf32, #tpu.memory_space<vmem>>, vector<1x16xf32>,
      %get3A_424 = vector.shape_cast %get3A_423 : vector<1x16xf32> to vector<16xf32>
      %swap3A_425 = arith.index_cast %scan3A_420 : i32 to index
      %swap3A_426 = arith.constant 0 : index
      %swap3A_427 = tpu.vector_load %arg9[%swap3A_425, %swap3A_426] {strides = array<i32>} : memref<400x64xf32, #tpu.memory_space<vmem>>, vector<1x16xf32>,
      %swap3A_428 = vector.shape_cast %swap3A_427 : vector<1x16xf32> to vector<16xf32>
      %swap3A_429 = vector.shape_cast %get3A_424 : vector<16xf32> to vector<1x16xf32>
      tpu.vector_store %arg9[%swap3A_425, %swap3A_426], %swap3A_429 {add = true, strides = array<i32>} : memref<400x64xf32, #tpu.memory_space<vmem>>, vector<1x16xf32>,
      %get3A_430 = arith.index_cast %scan3A_420 : i32 to index
      %get3A_431 = arith.constant 16 : index
      %get3A_432 = tpu.vector_load %arg10[%get3A_430, %get3A_431] {strides = array<i32>} : memref<400x64xf32, #tpu.memory_space<vmem>>, vector<1x16xf32>,
      %get3A_433 = vector.shape_cast %get3A_432 : vector<1x16xf32> to vector<16xf32>
      %swap3A_434 = arith.index_cast %scan3A_420 : i32 to index
      %swap3A_435 = arith.constant 16 : index
      %swap3A_436 = tpu.vector_load %arg9[%swap3A_434, %swap3A_435] {strides = array<i32>} : memref<400x64xf32, #tpu.memory_space<vmem>>, vector<1x16xf32>,
      %swap3A_437 = vector.shape_cast %swap3A_436 : vector<1x16xf32> to vector<16xf32>
      %swap3A_438 = vector.shape_cast %get3A_433 : vector<16xf32> to vector<1x16xf32>
      tpu.vector_store %arg9[%swap3A_434, %swap3A_435], %swap3A_438 {add = true, strides = array<i32>} : memref<400x64xf32, #tpu.memory_space<vmem>>, vector<1x16xf32>,
      %get3A_439 = arith.index_cast %scan3A_420 : i32 to index
      %get3A_440 = arith.constant 32 : index
      %get3A_441 = tpu.vector_load %arg10[%get3A_439, %get3A_440] {strides = array<i32>} : memref<400x64xf32, #tpu.memory_space<vmem>>, vector<1x16xf32>,
      %get3A_442 = vector.shape_cast %get3A_441 : vector<1x16xf32> to vector<16xf32>
      %swap3A_443 = arith.index_cast %scan3A_420 : i32 to index
      %swap3A_444 = arith.constant 32 : index
      %swap3A_445 = tpu.vector_load %arg9[%swap3A_443, %swap3A_444] {strides = array<i32>} : memref<400x64xf32, #tpu.memory_space<vmem>>, vector<1x16xf32>,
      %swap3A_446 = vector.shape_cast %swap3A_445 : vector<1x16xf32> to vector<16xf32>
      %swap3A_447 = vector.shape_cast %get3A_442 : vector<16xf32> to vector<1x16xf32>
      tpu.vector_store %arg9[%swap3A_443, %swap3A_444], %swap3A_447 {add = true, strides = array<i32>} : memref<400x64xf32, #tpu.memory_space<vmem>>, vector<1x16xf32>,
      %get3A_448 = arith.index_cast %scan3A_420 : i32 to index
      %get3A_449 = arith.constant 48 : index
      %get3A_450 = tpu.vector_load %arg10[%get3A_448, %get3A_449] {strides = array<i32>} : memref<400x64xf32, #tpu.memory_space<vmem>>, vector<1x16xf32>,
      %get3A_451 = vector.shape_cast %get3A_450 : vector<1x16xf32> to vector<16xf32>
      %swap3A_452 = arith.index_cast %scan3A_420 : i32 to index
      %swap3A_453 = arith.constant 48 : index
      %swap3A_454 = tpu.vector_load %arg9[%swap3A_452, %swap3A_453] {strides = array<i32>} : memref<400x64xf32, #tpu.memory_space<vmem>>, vector<1x16xf32>,
      %swap3A_455 = vector.shape_cast %swap3A_454 : vector<1x16xf32> to vector<16xf32>
      %swap3A_456 = vector.shape_cast %get3A_451 : vector<16xf32> to vector<1x16xf32>
      tpu.vector_store %arg9[%swap3A_452, %swap3A_453], %swap3A_456 {add = true, strides = array<i32>} : memref<400x64xf32, #tpu.memory_space<vmem>>, vector<1x16xf32>,
      %scan3A_457 = arith.constant 2 : i32
      %scan3A_458 = arith.addi %scan3A_384, %scan3A_457 : i32
      %get3A_459 = arith.index_cast %scan3A_458 : i32 to index
      %get3A_460 = arith.constant 0 : index
      %get3A_461 = tpu.vector_load %arg10[%get3A_459, %get3A_460] {strides = array<i32>} : memref<400x64xf32, #tpu.memory_space<vmem>>, vector<1x16xf32>,
      %get3A_462 = vector.shape_cast %get3A_461 : vector<1x16xf32> to vector<16xf32>
      %swap3A_463 = arith.index_cast %scan3A_458 : i32 to index
      %swap3A_464 = arith.constant 0 : index
      %swap3A_465 = tpu.vector_load %arg9[%swap3A_463, %swap3A_464] {strides = array<i32>} : memref<400x64xf32, #tpu.memory_space<vmem>>, vector<1x16xf32>,
      %swap3A_466 = vector.shape_cast %swap3A_465 : vector<1x16xf32> to vector<16xf32>
      %swap3A_467 = vector.shape_cast %get3A_462 : vector<16xf32> to vector<1x16xf32>
      tpu.vector_store %arg9[%swap3A_463, %swap3A_464], %swap3A_467 {add = true, strides = array<i32>} : memref<400x64xf32, #tpu.memory_space<vmem>>, vector<1x16xf32>,
      %get3A_468 = arith.index_cast %scan3A_458 : i32 to index
      %get3A_469 = arith.constant 16 : index
      %get3A_470 = tpu.vector_load %arg10[%get3A_468, %get3A_469] {strides = array<i32>} : memref<400x64xf32, #tpu.memory_space<vmem>>, vector<1x16xf32>,
      %get3A_471 = vector.shape_cast %get3A_470 : vector<1x16xf32> to vector<16xf32>
      %swap3A_472 = arith.index_cast %scan3A_458 : i32 to index
      %swap3A_473 = arith.constant 16 : index
      %swap3A_474 = tpu.vector_load %arg9[%swap3A_472, %swap3A_473] {strides = array<i32>} : memref<400x64xf32, #tpu.memory_space<vmem>>, vector<1x16xf32>,
      %swap3A_475 = vector.shape_cast %swap3A_474 : vector<1x16xf32> to vector<16xf32>
      %swap3A_476 = vector.shape_cast %get3A_471 : vector<16xf32> to vector<1x16xf32>
      tpu.vector_store %arg9[%swap3A_472, %swap3A_473], %swap3A_476 {add = true, strides = array<i32>} : memref<400x64xf32, #tpu.memory_space<vmem>>, vector<1x16xf32>,
      %get3A_477 = arith.index_cast %scan3A_458 : i32 to index
      %get3A_478 = arith.constant 32 : index
      %get3A_479 = tpu.vector_load %arg10[%get3A_477, %get3A_478] {strides = array<i32>} : memref<400x64xf32, #tpu.memory_space<vmem>>, vector<1x16xf32>,
      %get3A_480 = vector.shape_cast %get3A_479 : vector<1x16xf32> to vector<16xf32>
      %swap3A_481 = arith.index_cast %scan3A_458 : i32 to index
      %swap3A_482 = arith.constant 32 : index
      %swap3A_483 = tpu.vector_load %arg9[%swap3A_481, %swap3A_482] {strides = array<i32>} : memref<400x64xf32, #tpu.memory_space<vmem>>, vector<1x16xf32>,
      %swap3A_484 = vector.shape_cast %swap3A_483 : vector<1x16xf32> to vector<16xf32>
      %swap3A_485 = vector.shape_cast %get3A_480 : vector<16xf32> to vector<1x16xf32>
      tpu.vector_store %arg9[%swap3A_481, %swap3A_482], %swap3A_485 {add = true, strides = array<i32>} : memref<400x64xf32, #tpu.memory_space<vmem>>, vector<1x16xf32>,
      %get3A_486 = arith.index_cast %scan3A_458 : i32 to index
      %get3A_487 = arith.constant 48 : index
      %get3A_488 = tpu.vector_load %arg10[%get3A_486, %get3A_487] {strides = array<i32>} : memref<400x64xf32, #tpu.memory_space<vmem>>, vector<1x16xf32>,
      %get3A_489 = vector.shape_cast %get3A_488 : vector<1x16xf32> to vector<16xf32>
      %swap3A_490 = arith.index_cast %scan3A_458 : i32 to index
      %swap3A_491 = arith.constant 48 : index
      %swap3A_492 = tpu.vector_load %arg9[%swap3A_490, %swap3A_491] {strides = array<i32>} : memref<400x64xf32, #tpu.memory_space<vmem>>, vector<1x16xf32>,
      %swap3A_493 = vector.shape_cast %swap3A_492 : vector<1x16xf32> to vector<16xf32>
      %swap3A_494 = vector.shape_cast %get3A_489 : vector<16xf32> to vector<1x16xf32>
      tpu.vector_store %arg9[%swap3A_490, %swap3A_491], %swap3A_494 {add = true, strides = array<i32>} : memref<400x64xf32, #tpu.memory_space<vmem>>, vector<1x16xf32>,
      %scan3A_495 = arith.constant 3 : i32
      %scan3A_496 = arith.addi %scan3A_384, %scan3A_495 : i32
      %get3A_497 = arith.index_cast %scan3A_496 : i32 to index
      %get3A_498 = arith.constant 0 : index
      %get3A_499 = tpu.vector_load %arg10[%get3A_497, %get3A_498] {strides = array<i32>} : memref<400x64xf32, #tpu.memory_space<vmem>>, vector<1x16xf32>,
      %get3A_500 = vector.shape_cast %get3A_499 : vector<1x16xf32> to vector<16xf32>
      %swap3A_501 = arith.index_cast %scan3A_496 : i32 to index
      %swap3A_502 = arith.constant 0 : index
      %swap3A_503 = tpu.vector_load %arg9[%swap3A_501, %swap3A_502] {strides = array<i32>} : memref<400x64xf32, #tpu.memory_space<vmem>>, vector<1x16xf32>,
      %swap3A_504 = vector.shape_cast %swap3A_503 : vector<1x16xf32> to vector<16xf32>
      %swap3A_505 = vector.shape_cast %get3A_500 : vector<16xf32> to vector<1x16xf32>
      tpu.vector_store %arg9[%swap3A_501, %swap3A_502], %swap3A_505 {add = true, strides = array<i32>} : memref<400x64xf32, #tpu.memory_space<vmem>>, vector<1x16xf32>,
      %get3A_506 = arith.index_cast %scan3A_496 : i32 to index
      %get3A_507 = arith.constant 16 : index
      %get3A_508 = tpu.vector_load %arg10[%get3A_506, %get3A_507] {strides = array<i32>} : memref<400x64xf32, #tpu.memory_space<vmem>>, vector<1x16xf32>,
      %get3A_509 = vector.shape_cast %get3A_508 : vector<1x16xf32> to vector<16xf32>
      %swap3A_510 = arith.index_cast %scan3A_496 : i32 to index
      %swap3A_511 = arith.constant 16 : index
      %swap3A_512 = tpu.vector_load %arg9[%swap3A_510, %swap3A_511] {strides = array<i32>} : memref<400x64xf32, #tpu.memory_space<vmem>>, vector<1x16xf32>,
      %swap3A_513 = vector.shape_cast %swap3A_512 : vector<1x16xf32> to vector<16xf32>
      %swap3A_514 = vector.shape_cast %get3A_509 : vector<16xf32> to vector<1x16xf32>
      tpu.vector_store %arg9[%swap3A_510, %swap3A_511], %swap3A_514 {add = true, strides = array<i32>} : memref<400x64xf32, #tpu.memory_space<vmem>>, vector<1x16xf32>,
      %get3A_515 = arith.index_cast %scan3A_496 : i32 to index
      %get3A_516 = arith.constant 32 : index
      %get3A_517 = tpu.vector_load %arg10[%get3A_515, %get3A_516] {strides = array<i32>} : memref<400x64xf32, #tpu.memory_space<vmem>>, vector<1x16xf32>,
      %get3A_518 = vector.shape_cast %get3A_517 : vector<1x16xf32> to vector<16xf32>
      %swap3A_519 = arith.index_cast %scan3A_496 : i32 to index
      %swap3A_520 = arith.constant 32 : index
      %swap3A_521 = tpu.vector_load %arg9[%swap3A_519, %swap3A_520] {strides = array<i32>} : memref<400x64xf32, #tpu.memory_space<vmem>>, vector<1x16xf32>,
      %swap3A_522 = vector.shape_cast %swap3A_521 : vector<1x16xf32> to vector<16xf32>
      %swap3A_523 = vector.shape_cast %get3A_518 : vector<16xf32> to vector<1x16xf32>
      tpu.vector_store %arg9[%swap3A_519, %swap3A_520], %swap3A_523 {add = true, strides = array<i32>} : memref<400x64xf32, #tpu.memory_space<vmem>>, vector<1x16xf32>,
      %get3A_524 = arith.index_cast %scan3A_496 : i32 to index
      %get3A_525 = arith.constant 48 : index
      %get3A_526 = tpu.vector_load %arg10[%get3A_524, %get3A_525] {strides = array<i32>} : memref<400x64xf32, #tpu.memory_space<vmem>>, vector<1x16xf32>,
      %get3A_527 = vector.shape_cast %get3A_526 : vector<1x16xf32> to vector<16xf32>
      %swap3A_528 = arith.index_cast %scan3A_496 : i32 to index
      %swap3A_529 = arith.constant 48 : index
      %swap3A_530 = tpu.vector_load %arg9[%swap3A_528, %swap3A_529] {strides = array<i32>} : memref<400x64xf32, #tpu.memory_space<vmem>>, vector<1x16xf32>,
      %swap3A_531 = vector.shape_cast %swap3A_530 : vector<1x16xf32> to vector<16xf32>
      %swap3A_532 = vector.shape_cast %get3A_527 : vector<16xf32> to vector<1x16xf32>
      tpu.vector_store %arg9[%swap3A_528, %swap3A_529], %swap3A_532 {add = true, strides = array<i32>} : memref<400x64xf32, #tpu.memory_space<vmem>>, vector<1x16xf32>,
    }
    %scan3A_282 = arith.constant 400 : i32
    %add3A_283 = arith.constant 4400 : i32
    %add3A_284 = arith.addi %mul3A_2, %add3A_283 : i32
    %dma_start3A_285 = arith.constant 0 : i32
    %dma_start3A_286 = tpu.memref_slice %arg5[%add3A_284, %dma_start3A_285] : memref<204800x64xf32, #tpu.memory_space<hbm>> -> memref<400x64xf32, #tpu.memory_space<hbm>>
    %dma_start3A_287 = arith.constant 0 : i32
    %dma_start3A_288 = tpu.memref_slice %arg5[%add3A_284, %dma_start3A_287] : memref<204800x64xf32, #tpu.memory_space<hbm>> -> memref<400x64xf32, #tpu.memory_space<hbm>>
    tpu.enqueue_dma source(%arg9 : memref<400x64xf32, #tpu.memory_space<vmem>>) target(%dma_start3A_288 : memref<400x64xf32, #tpu.memory_space<hbm>>) target_semaphore(%arg14 : memref<!tpu.dma_semaphore, #tpu.memory_space<semaphore_mem>>)
    %dma_wait3A_289 = arith.constant 0 : i32
    %dma_wait3A_290 = tpu.memref_slice %arg5[%add3A_284, %dma_wait3A_289] : memref<204800x64xf32, #tpu.memory_space<hbm>> -> memref<400x64xf32, #tpu.memory_space<hbm>>
    %dma_wait3A_291 = arith.constant 0 : i32
    %dma_wait3A_292 = tpu.memref_slice %arg5[%add3A_284, %dma_wait3A_291] : memref<204800x64xf32, #tpu.memory_space<hbm>> -> memref<400x64xf32, #tpu.memory_space<hbm>>
    tpu.wait_dma2 semaphore(%arg14 : memref<!tpu.dma_semaphore, #tpu.memory_space<semaphore_mem>>) src(%arg9 : memref<400x64xf32, #tpu.memory_space<vmem>>) dst(%dma_wait3A_292 : memref<400x64xf32, #tpu.memory_space<hbm>>)
    %add3A_293 = arith.constant 5200 : i32
    %add3A_294 = arith.addi %mul3A_2, %add3A_293 : i32
    "tpu.region"() ({
      %run_scoped3A = tpu.sem_alloc : memref<!tpu.dma_semaphore, #tpu.memory_space<semaphore_mem>>
      %dma_start3A_384 = tpu.memref_slice %arg2[%add3A_294] : memref<204800xi32, #tpu.memory_space<hbm>> -> memref<400xi32, #tpu.memory_space<hbm>>
      %dma_start3A_385 = tpu.memref_slice %arg2[%add3A_294] : memref<204800xi32, #tpu.memory_space<hbm>> -> memref<400xi32, #tpu.memory_space<hbm>>
      tpu.enqueue_dma source(%dma_start3A_385 : memref<400xi32, #tpu.memory_space<hbm>>) target(%arg7 : memref<400xi32, #tpu.memory_space<vmem>>) target_semaphore(%run_scoped3A : memref<!tpu.dma_semaphore, #tpu.memory_space<semaphore_mem>>)
      %dma_wait3A_386 = tpu.memref_slice %arg2[%add3A_294] : memref<204800xi32, #tpu.memory_space<hbm>> -> memref<400xi32, #tpu.memory_space<hbm>>
      %dma_wait3A_387 = tpu.memref_slice %arg2[%add3A_294] : memref<204800xi32, #tpu.memory_space<hbm>> -> memref<400xi32, #tpu.memory_space<hbm>>
      tpu.wait_dma2 semaphore(%run_scoped3A : memref<!tpu.dma_semaphore, #tpu.memory_space<semaphore_mem>>) src(%dma_wait3A_387 : memref<400xi32, #tpu.memory_space<hbm>>) dst(%arg7 : memref<400xi32, #tpu.memory_space<vmem>>)
      tpu.yield
    }) : () -> ()
    %dma_start3A_295 = arith.constant 0 : i32
    %dma_start3A_296 = arith.constant 0 : i32
    %dma_start3A_297 = tpu.memref_slice %arg3[%dma_start3A_295, %dma_start3A_296] : memref<1000000x64xf32, #tpu.memory_space<hbm>> -> memref<1000000x64xf32, #tpu.memory_space<hbm>>
    tpu.enqueue_indirect_dma source(%dma_start3A_297 : memref<1000000x64xf32, #tpu.memory_space<hbm>>) target(%arg9 : memref<400x64xf32, #tpu.memory_space<vmem>>) offsets(%arg7 : memref<400xi32, #tpu.memory_space<vmem>>) semaphore(%arg12 : memref<!tpu.dma_semaphore, #tpu.memory_space<semaphore_mem>>)
    %dma_wait3A_298 = arith.constant 0 : i32
    %dma_wait3A_299 = arith.constant 0 : i32
    %dma_wait3A_300 = tpu.memref_slice %arg3[%dma_wait3A_298, %dma_wait3A_299] : memref<1000000x64xf32, #tpu.memory_space<hbm>> -> memref<1000000x64xf32, #tpu.memory_space<hbm>>
    tpu.wait_indirect_dma semaphore(%arg11 : memref<!tpu.dma_semaphore, #tpu.memory_space<semaphore_mem>>) src(%dma_wait3A_300 : memref<1000000x64xf32, #tpu.memory_space<hbm>>) dst(%arg8 : memref<400x64xf32, #tpu.memory_space<vmem>>)
    %scan3A_301 = arith.constant 0 : i32
    %scan3A_302 = arith.constant 0 : i32
    %scan3A_303 = arith.constant 400 : i32
    %scan3A_304 = arith.addi %scan3A_302, %scan3A_303 : i32
    %scan3A_305 = arith.constant 4 : i32
    scf.for %scan3A_384 = %scan3A_302 to %scan3A_304 step %scan3A_305  : i32 {
      %get3A = arith.index_cast %scan3A_384 : i32 to index
      %get3A_385 = arith.constant 0 : index
      %get3A_386 = tpu.vector_load %arg10[%get3A, %get3A_385] {strides = array<i32>} : memref<400x64xf32, #tpu.memory_space<vmem>>, vector<1x16xf32>,
      %get3A_387 = vector.shape_cast %get3A_386 : vector<1x16xf32> to vector<16xf32>
      %swap3A = arith.index_cast %scan3A_384 : i32 to index
      %swap3A_388 = arith.constant 0 : index
      %swap3A_389 = tpu.vector_load %arg8[%swap3A, %swap3A_388] {strides = array<i32>} : memref<400x64xf32, #tpu.memory_space<vmem>>, vector<1x16xf32>,
      %swap3A_390 = vector.shape_cast %swap3A_389 : vector<1x16xf32> to vector<16xf32>
      %swap3A_391 = vector.shape_cast %get3A_387 : vector<16xf32> to vector<1x16xf32>
      tpu.vector_store %arg8[%swap3A, %swap3A_388], %swap3A_391 {add = true, strides = array<i32>} : memref<400x64xf32, #tpu.memory_space<vmem>>, vector<1x16xf32>,
      %get3A_392 = arith.index_cast %scan3A_384 : i32 to index
      %get3A_393 = arith.constant 16 : index
      %get3A_394 = tpu.vector_load %arg10[%get3A_392, %get3A_393] {strides = array<i32>} : memref<400x64xf32, #tpu.memory_space<vmem>>, vector<1x16xf32>,
      %get3A_395 = vector.shape_cast %get3A_394 : vector<1x16xf32> to vector<16xf32>
      %swap3A_396 = arith.index_cast %scan3A_384 : i32 to index
      %swap3A_397 = arith.constant 16 : index
      %swap3A_398 = tpu.vector_load %arg8[%swap3A_396, %swap3A_397] {strides = array<i32>} : memref<400x64xf32, #tpu.memory_space<vmem>>, vector<1x16xf32>,
      %swap3A_399 = vector.shape_cast %swap3A_398 : vector<1x16xf32> to vector<16xf32>
      %swap3A_400 = vector.shape_cast %get3A_395 : vector<16xf32> to vector<1x16xf32>
      tpu.vector_store %arg8[%swap3A_396, %swap3A_397], %swap3A_400 {add = true, strides = array<i32>} : memref<400x64xf32, #tpu.memory_space<vmem>>, vector<1x16xf32>,
      %get3A_401 = arith.index_cast %scan3A_384 : i32 to index
      %get3A_402 = arith.constant 32 : index
      %get3A_403 = tpu.vector_load %arg10[%get3A_401, %get3A_402] {strides = array<i32>} : memref<400x64xf32, #tpu.memory_space<vmem>>, vector<1x16xf32>,
      %get3A_404 = vector.shape_cast %get3A_403 : vector<1x16xf32> to vector<16xf32>
      %swap3A_405 = arith.index_cast %scan3A_384 : i32 to index
      %swap3A_406 = arith.constant 32 : index
      %swap3A_407 = tpu.vector_load %arg8[%swap3A_405, %swap3A_406] {strides = array<i32>} : memref<400x64xf32, #tpu.memory_space<vmem>>, vector<1x16xf32>,
      %swap3A_408 = vector.shape_cast %swap3A_407 : vector<1x16xf32> to vector<16xf32>
      %swap3A_409 = vector.shape_cast %get3A_404 : vector<16xf32> to vector<1x16xf32>
      tpu.vector_store %arg8[%swap3A_405, %swap3A_406], %swap3A_409 {add = true, strides = array<i32>} : memref<400x64xf32, #tpu.memory_space<vmem>>, vector<1x16xf32>,
      %get3A_410 = arith.index_cast %scan3A_384 : i32 to index
      %get3A_411 = arith.constant 48 : index
      %get3A_412 = tpu.vector_load %arg10[%get3A_410, %get3A_411] {strides = array<i32>} : memref<400x64xf32, #tpu.memory_space<vmem>>, vector<1x16xf32>,
      %get3A_413 = vector.shape_cast %get3A_412 : vector<1x16xf32> to vector<16xf32>
      %swap3A_414 = arith.index_cast %scan3A_384 : i32 to index
      %swap3A_415 = arith.constant 48 : index
      %swap3A_416 = tpu.vector_load %arg8[%swap3A_414, %swap3A_415] {strides = array<i32>} : memref<400x64xf32, #tpu.memory_space<vmem>>, vector<1x16xf32>,
      %swap3A_417 = vector.shape_cast %swap3A_416 : vector<1x16xf32> to vector<16xf32>
      %swap3A_418 = vector.shape_cast %get3A_413 : vector<16xf32> to vector<1x16xf32>
      tpu.vector_store %arg8[%swap3A_414, %swap3A_415], %swap3A_418 {add = true, strides = array<i32>} : memref<400x64xf32, #tpu.memory_space<vmem>>, vector<1x16xf32>,
      %scan3A_419 = arith.constant 1 : i32
      %scan3A_420 = arith.addi %scan3A_384, %scan3A_419 : i32
      %get3A_421 = arith.index_cast %scan3A_420 : i32 to index
      %get3A_422 = arith.constant 0 : index
      %get3A_423 = tpu.vector_load %arg10[%get3A_421, %get3A_422] {strides = array<i32>} : memref<400x64xf32, #tpu.memory_space<vmem>>, vector<1x16xf32>,
      %get3A_424 = vector.shape_cast %get3A_423 : vector<1x16xf32> to vector<16xf32>
      %swap3A_425 = arith.index_cast %scan3A_420 : i32 to index
      %swap3A_426 = arith.constant 0 : index
      %swap3A_427 = tpu.vector_load %arg8[%swap3A_425, %swap3A_426] {strides = array<i32>} : memref<400x64xf32, #tpu.memory_space<vmem>>, vector<1x16xf32>,
      %swap3A_428 = vector.shape_cast %swap3A_427 : vector<1x16xf32> to vector<16xf32>
      %swap3A_429 = vector.shape_cast %get3A_424 : vector<16xf32> to vector<1x16xf32>
      tpu.vector_store %arg8[%swap3A_425, %swap3A_426], %swap3A_429 {add = true, strides = array<i32>} : memref<400x64xf32, #tpu.memory_space<vmem>>, vector<1x16xf32>,
      %get3A_430 = arith.index_cast %scan3A_420 : i32 to index
      %get3A_431 = arith.constant 16 : index
      %get3A_432 = tpu.vector_load %arg10[%get3A_430, %get3A_431] {strides = array<i32>} : memref<400x64xf32, #tpu.memory_space<vmem>>, vector<1x16xf32>,
      %get3A_433 = vector.shape_cast %get3A_432 : vector<1x16xf32> to vector<16xf32>
      %swap3A_434 = arith.index_cast %scan3A_420 : i32 to index
      %swap3A_435 = arith.constant 16 : index
      %swap3A_436 = tpu.vector_load %arg8[%swap3A_434, %swap3A_435] {strides = array<i32>} : memref<400x64xf32, #tpu.memory_space<vmem>>, vector<1x16xf32>,
      %swap3A_437 = vector.shape_cast %swap3A_436 : vector<1x16xf32> to vector<16xf32>
      %swap3A_438 = vector.shape_cast %get3A_433 : vector<16xf32> to vector<1x16xf32>
      tpu.vector_store %arg8[%swap3A_434, %swap3A_435], %swap3A_438 {add = true, strides = array<i32>} : memref<400x64xf32, #tpu.memory_space<vmem>>, vector<1x16xf32>,
      %get3A_439 = arith.index_cast %scan3A_420 : i32 to index
      %get3A_440 = arith.constant 32 : index
      %get3A_441 = tpu.vector_load %arg10[%get3A_439, %get3A_440] {strides = array<i32>} : memref<400x64xf32, #tpu.memory_space<vmem>>, vector<1x16xf32>,
      %get3A_442 = vector.shape_cast %get3A_441 : vector<1x16xf32> to vector<16xf32>
      %swap3A_443 = arith.index_cast %scan3A_420 : i32 to index
      %swap3A_444 = arith.constant 32 : index
      %swap3A_445 = tpu.vector_load %arg8[%swap3A_443, %swap3A_444] {strides = array<i32>} : memref<400x64xf32, #tpu.memory_space<vmem>>, vector<1x16xf32>,
      %swap3A_446 = vector.shape_cast %swap3A_445 : vector<1x16xf32> to vector<16xf32>
      %swap3A_447 = vector.shape_cast %get3A_442 : vector<16xf32> to vector<1x16xf32>
      tpu.vector_store %arg8[%swap3A_443, %swap3A_444], %swap3A_447 {add = true, strides = array<i32>} : memref<400x64xf32, #tpu.memory_space<vmem>>, vector<1x16xf32>,
      %get3A_448 = arith.index_cast %scan3A_420 : i32 to index
      %get3A_449 = arith.constant 48 : index
      %get3A_450 = tpu.vector_load %arg10[%get3A_448, %get3A_449] {strides = array<i32>} : memref<400x64xf32, #tpu.memory_space<vmem>>, vector<1x16xf32>,
      %get3A_451 = vector.shape_cast %get3A_450 : vector<1x16xf32> to vector<16xf32>
      %swap3A_452 = arith.index_cast %scan3A_420 : i32 to index
      %swap3A_453 = arith.constant 48 : index
      %swap3A_454 = tpu.vector_load %arg8[%swap3A_452, %swap3A_453] {strides = array<i32>} : memref<400x64xf32, #tpu.memory_space<vmem>>, vector<1x16xf32>,
      %swap3A_455 = vector.shape_cast %swap3A_454 : vector<1x16xf32> to vector<16xf32>
      %swap3A_456 = vector.shape_cast %get3A_451 : vector<16xf32> to vector<1x16xf32>
      tpu.vector_store %arg8[%swap3A_452, %swap3A_453], %swap3A_456 {add = true, strides = array<i32>} : memref<400x64xf32, #tpu.memory_space<vmem>>, vector<1x16xf32>,
      %scan3A_457 = arith.constant 2 : i32
      %scan3A_458 = arith.addi %scan3A_384, %scan3A_457 : i32
      %get3A_459 = arith.index_cast %scan3A_458 : i32 to index
      %get3A_460 = arith.constant 0 : index
      %get3A_461 = tpu.vector_load %arg10[%get3A_459, %get3A_460] {strides = array<i32>} : memref<400x64xf32, #tpu.memory_space<vmem>>, vector<1x16xf32>,
      %get3A_462 = vector.shape_cast %get3A_461 : vector<1x16xf32> to vector<16xf32>
      %swap3A_463 = arith.index_cast %scan3A_458 : i32 to index
      %swap3A_464 = arith.constant 0 : index
      %swap3A_465 = tpu.vector_load %arg8[%swap3A_463, %swap3A_464] {strides = array<i32>} : memref<400x64xf32, #tpu.memory_space<vmem>>, vector<1x16xf32>,
      %swap3A_466 = vector.shape_cast %swap3A_465 : vector<1x16xf32> to vector<16xf32>
      %swap3A_467 = vector.shape_cast %get3A_462 : vector<16xf32> to vector<1x16xf32>
      tpu.vector_store %arg8[%swap3A_463, %swap3A_464], %swap3A_467 {add = true, strides = array<i32>} : memref<400x64xf32, #tpu.memory_space<vmem>>, vector<1x16xf32>,
      %get3A_468 = arith.index_cast %scan3A_458 : i32 to index
      %get3A_469 = arith.constant 16 : index
      %get3A_470 = tpu.vector_load %arg10[%get3A_468, %get3A_469] {strides = array<i32>} : memref<400x64xf32, #tpu.memory_space<vmem>>, vector<1x16xf32>,
      %get3A_471 = vector.shape_cast %get3A_470 : vector<1x16xf32> to vector<16xf32>
      %swap3A_472 = arith.index_cast %scan3A_458 : i32 to index
      %swap3A_473 = arith.constant 16 : index
      %swap3A_474 = tpu.vector_load %arg8[%swap3A_472, %swap3A_473] {strides = array<i32>} : memref<400x64xf32, #tpu.memory_space<vmem>>, vector<1x16xf32>,
      %swap3A_475 = vector.shape_cast %swap3A_474 : vector<1x16xf32> to vector<16xf32>
      %swap3A_476 = vector.shape_cast %get3A_471 : vector<16xf32> to vector<1x16xf32>
      tpu.vector_store %arg8[%swap3A_472, %swap3A_473], %swap3A_476 {add = true, strides = array<i32>} : memref<400x64xf32, #tpu.memory_space<vmem>>, vector<1x16xf32>,
      %get3A_477 = arith.index_cast %scan3A_458 : i32 to index
      %get3A_478 = arith.constant 32 : index
      %get3A_479 = tpu.vector_load %arg10[%get3A_477, %get3A_478] {strides = array<i32>} : memref<400x64xf32, #tpu.memory_space<vmem>>, vector<1x16xf32>,
      %get3A_480 = vector.shape_cast %get3A_479 : vector<1x16xf32> to vector<16xf32>
      %swap3A_481 = arith.index_cast %scan3A_458 : i32 to index
      %swap3A_482 = arith.constant 32 : index
      %swap3A_483 = tpu.vector_load %arg8[%swap3A_481, %swap3A_482] {strides = array<i32>} : memref<400x64xf32, #tpu.memory_space<vmem>>, vector<1x16xf32>,
      %swap3A_484 = vector.shape_cast %swap3A_483 : vector<1x16xf32> to vector<16xf32>
      %swap3A_485 = vector.shape_cast %get3A_480 : vector<16xf32> to vector<1x16xf32>
      tpu.vector_store %arg8[%swap3A_481, %swap3A_482], %swap3A_485 {add = true, strides = array<i32>} : memref<400x64xf32, #tpu.memory_space<vmem>>, vector<1x16xf32>,
      %get3A_486 = arith.index_cast %scan3A_458 : i32 to index
      %get3A_487 = arith.constant 48 : index
      %get3A_488 = tpu.vector_load %arg10[%get3A_486, %get3A_487] {strides = array<i32>} : memref<400x64xf32, #tpu.memory_space<vmem>>, vector<1x16xf32>,
      %get3A_489 = vector.shape_cast %get3A_488 : vector<1x16xf32> to vector<16xf32>
      %swap3A_490 = arith.index_cast %scan3A_458 : i32 to index
      %swap3A_491 = arith.constant 48 : index
      %swap3A_492 = tpu.vector_load %arg8[%swap3A_490, %swap3A_491] {strides = array<i32>} : memref<400x64xf32, #tpu.memory_space<vmem>>, vector<1x16xf32>,
      %swap3A_493 = vector.shape_cast %swap3A_492 : vector<1x16xf32> to vector<16xf32>
      %swap3A_494 = vector.shape_cast %get3A_489 : vector<16xf32> to vector<1x16xf32>
      tpu.vector_store %arg8[%swap3A_490, %swap3A_491], %swap3A_494 {add = true, strides = array<i32>} : memref<400x64xf32, #tpu.memory_space<vmem>>, vector<1x16xf32>,
      %scan3A_495 = arith.constant 3 : i32
      %scan3A_496 = arith.addi %scan3A_384, %scan3A_495 : i32
      %get3A_497 = arith.index_cast %scan3A_496 : i32 to index
      %get3A_498 = arith.constant 0 : index
      %get3A_499 = tpu.vector_load %arg10[%get3A_497, %get3A_498] {strides = array<i32>} : memref<400x64xf32, #tpu.memory_space<vmem>>, vector<1x16xf32>,
      %get3A_500 = vector.shape_cast %get3A_499 : vector<1x16xf32> to vector<16xf32>
      %swap3A_501 = arith.index_cast %scan3A_496 : i32 to index
      %swap3A_502 = arith.constant 0 : index
      %swap3A_503 = tpu.vector_load %arg8[%swap3A_501, %swap3A_502] {strides = array<i32>} : memref<400x64xf32, #tpu.memory_space<vmem>>, vector<1x16xf32>,
      %swap3A_504 = vector.shape_cast %swap3A_503 : vector<1x16xf32> to vector<16xf32>
      %swap3A_505 = vector.shape_cast %get3A_500 : vector<16xf32> to vector<1x16xf32>
      tpu.vector_store %arg8[%swap3A_501, %swap3A_502], %swap3A_505 {add = true, strides = array<i32>} : memref<400x64xf32, #tpu.memory_space<vmem>>, vector<1x16xf32>,
      %get3A_506 = arith.index_cast %scan3A_496 : i32 to index
      %get3A_507 = arith.constant 16 : index
      %get3A_508 = tpu.vector_load %arg10[%get3A_506, %get3A_507] {strides = array<i32>} : memref<400x64xf32, #tpu.memory_space<vmem>>, vector<1x16xf32>,
      %get3A_509 = vector.shape_cast %get3A_508 : vector<1x16xf32> to vector<16xf32>
      %swap3A_510 = arith.index_cast %scan3A_496 : i32 to index
      %swap3A_511 = arith.constant 16 : index
      %swap3A_512 = tpu.vector_load %arg8[%swap3A_510, %swap3A_511] {strides = array<i32>} : memref<400x64xf32, #tpu.memory_space<vmem>>, vector<1x16xf32>,
      %swap3A_513 = vector.shape_cast %swap3A_512 : vector<1x16xf32> to vector<16xf32>
      %swap3A_514 = vector.shape_cast %get3A_509 : vector<16xf32> to vector<1x16xf32>
      tpu.vector_store %arg8[%swap3A_510, %swap3A_511], %swap3A_514 {add = true, strides = array<i32>} : memref<400x64xf32, #tpu.memory_space<vmem>>, vector<1x16xf32>,
      %get3A_515 = arith.index_cast %scan3A_496 : i32 to index
      %get3A_516 = arith.constant 32 : index
      %get3A_517 = tpu.vector_load %arg10[%get3A_515, %get3A_516] {strides = array<i32>} : memref<400x64xf32, #tpu.memory_space<vmem>>, vector<1x16xf32>,
      %get3A_518 = vector.shape_cast %get3A_517 : vector<1x16xf32> to vector<16xf32>
      %swap3A_519 = arith.index_cast %scan3A_496 : i32 to index
      %swap3A_520 = arith.constant 32 : index
      %swap3A_521 = tpu.vector_load %arg8[%swap3A_519, %swap3A_520] {strides = array<i32>} : memref<400x64xf32, #tpu.memory_space<vmem>>, vector<1x16xf32>,
      %swap3A_522 = vector.shape_cast %swap3A_521 : vector<1x16xf32> to vector<16xf32>
      %swap3A_523 = vector.shape_cast %get3A_518 : vector<16xf32> to vector<1x16xf32>
      tpu.vector_store %arg8[%swap3A_519, %swap3A_520], %swap3A_523 {add = true, strides = array<i32>} : memref<400x64xf32, #tpu.memory_space<vmem>>, vector<1x16xf32>,
      %get3A_524 = arith.index_cast %scan3A_496 : i32 to index
      %get3A_525 = arith.constant 48 : index
      %get3A_526 = tpu.vector_load %arg10[%get3A_524, %get3A_525] {strides = array<i32>} : memref<400x64xf32, #tpu.memory_space<vmem>>, vector<1x16xf32>,
      %get3A_527 = vector.shape_cast %get3A_526 : vector<1x16xf32> to vector<16xf32>
      %swap3A_528 = arith.index_cast %scan3A_496 : i32 to index
      %swap3A_529 = arith.constant 48 : index
      %swap3A_530 = tpu.vector_load %arg8[%swap3A_528, %swap3A_529] {strides = array<i32>} : memref<400x64xf32, #tpu.memory_space<vmem>>, vector<1x16xf32>,
      %swap3A_531 = vector.shape_cast %swap3A_530 : vector<1x16xf32> to vector<16xf32>
      %swap3A_532 = vector.shape_cast %get3A_527 : vector<16xf32> to vector<1x16xf32>
      tpu.vector_store %arg8[%swap3A_528, %swap3A_529], %swap3A_532 {add = true, strides = array<i32>} : memref<400x64xf32, #tpu.memory_space<vmem>>, vector<1x16xf32>,
    }
    %scan3A_306 = arith.constant 400 : i32
    %add3A_307 = arith.constant 4800 : i32
    %add3A_308 = arith.addi %mul3A_2, %add3A_307 : i32
    %dma_start3A_309 = arith.constant 0 : i32
    %dma_start3A_310 = tpu.memref_slice %arg5[%add3A_308, %dma_start3A_309] : memref<204800x64xf32, #tpu.memory_space<hbm>> -> memref<400x64xf32, #tpu.memory_space<hbm>>
    %dma_start3A_311 = arith.constant 0 : i32
    %dma_start3A_312 = tpu.memref_slice %arg5[%add3A_308, %dma_start3A_311] : memref<204800x64xf32, #tpu.memory_space<hbm>> -> memref<400x64xf32, #tpu.memory_space<hbm>>
    tpu.enqueue_dma source(%arg8 : memref<400x64xf32, #tpu.memory_space<vmem>>) target(%dma_start3A_312 : memref<400x64xf32, #tpu.memory_space<hbm>>) target_semaphore(%arg13 : memref<!tpu.dma_semaphore, #tpu.memory_space<semaphore_mem>>)
    %dma_wait3A_313 = arith.constant 0 : i32
    %dma_wait3A_314 = tpu.memref_slice %arg5[%add3A_308, %dma_wait3A_313] : memref<204800x64xf32, #tpu.memory_space<hbm>> -> memref<400x64xf32, #tpu.memory_space<hbm>>
    %dma_wait3A_315 = arith.constant 0 : i32
    %dma_wait3A_316 = tpu.memref_slice %arg5[%add3A_308, %dma_wait3A_315] : memref<204800x64xf32, #tpu.memory_space<hbm>> -> memref<400x64xf32, #tpu.memory_space<hbm>>
    tpu.wait_dma2 semaphore(%arg13 : memref<!tpu.dma_semaphore, #tpu.memory_space<semaphore_mem>>) src(%arg8 : memref<400x64xf32, #tpu.memory_space<vmem>>) dst(%dma_wait3A_316 : memref<400x64xf32, #tpu.memory_space<hbm>>)
    %add3A_317 = arith.constant 5600 : i32
    %add3A_318 = arith.addi %mul3A_2, %add3A_317 : i32
    "tpu.region"() ({
      %run_scoped3A = tpu.sem_alloc : memref<!tpu.dma_semaphore, #tpu.memory_space<semaphore_mem>>
      %dma_start3A_384 = tpu.memref_slice %arg2[%add3A_318] : memref<204800xi32, #tpu.memory_space<hbm>> -> memref<400xi32, #tpu.memory_space<hbm>>
      %dma_start3A_385 = tpu.memref_slice %arg2[%add3A_318] : memref<204800xi32, #tpu.memory_space<hbm>> -> memref<400xi32, #tpu.memory_space<hbm>>
      tpu.enqueue_dma source(%dma_start3A_385 : memref<400xi32, #tpu.memory_space<hbm>>) target(%arg6 : memref<400xi32, #tpu.memory_space<vmem>>) target_semaphore(%run_scoped3A : memref<!tpu.dma_semaphore, #tpu.memory_space<semaphore_mem>>)
      %dma_wait3A_386 = tpu.memref_slice %arg2[%add3A_318] : memref<204800xi32, #tpu.memory_space<hbm>> -> memref<400xi32, #tpu.memory_space<hbm>>
      %dma_wait3A_387 = tpu.memref_slice %arg2[%add3A_318] : memref<204800xi32, #tpu.memory_space<hbm>> -> memref<400xi32, #tpu.memory_space<hbm>>
      tpu.wait_dma2 semaphore(%run_scoped3A : memref<!tpu.dma_semaphore, #tpu.memory_space<semaphore_mem>>) src(%dma_wait3A_387 : memref<400xi32, #tpu.memory_space<hbm>>) dst(%arg6 : memref<400xi32, #tpu.memory_space<vmem>>)
      tpu.yield
    }) : () -> ()
    %dma_start3A_319 = arith.constant 0 : i32
    %dma_start3A_320 = arith.constant 0 : i32
    %dma_start3A_321 = tpu.memref_slice %arg3[%dma_start3A_319, %dma_start3A_320] : memref<1000000x64xf32, #tpu.memory_space<hbm>> -> memref<1000000x64xf32, #tpu.memory_space<hbm>>
    tpu.enqueue_indirect_dma source(%dma_start3A_321 : memref<1000000x64xf32, #tpu.memory_space<hbm>>) target(%arg8 : memref<400x64xf32, #tpu.memory_space<vmem>>) offsets(%arg6 : memref<400xi32, #tpu.memory_space<vmem>>) semaphore(%arg11 : memref<!tpu.dma_semaphore, #tpu.memory_space<semaphore_mem>>)
    %dma_wait3A_322 = arith.constant 0 : i32
    %dma_wait3A_323 = arith.constant 0 : i32
    %dma_wait3A_324 = tpu.memref_slice %arg3[%dma_wait3A_322, %dma_wait3A_323] : memref<1000000x64xf32, #tpu.memory_space<hbm>> -> memref<1000000x64xf32, #tpu.memory_space<hbm>>
    tpu.wait_indirect_dma semaphore(%arg12 : memref<!tpu.dma_semaphore, #tpu.memory_space<semaphore_mem>>) src(%dma_wait3A_324 : memref<1000000x64xf32, #tpu.memory_space<hbm>>) dst(%arg9 : memref<400x64xf32, #tpu.memory_space<vmem>>)
    %scan3A_325 = arith.constant 0 : i32
    %scan3A_326 = arith.constant 0 : i32
    %scan3A_327 = arith.constant 400 : i32
    %scan3A_328 = arith.addi %scan3A_326, %scan3A_327 : i32
    %scan3A_329 = arith.constant 4 : i32
    scf.for %scan3A_384 = %scan3A_326 to %scan3A_328 step %scan3A_329  : i32 {
      %get3A = arith.index_cast %scan3A_384 : i32 to index
      %get3A_385 = arith.constant 0 : index
      %get3A_386 = tpu.vector_load %arg10[%get3A, %get3A_385] {strides = array<i32>} : memref<400x64xf32, #tpu.memory_space<vmem>>, vector<1x16xf32>,
      %get3A_387 = vector.shape_cast %get3A_386 : vector<1x16xf32> to vector<16xf32>
      %swap3A = arith.index_cast %scan3A_384 : i32 to index
      %swap3A_388 = arith.constant 0 : index
      %swap3A_389 = tpu.vector_load %arg9[%swap3A, %swap3A_388] {strides = array<i32>} : memref<400x64xf32, #tpu.memory_space<vmem>>, vector<1x16xf32>,
      %swap3A_390 = vector.shape_cast %swap3A_389 : vector<1x16xf32> to vector<16xf32>
      %swap3A_391 = vector.shape_cast %get3A_387 : vector<16xf32> to vector<1x16xf32>
      tpu.vector_store %arg9[%swap3A, %swap3A_388], %swap3A_391 {add = true, strides = array<i32>} : memref<400x64xf32, #tpu.memory_space<vmem>>, vector<1x16xf32>,
      %get3A_392 = arith.index_cast %scan3A_384 : i32 to index
      %get3A_393 = arith.constant 16 : index
      %get3A_394 = tpu.vector_load %arg10[%get3A_392, %get3A_393] {strides = array<i32>} : memref<400x64xf32, #tpu.memory_space<vmem>>, vector<1x16xf32>,
      %get3A_395 = vector.shape_cast %get3A_394 : vector<1x16xf32> to vector<16xf32>
      %swap3A_396 = arith.index_cast %scan3A_384 : i32 to index
      %swap3A_397 = arith.constant 16 : index
      %swap3A_398 = tpu.vector_load %arg9[%swap3A_396, %swap3A_397] {strides = array<i32>} : memref<400x64xf32, #tpu.memory_space<vmem>>, vector<1x16xf32>,
      %swap3A_399 = vector.shape_cast %swap3A_398 : vector<1x16xf32> to vector<16xf32>
      %swap3A_400 = vector.shape_cast %get3A_395 : vector<16xf32> to vector<1x16xf32>
      tpu.vector_store %arg9[%swap3A_396, %swap3A_397], %swap3A_400 {add = true, strides = array<i32>} : memref<400x64xf32, #tpu.memory_space<vmem>>, vector<1x16xf32>,
      %get3A_401 = arith.index_cast %scan3A_384 : i32 to index
      %get3A_402 = arith.constant 32 : index
      %get3A_403 = tpu.vector_load %arg10[%get3A_401, %get3A_402] {strides = array<i32>} : memref<400x64xf32, #tpu.memory_space<vmem>>, vector<1x16xf32>,
      %get3A_404 = vector.shape_cast %get3A_403 : vector<1x16xf32> to vector<16xf32>
      %swap3A_405 = arith.index_cast %scan3A_384 : i32 to index
      %swap3A_406 = arith.constant 32 : index
      %swap3A_407 = tpu.vector_load %arg9[%swap3A_405, %swap3A_406] {strides = array<i32>} : memref<400x64xf32, #tpu.memory_space<vmem>>, vector<1x16xf32>,
      %swap3A_408 = vector.shape_cast %swap3A_407 : vector<1x16xf32> to vector<16xf32>
      %swap3A_409 = vector.shape_cast %get3A_404 : vector<16xf32> to vector<1x16xf32>
      tpu.vector_store %arg9[%swap3A_405, %swap3A_406], %swap3A_409 {add = true, strides = array<i32>} : memref<400x64xf32, #tpu.memory_space<vmem>>, vector<1x16xf32>,
      %get3A_410 = arith.index_cast %scan3A_384 : i32 to index
      %get3A_411 = arith.constant 48 : index
      %get3A_412 = tpu.vector_load %arg10[%get3A_410, %get3A_411] {strides = array<i32>} : memref<400x64xf32, #tpu.memory_space<vmem>>, vector<1x16xf32>,
      %get3A_413 = vector.shape_cast %get3A_412 : vector<1x16xf32> to vector<16xf32>
      %swap3A_414 = arith.index_cast %scan3A_384 : i32 to index
      %swap3A_415 = arith.constant 48 : index
      %swap3A_416 = tpu.vector_load %arg9[%swap3A_414, %swap3A_415] {strides = array<i32>} : memref<400x64xf32, #tpu.memory_space<vmem>>, vector<1x16xf32>,
      %swap3A_417 = vector.shape_cast %swap3A_416 : vector<1x16xf32> to vector<16xf32>
      %swap3A_418 = vector.shape_cast %get3A_413 : vector<16xf32> to vector<1x16xf32>
      tpu.vector_store %arg9[%swap3A_414, %swap3A_415], %swap3A_418 {add = true, strides = array<i32>} : memref<400x64xf32, #tpu.memory_space<vmem>>, vector<1x16xf32>,
      %scan3A_419 = arith.constant 1 : i32
      %scan3A_420 = arith.addi %scan3A_384, %scan3A_419 : i32
      %get3A_421 = arith.index_cast %scan3A_420 : i32 to index
      %get3A_422 = arith.constant 0 : index
      %get3A_423 = tpu.vector_load %arg10[%get3A_421, %get3A_422] {strides = array<i32>} : memref<400x64xf32, #tpu.memory_space<vmem>>, vector<1x16xf32>,
      %get3A_424 = vector.shape_cast %get3A_423 : vector<1x16xf32> to vector<16xf32>
      %swap3A_425 = arith.index_cast %scan3A_420 : i32 to index
      %swap3A_426 = arith.constant 0 : index
      %swap3A_427 = tpu.vector_load %arg9[%swap3A_425, %swap3A_426] {strides = array<i32>} : memref<400x64xf32, #tpu.memory_space<vmem>>, vector<1x16xf32>,
      %swap3A_428 = vector.shape_cast %swap3A_427 : vector<1x16xf32> to vector<16xf32>
      %swap3A_429 = vector.shape_cast %get3A_424 : vector<16xf32> to vector<1x16xf32>
      tpu.vector_store %arg9[%swap3A_425, %swap3A_426], %swap3A_429 {add = true, strides = array<i32>} : memref<400x64xf32, #tpu.memory_space<vmem>>, vector<1x16xf32>,
      %get3A_430 = arith.index_cast %scan3A_420 : i32 to index
      %get3A_431 = arith.constant 16 : index
      %get3A_432 = tpu.vector_load %arg10[%get3A_430, %get3A_431] {strides = array<i32>} : memref<400x64xf32, #tpu.memory_space<vmem>>, vector<1x16xf32>,
      %get3A_433 = vector.shape_cast %get3A_432 : vector<1x16xf32> to vector<16xf32>
      %swap3A_434 = arith.index_cast %scan3A_420 : i32 to index
      %swap3A_435 = arith.constant 16 : index
      %swap3A_436 = tpu.vector_load %arg9[%swap3A_434, %swap3A_435] {strides = array<i32>} : memref<400x64xf32, #tpu.memory_space<vmem>>, vector<1x16xf32>,
      %swap3A_437 = vector.shape_cast %swap3A_436 : vector<1x16xf32> to vector<16xf32>
      %swap3A_438 = vector.shape_cast %get3A_433 : vector<16xf32> to vector<1x16xf32>
      tpu.vector_store %arg9[%swap3A_434, %swap3A_435], %swap3A_438 {add = true, strides = array<i32>} : memref<400x64xf32, #tpu.memory_space<vmem>>, vector<1x16xf32>,
      %get3A_439 = arith.index_cast %scan3A_420 : i32 to index
      %get3A_440 = arith.constant 32 : index
      %get3A_441 = tpu.vector_load %arg10[%get3A_439, %get3A_440] {strides = array<i32>} : memref<400x64xf32, #tpu.memory_space<vmem>>, vector<1x16xf32>,
      %get3A_442 = vector.shape_cast %get3A_441 : vector<1x16xf32> to vector<16xf32>
      %swap3A_443 = arith.index_cast %scan3A_420 : i32 to index
      %swap3A_444 = arith.constant 32 : index
      %swap3A_445 = tpu.vector_load %arg9[%swap3A_443, %swap3A_444] {strides = array<i32>} : memref<400x64xf32, #tpu.memory_space<vmem>>, vector<1x16xf32>,
      %swap3A_446 = vector.shape_cast %swap3A_445 : vector<1x16xf32> to vector<16xf32>
      %swap3A_447 = vector.shape_cast %get3A_442 : vector<16xf32> to vector<1x16xf32>
      tpu.vector_store %arg9[%swap3A_443, %swap3A_444], %swap3A_447 {add = true, strides = array<i32>} : memref<400x64xf32, #tpu.memory_space<vmem>>, vector<1x16xf32>,
      %get3A_448 = arith.index_cast %scan3A_420 : i32 to index
      %get3A_449 = arith.constant 48 : index
      %get3A_450 = tpu.vector_load %arg10[%get3A_448, %get3A_449] {strides = array<i32>} : memref<400x64xf32, #tpu.memory_space<vmem>>, vector<1x16xf32>,
      %get3A_451 = vector.shape_cast %get3A_450 : vector<1x16xf32> to vector<16xf32>
      %swap3A_452 = arith.index_cast %scan3A_420 : i32 to index
      %swap3A_453 = arith.constant 48 : index
      %swap3A_454 = tpu.vector_load %arg9[%swap3A_452, %swap3A_453] {strides = array<i32>} : memref<400x64xf32, #tpu.memory_space<vmem>>, vector<1x16xf32>,
      %swap3A_455 = vector.shape_cast %swap3A_454 : vector<1x16xf32> to vector<16xf32>
      %swap3A_456 = vector.shape_cast %get3A_451 : vector<16xf32> to vector<1x16xf32>
      tpu.vector_store %arg9[%swap3A_452, %swap3A_453], %swap3A_456 {add = true, strides = array<i32>} : memref<400x64xf32, #tpu.memory_space<vmem>>, vector<1x16xf32>,
      %scan3A_457 = arith.constant 2 : i32
      %scan3A_458 = arith.addi %scan3A_384, %scan3A_457 : i32
      %get3A_459 = arith.index_cast %scan3A_458 : i32 to index
      %get3A_460 = arith.constant 0 : index
      %get3A_461 = tpu.vector_load %arg10[%get3A_459, %get3A_460] {strides = array<i32>} : memref<400x64xf32, #tpu.memory_space<vmem>>, vector<1x16xf32>,
      %get3A_462 = vector.shape_cast %get3A_461 : vector<1x16xf32> to vector<16xf32>
      %swap3A_463 = arith.index_cast %scan3A_458 : i32 to index
      %swap3A_464 = arith.constant 0 : index
      %swap3A_465 = tpu.vector_load %arg9[%swap3A_463, %swap3A_464] {strides = array<i32>} : memref<400x64xf32, #tpu.memory_space<vmem>>, vector<1x16xf32>,
      %swap3A_466 = vector.shape_cast %swap3A_465 : vector<1x16xf32> to vector<16xf32>
      %swap3A_467 = vector.shape_cast %get3A_462 : vector<16xf32> to vector<1x16xf32>
      tpu.vector_store %arg9[%swap3A_463, %swap3A_464], %swap3A_467 {add = true, strides = array<i32>} : memref<400x64xf32, #tpu.memory_space<vmem>>, vector<1x16xf32>,
      %get3A_468 = arith.index_cast %scan3A_458 : i32 to index
      %get3A_469 = arith.constant 16 : index
      %get3A_470 = tpu.vector_load %arg10[%get3A_468, %get3A_469] {strides = array<i32>} : memref<400x64xf32, #tpu.memory_space<vmem>>, vector<1x16xf32>,
      %get3A_471 = vector.shape_cast %get3A_470 : vector<1x16xf32> to vector<16xf32>
      %swap3A_472 = arith.index_cast %scan3A_458 : i32 to index
      %swap3A_473 = arith.constant 16 : index
      %swap3A_474 = tpu.vector_load %arg9[%swap3A_472, %swap3A_473] {strides = array<i32>} : memref<400x64xf32, #tpu.memory_space<vmem>>, vector<1x16xf32>,
      %swap3A_475 = vector.shape_cast %swap3A_474 : vector<1x16xf32> to vector<16xf32>
      %swap3A_476 = vector.shape_cast %get3A_471 : vector<16xf32> to vector<1x16xf32>
      tpu.vector_store %arg9[%swap3A_472, %swap3A_473], %swap3A_476 {add = true, strides = array<i32>} : memref<400x64xf32, #tpu.memory_space<vmem>>, vector<1x16xf32>,
      %get3A_477 = arith.index_cast %scan3A_458 : i32 to index
      %get3A_478 = arith.constant 32 : index
      %get3A_479 = tpu.vector_load %arg10[%get3A_477, %get3A_478] {strides = array<i32>} : memref<400x64xf32, #tpu.memory_space<vmem>>, vector<1x16xf32>,
      %get3A_480 = vector.shape_cast %get3A_479 : vector<1x16xf32> to vector<16xf32>
      %swap3A_481 = arith.index_cast %scan3A_458 : i32 to index
      %swap3A_482 = arith.constant 32 : index
      %swap3A_483 = tpu.vector_load %arg9[%swap3A_481, %swap3A_482] {strides = array<i32>} : memref<400x64xf32, #tpu.memory_space<vmem>>, vector<1x16xf32>,
      %swap3A_484 = vector.shape_cast %swap3A_483 : vector<1x16xf32> to vector<16xf32>
      %swap3A_485 = vector.shape_cast %get3A_480 : vector<16xf32> to vector<1x16xf32>
      tpu.vector_store %arg9[%swap3A_481, %swap3A_482], %swap3A_485 {add = true, strides = array<i32>} : memref<400x64xf32, #tpu.memory_space<vmem>>, vector<1x16xf32>,
      %get3A_486 = arith.index_cast %scan3A_458 : i32 to index
      %get3A_487 = arith.constant 48 : index
      %get3A_488 = tpu.vector_load %arg10[%get3A_486, %get3A_487] {strides = array<i32>} : memref<400x64xf32, #tpu.memory_space<vmem>>, vector<1x16xf32>,
      %get3A_489 = vector.shape_cast %get3A_488 : vector<1x16xf32> to vector<16xf32>
      %swap3A_490 = arith.index_cast %scan3A_458 : i32 to index
      %swap3A_491 = arith.constant 48 : index
      %swap3A_492 = tpu.vector_load %arg9[%swap3A_490, %swap3A_491] {strides = array<i32>} : memref<400x64xf32, #tpu.memory_space<vmem>>, vector<1x16xf32>,
      %swap3A_493 = vector.shape_cast %swap3A_492 : vector<1x16xf32> to vector<16xf32>
      %swap3A_494 = vector.shape_cast %get3A_489 : vector<16xf32> to vector<1x16xf32>
      tpu.vector_store %arg9[%swap3A_490, %swap3A_491], %swap3A_494 {add = true, strides = array<i32>} : memref<400x64xf32, #tpu.memory_space<vmem>>, vector<1x16xf32>,
      %scan3A_495 = arith.constant 3 : i32
      %scan3A_496 = arith.addi %scan3A_384, %scan3A_495 : i32
      %get3A_497 = arith.index_cast %scan3A_496 : i32 to index
      %get3A_498 = arith.constant 0 : index
      %get3A_499 = tpu.vector_load %arg10[%get3A_497, %get3A_498] {strides = array<i32>} : memref<400x64xf32, #tpu.memory_space<vmem>>, vector<1x16xf32>,
      %get3A_500 = vector.shape_cast %get3A_499 : vector<1x16xf32> to vector<16xf32>
      %swap3A_501 = arith.index_cast %scan3A_496 : i32 to index
      %swap3A_502 = arith.constant 0 : index
      %swap3A_503 = tpu.vector_load %arg9[%swap3A_501, %swap3A_502] {strides = array<i32>} : memref<400x64xf32, #tpu.memory_space<vmem>>, vector<1x16xf32>,
      %swap3A_504 = vector.shape_cast %swap3A_503 : vector<1x16xf32> to vector<16xf32>
      %swap3A_505 = vector.shape_cast %get3A_500 : vector<16xf32> to vector<1x16xf32>
      tpu.vector_store %arg9[%swap3A_501, %swap3A_502], %swap3A_505 {add = true, strides = array<i32>} : memref<400x64xf32, #tpu.memory_space<vmem>>, vector<1x16xf32>,
      %get3A_506 = arith.index_cast %scan3A_496 : i32 to index
      %get3A_507 = arith.constant 16 : index
      %get3A_508 = tpu.vector_load %arg10[%get3A_506, %get3A_507] {strides = array<i32>} : memref<400x64xf32, #tpu.memory_space<vmem>>, vector<1x16xf32>,
      %get3A_509 = vector.shape_cast %get3A_508 : vector<1x16xf32> to vector<16xf32>
      %swap3A_510 = arith.index_cast %scan3A_496 : i32 to index
      %swap3A_511 = arith.constant 16 : index
      %swap3A_512 = tpu.vector_load %arg9[%swap3A_510, %swap3A_511] {strides = array<i32>} : memref<400x64xf32, #tpu.memory_space<vmem>>, vector<1x16xf32>,
      %swap3A_513 = vector.shape_cast %swap3A_512 : vector<1x16xf32> to vector<16xf32>
      %swap3A_514 = vector.shape_cast %get3A_509 : vector<16xf32> to vector<1x16xf32>
      tpu.vector_store %arg9[%swap3A_510, %swap3A_511], %swap3A_514 {add = true, strides = array<i32>} : memref<400x64xf32, #tpu.memory_space<vmem>>, vector<1x16xf32>,
      %get3A_515 = arith.index_cast %scan3A_496 : i32 to index
      %get3A_516 = arith.constant 32 : index
      %get3A_517 = tpu.vector_load %arg10[%get3A_515, %get3A_516] {strides = array<i32>} : memref<400x64xf32, #tpu.memory_space<vmem>>, vector<1x16xf32>,
      %get3A_518 = vector.shape_cast %get3A_517 : vector<1x16xf32> to vector<16xf32>
      %swap3A_519 = arith.index_cast %scan3A_496 : i32 to index
      %swap3A_520 = arith.constant 32 : index
      %swap3A_521 = tpu.vector_load %arg9[%swap3A_519, %swap3A_520] {strides = array<i32>} : memref<400x64xf32, #tpu.memory_space<vmem>>, vector<1x16xf32>,
      %swap3A_522 = vector.shape_cast %swap3A_521 : vector<1x16xf32> to vector<16xf32>
      %swap3A_523 = vector.shape_cast %get3A_518 : vector<16xf32> to vector<1x16xf32>
      tpu.vector_store %arg9[%swap3A_519, %swap3A_520], %swap3A_523 {add = true, strides = array<i32>} : memref<400x64xf32, #tpu.memory_space<vmem>>, vector<1x16xf32>,
      %get3A_524 = arith.index_cast %scan3A_496 : i32 to index
      %get3A_525 = arith.constant 48 : index
      %get3A_526 = tpu.vector_load %arg10[%get3A_524, %get3A_525] {strides = array<i32>} : memref<400x64xf32, #tpu.memory_space<vmem>>, vector<1x16xf32>,
      %get3A_527 = vector.shape_cast %get3A_526 : vector<1x16xf32> to vector<16xf32>
      %swap3A_528 = arith.index_cast %scan3A_496 : i32 to index
      %swap3A_529 = arith.constant 48 : index
      %swap3A_530 = tpu.vector_load %arg9[%swap3A_528, %swap3A_529] {strides = array<i32>} : memref<400x64xf32, #tpu.memory_space<vmem>>, vector<1x16xf32>,
      %swap3A_531 = vector.shape_cast %swap3A_530 : vector<1x16xf32> to vector<16xf32>
      %swap3A_532 = vector.shape_cast %get3A_527 : vector<16xf32> to vector<1x16xf32>
      tpu.vector_store %arg9[%swap3A_528, %swap3A_529], %swap3A_532 {add = true, strides = array<i32>} : memref<400x64xf32, #tpu.memory_space<vmem>>, vector<1x16xf32>,
    }
    %scan3A_330 = arith.constant 400 : i32
    %add3A_331 = arith.constant 5200 : i32
    %add3A_332 = arith.addi %mul3A_2, %add3A_331 : i32
    %dma_start3A_333 = arith.constant 0 : i32
    %dma_start3A_334 = tpu.memref_slice %arg5[%add3A_332, %dma_start3A_333] : memref<204800x64xf32, #tpu.memory_space<hbm>> -> memref<400x64xf32, #tpu.memory_space<hbm>>
    %dma_start3A_335 = arith.constant 0 : i32
    %dma_start3A_336 = tpu.memref_slice %arg5[%add3A_332, %dma_start3A_335] : memref<204800x64xf32, #tpu.memory_space<hbm>> -> memref<400x64xf32, #tpu.memory_space<hbm>>
    tpu.enqueue_dma source(%arg9 : memref<400x64xf32, #tpu.memory_space<vmem>>) target(%dma_start3A_336 : memref<400x64xf32, #tpu.memory_space<hbm>>) target_semaphore(%arg14 : memref<!tpu.dma_semaphore, #tpu.memory_space<semaphore_mem>>)
    %dma_wait3A_337 = arith.constant 0 : i32
    %dma_wait3A_338 = tpu.memref_slice %arg5[%add3A_332, %dma_wait3A_337] : memref<204800x64xf32, #tpu.memory_space<hbm>> -> memref<400x64xf32, #tpu.memory_space<hbm>>
    %dma_wait3A_339 = arith.constant 0 : i32
    %dma_wait3A_340 = tpu.memref_slice %arg5[%add3A_332, %dma_wait3A_339] : memref<204800x64xf32, #tpu.memory_space<hbm>> -> memref<400x64xf32, #tpu.memory_space<hbm>>
    tpu.wait_dma2 semaphore(%arg14 : memref<!tpu.dma_semaphore, #tpu.memory_space<semaphore_mem>>) src(%arg9 : memref<400x64xf32, #tpu.memory_space<vmem>>) dst(%dma_wait3A_340 : memref<400x64xf32, #tpu.memory_space<hbm>>)
    %add3A_341 = arith.constant 6000 : i32
    %add3A_342 = arith.addi %mul3A_2, %add3A_341 : i32
    "tpu.region"() ({
      %run_scoped3A = tpu.sem_alloc : memref<!tpu.dma_semaphore, #tpu.memory_space<semaphore_mem>>
      %dma_start3A_384 = tpu.memref_slice %arg2[%add3A_342] : memref<204800xi32, #tpu.memory_space<hbm>> -> memref<400xi32, #tpu.memory_space<hbm>>
      %dma_start3A_385 = tpu.memref_slice %arg2[%add3A_342] : memref<204800xi32, #tpu.memory_space<hbm>> -> memref<400xi32, #tpu.memory_space<hbm>>
      tpu.enqueue_dma source(%dma_start3A_385 : memref<400xi32, #tpu.memory_space<hbm>>) target(%arg7 : memref<400xi32, #tpu.memory_space<vmem>>) target_semaphore(%run_scoped3A : memref<!tpu.dma_semaphore, #tpu.memory_space<semaphore_mem>>)
      %dma_wait3A_386 = tpu.memref_slice %arg2[%add3A_342] : memref<204800xi32, #tpu.memory_space<hbm>> -> memref<400xi32, #tpu.memory_space<hbm>>
      %dma_wait3A_387 = tpu.memref_slice %arg2[%add3A_342] : memref<204800xi32, #tpu.memory_space<hbm>> -> memref<400xi32, #tpu.memory_space<hbm>>
      tpu.wait_dma2 semaphore(%run_scoped3A : memref<!tpu.dma_semaphore, #tpu.memory_space<semaphore_mem>>) src(%dma_wait3A_387 : memref<400xi32, #tpu.memory_space<hbm>>) dst(%arg7 : memref<400xi32, #tpu.memory_space<vmem>>)
      tpu.yield
    }) : () -> ()
    %dma_start3A_343 = arith.constant 0 : i32
    %dma_start3A_344 = arith.constant 0 : i32
    %dma_start3A_345 = tpu.memref_slice %arg3[%dma_start3A_343, %dma_start3A_344] : memref<1000000x64xf32, #tpu.memory_space<hbm>> -> memref<1000000x64xf32, #tpu.memory_space<hbm>>
    tpu.enqueue_indirect_dma source(%dma_start3A_345 : memref<1000000x64xf32, #tpu.memory_space<hbm>>) target(%arg9 : memref<400x64xf32, #tpu.memory_space<vmem>>) offsets(%arg7 : memref<400xi32, #tpu.memory_space<vmem>>) semaphore(%arg12 : memref<!tpu.dma_semaphore, #tpu.memory_space<semaphore_mem>>)
    %dma_wait3A_346 = arith.constant 0 : i32
    %dma_wait3A_347 = arith.constant 0 : i32
    %dma_wait3A_348 = tpu.memref_slice %arg3[%dma_wait3A_346, %dma_wait3A_347] : memref<1000000x64xf32, #tpu.memory_space<hbm>> -> memref<1000000x64xf32, #tpu.memory_space<hbm>>
    tpu.wait_indirect_dma semaphore(%arg11 : memref<!tpu.dma_semaphore, #tpu.memory_space<semaphore_mem>>) src(%dma_wait3A_348 : memref<1000000x64xf32, #tpu.memory_space<hbm>>) dst(%arg8 : memref<400x64xf32, #tpu.memory_space<vmem>>)
    %scan3A_349 = arith.constant 0 : i32
    %scan3A_350 = arith.constant 0 : i32
    %scan3A_351 = arith.constant 400 : i32
    %scan3A_352 = arith.addi %scan3A_350, %scan3A_351 : i32
    %scan3A_353 = arith.constant 4 : i32
    scf.for %scan3A_384 = %scan3A_350 to %scan3A_352 step %scan3A_353  : i32 {
      %get3A = arith.index_cast %scan3A_384 : i32 to index
      %get3A_385 = arith.constant 0 : index
      %get3A_386 = tpu.vector_load %arg10[%get3A, %get3A_385] {strides = array<i32>} : memref<400x64xf32, #tpu.memory_space<vmem>>, vector<1x16xf32>,
      %get3A_387 = vector.shape_cast %get3A_386 : vector<1x16xf32> to vector<16xf32>
      %swap3A = arith.index_cast %scan3A_384 : i32 to index
      %swap3A_388 = arith.constant 0 : index
      %swap3A_389 = tpu.vector_load %arg8[%swap3A, %swap3A_388] {strides = array<i32>} : memref<400x64xf32, #tpu.memory_space<vmem>>, vector<1x16xf32>,
      %swap3A_390 = vector.shape_cast %swap3A_389 : vector<1x16xf32> to vector<16xf32>
      %swap3A_391 = vector.shape_cast %get3A_387 : vector<16xf32> to vector<1x16xf32>
      tpu.vector_store %arg8[%swap3A, %swap3A_388], %swap3A_391 {add = true, strides = array<i32>} : memref<400x64xf32, #tpu.memory_space<vmem>>, vector<1x16xf32>,
      %get3A_392 = arith.index_cast %scan3A_384 : i32 to index
      %get3A_393 = arith.constant 16 : index
      %get3A_394 = tpu.vector_load %arg10[%get3A_392, %get3A_393] {strides = array<i32>} : memref<400x64xf32, #tpu.memory_space<vmem>>, vector<1x16xf32>,
      %get3A_395 = vector.shape_cast %get3A_394 : vector<1x16xf32> to vector<16xf32>
      %swap3A_396 = arith.index_cast %scan3A_384 : i32 to index
      %swap3A_397 = arith.constant 16 : index
      %swap3A_398 = tpu.vector_load %arg8[%swap3A_396, %swap3A_397] {strides = array<i32>} : memref<400x64xf32, #tpu.memory_space<vmem>>, vector<1x16xf32>,
      %swap3A_399 = vector.shape_cast %swap3A_398 : vector<1x16xf32> to vector<16xf32>
      %swap3A_400 = vector.shape_cast %get3A_395 : vector<16xf32> to vector<1x16xf32>
      tpu.vector_store %arg8[%swap3A_396, %swap3A_397], %swap3A_400 {add = true, strides = array<i32>} : memref<400x64xf32, #tpu.memory_space<vmem>>, vector<1x16xf32>,
      %get3A_401 = arith.index_cast %scan3A_384 : i32 to index
      %get3A_402 = arith.constant 32 : index
      %get3A_403 = tpu.vector_load %arg10[%get3A_401, %get3A_402] {strides = array<i32>} : memref<400x64xf32, #tpu.memory_space<vmem>>, vector<1x16xf32>,
      %get3A_404 = vector.shape_cast %get3A_403 : vector<1x16xf32> to vector<16xf32>
      %swap3A_405 = arith.index_cast %scan3A_384 : i32 to index
      %swap3A_406 = arith.constant 32 : index
      %swap3A_407 = tpu.vector_load %arg8[%swap3A_405, %swap3A_406] {strides = array<i32>} : memref<400x64xf32, #tpu.memory_space<vmem>>, vector<1x16xf32>,
      %swap3A_408 = vector.shape_cast %swap3A_407 : vector<1x16xf32> to vector<16xf32>
      %swap3A_409 = vector.shape_cast %get3A_404 : vector<16xf32> to vector<1x16xf32>
      tpu.vector_store %arg8[%swap3A_405, %swap3A_406], %swap3A_409 {add = true, strides = array<i32>} : memref<400x64xf32, #tpu.memory_space<vmem>>, vector<1x16xf32>,
      %get3A_410 = arith.index_cast %scan3A_384 : i32 to index
      %get3A_411 = arith.constant 48 : index
      %get3A_412 = tpu.vector_load %arg10[%get3A_410, %get3A_411] {strides = array<i32>} : memref<400x64xf32, #tpu.memory_space<vmem>>, vector<1x16xf32>,
      %get3A_413 = vector.shape_cast %get3A_412 : vector<1x16xf32> to vector<16xf32>
      %swap3A_414 = arith.index_cast %scan3A_384 : i32 to index
      %swap3A_415 = arith.constant 48 : index
      %swap3A_416 = tpu.vector_load %arg8[%swap3A_414, %swap3A_415] {strides = array<i32>} : memref<400x64xf32, #tpu.memory_space<vmem>>, vector<1x16xf32>,
      %swap3A_417 = vector.shape_cast %swap3A_416 : vector<1x16xf32> to vector<16xf32>
      %swap3A_418 = vector.shape_cast %get3A_413 : vector<16xf32> to vector<1x16xf32>
      tpu.vector_store %arg8[%swap3A_414, %swap3A_415], %swap3A_418 {add = true, strides = array<i32>} : memref<400x64xf32, #tpu.memory_space<vmem>>, vector<1x16xf32>,
      %scan3A_419 = arith.constant 1 : i32
      %scan3A_420 = arith.addi %scan3A_384, %scan3A_419 : i32
      %get3A_421 = arith.index_cast %scan3A_420 : i32 to index
      %get3A_422 = arith.constant 0 : index
      %get3A_423 = tpu.vector_load %arg10[%get3A_421, %get3A_422] {strides = array<i32>} : memref<400x64xf32, #tpu.memory_space<vmem>>, vector<1x16xf32>,
      %get3A_424 = vector.shape_cast %get3A_423 : vector<1x16xf32> to vector<16xf32>
      %swap3A_425 = arith.index_cast %scan3A_420 : i32 to index
      %swap3A_426 = arith.constant 0 : index
      %swap3A_427 = tpu.vector_load %arg8[%swap3A_425, %swap3A_426] {strides = array<i32>} : memref<400x64xf32, #tpu.memory_space<vmem>>, vector<1x16xf32>,
      %swap3A_428 = vector.shape_cast %swap3A_427 : vector<1x16xf32> to vector<16xf32>
      %swap3A_429 = vector.shape_cast %get3A_424 : vector<16xf32> to vector<1x16xf32>
      tpu.vector_store %arg8[%swap3A_425, %swap3A_426], %swap3A_429 {add = true, strides = array<i32>} : memref<400x64xf32, #tpu.memory_space<vmem>>, vector<1x16xf32>,
      %get3A_430 = arith.index_cast %scan3A_420 : i32 to index
      %get3A_431 = arith.constant 16 : index
      %get3A_432 = tpu.vector_load %arg10[%get3A_430, %get3A_431] {strides = array<i32>} : memref<400x64xf32, #tpu.memory_space<vmem>>, vector<1x16xf32>,
      %get3A_433 = vector.shape_cast %get3A_432 : vector<1x16xf32> to vector<16xf32>
      %swap3A_434 = arith.index_cast %scan3A_420 : i32 to index
      %swap3A_435 = arith.constant 16 : index
      %swap3A_436 = tpu.vector_load %arg8[%swap3A_434, %swap3A_435] {strides = array<i32>} : memref<400x64xf32, #tpu.memory_space<vmem>>, vector<1x16xf32>,
      %swap3A_437 = vector.shape_cast %swap3A_436 : vector<1x16xf32> to vector<16xf32>
      %swap3A_438 = vector.shape_cast %get3A_433 : vector<16xf32> to vector<1x16xf32>
      tpu.vector_store %arg8[%swap3A_434, %swap3A_435], %swap3A_438 {add = true, strides = array<i32>} : memref<400x64xf32, #tpu.memory_space<vmem>>, vector<1x16xf32>,
      %get3A_439 = arith.index_cast %scan3A_420 : i32 to index
      %get3A_440 = arith.constant 32 : index
      %get3A_441 = tpu.vector_load %arg10[%get3A_439, %get3A_440] {strides = array<i32>} : memref<400x64xf32, #tpu.memory_space<vmem>>, vector<1x16xf32>,
      %get3A_442 = vector.shape_cast %get3A_441 : vector<1x16xf32> to vector<16xf32>
      %swap3A_443 = arith.index_cast %scan3A_420 : i32 to index
      %swap3A_444 = arith.constant 32 : index
      %swap3A_445 = tpu.vector_load %arg8[%swap3A_443, %swap3A_444] {strides = array<i32>} : memref<400x64xf32, #tpu.memory_space<vmem>>, vector<1x16xf32>,
      %swap3A_446 = vector.shape_cast %swap3A_445 : vector<1x16xf32> to vector<16xf32>
      %swap3A_447 = vector.shape_cast %get3A_442 : vector<16xf32> to vector<1x16xf32>
      tpu.vector_store %arg8[%swap3A_443, %swap3A_444], %swap3A_447 {add = true, strides = array<i32>} : memref<400x64xf32, #tpu.memory_space<vmem>>, vector<1x16xf32>,
      %get3A_448 = arith.index_cast %scan3A_420 : i32 to index
      %get3A_449 = arith.constant 48 : index
      %get3A_450 = tpu.vector_load %arg10[%get3A_448, %get3A_449] {strides = array<i32>} : memref<400x64xf32, #tpu.memory_space<vmem>>, vector<1x16xf32>,
      %get3A_451 = vector.shape_cast %get3A_450 : vector<1x16xf32> to vector<16xf32>
      %swap3A_452 = arith.index_cast %scan3A_420 : i32 to index
      %swap3A_453 = arith.constant 48 : index
      %swap3A_454 = tpu.vector_load %arg8[%swap3A_452, %swap3A_453] {strides = array<i32>} : memref<400x64xf32, #tpu.memory_space<vmem>>, vector<1x16xf32>,
      %swap3A_455 = vector.shape_cast %swap3A_454 : vector<1x16xf32> to vector<16xf32>
      %swap3A_456 = vector.shape_cast %get3A_451 : vector<16xf32> to vector<1x16xf32>
      tpu.vector_store %arg8[%swap3A_452, %swap3A_453], %swap3A_456 {add = true, strides = array<i32>} : memref<400x64xf32, #tpu.memory_space<vmem>>, vector<1x16xf32>,
      %scan3A_457 = arith.constant 2 : i32
      %scan3A_458 = arith.addi %scan3A_384, %scan3A_457 : i32
      %get3A_459 = arith.index_cast %scan3A_458 : i32 to index
      %get3A_460 = arith.constant 0 : index
      %get3A_461 = tpu.vector_load %arg10[%get3A_459, %get3A_460] {strides = array<i32>} : memref<400x64xf32, #tpu.memory_space<vmem>>, vector<1x16xf32>,
      %get3A_462 = vector.shape_cast %get3A_461 : vector<1x16xf32> to vector<16xf32>
      %swap3A_463 = arith.index_cast %scan3A_458 : i32 to index
      %swap3A_464 = arith.constant 0 : index
      %swap3A_465 = tpu.vector_load %arg8[%swap3A_463, %swap3A_464] {strides = array<i32>} : memref<400x64xf32, #tpu.memory_space<vmem>>, vector<1x16xf32>,
      %swap3A_466 = vector.shape_cast %swap3A_465 : vector<1x16xf32> to vector<16xf32>
      %swap3A_467 = vector.shape_cast %get3A_462 : vector<16xf32> to vector<1x16xf32>
      tpu.vector_store %arg8[%swap3A_463, %swap3A_464], %swap3A_467 {add = true, strides = array<i32>} : memref<400x64xf32, #tpu.memory_space<vmem>>, vector<1x16xf32>,
      %get3A_468 = arith.index_cast %scan3A_458 : i32 to index
      %get3A_469 = arith.constant 16 : index
      %get3A_470 = tpu.vector_load %arg10[%get3A_468, %get3A_469] {strides = array<i32>} : memref<400x64xf32, #tpu.memory_space<vmem>>, vector<1x16xf32>,
      %get3A_471 = vector.shape_cast %get3A_470 : vector<1x16xf32> to vector<16xf32>
      %swap3A_472 = arith.index_cast %scan3A_458 : i32 to index
      %swap3A_473 = arith.constant 16 : index
      %swap3A_474 = tpu.vector_load %arg8[%swap3A_472, %swap3A_473] {strides = array<i32>} : memref<400x64xf32, #tpu.memory_space<vmem>>, vector<1x16xf32>,
      %swap3A_475 = vector.shape_cast %swap3A_474 : vector<1x16xf32> to vector<16xf32>
      %swap3A_476 = vector.shape_cast %get3A_471 : vector<16xf32> to vector<1x16xf32>
      tpu.vector_store %arg8[%swap3A_472, %swap3A_473], %swap3A_476 {add = true, strides = array<i32>} : memref<400x64xf32, #tpu.memory_space<vmem>>, vector<1x16xf32>,
      %get3A_477 = arith.index_cast %scan3A_458 : i32 to index
      %get3A_478 = arith.constant 32 : index
      %get3A_479 = tpu.vector_load %arg10[%get3A_477, %get3A_478] {strides = array<i32>} : memref<400x64xf32, #tpu.memory_space<vmem>>, vector<1x16xf32>,
      %get3A_480 = vector.shape_cast %get3A_479 : vector<1x16xf32> to vector<16xf32>
      %swap3A_481 = arith.index_cast %scan3A_458 : i32 to index
      %swap3A_482 = arith.constant 32 : index
      %swap3A_483 = tpu.vector_load %arg8[%swap3A_481, %swap3A_482] {strides = array<i32>} : memref<400x64xf32, #tpu.memory_space<vmem>>, vector<1x16xf32>,
      %swap3A_484 = vector.shape_cast %swap3A_483 : vector<1x16xf32> to vector<16xf32>
      %swap3A_485 = vector.shape_cast %get3A_480 : vector<16xf32> to vector<1x16xf32>
      tpu.vector_store %arg8[%swap3A_481, %swap3A_482], %swap3A_485 {add = true, strides = array<i32>} : memref<400x64xf32, #tpu.memory_space<vmem>>, vector<1x16xf32>,
      %get3A_486 = arith.index_cast %scan3A_458 : i32 to index
      %get3A_487 = arith.constant 48 : index
      %get3A_488 = tpu.vector_load %arg10[%get3A_486, %get3A_487] {strides = array<i32>} : memref<400x64xf32, #tpu.memory_space<vmem>>, vector<1x16xf32>,
      %get3A_489 = vector.shape_cast %get3A_488 : vector<1x16xf32> to vector<16xf32>
      %swap3A_490 = arith.index_cast %scan3A_458 : i32 to index
      %swap3A_491 = arith.constant 48 : index
      %swap3A_492 = tpu.vector_load %arg8[%swap3A_490, %swap3A_491] {strides = array<i32>} : memref<400x64xf32, #tpu.memory_space<vmem>>, vector<1x16xf32>,
      %swap3A_493 = vector.shape_cast %swap3A_492 : vector<1x16xf32> to vector<16xf32>
      %swap3A_494 = vector.shape_cast %get3A_489 : vector<16xf32> to vector<1x16xf32>
      tpu.vector_store %arg8[%swap3A_490, %swap3A_491], %swap3A_494 {add = true, strides = array<i32>} : memref<400x64xf32, #tpu.memory_space<vmem>>, vector<1x16xf32>,
      %scan3A_495 = arith.constant 3 : i32
      %scan3A_496 = arith.addi %scan3A_384, %scan3A_495 : i32
      %get3A_497 = arith.index_cast %scan3A_496 : i32 to index
      %get3A_498 = arith.constant 0 : index
      %get3A_499 = tpu.vector_load %arg10[%get3A_497, %get3A_498] {strides = array<i32>} : memref<400x64xf32, #tpu.memory_space<vmem>>, vector<1x16xf32>,
      %get3A_500 = vector.shape_cast %get3A_499 : vector<1x16xf32> to vector<16xf32>
      %swap3A_501 = arith.index_cast %scan3A_496 : i32 to index
      %swap3A_502 = arith.constant 0 : index
      %swap3A_503 = tpu.vector_load %arg8[%swap3A_501, %swap3A_502] {strides = array<i32>} : memref<400x64xf32, #tpu.memory_space<vmem>>, vector<1x16xf32>,
      %swap3A_504 = vector.shape_cast %swap3A_503 : vector<1x16xf32> to vector<16xf32>
      %swap3A_505 = vector.shape_cast %get3A_500 : vector<16xf32> to vector<1x16xf32>
      tpu.vector_store %arg8[%swap3A_501, %swap3A_502], %swap3A_505 {add = true, strides = array<i32>} : memref<400x64xf32, #tpu.memory_space<vmem>>, vector<1x16xf32>,
      %get3A_506 = arith.index_cast %scan3A_496 : i32 to index
      %get3A_507 = arith.constant 16 : index
      %get3A_508 = tpu.vector_load %arg10[%get3A_506, %get3A_507] {strides = array<i32>} : memref<400x64xf32, #tpu.memory_space<vmem>>, vector<1x16xf32>,
      %get3A_509 = vector.shape_cast %get3A_508 : vector<1x16xf32> to vector<16xf32>
      %swap3A_510 = arith.index_cast %scan3A_496 : i32 to index
      %swap3A_511 = arith.constant 16 : index
      %swap3A_512 = tpu.vector_load %arg8[%swap3A_510, %swap3A_511] {strides = array<i32>} : memref<400x64xf32, #tpu.memory_space<vmem>>, vector<1x16xf32>,
      %swap3A_513 = vector.shape_cast %swap3A_512 : vector<1x16xf32> to vector<16xf32>
      %swap3A_514 = vector.shape_cast %get3A_509 : vector<16xf32> to vector<1x16xf32>
      tpu.vector_store %arg8[%swap3A_510, %swap3A_511], %swap3A_514 {add = true, strides = array<i32>} : memref<400x64xf32, #tpu.memory_space<vmem>>, vector<1x16xf32>,
      %get3A_515 = arith.index_cast %scan3A_496 : i32 to index
      %get3A_516 = arith.constant 32 : index
      %get3A_517 = tpu.vector_load %arg10[%get3A_515, %get3A_516] {strides = array<i32>} : memref<400x64xf32, #tpu.memory_space<vmem>>, vector<1x16xf32>,
      %get3A_518 = vector.shape_cast %get3A_517 : vector<1x16xf32> to vector<16xf32>
      %swap3A_519 = arith.index_cast %scan3A_496 : i32 to index
      %swap3A_520 = arith.constant 32 : index
      %swap3A_521 = tpu.vector_load %arg8[%swap3A_519, %swap3A_520] {strides = array<i32>} : memref<400x64xf32, #tpu.memory_space<vmem>>, vector<1x16xf32>,
      %swap3A_522 = vector.shape_cast %swap3A_521 : vector<1x16xf32> to vector<16xf32>
      %swap3A_523 = vector.shape_cast %get3A_518 : vector<16xf32> to vector<1x16xf32>
      tpu.vector_store %arg8[%swap3A_519, %swap3A_520], %swap3A_523 {add = true, strides = array<i32>} : memref<400x64xf32, #tpu.memory_space<vmem>>, vector<1x16xf32>,
      %get3A_524 = arith.index_cast %scan3A_496 : i32 to index
      %get3A_525 = arith.constant 48 : index
      %get3A_526 = tpu.vector_load %arg10[%get3A_524, %get3A_525] {strides = array<i32>} : memref<400x64xf32, #tpu.memory_space<vmem>>, vector<1x16xf32>,
      %get3A_527 = vector.shape_cast %get3A_526 : vector<1x16xf32> to vector<16xf32>
      %swap3A_528 = arith.index_cast %scan3A_496 : i32 to index
      %swap3A_529 = arith.constant 48 : index
      %swap3A_530 = tpu.vector_load %arg8[%swap3A_528, %swap3A_529] {strides = array<i32>} : memref<400x64xf32, #tpu.memory_space<vmem>>, vector<1x16xf32>,
      %swap3A_531 = vector.shape_cast %swap3A_530 : vector<1x16xf32> to vector<16xf32>
      %swap3A_532 = vector.shape_cast %get3A_527 : vector<16xf32> to vector<1x16xf32>
      tpu.vector_store %arg8[%swap3A_528, %swap3A_529], %swap3A_532 {add = true, strides = array<i32>} : memref<400x64xf32, #tpu.memory_space<vmem>>, vector<1x16xf32>,
    }
    %scan3A_354 = arith.constant 400 : i32
    %add3A_355 = arith.constant 5600 : i32
    %add3A_356 = arith.addi %mul3A_2, %add3A_355 : i32
    %dma_start3A_357 = arith.constant 0 : i32
    %dma_start3A_358 = tpu.memref_slice %arg5[%add3A_356, %dma_start3A_357] : memref<204800x64xf32, #tpu.memory_space<hbm>> -> memref<400x64xf32, #tpu.memory_space<hbm>>
    %dma_start3A_359 = arith.constant 0 : i32
    %dma_start3A_360 = tpu.memref_slice %arg5[%add3A_356, %dma_start3A_359] : memref<204800x64xf32, #tpu.memory_space<hbm>> -> memref<400x64xf32, #tpu.memory_space<hbm>>
    tpu.enqueue_dma source(%arg8 : memref<400x64xf32, #tpu.memory_space<vmem>>) target(%dma_start3A_360 : memref<400x64xf32, #tpu.memory_space<hbm>>) target_semaphore(%arg13 : memref<!tpu.dma_semaphore, #tpu.memory_space<semaphore_mem>>)
    %dma_wait3A_361 = arith.constant 0 : i32
    %dma_wait3A_362 = arith.constant 0 : i32
    %dma_wait3A_363 = tpu.memref_slice %arg3[%dma_wait3A_361, %dma_wait3A_362] : memref<1000000x64xf32, #tpu.memory_space<hbm>> -> memref<1000000x64xf32, #tpu.memory_space<hbm>>
    tpu.wait_indirect_dma semaphore(%arg12 : memref<!tpu.dma_semaphore, #tpu.memory_space<semaphore_mem>>) src(%dma_wait3A_363 : memref<1000000x64xf32, #tpu.memory_space<hbm>>) dst(%arg9 : memref<400x64xf32, #tpu.memory_space<vmem>>)
    %scan3A_364 = arith.constant 0 : i32
    %scan3A_365 = arith.constant 0 : i32
    %scan3A_366 = arith.constant 400 : i32
    %scan3A_367 = arith.addi %scan3A_365, %scan3A_366 : i32
    %scan3A_368 = arith.constant 4 : i32
    scf.for %scan3A_384 = %scan3A_365 to %scan3A_367 step %scan3A_368  : i32 {
      %get3A = arith.index_cast %scan3A_384 : i32 to index
      %get3A_385 = arith.constant 0 : index
      %get3A_386 = tpu.vector_load %arg10[%get3A, %get3A_385] {strides = array<i32>} : memref<400x64xf32, #tpu.memory_space<vmem>>, vector<1x16xf32>,
      %get3A_387 = vector.shape_cast %get3A_386 : vector<1x16xf32> to vector<16xf32>
      %swap3A = arith.index_cast %scan3A_384 : i32 to index
      %swap3A_388 = arith.constant 0 : index
      %swap3A_389 = tpu.vector_load %arg9[%swap3A, %swap3A_388] {strides = array<i32>} : memref<400x64xf32, #tpu.memory_space<vmem>>, vector<1x16xf32>,
      %swap3A_390 = vector.shape_cast %swap3A_389 : vector<1x16xf32> to vector<16xf32>
      %swap3A_391 = vector.shape_cast %get3A_387 : vector<16xf32> to vector<1x16xf32>
      tpu.vector_store %arg9[%swap3A, %swap3A_388], %swap3A_391 {add = true, strides = array<i32>} : memref<400x64xf32, #tpu.memory_space<vmem>>, vector<1x16xf32>,
      %get3A_392 = arith.index_cast %scan3A_384 : i32 to index
      %get3A_393 = arith.constant 16 : index
      %get3A_394 = tpu.vector_load %arg10[%get3A_392, %get3A_393] {strides = array<i32>} : memref<400x64xf32, #tpu.memory_space<vmem>>, vector<1x16xf32>,
      %get3A_395 = vector.shape_cast %get3A_394 : vector<1x16xf32> to vector<16xf32>
      %swap3A_396 = arith.index_cast %scan3A_384 : i32 to index
      %swap3A_397 = arith.constant 16 : index
      %swap3A_398 = tpu.vector_load %arg9[%swap3A_396, %swap3A_397] {strides = array<i32>} : memref<400x64xf32, #tpu.memory_space<vmem>>, vector<1x16xf32>,
      %swap3A_399 = vector.shape_cast %swap3A_398 : vector<1x16xf32> to vector<16xf32>
      %swap3A_400 = vector.shape_cast %get3A_395 : vector<16xf32> to vector<1x16xf32>
      tpu.vector_store %arg9[%swap3A_396, %swap3A_397], %swap3A_400 {add = true, strides = array<i32>} : memref<400x64xf32, #tpu.memory_space<vmem>>, vector<1x16xf32>,
      %get3A_401 = arith.index_cast %scan3A_384 : i32 to index
      %get3A_402 = arith.constant 32 : index
      %get3A_403 = tpu.vector_load %arg10[%get3A_401, %get3A_402] {strides = array<i32>} : memref<400x64xf32, #tpu.memory_space<vmem>>, vector<1x16xf32>,
      %get3A_404 = vector.shape_cast %get3A_403 : vector<1x16xf32> to vector<16xf32>
      %swap3A_405 = arith.index_cast %scan3A_384 : i32 to index
      %swap3A_406 = arith.constant 32 : index
      %swap3A_407 = tpu.vector_load %arg9[%swap3A_405, %swap3A_406] {strides = array<i32>} : memref<400x64xf32, #tpu.memory_space<vmem>>, vector<1x16xf32>,
      %swap3A_408 = vector.shape_cast %swap3A_407 : vector<1x16xf32> to vector<16xf32>
      %swap3A_409 = vector.shape_cast %get3A_404 : vector<16xf32> to vector<1x16xf32>
      tpu.vector_store %arg9[%swap3A_405, %swap3A_406], %swap3A_409 {add = true, strides = array<i32>} : memref<400x64xf32, #tpu.memory_space<vmem>>, vector<1x16xf32>,
      %get3A_410 = arith.index_cast %scan3A_384 : i32 to index
      %get3A_411 = arith.constant 48 : index
      %get3A_412 = tpu.vector_load %arg10[%get3A_410, %get3A_411] {strides = array<i32>} : memref<400x64xf32, #tpu.memory_space<vmem>>, vector<1x16xf32>,
      %get3A_413 = vector.shape_cast %get3A_412 : vector<1x16xf32> to vector<16xf32>
      %swap3A_414 = arith.index_cast %scan3A_384 : i32 to index
      %swap3A_415 = arith.constant 48 : index
      %swap3A_416 = tpu.vector_load %arg9[%swap3A_414, %swap3A_415] {strides = array<i32>} : memref<400x64xf32, #tpu.memory_space<vmem>>, vector<1x16xf32>,
      %swap3A_417 = vector.shape_cast %swap3A_416 : vector<1x16xf32> to vector<16xf32>
      %swap3A_418 = vector.shape_cast %get3A_413 : vector<16xf32> to vector<1x16xf32>
      tpu.vector_store %arg9[%swap3A_414, %swap3A_415], %swap3A_418 {add = true, strides = array<i32>} : memref<400x64xf32, #tpu.memory_space<vmem>>, vector<1x16xf32>,
      %scan3A_419 = arith.constant 1 : i32
      %scan3A_420 = arith.addi %scan3A_384, %scan3A_419 : i32
      %get3A_421 = arith.index_cast %scan3A_420 : i32 to index
      %get3A_422 = arith.constant 0 : index
      %get3A_423 = tpu.vector_load %arg10[%get3A_421, %get3A_422] {strides = array<i32>} : memref<400x64xf32, #tpu.memory_space<vmem>>, vector<1x16xf32>,
      %get3A_424 = vector.shape_cast %get3A_423 : vector<1x16xf32> to vector<16xf32>
      %swap3A_425 = arith.index_cast %scan3A_420 : i32 to index
      %swap3A_426 = arith.constant 0 : index
      %swap3A_427 = tpu.vector_load %arg9[%swap3A_425, %swap3A_426] {strides = array<i32>} : memref<400x64xf32, #tpu.memory_space<vmem>>, vector<1x16xf32>,
      %swap3A_428 = vector.shape_cast %swap3A_427 : vector<1x16xf32> to vector<16xf32>
      %swap3A_429 = vector.shape_cast %get3A_424 : vector<16xf32> to vector<1x16xf32>
      tpu.vector_store %arg9[%swap3A_425, %swap3A_426], %swap3A_429 {add = true, strides = array<i32>} : memref<400x64xf32, #tpu.memory_space<vmem>>, vector<1x16xf32>,
      %get3A_430 = arith.index_cast %scan3A_420 : i32 to index
      %get3A_431 = arith.constant 16 : index
      %get3A_432 = tpu.vector_load %arg10[%get3A_430, %get3A_431] {strides = array<i32>} : memref<400x64xf32, #tpu.memory_space<vmem>>, vector<1x16xf32>,
      %get3A_433 = vector.shape_cast %get3A_432 : vector<1x16xf32> to vector<16xf32>
      %swap3A_434 = arith.index_cast %scan3A_420 : i32 to index
      %swap3A_435 = arith.constant 16 : index
      %swap3A_436 = tpu.vector_load %arg9[%swap3A_434, %swap3A_435] {strides = array<i32>} : memref<400x64xf32, #tpu.memory_space<vmem>>, vector<1x16xf32>,
      %swap3A_437 = vector.shape_cast %swap3A_436 : vector<1x16xf32> to vector<16xf32>
      %swap3A_438 = vector.shape_cast %get3A_433 : vector<16xf32> to vector<1x16xf32>
      tpu.vector_store %arg9[%swap3A_434, %swap3A_435], %swap3A_438 {add = true, strides = array<i32>} : memref<400x64xf32, #tpu.memory_space<vmem>>, vector<1x16xf32>,
      %get3A_439 = arith.index_cast %scan3A_420 : i32 to index
      %get3A_440 = arith.constant 32 : index
      %get3A_441 = tpu.vector_load %arg10[%get3A_439, %get3A_440] {strides = array<i32>} : memref<400x64xf32, #tpu.memory_space<vmem>>, vector<1x16xf32>,
      %get3A_442 = vector.shape_cast %get3A_441 : vector<1x16xf32> to vector<16xf32>
      %swap3A_443 = arith.index_cast %scan3A_420 : i32 to index
      %swap3A_444 = arith.constant 32 : index
      %swap3A_445 = tpu.vector_load %arg9[%swap3A_443, %swap3A_444] {strides = array<i32>} : memref<400x64xf32, #tpu.memory_space<vmem>>, vector<1x16xf32>,
      %swap3A_446 = vector.shape_cast %swap3A_445 : vector<1x16xf32> to vector<16xf32>
      %swap3A_447 = vector.shape_cast %get3A_442 : vector<16xf32> to vector<1x16xf32>
      tpu.vector_store %arg9[%swap3A_443, %swap3A_444], %swap3A_447 {add = true, strides = array<i32>} : memref<400x64xf32, #tpu.memory_space<vmem>>, vector<1x16xf32>,
      %get3A_448 = arith.index_cast %scan3A_420 : i32 to index
      %get3A_449 = arith.constant 48 : index
      %get3A_450 = tpu.vector_load %arg10[%get3A_448, %get3A_449] {strides = array<i32>} : memref<400x64xf32, #tpu.memory_space<vmem>>, vector<1x16xf32>,
      %get3A_451 = vector.shape_cast %get3A_450 : vector<1x16xf32> to vector<16xf32>
      %swap3A_452 = arith.index_cast %scan3A_420 : i32 to index
      %swap3A_453 = arith.constant 48 : index
      %swap3A_454 = tpu.vector_load %arg9[%swap3A_452, %swap3A_453] {strides = array<i32>} : memref<400x64xf32, #tpu.memory_space<vmem>>, vector<1x16xf32>,
      %swap3A_455 = vector.shape_cast %swap3A_454 : vector<1x16xf32> to vector<16xf32>
      %swap3A_456 = vector.shape_cast %get3A_451 : vector<16xf32> to vector<1x16xf32>
      tpu.vector_store %arg9[%swap3A_452, %swap3A_453], %swap3A_456 {add = true, strides = array<i32>} : memref<400x64xf32, #tpu.memory_space<vmem>>, vector<1x16xf32>,
      %scan3A_457 = arith.constant 2 : i32
      %scan3A_458 = arith.addi %scan3A_384, %scan3A_457 : i32
      %get3A_459 = arith.index_cast %scan3A_458 : i32 to index
      %get3A_460 = arith.constant 0 : index
      %get3A_461 = tpu.vector_load %arg10[%get3A_459, %get3A_460] {strides = array<i32>} : memref<400x64xf32, #tpu.memory_space<vmem>>, vector<1x16xf32>,
      %get3A_462 = vector.shape_cast %get3A_461 : vector<1x16xf32> to vector<16xf32>
      %swap3A_463 = arith.index_cast %scan3A_458 : i32 to index
      %swap3A_464 = arith.constant 0 : index
      %swap3A_465 = tpu.vector_load %arg9[%swap3A_463, %swap3A_464] {strides = array<i32>} : memref<400x64xf32, #tpu.memory_space<vmem>>, vector<1x16xf32>,
      %swap3A_466 = vector.shape_cast %swap3A_465 : vector<1x16xf32> to vector<16xf32>
      %swap3A_467 = vector.shape_cast %get3A_462 : vector<16xf32> to vector<1x16xf32>
      tpu.vector_store %arg9[%swap3A_463, %swap3A_464], %swap3A_467 {add = true, strides = array<i32>} : memref<400x64xf32, #tpu.memory_space<vmem>>, vector<1x16xf32>,
      %get3A_468 = arith.index_cast %scan3A_458 : i32 to index
      %get3A_469 = arith.constant 16 : index
      %get3A_470 = tpu.vector_load %arg10[%get3A_468, %get3A_469] {strides = array<i32>} : memref<400x64xf32, #tpu.memory_space<vmem>>, vector<1x16xf32>,
      %get3A_471 = vector.shape_cast %get3A_470 : vector<1x16xf32> to vector<16xf32>
      %swap3A_472 = arith.index_cast %scan3A_458 : i32 to index
      %swap3A_473 = arith.constant 16 : index
      %swap3A_474 = tpu.vector_load %arg9[%swap3A_472, %swap3A_473] {strides = array<i32>} : memref<400x64xf32, #tpu.memory_space<vmem>>, vector<1x16xf32>,
      %swap3A_475 = vector.shape_cast %swap3A_474 : vector<1x16xf32> to vector<16xf32>
      %swap3A_476 = vector.shape_cast %get3A_471 : vector<16xf32> to vector<1x16xf32>
      tpu.vector_store %arg9[%swap3A_472, %swap3A_473], %swap3A_476 {add = true, strides = array<i32>} : memref<400x64xf32, #tpu.memory_space<vmem>>, vector<1x16xf32>,
      %get3A_477 = arith.index_cast %scan3A_458 : i32 to index
      %get3A_478 = arith.constant 32 : index
      %get3A_479 = tpu.vector_load %arg10[%get3A_477, %get3A_478] {strides = array<i32>} : memref<400x64xf32, #tpu.memory_space<vmem>>, vector<1x16xf32>,
      %get3A_480 = vector.shape_cast %get3A_479 : vector<1x16xf32> to vector<16xf32>
      %swap3A_481 = arith.index_cast %scan3A_458 : i32 to index
      %swap3A_482 = arith.constant 32 : index
      %swap3A_483 = tpu.vector_load %arg9[%swap3A_481, %swap3A_482] {strides = array<i32>} : memref<400x64xf32, #tpu.memory_space<vmem>>, vector<1x16xf32>,
      %swap3A_484 = vector.shape_cast %swap3A_483 : vector<1x16xf32> to vector<16xf32>
      %swap3A_485 = vector.shape_cast %get3A_480 : vector<16xf32> to vector<1x16xf32>
      tpu.vector_store %arg9[%swap3A_481, %swap3A_482], %swap3A_485 {add = true, strides = array<i32>} : memref<400x64xf32, #tpu.memory_space<vmem>>, vector<1x16xf32>,
      %get3A_486 = arith.index_cast %scan3A_458 : i32 to index
      %get3A_487 = arith.constant 48 : index
      %get3A_488 = tpu.vector_load %arg10[%get3A_486, %get3A_487] {strides = array<i32>} : memref<400x64xf32, #tpu.memory_space<vmem>>, vector<1x16xf32>,
      %get3A_489 = vector.shape_cast %get3A_488 : vector<1x16xf32> to vector<16xf32>
      %swap3A_490 = arith.index_cast %scan3A_458 : i32 to index
      %swap3A_491 = arith.constant 48 : index
      %swap3A_492 = tpu.vector_load %arg9[%swap3A_490, %swap3A_491] {strides = array<i32>} : memref<400x64xf32, #tpu.memory_space<vmem>>, vector<1x16xf32>,
      %swap3A_493 = vector.shape_cast %swap3A_492 : vector<1x16xf32> to vector<16xf32>
      %swap3A_494 = vector.shape_cast %get3A_489 : vector<16xf32> to vector<1x16xf32>
      tpu.vector_store %arg9[%swap3A_490, %swap3A_491], %swap3A_494 {add = true, strides = array<i32>} : memref<400x64xf32, #tpu.memory_space<vmem>>, vector<1x16xf32>,
      %scan3A_495 = arith.constant 3 : i32
      %scan3A_496 = arith.addi %scan3A_384, %scan3A_495 : i32
      %get3A_497 = arith.index_cast %scan3A_496 : i32 to index
      %get3A_498 = arith.constant 0 : index
      %get3A_499 = tpu.vector_load %arg10[%get3A_497, %get3A_498] {strides = array<i32>} : memref<400x64xf32, #tpu.memory_space<vmem>>, vector<1x16xf32>,
      %get3A_500 = vector.shape_cast %get3A_499 : vector<1x16xf32> to vector<16xf32>
      %swap3A_501 = arith.index_cast %scan3A_496 : i32 to index
      %swap3A_502 = arith.constant 0 : index
      %swap3A_503 = tpu.vector_load %arg9[%swap3A_501, %swap3A_502] {strides = array<i32>} : memref<400x64xf32, #tpu.memory_space<vmem>>, vector<1x16xf32>,
      %swap3A_504 = vector.shape_cast %swap3A_503 : vector<1x16xf32> to vector<16xf32>
      %swap3A_505 = vector.shape_cast %get3A_500 : vector<16xf32> to vector<1x16xf32>
      tpu.vector_store %arg9[%swap3A_501, %swap3A_502], %swap3A_505 {add = true, strides = array<i32>} : memref<400x64xf32, #tpu.memory_space<vmem>>, vector<1x16xf32>,
      %get3A_506 = arith.index_cast %scan3A_496 : i32 to index
      %get3A_507 = arith.constant 16 : index
      %get3A_508 = tpu.vector_load %arg10[%get3A_506, %get3A_507] {strides = array<i32>} : memref<400x64xf32, #tpu.memory_space<vmem>>, vector<1x16xf32>,
      %get3A_509 = vector.shape_cast %get3A_508 : vector<1x16xf32> to vector<16xf32>
      %swap3A_510 = arith.index_cast %scan3A_496 : i32 to index
      %swap3A_511 = arith.constant 16 : index
      %swap3A_512 = tpu.vector_load %arg9[%swap3A_510, %swap3A_511] {strides = array<i32>} : memref<400x64xf32, #tpu.memory_space<vmem>>, vector<1x16xf32>,
      %swap3A_513 = vector.shape_cast %swap3A_512 : vector<1x16xf32> to vector<16xf32>
      %swap3A_514 = vector.shape_cast %get3A_509 : vector<16xf32> to vector<1x16xf32>
      tpu.vector_store %arg9[%swap3A_510, %swap3A_511], %swap3A_514 {add = true, strides = array<i32>} : memref<400x64xf32, #tpu.memory_space<vmem>>, vector<1x16xf32>,
      %get3A_515 = arith.index_cast %scan3A_496 : i32 to index
      %get3A_516 = arith.constant 32 : index
      %get3A_517 = tpu.vector_load %arg10[%get3A_515, %get3A_516] {strides = array<i32>} : memref<400x64xf32, #tpu.memory_space<vmem>>, vector<1x16xf32>,
      %get3A_518 = vector.shape_cast %get3A_517 : vector<1x16xf32> to vector<16xf32>
      %swap3A_519 = arith.index_cast %scan3A_496 : i32 to index
      %swap3A_520 = arith.constant 32 : index
      %swap3A_521 = tpu.vector_load %arg9[%swap3A_519, %swap3A_520] {strides = array<i32>} : memref<400x64xf32, #tpu.memory_space<vmem>>, vector<1x16xf32>,
      %swap3A_522 = vector.shape_cast %swap3A_521 : vector<1x16xf32> to vector<16xf32>
      %swap3A_523 = vector.shape_cast %get3A_518 : vector<16xf32> to vector<1x16xf32>
      tpu.vector_store %arg9[%swap3A_519, %swap3A_520], %swap3A_523 {add = true, strides = array<i32>} : memref<400x64xf32, #tpu.memory_space<vmem>>, vector<1x16xf32>,
      %get3A_524 = arith.index_cast %scan3A_496 : i32 to index
      %get3A_525 = arith.constant 48 : index
      %get3A_526 = tpu.vector_load %arg10[%get3A_524, %get3A_525] {strides = array<i32>} : memref<400x64xf32, #tpu.memory_space<vmem>>, vector<1x16xf32>,
      %get3A_527 = vector.shape_cast %get3A_526 : vector<1x16xf32> to vector<16xf32>
      %swap3A_528 = arith.index_cast %scan3A_496 : i32 to index
      %swap3A_529 = arith.constant 48 : index
      %swap3A_530 = tpu.vector_load %arg9[%swap3A_528, %swap3A_529] {strides = array<i32>} : memref<400x64xf32, #tpu.memory_space<vmem>>, vector<1x16xf32>,
      %swap3A_531 = vector.shape_cast %swap3A_530 : vector<1x16xf32> to vector<16xf32>
      %swap3A_532 = vector.shape_cast %get3A_527 : vector<16xf32> to vector<1x16xf32>
      tpu.vector_store %arg9[%swap3A_528, %swap3A_529], %swap3A_532 {add = true, strides = array<i32>} : memref<400x64xf32, #tpu.memory_space<vmem>>, vector<1x16xf32>,
    }
    %scan3A_369 = arith.constant 400 : i32
    %add3A_370 = arith.constant 6000 : i32
    %add3A_371 = arith.addi %mul3A_2, %add3A_370 : i32
    %dma_start3A_372 = arith.constant 0 : i32
    %dma_start3A_373 = tpu.memref_slice %arg5[%add3A_371, %dma_start3A_372] : memref<204800x64xf32, #tpu.memory_space<hbm>> -> memref<400x64xf32, #tpu.memory_space<hbm>>
    %dma_start3A_374 = arith.constant 0 : i32
    %dma_start3A_375 = tpu.memref_slice %arg5[%add3A_371, %dma_start3A_374] : memref<204800x64xf32, #tpu.memory_space<hbm>> -> memref<400x64xf32, #tpu.memory_space<hbm>>
    tpu.enqueue_dma source(%arg9 : memref<400x64xf32, #tpu.memory_space<vmem>>) target(%dma_start3A_375 : memref<400x64xf32, #tpu.memory_space<hbm>>) target_semaphore(%arg14 : memref<!tpu.dma_semaphore, #tpu.memory_space<semaphore_mem>>)
    %dma_wait3A_376 = arith.constant 0 : i32
    %dma_wait3A_377 = tpu.memref_slice %arg5[%add3A_371, %dma_wait3A_376] : memref<204800x64xf32, #tpu.memory_space<hbm>> -> memref<400x64xf32, #tpu.memory_space<hbm>>
    %dma_wait3A_378 = arith.constant 0 : i32
    %dma_wait3A_379 = tpu.memref_slice %arg5[%add3A_371, %dma_wait3A_378] : memref<204800x64xf32, #tpu.memory_space<hbm>> -> memref<400x64xf32, #tpu.memory_space<hbm>>
    tpu.wait_dma2 semaphore(%arg14 : memref<!tpu.dma_semaphore, #tpu.memory_space<semaphore_mem>>) src(%arg9 : memref<400x64xf32, #tpu.memory_space<vmem>>) dst(%dma_wait3A_379 : memref<400x64xf32, #tpu.memory_space<hbm>>)
    %dma_wait3A_380 = arith.constant 0 : i32
    %dma_wait3A_381 = tpu.memref_slice %arg5[%add3A_356, %dma_wait3A_380] : memref<204800x64xf32, #tpu.memory_space<hbm>> -> memref<400x64xf32, #tpu.memory_space<hbm>>
    %dma_wait3A_382 = arith.constant 0 : i32
    %dma_wait3A_383 = tpu.memref_slice %arg5[%add3A_356, %dma_wait3A_382] : memref<204800x64xf32, #tpu.memory_space<hbm>> -> memref<400x64xf32, #tpu.memory_space<hbm>>
    tpu.wait_dma2 semaphore(%arg13 : memref<!tpu.dma_semaphore, #tpu.memory_space<semaphore_mem>>) src(%arg8 : memref<400x64xf32, #tpu.memory_space<vmem>>) dst(%dma_wait3A_383 : memref<400x64xf32, #tpu.memory_space<hbm>>)
    return
  }
}

</mosaic_0001>

<sc_bundles>
// kernel: kernel.3.cloned.1.call-start
scs
__scs_entry_jumppad:
0x0: {  	(pc) =	sbr.rel $0x88, $3  }
0x1: {  	(tag) =	ssettag $0x0;
	lr =	simm.s32 $0x1  }
0x2: {  	[smem:$0x3F9E] =	sst lr;
	_ =	strace $0xD0000000  }
0x3: {  	_ = 	snop  }
0x4: {  	_ = 	snop  }
0x5: {  	_ = 	snop  }
0x6: {  	_ = 	snop  }
0x7: {  	_ = 	snop  }
__scs_overlays_trampoline_lowered:
0x8: {  	[smem:$0x3FAD] =	sst s0  }
0x9: {  	[smem:$0x3FAE] =	sst s1  }
0xa: {  	[smem:$0x3FAF] =	sst s2  }
0xb: {  	[smem:$0x3FB0] =	sst s3  }
0xc: {  	[smem:$0x3FB1] =	sst s4  }
0xd: {  	[smem:$0x3FB2] =	sst s5  }
0xe: {  	[smem:$0x3FB3] =	sst s6  }
0xf: {  	[smem:$0x3FB4] =	sst s7  }
0x10: {  	[smem:$0x3FB5] =	sst s8  }
0x11: {  	[smem:$0x3FB6] =	sst s9;
	s0 =	simm.s32 @!p0 $0x0  }
0x12: {  	s1 =	sld [smem:$0x3F9C];
	s0 =	simm.s32 @p0 $0x1  }
0x13: {  	[smem:$0x3FB7] =	sst s0;
	s0 =	simm.s32 @!p1 $0x0  }
0x14: {  	s2 =	sld [smem:$0x3F9B];
	s0 =	simm.s32 @p1 $0x1  }
0x15: {  	[smem:$0x3FB8] =	sst s0;
	s0 =	simm.s32 @!p2 $0x0  }
0x16: {  	s3 =	sld [smem:$0x3FDB];
	s0 =	simm.s32 @p2 $0x1  }
0x17: {  	s4 =	simm.s32 $0x1BF5;
	[smem:$0x3FBA] =	sst s0  }
0x18: {  	s0 =	sld [smem:$0x3F9D];
	_ =	swait.ge [sflag:s4], $0x0  }
0x19: {  	s7 =	sld [smem:$0x3F9E]  }
0x1a: {  	s8 =	sadd.s32 $0xFFFFE003, lr  }
0x1b: {  	s9 =	sadd.s32 $0xFFFFFEF7, lr;
	s5 =	simm.s32 $0xFFFFFFFF;
	p2 =	slt.u32 s8, $0xFFFFF086  }
0x1c: {  	p1 =	slt.u32 s9, $0xF7A;
	s5 =	simm.s32 @!p2 $0x0  }
0x1d: {  	s5 =	simm.s32 @p1 $0x1;
	p0 =	seq.s32 s7, s2  }
0x1e: {  	s7 =	smul.u32 @!p0 $0xF7A, s2;
	p2 =	seq.s32 @!p0 s5, $0x0  }
0x1f: {  	s9 =	smul.u32 $0xF7A, s1;
	s8 =	simm.s32 @!p0 $0x1BF5;
	p2 =	por !p2, p0  }
0x20: {  	[sflag:s8] =	ssyncset.s32 @!p0 $0xFFFFF086;
	s6 =	sadd.s32 @!p0 s3, s7;
	s7 =	simm.s32 @!p0 $0x108  }
0x21: {  	s3 =	sadd.s32 s3, s9;
	s6 =	sadd.s32 @!p0 $0x88, s6;
	s7 =	simm.s32 @p2 $0x1082  }
0x22: {  	[simem:s7], [sflag:s8] =	dma.local @!p0 [hbm:s6], $0xF7A  }
0x23: {  	s9 =	sor.u32 $0xD0000000, s2;
	s6 =	simm.s32 $0x108;
	_ =	swait.ge @!p0 [sflag:s8], $0x0  }
0x24: {  	s3 =	sadd.s32 $0x88, s3;
	s6 =	simm.s32 @!p1 $0x1082;
	[sflag:s4] =	ssyncset.s32 $0xFFFFF086  }
0x25: {  	[simem:s6], [sflag:s4] =	dma.local [hbm:s3], $0xF7A  }
0x26: {  	[smem:$0x3F9E] =	sst s1;
	(tag) =	ssettag s2;
	_ =	strace s9  }
0x27: {  	s1 =	sld [smem:$0x3FAE]  }
0x28: {  	s2 =	sld [smem:$0x3FAF]  }
0x29: {  	s4 =	sld [smem:$0x3FB1]  }
0x2a: {  	p0 =	seq.s32 s5, $0x0;
	s5 =	sld [smem:$0x3FB2]  }
0x2b: {  	s6 =	sld [smem:$0x3FB3]  }
0x2c: {  	s7 =	sld [smem:$0x3FB4]  }
0x2d: {  	s3 =	simm.s32 $0x108;
	s8 =	sld [smem:$0x3FB5]  }
0x2e: {  	s3 =	simm.s32 @!p0 $0x1082;
	s9 =	sld [smem:$0x3FB6]  }
0x2f: {  	lr =	sadd.s32 s0, s3;
	s0 =	sld [smem:$0x3FAD]  }
0x30: {  	s3 =	sld [smem:$0x3FB0]  }
0x31: {  	[smem:$0x3FB9] =	sst s10  }
0x32: {  	s10 =	sld [smem:$0x3FB7];
	_ =	sdelay $0x3  }
0x33: {  	p0 =	seq.s32 s10, $0x1;
	s10 =	sld [smem:$0x3FB9];
	_ =	sdelay $0x3  }
0x34: {  	[smem:$0x3FB9] =	sst s10  }
0x35: {  	s10 =	sld [smem:$0x3FB8];
	_ =	sdelay $0x3  }
0x36: {  	p1 =	seq.s32 s10, $0x1;
	s10 =	sld [smem:$0x3FB9];
	_ =	sdelay $0x3  }
0x37: {  	[smem:$0x3FB9] =	sst s10  }
0x38: {  	s10 =	sld [smem:$0x3FBA]  }
0x39: {  	_ = 	snop;
	(pc) =	sbr.ind lr, $3  }
0x3a: {  	_ = 	snop  }
0x3b: {  	_ = 	snop  }
0x3c: {  	p2 =	seq.s32 s10, $0x1;
	s10 =	sld [smem:$0x3FB9]  }
0x3d: {  	_ =	shalt  }
0x3e: {  	_ =	shalt  }
0x3f: {  	_ =	shalt  }
0x40: {  	_ =	shalt  }
0x41: {  	_ =	shalt  }
0x42: {  	_ =	shalt  }
0x43: {  	_ =	shalt  }
0x44: {  	_ =	shalt  }
0x45: {  	_ =	shalt  }
0x46: {  	_ =	shalt  }
0x47: {  	_ =	shalt  }
0x48: {  	_ =	shalt  }
0x49: {  	_ =	shalt  }
0x4a: {  	_ =	shalt  }
0x4b: {  	_ =	shalt  }
0x4c: {  	_ =	shalt  }
0x4d: {  	_ =	shalt  }
0x4e: {  	_ =	shalt  }
0x4f: {  	_ =	shalt  }
0x50: {  	_ =	shalt  }
0x51: {  	_ =	shalt  }
0x52: {  	_ =	shalt  }
0x53: {  	_ =	shalt  }
0x54: {  	_ =	shalt  }
0x55: {  	_ =	shalt  }
0x56: {  	_ =	shalt  }
0x57: {  	_ =	shalt  }
0x58: {  	_ =	shalt  }
0x59: {  	_ =	shalt  }
0x5a: {  	_ =	shalt  }
0x5b: {  	_ =	shalt  }
0x5c: {  	_ =	shalt  }
0x5d: {  	_ =	shalt  }
0x5e: {  	_ =	shalt  }
0x5f: {  	_ =	shalt  }
0x60: {  	_ =	shalt  }
0x61: {  	_ =	shalt  }
0x62: {  	_ =	shalt  }
0x63: {  	_ =	shalt  }
0x64: {  	_ =	shalt  }
0x65: {  	_ =	shalt  }
0x66: {  	_ =	shalt  }
0x67: {  	_ =	shalt  }
0x68: {  	_ =	shalt  }
0x69: {  	_ =	shalt  }
0x6a: {  	_ =	shalt  }
0x6b: {  	_ =	shalt  }
0x6c: {  	_ =	shalt  }
0x6d: {  	_ =	shalt  }
0x6e: {  	_ =	shalt  }
0x6f: {  	_ =	shalt  }
0x70: {  	_ =	shalt  }
0x71: {  	_ =	shalt  }
0x72: {  	_ =	shalt  }
0x73: {  	_ =	shalt  }
0x74: {  	_ =	shalt  }
0x75: {  	_ =	shalt  }
0x76: {  	_ =	shalt  }
0x77: {  	_ =	shalt  }
0x78: {  	_ =	shalt  }
0x79: {  	_ =	shalt  }
0x7a: {  	_ =	shalt  }
0x7b: {  	_ =	shalt  }
0x7c: {  	_ =	shalt  }
0x7d: {  	_ =	shalt  }
0x7e: {  	_ =	shalt  }
0x7f: {  	_ =	shalt  }
0x80: {  	_ =	shalt  }
0x81: {  	_ =	shalt  }
0x82: {  	_ =	shalt  }
0x83: {  	_ =	shalt  }
0x84: {  	_ =	shalt  }
0x85: {  	_ =	shalt  }
0x86: {  	_ =	shalt  }
0x87: {  	_ =	shalt  }
.Lfunc_end0:
.L_simem_size_0:
called_computation.1_lowered:
.L_overlay_start_0:
0x88: {  	s2 =	sld [smem:$0x3FD9]  }
0x89: {  	s3 =	sld [smem:$0x3FFE];
	_ =	sdelay $0x1  }
0x8a: {  	s1 =	srdreg.scid  }
0x8b: {  	s0 =	sand.u32 $0x1, s1  }
0x8c: {  	s17 =	sshll.u32 s0, $0xA;
	s2 =	sadd.s32 s3, s2  }
0x8d: {  	s2 =	sadd.s32 s2, s17  }
0x8e: {  	[smem:$0x3FC5] =	sst s2  }
0x8f: {  	_ = 	snop  }
0x90: {  	s2 =	sld [smem:$0x3FD0];
	(tm) =	ssettm $0x1  }
0x91: {  	s18 =	sld [smem:$0x3FFB];
	_ =	sdelay $0x3  }
0x92: {  	_ =	strace s18  }
0x93: {  	s3 =	sld [smem:$0x3FFC];
	_ =	sdelay $0x3  }
0x94: {  	_ =	strace s3  }
0x95: {  	s3 =	sld [smem:$0x3FFD];
	_ =	sdelay $0x3  }
0x96: {  	_ =	strace s3  }
0x97: {  	_ =	strace $0x8FFFFFFF  }
0x98: {  	s19 =	sld [smem:$0x3FDB];
	_ =	sdelay $0x1  }
0x99: {  	s4 =	simm.s32 $_scs_section_size  }
0x9a: {  	s5 =	simm.s32 $_size__tile_overlayer_lowered;
	s6 =	simm.s32 $_tile_overlayer_lowered  }
0x9b: {  	s22 =	simm.s32 $0x1BFF;
	s21 =	sshll.u32 s6, $0x1;
	s3 =	sadd.s32 s4, s19  }
0x9c: {  	s7 =	simm.s32 $0x0;
	s20 =	sshll.u32 s5, $0x1;
	s5 =	sadd.s32 s21, s3  }
0x9d: {  	[timem:s7], [sflag:s22] =	dma.local [hbm:s5], s20  }
0x9e: {  	_ =	swait.ge [sflag:s22], s20  }
0x9f: {  	s4 =	ssub.s32 $0x0, s20;
	[sflag:s22] =	ssyncset.done $0x0  }
0xa0: {  	[sflag:s22] =	ssyncadd.s32 s4;
	_ =	sdelay $0x1  }
0xa1: {  	s23 =	simm.s32 $0x1B8B  }
0xa2: {  	_ =	swait.ge [sflag:s23], $0x1  }
0xa3: {  	[sflag:s23] =	ssyncset.done $0x0  }
0xa4: {  	s25 =	simm.s32 $0x1B8E;
	s24 =	sld [smem:$0x3FFE];
	[sflag:s23] =	ssyncadd.s32 $0xFFFFFFFF  }
0xa5: {  	s26 =	simm.s32 $execute0_lowered;
	[smem:$0x3FD2] =	sst s25  }
0xa6: {  	s5 =	sshll.u32 s26, $0x1;
	_ =	strace $0x80000046;
	[dreg:$0x1] =	wrdreg $0xFFFFFFFF  }
0xa7: {  	s28 =	simm.s32 $_size_execute0_lowered;
	s3 =	sadd.s32 s3, s5;
	[dreg:$0x0] =	wrdreg $0x0  }
0xa8: {  	s5 =	sshll.u32 s28, $0x1;
	[dreg:$0x2] =	wrdreg s3  }
0xa9: {  	[dreg:$0x3] =	wrdreg s5  }
0xaa: {  	[dreg:$0x4] =	wrdreg $0xC0  }
0xab: {  	_ =	task [dreg:s7], $0x5FFFF  }
0xac: {  	[dreg:$0x1] =	wrdreg $0xFFFFFFFF  }
0xad: {  	[dreg:$0x0] =	wrdreg $0x60  }
0xae: {  	[dreg:$0x2] =	wrdreg s24  }
0xaf: {  	[dreg:$0x3] =	wrdreg s2  }
0xb0: {  	[dreg:$0x4] =	wrdreg $0x9  }
0xb1: {  	_ =	task.clear_ibuf [dreg:s7], $0x5FFFF;
	_ =	strace $0x90000046  }
0xb2: {  	s29 =	simm.s32 $0x9;
	_ =	strace $0x80000048  }
0xb3: {  	_ =	swait.ge [sflag:s29], $0x1  }
0xb4: {  	[sflag:s29] =	ssyncadd.s32 $0xFFFFFFFF  }
0xb5: {  	_ =	strace $0x90000048  }
0xb6: {  	_ =	sfence  }
0xb7: {  	s30 =	sld [smem:$0x0];
	_ =	sdelay $0x2  }
0xb8: {  	s31 =	sshll.u32 s1, $0xD;
	s1 =	sshrl.u32 s1, $0x2  }
0xb9: {  	s3 =	sand.u32 $0x4000, s31;
	s1 =	sadd.s32 s1, s30  }
0xba: {  	s0 =	sor.u32 s3, s0;
	s1 =	sshll.u32 s1, $0x11  }
0xbb: {  	s0 =	sor.u32 s1, s0  }
0xbc: {  	s0 =	sadd.s32 $0x8F2B, s0  }
0xbd: {  	[sflag:s0] =	ssyncadd.remote.s32 $0x1  }
0xbe: {  	_ =	sfence.sel $0xFFFF  }
0xbf: {  	[dreg:$0x0] =	wrdreg $0xFFFFFFFF;
	(pc) =	sbr.abs _section_cstart, $3  }
0xc0: {  	[dreg:$0x1] =	wrdreg $0xFFFFFFFF  }
0xc1: {  	_ =	task.clear_ibuf [dreg:s7], $0x2FFFF;
	_ =	strace $0x9FFFFFFF  }
0xc2: {  	(tm) =	ssettm $0x7FFFFFFF  }
0xc3: {  	_ =	shalt  }
tec
execute0_lowered:
.L_overlay_start_1:
0x0: {  	(tag) =	ssettag $0x1  }
0x1: {  	s0 =	srdreg.scid;
	s1 =	stileid.u32  }
0x2: {  	s0 =	sand.u32 $0x1, s0;
	s1 =	sshll.u32 s1, $0x1  }
0x3: {  	s5 =	rddreg [dreg:$0x0];
	s2 =	sor.u32 s0, s1  }
0x4: {  	s1 =	simm.s32 $0x0;
	s0 =	ssub.s32 $0x2, s0;
	s3 =	smul.u32 $0x1900, s2  }
0x5: {  	s4 =	sadd.s32 $0xC00, s5;
	[smem:$0x7FF] =	sst s1;
	s6 =	sshrl.u32 s0, $0x1  }
0x6: {  	s2 =	smul.u32 $0xC800, s2;
	s6 =	ssub.s32 s0, s6;
	s14 =	sshrl.u32 s3, $0x3  }
0x7: {  	s7 =	sadd.s32 $0x190, s3;
	s8 =	sadd.s32 $0x320, s3;
	s9 =	sadd.s32 $0x4B0, s3  }
0x8: {  	s10 =	sadd.s32 $0x7D0, s3;
	s13 =	sadd.s32 $0x960, s3;
	s31 =	sadd.s32 $0x12C0, s3  }
0x9: {  	s6 =	smax.u32 s6, $0x1;
	s0 =	sadd.s32 s4, s14;
	s15 =	sshrl.u32 s7, $0x3  }
0xa: {  	s16 =	sshrl.u32 s8, $0x3;
	s17 =	sshrl.u32 s9, $0x3;
	s12 =	sshrl.u32 s10, $0x3  }
0xb: {  	s19 =	sshrl.u32 s13, $0x3;
	s26 =	sshll.u32 s7, $0x3;
	s7 =	rddreg [dreg:$0x1]  }
0xc: {  	s23 =	sshrl.u32 s31, $0x3;
	[dreg:$0x3] =	wrdreg s0;
	s0 =	sadd.s32 s4, s15  }
0xd: {  	s18 =	sadd.s32 s4, s12;
	s12 =	sadd.s32 $0xC80, s3;
	[dreg:$0x4] =	wrdreg s0  }
0xe: {  	s2 =	sadd.s32 s7, s2;
	s0 =	sadd.s32 s4, s16;
	[dreg:$0x8] =	wrdreg s18  }
0xf: {  	s15 =	sshrl.u32 s12, $0x3;
	s16 =	sadd.s32 $0xE10, s3;
	[dreg:$0x13] =	wrdreg s2  }
0x10: {  	s12 =	sshll.u32 s12, $0x3;
	[dreg:$0x5] =	wrdreg s0;
	s0 =	sadd.s32 s4, s17  }
0x11: {  	s20 =	sadd.s32 s4, s15;
	s21 =	sshrl.u32 s16, $0x3;
	[dreg:$0x6] =	wrdreg s0  }
0x12: {  	s15 =	sadd.s32 $0x1130, s3;
	s0 =	sadd.s32 $0x640, s3;
	[dreg:$0xb] =	wrdreg s20  }
0x13: {  	s18 =	sshrl.u32 s15, $0x3;
	s15 =	sshll.u32 s15, $0x3;
	s11 =	sshrl.u32 s0, $0x3  }
0x14: {  	s22 =	sadd.s32 s4, s18;
	s18 =	sadd.s32 $0x15E0, s3;
	s11 =	sadd.s32 s4, s11  }
0x15: {  	s0 =	sshll.u32 s0, $0x3;
	[dreg:$0x7] =	wrdreg s11;
	s11 =	sadd.s32 s4, s19  }
0x16: {  	s30 =	sadd.s32 s7, s15;
	[dreg:$0x9] =	wrdreg s11;
	s11 =	sadd.s32 $0xAF0, s3  }
0x17: {  	s15 =	simm.s32 $0x0;
	[dreg:$0xe] =	wrdreg s22;
	s14 =	sshrl.u32 s11, $0x3  }
0x18: {  	s20 =	sshrl.u32 s18, $0x3;
	s22 =	sadd.s32 s7, s0;
	s14 =	sadd.s32 s4, s14  }
0x19: {  	s18 =	sshll.u32 s18, $0x3;
	[dreg:$0xa] =	wrdreg s14;
	s14 =	sadd.s32 s4, s21  }
0x1a: {  	s24 =	sadd.s32 s4, s20;
	[dreg:$0xc] =	wrdreg s14;
	s14 =	sadd.s32 $0xFA0, s3  }
0x1b: {  	s2 =	sadd.s32 s7, s18;
	[dreg:$0x11] =	wrdreg s24;
	s17 =	sshrl.u32 s14, $0x3  }
0x1c: {  	s11 =	sshll.u32 s11, $0x3;
	s14 =	sshll.u32 s14, $0x3;
	s17 =	sadd.s32 s4, s17  }
0x1d: {  	s29 =	sadd.s32 s7, s14;
	[dreg:$0xd] =	wrdreg s17;
	s17 =	sadd.s32 s4, s23  }
0x1e: {  	[dreg:$0xf] =	wrdreg s17;
	s17 =	sadd.s32 $0x1450, s3;
	s3 =	sadd.s32 $0x1770, s3  }
0x1f: {  	s14 =	simm.s32 $0x4;
	s19 =	sshrl.u32 s17, $0x3;
	s25 =	sshrl.u32 s3, $0x3  }
0x20: {  	s17 =	sshll.u32 s17, $0x3;
	s3 =	sshll.u32 s3, $0x3;
	s19 =	sadd.s32 s4, s19  }
0x21: {  	s4 =	sadd.s32 s4, s25;
	s25 =	sadd.s32 s7, s11;
	s0 =	sadd.s32 s7, s17  }
0x22: {  	s3 =	sadd.s32 s7, s3;
	s11 =	simm.s32 $0x1;
	[dreg:$0x10] =	wrdreg s19  }
0x23: {  	[dreg:$0x12] =	wrdreg s4;
	s19 =	sadd.s32 s7, s26;
	s4 =	sshll.u32 s8, $0x3  }
0x24: {  	s8 =	sshll.u32 s9, $0x3;
	s9 =	sshll.u32 s10, $0x3;
	s10 =	sshll.u32 s13, $0x3  }
0x25: {  	s26 =	sadd.s32 s7, s12;
	s13 =	sshll.u32 s16, $0x3;
	s16 =	sshll.u32 s31, $0x3  }
0x26: {  	s12 =	simm.s32 $0x3;
	s20 =	sadd.s32 s7, s4;
	s21 =	sadd.s32 s7, s8  }
0x27: {  	s23 =	sadd.s32 s7, s9;
	s24 =	sadd.s32 s7, s10;
	s28 =	sadd.s32 s7, s13  }
0x28: {  	s31 =	sadd.s32 s7, s16;
	_ =	strace $0x80000047;
	s4 =	sadd.s32 $0xF43000, s5  }
0x29: {  	s5 =	sadd.s32 $0x7000, s5;
	s7 =	simm.s32 $0x5;
	s8 =	simm.s32 $0x190  }
0x2a: {  	s9 =	simm.s32 $0x320;
	s10 =	simm.s32 $0x6720;
	s13 =	simm.s32 $0x2  }
.LBB2_1:
0x2b: {  	s16 =	simm.s32 $0xCB20  }
0x2c: {  	[tilespmem:s16], [sflag:$0x5] =	stream.linear.gather [hbm4b:s5+s1], $0x6400, $0x38;
	[tilespmem:$0x12F20] =	vst v63  }
0x2d: {  	_ =	swait.ge [sflag:s7], $0x6400  }
0x2e: {  	[sflag:s7] =	ssyncset.done $0x0  }
0x2f: {  	s17 =	rddreg [dreg:$0x3];
	[sflag:s7] =	ssyncadd.s32 $0xFFFF9C00  }
0x30: {  	[tilespmem:s1], [sflag:$0x5] =	stream.linear.gather [hbm4b:s17+s1], $0x190, $0x38;
	[tilespmem:$0x12F20] =	vst v63  }
0x31: {  	_ =	swait.ge [sflag:s7], $0x190  }
0x32: {  	[sflag:s7] =	ssyncset.done $0x0  }
0x33: {  	[sflag:s7] =	ssyncadd.s32 $0xFFFFFE70  }
0x34: {  	[tilespmem:s9], [sflag:$0x1] =	stream.indirect.gather [hbm4b:s4+s8], $0x40, s1, s8, $0xb8;
	[tilespmem:$0x12F20] =	vst v63  }
0x35: {  	s18 =	rddreg [dreg:$0x4]  }
0x36: {  	[tilespmem:s8], [sflag:$0x5] =	stream.linear.gather [hbm4b:s18+s1], $0x190, $0x38;
	[tilespmem:$0x12F20] =	vst v63  }
0x37: {  	_ =	swait.ge [sflag:s7], $0x190  }
0x38: {  	[sflag:s7] =	ssyncset.done $0x0  }
0x39: {  	[sflag:s7] =	ssyncadd.s32 $0xFFFFFE70  }
0x3a: {  	[tilespmem:s10], [sflag:$0x2] =	stream.indirect.gather [hbm4b:s4+s8], $0x40, s8, s8, $0xb8;
	[tilespmem:$0x12F20] =	vst v63  }
0x3b: {  	_ =	swait.ge [sflag:s11], $0x6400  }
0x3c: {  	[sflag:s11] =	ssyncset.done $0x0  }
0x3d: {  	s16 =	simm.s32 $0x0;
	[sflag:s11] =	ssyncadd.s32 $0xFFFF9C00  }
0x3e: {  	v0 =	vld [tilespmem:s16+$0xCC10]  }
0x3f: {  	v1 =	vld [tilespmem:s16+$0xCB20]  }
0x40: {  	v2 =	vld [tilespmem:s16+$0xCB30]  }
0x41: {  	v3 =	vld [tilespmem:s16+$0xCB40]  }
0x42: {  	v4 =	vld [tilespmem:s16+$0xCB50]  }
0x43: {  	v5 =	vld [tilespmem:s16+$0xCB60]  }
0x44: {  	v6 =	vld [tilespmem:s16+$0xCB70]  }
0x45: {  	v7 =	vld [tilespmem:s16+$0xCB80]  }
0x46: {  	v8 =	vld [tilespmem:s16+$0xCB90]  }
0x47: {  	v9 =	vld [tilespmem:s16+$0xCBA0]  }
0x48: {  	v10 =	vld [tilespmem:s16+$0xCBB0]  }
0x49: {  	v11 =	vld [tilespmem:s16+$0xCBC0]  }
0x4a: {  	v12 =	vld [tilespmem:s16+$0xCBD0]  }
0x4b: {  	v13 =	vld [tilespmem:s16+$0xCBE0]  }
0x4c: {  	v14 =	vld [tilespmem:s16+$0xCBF0]  }
0x4d: {  	[tilespmem:s16+$0x410] =	vst.add.f32.msk $0xffff, v0  }
0x4e: {  	v0 =	vld [tilespmem:s16+$0xCC00]  }
0x4f: {  	[tilespmem:s16+$0x320] =	vst.add.f32.msk $0xffff, v1  }
0x50: {  	[tilespmem:s16+$0x330] =	vst.add.f32.msk $0xffff, v2  }
0x51: {  	[tilespmem:s16+$0x340] =	vst.add.f32.msk $0xffff, v3  }
0x52: {  	[tilespmem:s16+$0x350] =	vst.add.f32.msk $0xffff, v4  }
0x53: {  	[tilespmem:s16+$0x360] =	vst.add.f32.msk $0xffff, v5  }
0x54: {  	[tilespmem:s16+$0x370] =	vst.add.f32.msk $0xffff, v6  }
0x55: {  	[tilespmem:s16+$0x380] =	vst.add.f32.msk $0xffff, v7  }
0x56: {  	[tilespmem:s16+$0x390] =	vst.add.f32.msk $0xffff, v8  }
0x57: {  	[tilespmem:s16+$0x3A0] =	vst.add.f32.msk $0xffff, v9  }
0x58: {  	[tilespmem:s16+$0x3B0] =	vst.add.f32.msk $0xffff, v10  }
0x59: {  	[tilespmem:s16+$0x3C0] =	vst.add.f32.msk $0xffff, v11  }
0x5a: {  	[tilespmem:s16+$0x3D0] =	vst.add.f32.msk $0xffff, v12  }
0x5b: {  	[tilespmem:s16+$0x3E0] =	vst.add.f32.msk $0xffff, v13  }
0x5c: {  	s17 =	simm.s32 $0x0;
	s18 =	simm.s32 $0x400;
	[tilespmem:s16+$0x3F0] =	vst.add.f32.msk $0xffff, v14  }
.LBB2_2:
0x5d: {  	s17 =	sadd.s32 $0x4, s17;
	[tilespmem:s16+$0x400] =	vst.add.f32.msk $0xffff, v0;
	s16 =	sshra.s32 s18, $0x2  }
0x5e: {  	v0 =	vld [tilespmem:s16+$0xCC10];
	p0 =	slt.u32 s17, $0x18C  }
0x5f: {  	v1 =	vld [tilespmem:s16+$0xCB20]  }
0x60: {  	v2 =	vld [tilespmem:s16+$0xCB30]  }
0x61: {  	v3 =	vld [tilespmem:s16+$0xCB40]  }
0x62: {  	v4 =	vld [tilespmem:s16+$0xCB50]  }
0x63: {  	[tilespmem:s16+$0x410] =	vst.add.f32.msk $0xffff, v0  }
0x64: {  	v5 =	vld [tilespmem:s16+$0xCB60]  }
0x65: {  	v6 =	vld [tilespmem:s16+$0xCB70]  }
0x66: {  	v7 =	vld [tilespmem:s16+$0xCB80]  }
0x67: {  	v8 =	vld [tilespmem:s16+$0xCB90]  }
0x68: {  	v9 =	vld [tilespmem:s16+$0xCBA0]  }
0x69: {  	v10 =	vld [tilespmem:s16+$0xCBB0]  }
0x6a: {  	v11 =	vld [tilespmem:s16+$0xCBC0]  }
0x6b: {  	v12 =	vld [tilespmem:s16+$0xCBD0]  }
0x6c: {  	v13 =	vld [tilespmem:s16+$0xCBE0]  }
0x6d: {  	v14 =	vld [tilespmem:s16+$0xCBF0]  }
0x6e: {  	v0 =	vld [tilespmem:s16+$0xCC00]  }
0x6f: {  	[tilespmem:s16+$0x320] =	vst.add.f32.msk $0xffff, v1  }
0x70: {  	[tilespmem:s16+$0x330] =	vst.add.f32.msk $0xffff, v2  }
0x71: {  	[tilespmem:s16+$0x340] =	vst.add.f32.msk $0xffff, v3  }
0x72: {  	[tilespmem:s16+$0x350] =	vst.add.f32.msk $0xffff, v4  }
0x73: {  	[tilespmem:s16+$0x360] =	vst.add.f32.msk $0xffff, v5  }
0x74: {  	[tilespmem:s16+$0x370] =	vst.add.f32.msk $0xffff, v6  }
0x75: {  	[tilespmem:s16+$0x380] =	vst.add.f32.msk $0xffff, v7  }
0x76: {  	[tilespmem:s16+$0x390] =	vst.add.f32.msk $0xffff, v8  }
0x77: {  	[tilespmem:s16+$0x3A0] =	vst.add.f32.msk $0xffff, v9  }
.Ltmp0:
0x78: {  	[tilespmem:s16+$0x3B0] =	vst.add.f32.msk $0xffff, v10;
	(pc) =	sbr.rel @p0 .LBB2_2-.Ltmp0, $4  }
0x79: {  	[tilespmem:s16+$0x3C0] =	vst.add.f32.msk $0xffff, v11  }
0x7a: {  	[tilespmem:s16+$0x3D0] =	vst.add.f32.msk $0xffff, v12  }
0x7b: {  	[tilespmem:s16+$0x3E0] =	vst.add.f32.msk $0xffff, v13  }
0x7c: {  	s18 =	sadd.s32 $0x400, s18;
	[tilespmem:s16+$0x3F0] =	vst.add.f32.msk $0xffff, v14  }
0x7d: {  	[tilespmem:s16+$0x400] =	vst.add.f32.msk $0xffff, v0;
	s16 =	simm.s32 $0x0;
	s17 =	rddreg [dreg:$0x13]  }
0x7e: {  	[hbm4b:s17+s16] =	stream.linear.scatter [tilespmem:s9], [sflag:$0x3], $0x6400, $0x38;
	[tilespmem:$0x12F20] =	vst v63  }
0x7f: {  	_ =	swait.ge [sflag:s12], $0x6400  }
0x80: {  	[sflag:s12] =	ssyncset.done $0x0  }
0x81: {  	s18 =	rddreg [dreg:$0x5];
	[sflag:s12] =	ssyncadd.s32 $0xFFFF9C00  }
0x82: {  	[tilespmem:s16], [sflag:$0x5] =	stream.linear.gather [hbm4b:s18+s16], $0x190, $0x38;
	[tilespmem:$0x12F20] =	vst v63  }
0x83: {  	_ =	swait.ge [sflag:s7], $0x190  }
0x84: {  	[sflag:s7] =	ssyncset.done $0x0  }
0x85: {  	[sflag:s7] =	ssyncadd.s32 $0xFFFFFE70  }
0x86: {  	[tilespmem:s9], [sflag:$0x1] =	stream.indirect.gather [hbm4b:s4+s8], $0x40, s16, s8, $0xb8;
	[tilespmem:$0x12F20] =	vst v63  }
0x87: {  	_ =	swait.ge [sflag:s13], $0x6400  }
0x88: {  	[sflag:s13] =	ssyncset.done $0x0  }
0x89: {  	s16 =	simm.s32 $0x0;
	[sflag:s13] =	ssyncadd.s32 $0xFFFF9C00  }
0x8a: {  	v0 =	vld [tilespmem:s16+$0xCC10]  }
0x8b: {  	v1 =	vld [tilespmem:s16+$0xCB20]  }
0x8c: {  	v2 =	vld [tilespmem:s16+$0xCB30]  }
0x8d: {  	v3 =	vld [tilespmem:s16+$0xCB40]  }
0x8e: {  	v4 =	vld [tilespmem:s16+$0xCB50]  }
0x8f: {  	v5 =	vld [tilespmem:s16+$0xCB60]  }
0x90: {  	v6 =	vld [tilespmem:s16+$0xCB70]  }
0x91: {  	v7 =	vld [tilespmem:s16+$0xCB80]  }
0x92: {  	v8 =	vld [tilespmem:s16+$0xCB90]  }
0x93: {  	v9 =	vld [tilespmem:s16+$0xCBA0]  }
0x94: {  	v10 =	vld [tilespmem:s16+$0xCBB0]  }
0x95: {  	v11 =	vld [tilespmem:s16+$0xCBC0]  }
0x96: {  	v12 =	vld [tilespmem:s16+$0xCBD0]  }
0x97: {  	v13 =	vld [tilespmem:s16+$0xCBE0]  }
0x98: {  	v14 =	vld [tilespmem:s16+$0xCBF0]  }
0x99: {  	[tilespmem:s16+$0x6810] =	vst.add.f32.msk $0xffff, v0  }
0x9a: {  	v0 =	vld [tilespmem:s16+$0xCC00]  }
0x9b: {  	[tilespmem:s16+$0x6720] =	vst.add.f32.msk $0xffff, v1  }
0x9c: {  	[tilespmem:s16+$0x6730] =	vst.add.f32.msk $0xffff, v2  }
0x9d: {  	[tilespmem:s16+$0x6740] =	vst.add.f32.msk $0xffff, v3  }
0x9e: {  	[tilespmem:s16+$0x6750] =	vst.add.f32.msk $0xffff, v4  }
0x9f: {  	[tilespmem:s16+$0x6760] =	vst.add.f32.msk $0xffff, v5  }
0xa0: {  	[tilespmem:s16+$0x6770] =	vst.add.f32.msk $0xffff, v6  }
0xa1: {  	[tilespmem:s16+$0x6780] =	vst.add.f32.msk $0xffff, v7  }
0xa2: {  	[tilespmem:s16+$0x6790] =	vst.add.f32.msk $0xffff, v8  }
0xa3: {  	[tilespmem:s16+$0x67A0] =	vst.add.f32.msk $0xffff, v9  }
0xa4: {  	[tilespmem:s16+$0x67B0] =	vst.add.f32.msk $0xffff, v10  }
0xa5: {  	[tilespmem:s16+$0x67C0] =	vst.add.f32.msk $0xffff, v11  }
0xa6: {  	[tilespmem:s16+$0x67D0] =	vst.add.f32.msk $0xffff, v12  }
0xa7: {  	[tilespmem:s16+$0x67E0] =	vst.add.f32.msk $0xffff, v13  }
0xa8: {  	s17 =	simm.s32 $0x0;
	s18 =	simm.s32 $0x400;
	[tilespmem:s16+$0x67F0] =	vst.add.f32.msk $0xffff, v14  }
.LBB2_4:
0xa9: {  	s17 =	sadd.s32 $0x4, s17;
	[tilespmem:s16+$0x6800] =	vst.add.f32.msk $0xffff, v0;
	s16 =	sshra.s32 s18, $0x2  }
0xaa: {  	v0 =	vld [tilespmem:s16+$0xCC10];
	p0 =	slt.u32 s17, $0x18C  }
0xab: {  	v1 =	vld [tilespmem:s16+$0xCB20]  }
0xac: {  	v2 =	vld [tilespmem:s16+$0xCB30]  }
0xad: {  	v3 =	vld [tilespmem:s16+$0xCB40]  }
0xae: {  	v4 =	vld [tilespmem:s16+$0xCB50]  }
0xaf: {  	[tilespmem:s16+$0x6810] =	vst.add.f32.msk $0xffff, v0  }
0xb0: {  	v5 =	vld [tilespmem:s16+$0xCB60]  }
0xb1: {  	v6 =	vld [tilespmem:s16+$0xCB70]  }
0xb2: {  	v7 =	vld [tilespmem:s16+$0xCB80]  }
0xb3: {  	v8 =	vld [tilespmem:s16+$0xCB90]  }
0xb4: {  	v9 =	vld [tilespmem:s16+$0xCBA0]  }
0xb5: {  	v10 =	vld [tilespmem:s16+$0xCBB0]  }
0xb6: {  	v11 =	vld [tilespmem:s16+$0xCBC0]  }
0xb7: {  	v12 =	vld [tilespmem:s16+$0xCBD0]  }
0xb8: {  	v13 =	vld [tilespmem:s16+$0xCBE0]  }
0xb9: {  	v14 =	vld [tilespmem:s16+$0xCBF0]  }
0xba: {  	v0 =	vld [tilespmem:s16+$0xCC00]  }
0xbb: {  	[tilespmem:s16+$0x6720] =	vst.add.f32.msk $0xffff, v1  }
0xbc: {  	[tilespmem:s16+$0x6730] =	vst.add.f32.msk $0xffff, v2  }
0xbd: {  	[tilespmem:s16+$0x6740] =	vst.add.f32.msk $0xffff, v3  }
0xbe: {  	[tilespmem:s16+$0x6750] =	vst.add.f32.msk $0xffff, v4  }
0xbf: {  	[tilespmem:s16+$0x6760] =	vst.add.f32.msk $0xffff, v5  }
0xc0: {  	[tilespmem:s16+$0x6770] =	vst.add.f32.msk $0xffff, v6  }
0xc1: {  	[tilespmem:s16+$0x6780] =	vst.add.f32.msk $0xffff, v7  }
0xc2: {  	[tilespmem:s16+$0x6790] =	vst.add.f32.msk $0xffff, v8  }
0xc3: {  	[tilespmem:s16+$0x67A0] =	vst.add.f32.msk $0xffff, v9  }
.Ltmp1:
0xc4: {  	[tilespmem:s16+$0x67B0] =	vst.add.f32.msk $0xffff, v10;
	(pc) =	sbr.rel @p0 .LBB2_4-.Ltmp1, $4  }
0xc5: {  	[tilespmem:s16+$0x67C0] =	vst.add.f32.msk $0xffff, v11  }
0xc6: {  	[tilespmem:s16+$0x67D0] =	vst.add.f32.msk $0xffff, v12  }
0xc7: {  	[tilespmem:s16+$0x67E0] =	vst.add.f32.msk $0xffff, v13  }
0xc8: {  	s18 =	sadd.s32 $0x400, s18;
	[tilespmem:s16+$0x67F0] =	vst.add.f32.msk $0xffff, v14  }
0xc9: {  	[tilespmem:s16+$0x6800] =	vst.add.f32.msk $0xffff, v0;
	s18 =	simm.s32 $0x0  }
0xca: {  	[hbm4b:s19+s18] =	stream.linear.scatter [tilespmem:s10], [sflag:$0x4], $0x6400, $0x38;
	[tilespmem:$0x12F20] =	vst v63  }
0xcb: {  	_ =	swait.ge [sflag:s14], $0x6400  }
0xcc: {  	[sflag:s14] =	ssyncset.done $0x0  }
0xcd: {  	s17 =	rddreg [dreg:$0x6];
	[sflag:s14] =	ssyncadd.s32 $0xFFFF9C00  }
0xce: {  	[tilespmem:s8], [sflag:$0x5] =	stream.linear.gather [hbm4b:s17+s18], $0x190, $0x38;
	[tilespmem:$0x12F20] =	vst v63  }
0xcf: {  	_ =	swait.ge [sflag:s7], $0x190  }
0xd0: {  	[sflag:s7] =	ssyncset.done $0x0  }
0xd1: {  	[sflag:s7] =	ssyncadd.s32 $0xFFFFFE70  }
0xd2: {  	[tilespmem:s10], [sflag:$0x2] =	stream.indirect.gather [hbm4b:s4+s8], $0x40, s8, s8, $0xb8;
	[tilespmem:$0x12F20] =	vst v63  }
0xd3: {  	_ =	swait.ge [sflag:s11], $0x6400  }
0xd4: {  	[sflag:s11] =	ssyncset.done $0x0  }
0xd5: {  	s16 =	simm.s32 $0x0;
	[sflag:s11] =	ssyncadd.s32 $0xFFFF9C00  }
0xd6: {  	v0 =	vld [tilespmem:s16+$0xCC10]  }
0xd7: {  	v1 =	vld [tilespmem:s16+$0xCB20]  }
0xd8: {  	v2 =	vld [tilespmem:s16+$0xCB30]  }
0xd9: {  	v3 =	vld [tilespmem:s16+$0xCB40]  }
0xda: {  	v4 =	vld [tilespmem:s16+$0xCB50]  }
0xdb: {  	v5 =	vld [tilespmem:s16+$0xCB60]  }
0xdc: {  	v6 =	vld [tilespmem:s16+$0xCB70]  }
0xdd: {  	v7 =	vld [tilespmem:s16+$0xCB80]  }
0xde: {  	v8 =	vld [tilespmem:s16+$0xCB90]  }
0xdf: {  	v9 =	vld [tilespmem:s16+$0xCBA0]  }
0xe0: {  	v10 =	vld [tilespmem:s16+$0xCBB0]  }
0xe1: {  	v11 =	vld [tilespmem:s16+$0xCBC0]  }
0xe2: {  	v12 =	vld [tilespmem:s16+$0xCBD0]  }
0xe3: {  	v13 =	vld [tilespmem:s16+$0xCBE0]  }
0xe4: {  	v14 =	vld [tilespmem:s16+$0xCBF0]  }
0xe5: {  	[tilespmem:s16+$0x410] =	vst.add.f32.msk $0xffff, v0  }
0xe6: {  	v0 =	vld [tilespmem:s16+$0xCC00]  }
0xe7: {  	[tilespmem:s16+$0x320] =	vst.add.f32.msk $0xffff, v1  }
0xe8: {  	[tilespmem:s16+$0x330] =	vst.add.f32.msk $0xffff, v2  }
0xe9: {  	[tilespmem:s16+$0x340] =	vst.add.f32.msk $0xffff, v3  }
0xea: {  	[tilespmem:s16+$0x350] =	vst.add.f32.msk $0xffff, v4  }
0xeb: {  	[tilespmem:s16+$0x360] =	vst.add.f32.msk $0xffff, v5  }
0xec: {  	[tilespmem:s16+$0x370] =	vst.add.f32.msk $0xffff, v6  }
0xed: {  	[tilespmem:s16+$0x380] =	vst.add.f32.msk $0xffff, v7  }
0xee: {  	[tilespmem:s16+$0x390] =	vst.add.f32.msk $0xffff, v8  }
0xef: {  	[tilespmem:s16+$0x3A0] =	vst.add.f32.msk $0xffff, v9  }
0xf0: {  	[tilespmem:s16+$0x3B0] =	vst.add.f32.msk $0xffff, v10  }
0xf1: {  	[tilespmem:s16+$0x3C0] =	vst.add.f32.msk $0xffff, v11  }
0xf2: {  	[tilespmem:s16+$0x3D0] =	vst.add.f32.msk $0xffff, v12  }
0xf3: {  	[tilespmem:s16+$0x3E0] =	vst.add.f32.msk $0xffff, v13  }
0xf4: {  	s17 =	simm.s32 $0x0;
	s18 =	simm.s32 $0x400;
	[tilespmem:s16+$0x3F0] =	vst.add.f32.msk $0xffff, v14  }
.LBB2_6:
0xf5: {  	s17 =	sadd.s32 $0x4, s17;
	[tilespmem:s16+$0x400] =	vst.add.f32.msk $0xffff, v0;
	s16 =	sshra.s32 s18, $0x2  }
0xf6: {  	v0 =	vld [tilespmem:s16+$0xCC10];
	p0 =	slt.u32 s17, $0x18C  }
0xf7: {  	v1 =	vld [tilespmem:s16+$0xCB20]  }
0xf8: {  	v2 =	vld [tilespmem:s16+$0xCB30]  }
0xf9: {  	v3 =	vld [tilespmem:s16+$0xCB40]  }
0xfa: {  	v4 =	vld [tilespmem:s16+$0xCB50]  }
0xfb: {  	[tilespmem:s16+$0x410] =	vst.add.f32.msk $0xffff, v0  }
0xfc: {  	v5 =	vld [tilespmem:s16+$0xCB60]  }
0xfd: {  	v6 =	vld [tilespmem:s16+$0xCB70]  }
0xfe: {  	v7 =	vld [tilespmem:s16+$0xCB80]  }
0xff: {  	v8 =	vld [tilespmem:s16+$0xCB90]  }
0x100: {  	v9 =	vld [tilespmem:s16+$0xCBA0]  }
0x101: {  	v10 =	vld [tilespmem:s16+$0xCBB0]  }
0x102: {  	v11 =	vld [tilespmem:s16+$0xCBC0]  }
0x103: {  	v12 =	vld [tilespmem:s16+$0xCBD0]  }
0x104: {  	v13 =	vld [tilespmem:s16+$0xCBE0]  }
0x105: {  	v14 =	vld [tilespmem:s16+$0xCBF0]  }
0x106: {  	v0 =	vld [tilespmem:s16+$0xCC00]  }
0x107: {  	[tilespmem:s16+$0x320] =	vst.add.f32.msk $0xffff, v1  }
0x108: {  	[tilespmem:s16+$0x330] =	vst.add.f32.msk $0xffff, v2  }
0x109: {  	[tilespmem:s16+$0x340] =	vst.add.f32.msk $0xffff, v3  }
0x10a: {  	[tilespmem:s16+$0x350] =	vst.add.f32.msk $0xffff, v4  }
0x10b: {  	[tilespmem:s16+$0x360] =	vst.add.f32.msk $0xffff, v5  }
0x10c: {  	[tilespmem:s16+$0x370] =	vst.add.f32.msk $0xffff, v6  }
0x10d: {  	[tilespmem:s16+$0x380] =	vst.add.f32.msk $0xffff, v7  }
0x10e: {  	[tilespmem:s16+$0x390] =	vst.add.f32.msk $0xffff, v8  }
0x10f: {  	[tilespmem:s16+$0x3A0] =	vst.add.f32.msk $0xffff, v9  }
.Ltmp2:
0x110: {  	[tilespmem:s16+$0x3B0] =	vst.add.f32.msk $0xffff, v10;
	(pc) =	sbr.rel @p0 .LBB2_6-.Ltmp2, $4  }
0x111: {  	[tilespmem:s16+$0x3C0] =	vst.add.f32.msk $0xffff, v11  }
0x112: {  	[tilespmem:s16+$0x3D0] =	vst.add.f32.msk $0xffff, v12  }
0x113: {  	[tilespmem:s16+$0x3E0] =	vst.add.f32.msk $0xffff, v13  }
0x114: {  	s18 =	sadd.s32 $0x400, s18;
	[tilespmem:s16+$0x3F0] =	vst.add.f32.msk $0xffff, v14  }
0x115: {  	[tilespmem:s16+$0x400] =	vst.add.f32.msk $0xffff, v0;
	s18 =	simm.s32 $0x0  }
0x116: {  	[hbm4b:s20+s18] =	stream.linear.scatter [tilespmem:s9], [sflag:$0x3], $0x6400, $0x38;
	[tilespmem:$0x12F20] =	vst v63  }
0x117: {  	_ =	swait.ge [sflag:s12], $0x6400  }
0x118: {  	[sflag:s12] =	ssyncset.done $0x0  }
0x119: {  	s17 =	rddreg [dreg:$0x7];
	[sflag:s12] =	ssyncadd.s32 $0xFFFF9C00  }
0x11a: {  	[tilespmem:s18], [sflag:$0x5] =	stream.linear.gather [hbm4b:s17+s18], $0x190, $0x38;
	[tilespmem:$0x12F20] =	vst v63  }
0x11b: {  	_ =	swait.ge [sflag:s7], $0x190  }
0x11c: {  	[sflag:s7] =	ssyncset.done $0x0  }
0x11d: {  	[sflag:s7] =	ssyncadd.s32 $0xFFFFFE70  }
0x11e: {  	[tilespmem:s9], [sflag:$0x1] =	stream.indirect.gather [hbm4b:s4+s8], $0x40, s18, s8, $0xb8;
	[tilespmem:$0x12F20] =	vst v63  }
0x11f: {  	_ =	swait.ge [sflag:s13], $0x6400  }
0x120: {  	[sflag:s13] =	ssyncset.done $0x0  }
0x121: {  	s16 =	simm.s32 $0x0;
	[sflag:s13] =	ssyncadd.s32 $0xFFFF9C00  }
0x122: {  	v0 =	vld [tilespmem:s16+$0xCC10]  }
0x123: {  	v1 =	vld [tilespmem:s16+$0xCB20]  }
0x124: {  	v2 =	vld [tilespmem:s16+$0xCB30]  }
0x125: {  	v3 =	vld [tilespmem:s16+$0xCB40]  }
0x126: {  	v4 =	vld [tilespmem:s16+$0xCB50]  }
0x127: {  	v5 =	vld [tilespmem:s16+$0xCB60]  }
0x128: {  	v6 =	vld [tilespmem:s16+$0xCB70]  }
0x129: {  	v7 =	vld [tilespmem:s16+$0xCB80]  }
0x12a: {  	v8 =	vld [tilespmem:s16+$0xCB90]  }
0x12b: {  	v9 =	vld [tilespmem:s16+$0xCBA0]  }
0x12c: {  	v10 =	vld [tilespmem:s16+$0xCBB0]  }
0x12d: {  	v11 =	vld [tilespmem:s16+$0xCBC0]  }
0x12e: {  	v12 =	vld [tilespmem:s16+$0xCBD0]  }
0x12f: {  	v13 =	vld [tilespmem:s16+$0xCBE0]  }
0x130: {  	v14 =	vld [tilespmem:s16+$0xCBF0]  }
0x131: {  	[tilespmem:s16+$0x6810] =	vst.add.f32.msk $0xffff, v0  }
0x132: {  	v0 =	vld [tilespmem:s16+$0xCC00]  }
0x133: {  	[tilespmem:s16+$0x6720] =	vst.add.f32.msk $0xffff, v1  }
0x134: {  	[tilespmem:s16+$0x6730] =	vst.add.f32.msk $0xffff, v2  }
0x135: {  	[tilespmem:s16+$0x6740] =	vst.add.f32.msk $0xffff, v3  }
0x136: {  	[tilespmem:s16+$0x6750] =	vst.add.f32.msk $0xffff, v4  }
0x137: {  	[tilespmem:s16+$0x6760] =	vst.add.f32.msk $0xffff, v5  }
0x138: {  	[tilespmem:s16+$0x6770] =	vst.add.f32.msk $0xffff, v6  }
0x139: {  	[tilespmem:s16+$0x6780] =	vst.add.f32.msk $0xffff, v7  }
0x13a: {  	[tilespmem:s16+$0x6790] =	vst.add.f32.msk $0xffff, v8  }
0x13b: {  	[tilespmem:s16+$0x67A0] =	vst.add.f32.msk $0xffff, v9  }
0x13c: {  	[tilespmem:s16+$0x67B0] =	vst.add.f32.msk $0xffff, v10  }
0x13d: {  	[tilespmem:s16+$0x67C0] =	vst.add.f32.msk $0xffff, v11  }
0x13e: {  	[tilespmem:s16+$0x67D0] =	vst.add.f32.msk $0xffff, v12  }
0x13f: {  	[tilespmem:s16+$0x67E0] =	vst.add.f32.msk $0xffff, v13  }
0x140: {  	s17 =	simm.s32 $0x0;
	s18 =	simm.s32 $0x400;
	[tilespmem:s16+$0x67F0] =	vst.add.f32.msk $0xffff, v14  }
.LBB2_8:
0x141: {  	s17 =	sadd.s32 $0x4, s17;
	[tilespmem:s16+$0x6800] =	vst.add.f32.msk $0xffff, v0;
	s16 =	sshra.s32 s18, $0x2  }
0x142: {  	v0 =	vld [tilespmem:s16+$0xCC10];
	p0 =	slt.u32 s17, $0x18C  }
0x143: {  	v1 =	vld [tilespmem:s16+$0xCB20]  }
0x144: {  	v2 =	vld [tilespmem:s16+$0xCB30]  }
0x145: {  	v3 =	vld [tilespmem:s16+$0xCB40]  }
0x146: {  	v4 =	vld [tilespmem:s16+$0xCB50]  }
0x147: {  	[tilespmem:s16+$0x6810] =	vst.add.f32.msk $0xffff, v0  }
0x148: {  	v5 =	vld [tilespmem:s16+$0xCB60]  }
0x149: {  	v6 =	vld [tilespmem:s16+$0xCB70]  }
0x14a: {  	v7 =	vld [tilespmem:s16+$0xCB80]  }
0x14b: {  	v8 =	vld [tilespmem:s16+$0xCB90]  }
0x14c: {  	v9 =	vld [tilespmem:s16+$0xCBA0]  }
0x14d: {  	v10 =	vld [tilespmem:s16+$0xCBB0]  }
0x14e: {  	v11 =	vld [tilespmem:s16+$0xCBC0]  }
0x14f: {  	v12 =	vld [tilespmem:s16+$0xCBD0]  }
0x150: {  	v13 =	vld [tilespmem:s16+$0xCBE0]  }
0x151: {  	v14 =	vld [tilespmem:s16+$0xCBF0]  }
0x152: {  	v0 =	vld [tilespmem:s16+$0xCC00]  }
0x153: {  	[tilespmem:s16+$0x6720] =	vst.add.f32.msk $0xffff, v1  }
0x154: {  	[tilespmem:s16+$0x6730] =	vst.add.f32.msk $0xffff, v2  }
0x155: {  	[tilespmem:s16+$0x6740] =	vst.add.f32.msk $0xffff, v3  }
0x156: {  	[tilespmem:s16+$0x6750] =	vst.add.f32.msk $0xffff, v4  }
0x157: {  	[tilespmem:s16+$0x6760] =	vst.add.f32.msk $0xffff, v5  }
0x158: {  	[tilespmem:s16+$0x6770] =	vst.add.f32.msk $0xffff, v6  }
0x159: {  	[tilespmem:s16+$0x6780] =	vst.add.f32.msk $0xffff, v7  }
0x15a: {  	[tilespmem:s16+$0x6790] =	vst.add.f32.msk $0xffff, v8  }
0x15b: {  	[tilespmem:s16+$0x67A0] =	vst.add.f32.msk $0xffff, v9  }
.Ltmp3:
0x15c: {  	[tilespmem:s16+$0x67B0] =	vst.add.f32.msk $0xffff, v10;
	(pc) =	sbr.rel @p0 .LBB2_8-.Ltmp3, $4  }
0x15d: {  	[tilespmem:s16+$0x67C0] =	vst.add.f32.msk $0xffff, v11  }
0x15e: {  	[tilespmem:s16+$0x67D0] =	vst.add.f32.msk $0xffff, v12  }
0x15f: {  	[tilespmem:s16+$0x67E0] =	vst.add.f32.msk $0xffff, v13  }
0x160: {  	s18 =	sadd.s32 $0x400, s18;
	[tilespmem:s16+$0x67F0] =	vst.add.f32.msk $0xffff, v14  }
0x161: {  	[tilespmem:s16+$0x6800] =	vst.add.f32.msk $0xffff, v0;
	s18 =	simm.s32 $0x0  }
0x162: {  	[hbm4b:s21+s18] =	stream.linear.scatter [tilespmem:s10], [sflag:$0x4], $0x6400, $0x38;
	[tilespmem:$0x12F20] =	vst v63  }
0x163: {  	_ =	swait.ge [sflag:s14], $0x6400  }
0x164: {  	[sflag:s14] =	ssyncset.done $0x0  }
0x165: {  	s17 =	rddreg [dreg:$0x8];
	[sflag:s14] =	ssyncadd.s32 $0xFFFF9C00  }
0x166: {  	[tilespmem:s8], [sflag:$0x5] =	stream.linear.gather [hbm4b:s17+s18], $0x190, $0x38;
	[tilespmem:$0x12F20] =	vst v63  }
0x167: {  	_ =	swait.ge [sflag:s7], $0x190  }
0x168: {  	[sflag:s7] =	ssyncset.done $0x0  }
0x169: {  	[sflag:s7] =	ssyncadd.s32 $0xFFFFFE70  }
0x16a: {  	[tilespmem:s10], [sflag:$0x2] =	stream.indirect.gather [hbm4b:s4+s8], $0x40, s8, s8, $0xb8;
	[tilespmem:$0x12F20] =	vst v63  }
0x16b: {  	_ =	swait.ge [sflag:s11], $0x6400  }
0x16c: {  	[sflag:s11] =	ssyncset.done $0x0  }
0x16d: {  	s16 =	simm.s32 $0x0;
	[sflag:s11] =	ssyncadd.s32 $0xFFFF9C00  }
0x16e: {  	v0 =	vld [tilespmem:s16+$0xCC10]  }
0x16f: {  	v1 =	vld [tilespmem:s16+$0xCB20]  }
0x170: {  	v2 =	vld [tilespmem:s16+$0xCB30]  }
0x171: {  	v3 =	vld [tilespmem:s16+$0xCB40]  }
0x172: {  	v4 =	vld [tilespmem:s16+$0xCB50]  }
0x173: {  	v5 =	vld [tilespmem:s16+$0xCB60]  }
0x174: {  	v6 =	vld [tilespmem:s16+$0xCB70]  }
0x175: {  	v7 =	vld [tilespmem:s16+$0xCB80]  }
0x176: {  	v8 =	vld [tilespmem:s16+$0xCB90]  }
0x177: {  	v9 =	vld [tilespmem:s16+$0xCBA0]  }
0x178: {  	v10 =	vld [tilespmem:s16+$0xCBB0]  }
0x179: {  	v11 =	vld [tilespmem:s16+$0xCBC0]  }
0x17a: {  	v12 =	vld [tilespmem:s16+$0xCBD0]  }
0x17b: {  	v13 =	vld [tilespmem:s16+$0xCBE0]  }
0x17c: {  	v14 =	vld [tilespmem:s16+$0xCBF0]  }
0x17d: {  	[tilespmem:s16+$0x410] =	vst.add.f32.msk $0xffff, v0  }
0x17e: {  	v0 =	vld [tilespmem:s16+$0xCC00]  }
0x17f: {  	[tilespmem:s16+$0x320] =	vst.add.f32.msk $0xffff, v1  }
0x180: {  	[tilespmem:s16+$0x330] =	vst.add.f32.msk $0xffff, v2  }
0x181: {  	[tilespmem:s16+$0x340] =	vst.add.f32.msk $0xffff, v3  }
0x182: {  	[tilespmem:s16+$0x350] =	vst.add.f32.msk $0xffff, v4  }
0x183: {  	[tilespmem:s16+$0x360] =	vst.add.f32.msk $0xffff, v5  }
0x184: {  	[tilespmem:s16+$0x370] =	vst.add.f32.msk $0xffff, v6  }
0x185: {  	[tilespmem:s16+$0x380] =	vst.add.f32.msk $0xffff, v7  }
0x186: {  	[tilespmem:s16+$0x390] =	vst.add.f32.msk $0xffff, v8  }
0x187: {  	[tilespmem:s16+$0x3A0] =	vst.add.f32.msk $0xffff, v9  }
0x188: {  	[tilespmem:s16+$0x3B0] =	vst.add.f32.msk $0xffff, v10  }
0x189: {  	[tilespmem:s16+$0x3C0] =	vst.add.f32.msk $0xffff, v11  }
0x18a: {  	[tilespmem:s16+$0x3D0] =	vst.add.f32.msk $0xffff, v12  }
0x18b: {  	[tilespmem:s16+$0x3E0] =	vst.add.f32.msk $0xffff, v13  }
0x18c: {  	s17 =	simm.s32 $0x0;
	s18 =	simm.s32 $0x400;
	[tilespmem:s16+$0x3F0] =	vst.add.f32.msk $0xffff, v14  }
.LBB2_10:
0x18d: {  	s17 =	sadd.s32 $0x4, s17;
	[tilespmem:s16+$0x400] =	vst.add.f32.msk $0xffff, v0;
	s16 =	sshra.s32 s18, $0x2  }
0x18e: {  	v0 =	vld [tilespmem:s16+$0xCC10];
	p0 =	slt.u32 s17, $0x18C  }
0x18f: {  	v1 =	vld [tilespmem:s16+$0xCB20]  }
0x190: {  	v2 =	vld [tilespmem:s16+$0xCB30]  }
0x191: {  	v3 =	vld [tilespmem:s16+$0xCB40]  }
0x192: {  	v4 =	vld [tilespmem:s16+$0xCB50]  }
0x193: {  	[tilespmem:s16+$0x410] =	vst.add.f32.msk $0xffff, v0  }
0x194: {  	v5 =	vld [tilespmem:s16+$0xCB60]  }
0x195: {  	v6 =	vld [tilespmem:s16+$0xCB70]  }
0x196: {  	v7 =	vld [tilespmem:s16+$0xCB80]  }
0x197: {  	v8 =	vld [tilespmem:s16+$0xCB90]  }
0x198: {  	v9 =	vld [tilespmem:s16+$0xCBA0]  }
0x199: {  	v10 =	vld [tilespmem:s16+$0xCBB0]  }
0x19a: {  	v11 =	vld [tilespmem:s16+$0xCBC0]  }
0x19b: {  	v12 =	vld [tilespmem:s16+$0xCBD0]  }
0x19c: {  	v13 =	vld [tilespmem:s16+$0xCBE0]  }
0x19d: {  	v14 =	vld [tilespmem:s16+$0xCBF0]  }
0x19e: {  	v0 =	vld [tilespmem:s16+$0xCC00]  }
0x19f: {  	[tilespmem:s16+$0x320] =	vst.add.f32.msk $0xffff, v1  }
0x1a0: {  	[tilespmem:s16+$0x330] =	vst.add.f32.msk $0xffff, v2  }
0x1a1: {  	[tilespmem:s16+$0x340] =	vst.add.f32.msk $0xffff, v3  }
0x1a2: {  	[tilespmem:s16+$0x350] =	vst.add.f32.msk $0xffff, v4  }
0x1a3: {  	[tilespmem:s16+$0x360] =	vst.add.f32.msk $0xffff, v5  }
0x1a4: {  	[tilespmem:s16+$0x370] =	vst.add.f32.msk $0xffff, v6  }
0x1a5: {  	[tilespmem:s16+$0x380] =	vst.add.f32.msk $0xffff, v7  }
0x1a6: {  	[tilespmem:s16+$0x390] =	vst.add.f32.msk $0xffff, v8  }
0x1a7: {  	[tilespmem:s16+$0x3A0] =	vst.add.f32.msk $0xffff, v9  }
.Ltmp4:
0x1a8: {  	[tilespmem:s16+$0x3B0] =	vst.add.f32.msk $0xffff, v10;
	(pc) =	sbr.rel @p0 .LBB2_10-.Ltmp4, $4  }
0x1a9: {  	[tilespmem:s16+$0x3C0] =	vst.add.f32.msk $0xffff, v11  }
0x1aa: {  	[tilespmem:s16+$0x3D0] =	vst.add.f32.msk $0xffff, v12  }
0x1ab: {  	[tilespmem:s16+$0x3E0] =	vst.add.f32.msk $0xffff, v13  }
0x1ac: {  	s18 =	sadd.s32 $0x400, s18;
	[tilespmem:s16+$0x3F0] =	vst.add.f32.msk $0xffff, v14  }
0x1ad: {  	[tilespmem:s16+$0x400] =	vst.add.f32.msk $0xffff, v0;
	s18 =	simm.s32 $0x0  }
0x1ae: {  	[hbm4b:s22+s18] =	stream.linear.scatter [tilespmem:s9], [sflag:$0x3], $0x6400, $0x38;
	[tilespmem:$0x12F20] =	vst v63  }
0x1af: {  	_ =	swait.ge [sflag:s12], $0x6400  }
0x1b0: {  	[sflag:s12] =	ssyncset.done $0x0  }
0x1b1: {  	s17 =	rddreg [dreg:$0x9];
	[sflag:s12] =	ssyncadd.s32 $0xFFFF9C00  }
0x1b2: {  	[tilespmem:s18], [sflag:$0x5] =	stream.linear.gather [hbm4b:s17+s18], $0x190, $0x38;
	[tilespmem:$0x12F20] =	vst v63  }
0x1b3: {  	_ =	swait.ge [sflag:s7], $0x190  }
0x1b4: {  	[sflag:s7] =	ssyncset.done $0x0  }
0x1b5: {  	[sflag:s7] =	ssyncadd.s32 $0xFFFFFE70  }
0x1b6: {  	[tilespmem:s9], [sflag:$0x1] =	stream.indirect.gather [hbm4b:s4+s8], $0x40, s18, s8, $0xb8;
	[tilespmem:$0x12F20] =	vst v63  }
0x1b7: {  	_ =	swait.ge [sflag:s13], $0x6400  }
0x1b8: {  	[sflag:s13] =	ssyncset.done $0x0  }
0x1b9: {  	s16 =	simm.s32 $0x0;
	[sflag:s13] =	ssyncadd.s32 $0xFFFF9C00  }
0x1ba: {  	v0 =	vld [tilespmem:s16+$0xCC10]  }
0x1bb: {  	v1 =	vld [tilespmem:s16+$0xCB20]  }
0x1bc: {  	v2 =	vld [tilespmem:s16+$0xCB30]  }
0x1bd: {  	v3 =	vld [tilespmem:s16+$0xCB40]  }
0x1be: {  	v4 =	vld [tilespmem:s16+$0xCB50]  }
0x1bf: {  	v5 =	vld [tilespmem:s16+$0xCB60]  }
0x1c0: {  	v6 =	vld [tilespmem:s16+$0xCB70]  }
0x1c1: {  	v7 =	vld [tilespmem:s16+$0xCB80]  }
0x1c2: {  	v8 =	vld [tilespmem:s16+$0xCB90]  }
0x1c3: {  	v9 =	vld [tilespmem:s16+$0xCBA0]  }
0x1c4: {  	v10 =	vld [tilespmem:s16+$0xCBB0]  }
0x1c5: {  	v11 =	vld [tilespmem:s16+$0xCBC0]  }
0x1c6: {  	v12 =	vld [tilespmem:s16+$0xCBD0]  }
0x1c7: {  	v13 =	vld [tilespmem:s16+$0xCBE0]  }
0x1c8: {  	v14 =	vld [tilespmem:s16+$0xCBF0]  }
0x1c9: {  	[tilespmem:s16+$0x6810] =	vst.add.f32.msk $0xffff, v0  }
0x1ca: {  	v0 =	vld [tilespmem:s16+$0xCC00]  }
0x1cb: {  	[tilespmem:s16+$0x6720] =	vst.add.f32.msk $0xffff, v1  }
0x1cc: {  	[tilespmem:s16+$0x6730] =	vst.add.f32.msk $0xffff, v2  }
0x1cd: {  	[tilespmem:s16+$0x6740] =	vst.add.f32.msk $0xffff, v3  }
0x1ce: {  	[tilespmem:s16+$0x6750] =	vst.add.f32.msk $0xffff, v4  }
0x1cf: {  	[tilespmem:s16+$0x6760] =	vst.add.f32.msk $0xffff, v5  }
0x1d0: {  	[tilespmem:s16+$0x6770] =	vst.add.f32.msk $0xffff, v6  }
0x1d1: {  	[tilespmem:s16+$0x6780] =	vst.add.f32.msk $0xffff, v7  }
0x1d2: {  	[tilespmem:s16+$0x6790] =	vst.add.f32.msk $0xffff, v8  }
0x1d3: {  	[tilespmem:s16+$0x67A0] =	vst.add.f32.msk $0xffff, v9  }
0x1d4: {  	[tilespmem:s16+$0x67B0] =	vst.add.f32.msk $0xffff, v10  }
0x1d5: {  	[tilespmem:s16+$0x67C0] =	vst.add.f32.msk $0xffff, v11  }
0x1d6: {  	[tilespmem:s16+$0x67D0] =	vst.add.f32.msk $0xffff, v12  }
0x1d7: {  	[tilespmem:s16+$0x67E0] =	vst.add.f32.msk $0xffff, v13  }
0x1d8: {  	s17 =	simm.s32 $0x0;
	s18 =	simm.s32 $0x400;
	[tilespmem:s16+$0x67F0] =	vst.add.f32.msk $0xffff, v14  }
.LBB2_12:
0x1d9: {  	s17 =	sadd.s32 $0x4, s17;
	[tilespmem:s16+$0x6800] =	vst.add.f32.msk $0xffff, v0;
	s16 =	sshra.s32 s18, $0x2  }
0x1da: {  	v0 =	vld [tilespmem:s16+$0xCC10];
	p0 =	slt.u32 s17, $0x18C  }
0x1db: {  	v1 =	vld [tilespmem:s16+$0xCB20]  }
0x1dc: {  	v2 =	vld [tilespmem:s16+$0xCB30]  }
0x1dd: {  	v3 =	vld [tilespmem:s16+$0xCB40]  }
0x1de: {  	v4 =	vld [tilespmem:s16+$0xCB50]  }
0x1df: {  	[tilespmem:s16+$0x6810] =	vst.add.f32.msk $0xffff, v0  }
0x1e0: {  	v5 =	vld [tilespmem:s16+$0xCB60]  }
0x1e1: {  	v6 =	vld [tilespmem:s16+$0xCB70]  }
0x1e2: {  	v7 =	vld [tilespmem:s16+$0xCB80]  }
0x1e3: {  	v8 =	vld [tilespmem:s16+$0xCB90]  }
0x1e4: {  	v9 =	vld [tilespmem:s16+$0xCBA0]  }
0x1e5: {  	v10 =	vld [tilespmem:s16+$0xCBB0]  }
0x1e6: {  	v11 =	vld [tilespmem:s16+$0xCBC0]  }
0x1e7: {  	v12 =	vld [tilespmem:s16+$0xCBD0]  }
0x1e8: {  	v13 =	vld [tilespmem:s16+$0xCBE0]  }
0x1e9: {  	v14 =	vld [tilespmem:s16+$0xCBF0]  }
0x1ea: {  	v0 =	vld [tilespmem:s16+$0xCC00]  }
0x1eb: {  	[tilespmem:s16+$0x6720] =	vst.add.f32.msk $0xffff, v1  }
0x1ec: {  	[tilespmem:s16+$0x6730] =	vst.add.f32.msk $0xffff, v2  }
0x1ed: {  	[tilespmem:s16+$0x6740] =	vst.add.f32.msk $0xffff, v3  }
0x1ee: {  	[tilespmem:s16+$0x6750] =	vst.add.f32.msk $0xffff, v4  }
0x1ef: {  	[tilespmem:s16+$0x6760] =	vst.add.f32.msk $0xffff, v5  }
0x1f0: {  	[tilespmem:s16+$0x6770] =	vst.add.f32.msk $0xffff, v6  }
0x1f1: {  	[tilespmem:s16+$0x6780] =	vst.add.f32.msk $0xffff, v7  }
0x1f2: {  	[tilespmem:s16+$0x6790] =	vst.add.f32.msk $0xffff, v8  }
0x1f3: {  	[tilespmem:s16+$0x67A0] =	vst.add.f32.msk $0xffff, v9  }
.Ltmp5:
0x1f4: {  	[tilespmem:s16+$0x67B0] =	vst.add.f32.msk $0xffff, v10;
	(pc) =	sbr.rel @p0 .LBB2_12-.Ltmp5, $4  }
0x1f5: {  	[tilespmem:s16+$0x67C0] =	vst.add.f32.msk $0xffff, v11  }
0x1f6: {  	[tilespmem:s16+$0x67D0] =	vst.add.f32.msk $0xffff, v12  }
0x1f7: {  	[tilespmem:s16+$0x67E0] =	vst.add.f32.msk $0xffff, v13  }
0x1f8: {  	s18 =	sadd.s32 $0x400, s18;
	[tilespmem:s16+$0x67F0] =	vst.add.f32.msk $0xffff, v14  }
0x1f9: {  	[tilespmem:s16+$0x6800] =	vst.add.f32.msk $0xffff, v0;
	s18 =	simm.s32 $0x0  }
0x1fa: {  	[hbm4b:s23+s18] =	stream.linear.scatter [tilespmem:s10], [sflag:$0x4], $0x6400, $0x38;
	[tilespmem:$0x12F20] =	vst v63  }
0x1fb: {  	_ =	swait.ge [sflag:s14], $0x6400  }
0x1fc: {  	[sflag:s14] =	ssyncset.done $0x0  }
0x1fd: {  	s17 =	rddreg [dreg:$0xa];
	[sflag:s14] =	ssyncadd.s32 $0xFFFF9C00  }
0x1fe: {  	[tilespmem:s8], [sflag:$0x5] =	stream.linear.gather [hbm4b:s17+s18], $0x190, $0x38;
	[tilespmem:$0x12F20] =	vst v63  }
0x1ff: {  	_ =	swait.ge [sflag:s7], $0x190  }
0x200: {  	[sflag:s7] =	ssyncset.done $0x0  }
0x201: {  	[sflag:s7] =	ssyncadd.s32 $0xFFFFFE70  }
0x202: {  	[tilespmem:s10], [sflag:$0x2] =	stream.indirect.gather [hbm4b:s4+s8], $0x40, s8, s8, $0xb8;
	[tilespmem:$0x12F20] =	vst v63  }
0x203: {  	_ =	swait.ge [sflag:s11], $0x6400  }
0x204: {  	[sflag:s11] =	ssyncset.done $0x0  }
0x205: {  	s16 =	simm.s32 $0x0;
	[sflag:s11] =	ssyncadd.s32 $0xFFFF9C00  }
0x206: {  	v0 =	vld [tilespmem:s16+$0xCC10]  }
0x207: {  	v1 =	vld [tilespmem:s16+$0xCB20]  }
0x208: {  	v2 =	vld [tilespmem:s16+$0xCB30]  }
0x209: {  	v3 =	vld [tilespmem:s16+$0xCB40]  }
0x20a: {  	v4 =	vld [tilespmem:s16+$0xCB50]  }
0x20b: {  	v5 =	vld [tilespmem:s16+$0xCB60]  }
0x20c: {  	v6 =	vld [tilespmem:s16+$0xCB70]  }
0x20d: {  	v7 =	vld [tilespmem:s16+$0xCB80]  }
0x20e: {  	v8 =	vld [tilespmem:s16+$0xCB90]  }
0x20f: {  	v9 =	vld [tilespmem:s16+$0xCBA0]  }
0x210: {  	v10 =	vld [tilespmem:s16+$0xCBB0]  }
0x211: {  	v11 =	vld [tilespmem:s16+$0xCBC0]  }
0x212: {  	v12 =	vld [tilespmem:s16+$0xCBD0]  }
0x213: {  	v13 =	vld [tilespmem:s16+$0xCBE0]  }
0x214: {  	v14 =	vld [tilespmem:s16+$0xCBF0]  }
0x215: {  	[tilespmem:s16+$0x410] =	vst.add.f32.msk $0xffff, v0  }
0x216: {  	v0 =	vld [tilespmem:s16+$0xCC00]  }
0x217: {  	[tilespmem:s16+$0x320] =	vst.add.f32.msk $0xffff, v1  }
0x218: {  	[tilespmem:s16+$0x330] =	vst.add.f32.msk $0xffff, v2  }
0x219: {  	[tilespmem:s16+$0x340] =	vst.add.f32.msk $0xffff, v3  }
0x21a: {  	[tilespmem:s16+$0x350] =	vst.add.f32.msk $0xffff, v4  }
0x21b: {  	[tilespmem:s16+$0x360] =	vst.add.f32.msk $0xffff, v5  }
0x21c: {  	[tilespmem:s16+$0x370] =	vst.add.f32.msk $0xffff, v6  }
0x21d: {  	[tilespmem:s16+$0x380] =	vst.add.f32.msk $0xffff, v7  }
0x21e: {  	[tilespmem:s16+$0x390] =	vst.add.f32.msk $0xffff, v8  }
0x21f: {  	[tilespmem:s16+$0x3A0] =	vst.add.f32.msk $0xffff, v9  }
0x220: {  	[tilespmem:s16+$0x3B0] =	vst.add.f32.msk $0xffff, v10  }
0x221: {  	[tilespmem:s16+$0x3C0] =	vst.add.f32.msk $0xffff, v11  }
0x222: {  	[tilespmem:s16+$0x3D0] =	vst.add.f32.msk $0xffff, v12  }
0x223: {  	[tilespmem:s16+$0x3E0] =	vst.add.f32.msk $0xffff, v13  }
0x224: {  	s17 =	simm.s32 $0x0;
	s18 =	simm.s32 $0x400;
	[tilespmem:s16+$0x3F0] =	vst.add.f32.msk $0xffff, v14  }
.LBB2_14:
0x225: {  	s17 =	sadd.s32 $0x4, s17;
	[tilespmem:s16+$0x400] =	vst.add.f32.msk $0xffff, v0;
	s16 =	sshra.s32 s18, $0x2  }
0x226: {  	v0 =	vld [tilespmem:s16+$0xCC10];
	p0 =	slt.u32 s17, $0x18C  }
0x227: {  	v1 =	vld [tilespmem:s16+$0xCB20]  }
0x228: {  	v2 =	vld [tilespmem:s16+$0xCB30]  }
0x229: {  	v3 =	vld [tilespmem:s16+$0xCB40]  }
0x22a: {  	v4 =	vld [tilespmem:s16+$0xCB50]  }
0x22b: {  	[tilespmem:s16+$0x410] =	vst.add.f32.msk $0xffff, v0  }
0x22c: {  	v5 =	vld [tilespmem:s16+$0xCB60]  }
0x22d: {  	v6 =	vld [tilespmem:s16+$0xCB70]  }
0x22e: {  	v7 =	vld [tilespmem:s16+$0xCB80]  }
0x22f: {  	v8 =	vld [tilespmem:s16+$0xCB90]  }
0x230: {  	v9 =	vld [tilespmem:s16+$0xCBA0]  }
0x231: {  	v10 =	vld [tilespmem:s16+$0xCBB0]  }
0x232: {  	v11 =	vld [tilespmem:s16+$0xCBC0]  }
0x233: {  	v12 =	vld [tilespmem:s16+$0xCBD0]  }
0x234: {  	v13 =	vld [tilespmem:s16+$0xCBE0]  }
0x235: {  	v14 =	vld [tilespmem:s16+$0xCBF0]  }
0x236: {  	v0 =	vld [tilespmem:s16+$0xCC00]  }
0x237: {  	[tilespmem:s16+$0x320] =	vst.add.f32.msk $0xffff, v1  }
0x238: {  	[tilespmem:s16+$0x330] =	vst.add.f32.msk $0xffff, v2  }
0x239: {  	[tilespmem:s16+$0x340] =	vst.add.f32.msk $0xffff, v3  }
0x23a: {  	[tilespmem:s16+$0x350] =	vst.add.f32.msk $0xffff, v4  }
0x23b: {  	[tilespmem:s16+$0x360] =	vst.add.f32.msk $0xffff, v5  }
0x23c: {  	[tilespmem:s16+$0x370] =	vst.add.f32.msk $0xffff, v6  }
0x23d: {  	[tilespmem:s16+$0x380] =	vst.add.f32.msk $0xffff, v7  }
0x23e: {  	[tilespmem:s16+$0x390] =	vst.add.f32.msk $0xffff, v8  }
0x23f: {  	[tilespmem:s16+$0x3A0] =	vst.add.f32.msk $0xffff, v9  }
.Ltmp6:
0x240: {  	[tilespmem:s16+$0x3B0] =	vst.add.f32.msk $0xffff, v10;
	(pc) =	sbr.rel @p0 .LBB2_14-.Ltmp6, $4  }
0x241: {  	[tilespmem:s16+$0x3C0] =	vst.add.f32.msk $0xffff, v11  }
0x242: {  	[tilespmem:s16+$0x3D0] =	vst.add.f32.msk $0xffff, v12  }
0x243: {  	[tilespmem:s16+$0x3E0] =	vst.add.f32.msk $0xffff, v13  }
0x244: {  	s18 =	sadd.s32 $0x400, s18;
	[tilespmem:s16+$0x3F0] =	vst.add.f32.msk $0xffff, v14  }
0x245: {  	[tilespmem:s16+$0x400] =	vst.add.f32.msk $0xffff, v0;
	s18 =	simm.s32 $0x0  }
0x246: {  	[hbm4b:s24+s18] =	stream.linear.scatter [tilespmem:s9], [sflag:$0x3], $0x6400, $0x38;
	[tilespmem:$0x12F20] =	vst v63  }
0x247: {  	_ =	swait.ge [sflag:s12], $0x6400  }
0x248: {  	[sflag:s12] =	ssyncset.done $0x0  }
0x249: {  	s17 =	rddreg [dreg:$0xb];
	[sflag:s12] =	ssyncadd.s32 $0xFFFF9C00  }
0x24a: {  	[tilespmem:s18], [sflag:$0x5] =	stream.linear.gather [hbm4b:s17+s18], $0x190, $0x38;
	[tilespmem:$0x12F20] =	vst v63  }
0x24b: {  	_ =	swait.ge [sflag:s7], $0x190  }
0x24c: {  	[sflag:s7] =	ssyncset.done $0x0  }
0x24d: {  	[sflag:s7] =	ssyncadd.s32 $0xFFFFFE70  }
0x24e: {  	[tilespmem:s9], [sflag:$0x1] =	stream.indirect.gather [hbm4b:s4+s8], $0x40, s18, s8, $0xb8;
	[tilespmem:$0x12F20] =	vst v63  }
0x24f: {  	_ =	swait.ge [sflag:s13], $0x6400  }
0x250: {  	[sflag:s13] =	ssyncset.done $0x0  }
0x251: {  	s16 =	simm.s32 $0x0;
	[sflag:s13] =	ssyncadd.s32 $0xFFFF9C00  }
0x252: {  	v0 =	vld [tilespmem:s16+$0xCC10]  }
0x253: {  	v1 =	vld [tilespmem:s16+$0xCB20]  }
0x254: {  	v2 =	vld [tilespmem:s16+$0xCB30]  }
0x255: {  	v3 =	vld [tilespmem:s16+$0xCB40]  }
0x256: {  	v4 =	vld [tilespmem:s16+$0xCB50]  }
0x257: {  	v5 =	vld [tilespmem:s16+$0xCB60]  }
0x258: {  	v6 =	vld [tilespmem:s16+$0xCB70]  }
0x259: {  	v7 =	vld [tilespmem:s16+$0xCB80]  }
0x25a: {  	v8 =	vld [tilespmem:s16+$0xCB90]  }
0x25b: {  	v9 =	vld [tilespmem:s16+$0xCBA0]  }
0x25c: {  	v10 =	vld [tilespmem:s16+$0xCBB0]  }
0x25d: {  	v11 =	vld [tilespmem:s16+$0xCBC0]  }
0x25e: {  	v12 =	vld [tilespmem:s16+$0xCBD0]  }
0x25f: {  	v13 =	vld [tilespmem:s16+$0xCBE0]  }
0x260: {  	v14 =	vld [tilespmem:s16+$0xCBF0]  }
0x261: {  	[tilespmem:s16+$0x6810] =	vst.add.f32.msk $0xffff, v0  }
0x262: {  	v0 =	vld [tilespmem:s16+$0xCC00]  }
0x263: {  	[tilespmem:s16+$0x6720] =	vst.add.f32.msk $0xffff, v1  }
0x264: {  	[tilespmem:s16+$0x6730] =	vst.add.f32.msk $0xffff, v2  }
0x265: {  	[tilespmem:s16+$0x6740] =	vst.add.f32.msk $0xffff, v3  }
0x266: {  	[tilespmem:s16+$0x6750] =	vst.add.f32.msk $0xffff, v4  }
0x267: {  	[tilespmem:s16+$0x6760] =	vst.add.f32.msk $0xffff, v5  }
0x268: {  	[tilespmem:s16+$0x6770] =	vst.add.f32.msk $0xffff, v6  }
0x269: {  	[tilespmem:s16+$0x6780] =	vst.add.f32.msk $0xffff, v7  }
0x26a: {  	[tilespmem:s16+$0x6790] =	vst.add.f32.msk $0xffff, v8  }
0x26b: {  	[tilespmem:s16+$0x67A0] =	vst.add.f32.msk $0xffff, v9  }
0x26c: {  	[tilespmem:s16+$0x67B0] =	vst.add.f32.msk $0xffff, v10  }
0x26d: {  	[tilespmem:s16+$0x67C0] =	vst.add.f32.msk $0xffff, v11  }
0x26e: {  	[tilespmem:s16+$0x67D0] =	vst.add.f32.msk $0xffff, v12  }
0x26f: {  	[tilespmem:s16+$0x67E0] =	vst.add.f32.msk $0xffff, v13  }
0x270: {  	s17 =	simm.s32 $0x0;
	s18 =	simm.s32 $0x400;
	[tilespmem:s16+$0x67F0] =	vst.add.f32.msk $0xffff, v14  }
.LBB2_16:
0x271: {  	s17 =	sadd.s32 $0x4, s17;
	[tilespmem:s16+$0x6800] =	vst.add.f32.msk $0xffff, v0;
	s16 =	sshra.s32 s18, $0x2  }
0x272: {  	v0 =	vld [tilespmem:s16+$0xCC10];
	p0 =	slt.u32 s17, $0x18C  }
0x273: {  	v1 =	vld [tilespmem:s16+$0xCB20]  }
0x274: {  	v2 =	vld [tilespmem:s16+$0xCB30]  }
0x275: {  	v3 =	vld [tilespmem:s16+$0xCB40]  }
0x276: {  	v4 =	vld [tilespmem:s16+$0xCB50]  }
0x277: {  	[tilespmem:s16+$0x6810] =	vst.add.f32.msk $0xffff, v0  }
0x278: {  	v5 =	vld [tilespmem:s16+$0xCB60]  }
0x279: {  	v6 =	vld [tilespmem:s16+$0xCB70]  }
0x27a: {  	v7 =	vld [tilespmem:s16+$0xCB80]  }
0x27b: {  	v8 =	vld [tilespmem:s16+$0xCB90]  }
0x27c: {  	v9 =	vld [tilespmem:s16+$0xCBA0]  }
0x27d: {  	v10 =	vld [tilespmem:s16+$0xCBB0]  }
0x27e: {  	v11 =	vld [tilespmem:s16+$0xCBC0]  }
0x27f: {  	v12 =	vld [tilespmem:s16+$0xCBD0]  }
0x280: {  	v13 =	vld [tilespmem:s16+$0xCBE0]  }
0x281: {  	v14 =	vld [tilespmem:s16+$0xCBF0]  }
0x282: {  	v0 =	vld [tilespmem:s16+$0xCC00]  }
0x283: {  	[tilespmem:s16+$0x6720] =	vst.add.f32.msk $0xffff, v1  }
0x284: {  	[tilespmem:s16+$0x6730] =	vst.add.f32.msk $0xffff, v2  }
0x285: {  	[tilespmem:s16+$0x6740] =	vst.add.f32.msk $0xffff, v3  }
0x286: {  	[tilespmem:s16+$0x6750] =	vst.add.f32.msk $0xffff, v4  }
0x287: {  	[tilespmem:s16+$0x6760] =	vst.add.f32.msk $0xffff, v5  }
0x288: {  	[tilespmem:s16+$0x6770] =	vst.add.f32.msk $0xffff, v6  }
0x289: {  	[tilespmem:s16+$0x6780] =	vst.add.f32.msk $0xffff, v7  }
0x28a: {  	[tilespmem:s16+$0x6790] =	vst.add.f32.msk $0xffff, v8  }
0x28b: {  	[tilespmem:s16+$0x67A0] =	vst.add.f32.msk $0xffff, v9  }
.Ltmp7:
0x28c: {  	[tilespmem:s16+$0x67B0] =	vst.add.f32.msk $0xffff, v10;
	(pc) =	sbr.rel @p0 .LBB2_16-.Ltmp7, $4  }
0x28d: {  	[tilespmem:s16+$0x67C0] =	vst.add.f32.msk $0xffff, v11  }
0x28e: {  	[tilespmem:s16+$0x67D0] =	vst.add.f32.msk $0xffff, v12  }
0x28f: {  	[tilespmem:s16+$0x67E0] =	vst.add.f32.msk $0xffff, v13  }
0x290: {  	s18 =	sadd.s32 $0x400, s18;
	[tilespmem:s16+$0x67F0] =	vst.add.f32.msk $0xffff, v14  }
0x291: {  	[tilespmem:s16+$0x6800] =	vst.add.f32.msk $0xffff, v0;
	s18 =	simm.s32 $0x0  }
0x292: {  	[hbm4b:s25+s18] =	stream.linear.scatter [tilespmem:s10], [sflag:$0x4], $0x6400, $0x38;
	[tilespmem:$0x12F20] =	vst v63  }
0x293: {  	_ =	swait.ge [sflag:s14], $0x6400  }
0x294: {  	[sflag:s14] =	ssyncset.done $0x0  }
0x295: {  	s17 =	rddreg [dreg:$0xc];
	[sflag:s14] =	ssyncadd.s32 $0xFFFF9C00  }
0x296: {  	[tilespmem:s8], [sflag:$0x5] =	stream.linear.gather [hbm4b:s17+s18], $0x190, $0x38;
	[tilespmem:$0x12F20] =	vst v63  }
0x297: {  	_ =	swait.ge [sflag:s7], $0x190  }
0x298: {  	[sflag:s7] =	ssyncset.done $0x0  }
0x299: {  	[sflag:s7] =	ssyncadd.s32 $0xFFFFFE70  }
0x29a: {  	[tilespmem:s10], [sflag:$0x2] =	stream.indirect.gather [hbm4b:s4+s8], $0x40, s8, s8, $0xb8;
	[tilespmem:$0x12F20] =	vst v63  }
0x29b: {  	_ =	swait.ge [sflag:s11], $0x6400  }
0x29c: {  	[sflag:s11] =	ssyncset.done $0x0  }
0x29d: {  	s16 =	simm.s32 $0x0;
	[sflag:s11] =	ssyncadd.s32 $0xFFFF9C00  }
0x29e: {  	v0 =	vld [tilespmem:s16+$0xCC10]  }
0x29f: {  	v1 =	vld [tilespmem:s16+$0xCB20]  }
0x2a0: {  	v2 =	vld [tilespmem:s16+$0xCB30]  }
0x2a1: {  	v3 =	vld [tilespmem:s16+$0xCB40]  }
0x2a2: {  	v4 =	vld [tilespmem:s16+$0xCB50]  }
0x2a3: {  	v5 =	vld [tilespmem:s16+$0xCB60]  }
0x2a4: {  	v6 =	vld [tilespmem:s16+$0xCB70]  }
0x2a5: {  	v7 =	vld [tilespmem:s16+$0xCB80]  }
0x2a6: {  	v8 =	vld [tilespmem:s16+$0xCB90]  }
0x2a7: {  	v9 =	vld [tilespmem:s16+$0xCBA0]  }
0x2a8: {  	v10 =	vld [tilespmem:s16+$0xCBB0]  }
0x2a9: {  	v11 =	vld [tilespmem:s16+$0xCBC0]  }
0x2aa: {  	v12 =	vld [tilespmem:s16+$0xCBD0]  }
0x2ab: {  	v13 =	vld [tilespmem:s16+$0xCBE0]  }
0x2ac: {  	v14 =	vld [tilespmem:s16+$0xCBF0]  }
0x2ad: {  	[tilespmem:s16+$0x410] =	vst.add.f32.msk $0xffff, v0  }
0x2ae: {  	v0 =	vld [tilespmem:s16+$0xCC00]  }
0x2af: {  	[tilespmem:s16+$0x320] =	vst.add.f32.msk $0xffff, v1  }
0x2b0: {  	[tilespmem:s16+$0x330] =	vst.add.f32.msk $0xffff, v2  }
0x2b1: {  	[tilespmem:s16+$0x340] =	vst.add.f32.msk $0xffff, v3  }
0x2b2: {  	[tilespmem:s16+$0x350] =	vst.add.f32.msk $0xffff, v4  }
0x2b3: {  	[tilespmem:s16+$0x360] =	vst.add.f32.msk $0xffff, v5  }
0x2b4: {  	[tilespmem:s16+$0x370] =	vst.add.f32.msk $0xffff, v6  }
0x2b5: {  	[tilespmem:s16+$0x380] =	vst.add.f32.msk $0xffff, v7  }
0x2b6: {  	[tilespmem:s16+$0x390] =	vst.add.f32.msk $0xffff, v8  }
0x2b7: {  	[tilespmem:s16+$0x3A0] =	vst.add.f32.msk $0xffff, v9  }
0x2b8: {  	[tilespmem:s16+$0x3B0] =	vst.add.f32.msk $0xffff, v10  }
0x2b9: {  	[tilespmem:s16+$0x3C0] =	vst.add.f32.msk $0xffff, v11  }
0x2ba: {  	[tilespmem:s16+$0x3D0] =	vst.add.f32.msk $0xffff, v12  }
0x2bb: {  	[tilespmem:s16+$0x3E0] =	vst.add.f32.msk $0xffff, v13  }
0x2bc: {  	s17 =	simm.s32 $0x0;
	s18 =	simm.s32 $0x400;
	[tilespmem:s16+$0x3F0] =	vst.add.f32.msk $0xffff, v14  }
.LBB2_18:
0x2bd: {  	s17 =	sadd.s32 $0x4, s17;
	[tilespmem:s16+$0x400] =	vst.add.f32.msk $0xffff, v0;
	s16 =	sshra.s32 s18, $0x2  }
0x2be: {  	v0 =	vld [tilespmem:s16+$0xCC10];
	p0 =	slt.u32 s17, $0x18C  }
0x2bf: {  	v1 =	vld [tilespmem:s16+$0xCB20]  }
0x2c0: {  	v2 =	vld [tilespmem:s16+$0xCB30]  }
0x2c1: {  	v3 =	vld [tilespmem:s16+$0xCB40]  }
0x2c2: {  	v4 =	vld [tilespmem:s16+$0xCB50]  }
0x2c3: {  	[tilespmem:s16+$0x410] =	vst.add.f32.msk $0xffff, v0  }
0x2c4: {  	v5 =	vld [tilespmem:s16+$0xCB60]  }
0x2c5: {  	v6 =	vld [tilespmem:s16+$0xCB70]  }
0x2c6: {  	v7 =	vld [tilespmem:s16+$0xCB80]  }
0x2c7: {  	v8 =	vld [tilespmem:s16+$0xCB90]  }
0x2c8: {  	v9 =	vld [tilespmem:s16+$0xCBA0]  }
0x2c9: {  	v10 =	vld [tilespmem:s16+$0xCBB0]  }
0x2ca: {  	v11 =	vld [tilespmem:s16+$0xCBC0]  }
0x2cb: {  	v12 =	vld [tilespmem:s16+$0xCBD0]  }
0x2cc: {  	v13 =	vld [tilespmem:s16+$0xCBE0]  }
0x2cd: {  	v14 =	vld [tilespmem:s16+$0xCBF0]  }
0x2ce: {  	v0 =	vld [tilespmem:s16+$0xCC00]  }
0x2cf: {  	[tilespmem:s16+$0x320] =	vst.add.f32.msk $0xffff, v1  }
0x2d0: {  	[tilespmem:s16+$0x330] =	vst.add.f32.msk $0xffff, v2  }
0x2d1: {  	[tilespmem:s16+$0x340] =	vst.add.f32.msk $0xffff, v3  }
0x2d2: {  	[tilespmem:s16+$0x350] =	vst.add.f32.msk $0xffff, v4  }
0x2d3: {  	[tilespmem:s16+$0x360] =	vst.add.f32.msk $0xffff, v5  }
0x2d4: {  	[tilespmem:s16+$0x370] =	vst.add.f32.msk $0xffff, v6  }
0x2d5: {  	[tilespmem:s16+$0x380] =	vst.add.f32.msk $0xffff, v7  }
0x2d6: {  	[tilespmem:s16+$0x390] =	vst.add.f32.msk $0xffff, v8  }
0x2d7: {  	[tilespmem:s16+$0x3A0] =	vst.add.f32.msk $0xffff, v9  }
.Ltmp8:
0x2d8: {  	[tilespmem:s16+$0x3B0] =	vst.add.f32.msk $0xffff, v10;
	(pc) =	sbr.rel @p0 .LBB2_18-.Ltmp8, $4  }
0x2d9: {  	[tilespmem:s16+$0x3C0] =	vst.add.f32.msk $0xffff, v11  }
0x2da: {  	[tilespmem:s16+$0x3D0] =	vst.add.f32.msk $0xffff, v12  }
0x2db: {  	[tilespmem:s16+$0x3E0] =	vst.add.f32.msk $0xffff, v13  }
0x2dc: {  	s18 =	sadd.s32 $0x400, s18;
	[tilespmem:s16+$0x3F0] =	vst.add.f32.msk $0xffff, v14  }
0x2dd: {  	[tilespmem:s16+$0x400] =	vst.add.f32.msk $0xffff, v0;
	s18 =	simm.s32 $0x0  }
0x2de: {  	[hbm4b:s26+s18] =	stream.linear.scatter [tilespmem:s9], [sflag:$0x3], $0x6400, $0x38;
	[tilespmem:$0x12F20] =	vst v63  }
0x2df: {  	_ =	swait.ge [sflag:s12], $0x6400  }
0x2e0: {  	[sflag:s12] =	ssyncset.done $0x0  }
0x2e1: {  	s17 =	rddreg [dreg:$0xd];
	[sflag:s12] =	ssyncadd.s32 $0xFFFF9C00  }
0x2e2: {  	[tilespmem:s18], [sflag:$0x5] =	stream.linear.gather [hbm4b:s17+s18], $0x190, $0x38;
	[tilespmem:$0x12F20] =	vst v63  }
0x2e3: {  	_ =	swait.ge [sflag:s7], $0x190  }
0x2e4: {  	[sflag:s7] =	ssyncset.done $0x0  }
0x2e5: {  	[sflag:s7] =	ssyncadd.s32 $0xFFFFFE70  }
0x2e6: {  	[tilespmem:s9], [sflag:$0x1] =	stream.indirect.gather [hbm4b:s4+s8], $0x40, s18, s8, $0xb8;
	[tilespmem:$0x12F20] =	vst v63  }
0x2e7: {  	_ =	swait.ge [sflag:s13], $0x6400  }
0x2e8: {  	[sflag:s13] =	ssyncset.done $0x0  }
0x2e9: {  	s16 =	simm.s32 $0x0;
	[sflag:s13] =	ssyncadd.s32 $0xFFFF9C00  }
0x2ea: {  	v0 =	vld [tilespmem:s16+$0xCC10]  }
0x2eb: {  	v1 =	vld [tilespmem:s16+$0xCB20]  }
0x2ec: {  	v2 =	vld [tilespmem:s16+$0xCB30]  }
0x2ed: {  	v3 =	vld [tilespmem:s16+$0xCB40]  }
0x2ee: {  	v4 =	vld [tilespmem:s16+$0xCB50]  }
0x2ef: {  	v5 =	vld [tilespmem:s16+$0xCB60]  }
0x2f0: {  	v6 =	vld [tilespmem:s16+$0xCB70]  }
0x2f1: {  	v7 =	vld [tilespmem:s16+$0xCB80]  }
0x2f2: {  	v8 =	vld [tilespmem:s16+$0xCB90]  }
0x2f3: {  	v9 =	vld [tilespmem:s16+$0xCBA0]  }
0x2f4: {  	v10 =	vld [tilespmem:s16+$0xCBB0]  }
0x2f5: {  	v11 =	vld [tilespmem:s16+$0xCBC0]  }
0x2f6: {  	v12 =	vld [tilespmem:s16+$0xCBD0]  }
0x2f7: {  	v13 =	vld [tilespmem:s16+$0xCBE0]  }
0x2f8: {  	v14 =	vld [tilespmem:s16+$0xCBF0]  }
0x2f9: {  	[tilespmem:s16+$0x6810] =	vst.add.f32.msk $0xffff, v0  }
0x2fa: {  	v0 =	vld [tilespmem:s16+$0xCC00]  }
0x2fb: {  	[tilespmem:s16+$0x6720] =	vst.add.f32.msk $0xffff, v1  }
0x2fc: {  	[tilespmem:s16+$0x6730] =	vst.add.f32.msk $0xffff, v2  }
0x2fd: {  	[tilespmem:s16+$0x6740] =	vst.add.f32.msk $0xffff, v3  }
0x2fe: {  	[tilespmem:s16+$0x6750] =	vst.add.f32.msk $0xffff, v4  }
0x2ff: {  	[tilespmem:s16+$0x6760] =	vst.add.f32.msk $0xffff, v5  }
0x300: {  	[tilespmem:s16+$0x6770] =	vst.add.f32.msk $0xffff, v6  }
0x301: {  	[tilespmem:s16+$0x6780] =	vst.add.f32.msk $0xffff, v7  }
0x302: {  	[tilespmem:s16+$0x6790] =	vst.add.f32.msk $0xffff, v8  }
0x303: {  	[tilespmem:s16+$0x67A0] =	vst.add.f32.msk $0xffff, v9  }
0x304: {  	[tilespmem:s16+$0x67B0] =	vst.add.f32.msk $0xffff, v10  }
0x305: {  	[tilespmem:s16+$0x67C0] =	vst.add.f32.msk $0xffff, v11  }
0x306: {  	[tilespmem:s16+$0x67D0] =	vst.add.f32.msk $0xffff, v12  }
0x307: {  	[tilespmem:s16+$0x67E0] =	vst.add.f32.msk $0xffff, v13  }
0x308: {  	s17 =	simm.s32 $0x0;
	s18 =	simm.s32 $0x400;
	[tilespmem:s16+$0x67F0] =	vst.add.f32.msk $0xffff, v14  }
.LBB2_20:
0x309: {  	s17 =	sadd.s32 $0x4, s17;
	[tilespmem:s16+$0x6800] =	vst.add.f32.msk $0xffff, v0;
	s16 =	sshra.s32 s18, $0x2  }
0x30a: {  	v0 =	vld [tilespmem:s16+$0xCC10];
	p0 =	slt.u32 s17, $0x18C  }
0x30b: {  	v1 =	vld [tilespmem:s16+$0xCB20]  }
0x30c: {  	v2 =	vld [tilespmem:s16+$0xCB30]  }
0x30d: {  	v3 =	vld [tilespmem:s16+$0xCB40]  }
0x30e: {  	v4 =	vld [tilespmem:s16+$0xCB50]  }
0x30f: {  	[tilespmem:s16+$0x6810] =	vst.add.f32.msk $0xffff, v0  }
0x310: {  	v5 =	vld [tilespmem:s16+$0xCB60]  }
0x311: {  	v6 =	vld [tilespmem:s16+$0xCB70]  }
0x312: {  	v7 =	vld [tilespmem:s16+$0xCB80]  }
0x313: {  	v8 =	vld [tilespmem:s16+$0xCB90]  }
0x314: {  	v9 =	vld [tilespmem:s16+$0xCBA0]  }
0x315: {  	v10 =	vld [tilespmem:s16+$0xCBB0]  }
0x316: {  	v11 =	vld [tilespmem:s16+$0xCBC0]  }
0x317: {  	v12 =	vld [tilespmem:s16+$0xCBD0]  }
0x318: {  	v13 =	vld [tilespmem:s16+$0xCBE0]  }
0x319: {  	v14 =	vld [tilespmem:s16+$0xCBF0]  }
0x31a: {  	v0 =	vld [tilespmem:s16+$0xCC00]  }
0x31b: {  	[tilespmem:s16+$0x6720] =	vst.add.f32.msk $0xffff, v1  }
0x31c: {  	[tilespmem:s16+$0x6730] =	vst.add.f32.msk $0xffff, v2  }
0x31d: {  	[tilespmem:s16+$0x6740] =	vst.add.f32.msk $0xffff, v3  }
0x31e: {  	[tilespmem:s16+$0x6750] =	vst.add.f32.msk $0xffff, v4  }
0x31f: {  	[tilespmem:s16+$0x6760] =	vst.add.f32.msk $0xffff, v5  }
0x320: {  	[tilespmem:s16+$0x6770] =	vst.add.f32.msk $0xffff, v6  }
0x321: {  	[tilespmem:s16+$0x6780] =	vst.add.f32.msk $0xffff, v7  }
0x322: {  	[tilespmem:s16+$0x6790] =	vst.add.f32.msk $0xffff, v8  }
0x323: {  	[tilespmem:s16+$0x67A0] =	vst.add.f32.msk $0xffff, v9  }
.Ltmp9:
0x324: {  	[tilespmem:s16+$0x67B0] =	vst.add.f32.msk $0xffff, v10;
	(pc) =	sbr.rel @p0 .LBB2_20-.Ltmp9, $4  }
0x325: {  	[tilespmem:s16+$0x67C0] =	vst.add.f32.msk $0xffff, v11  }
0x326: {  	[tilespmem:s16+$0x67D0] =	vst.add.f32.msk $0xffff, v12  }
0x327: {  	[tilespmem:s16+$0x67E0] =	vst.add.f32.msk $0xffff, v13  }
0x328: {  	s18 =	sadd.s32 $0x400, s18;
	[tilespmem:s16+$0x67F0] =	vst.add.f32.msk $0xffff, v14  }
0x329: {  	[tilespmem:s16+$0x6800] =	vst.add.f32.msk $0xffff, v0;
	s18 =	simm.s32 $0x0  }
0x32a: {  	[hbm4b:s28+s18] =	stream.linear.scatter [tilespmem:s10], [sflag:$0x4], $0x6400, $0x38;
	[tilespmem:$0x12F20] =	vst v63  }
0x32b: {  	_ =	swait.ge [sflag:s14], $0x6400  }
0x32c: {  	[sflag:s14] =	ssyncset.done $0x0  }
0x32d: {  	s17 =	rddreg [dreg:$0xe];
	[sflag:s14] =	ssyncadd.s32 $0xFFFF9C00  }
0x32e: {  	[tilespmem:s8], [sflag:$0x5] =	stream.linear.gather [hbm4b:s17+s18], $0x190, $0x38;
	[tilespmem:$0x12F20] =	vst v63  }
0x32f: {  	_ =	swait.ge [sflag:s7], $0x190  }
0x330: {  	[sflag:s7] =	ssyncset.done $0x0  }
0x331: {  	[sflag:s7] =	ssyncadd.s32 $0xFFFFFE70  }
0x332: {  	[tilespmem:s10], [sflag:$0x2] =	stream.indirect.gather [hbm4b:s4+s8], $0x40, s8, s8, $0xb8;
	[tilespmem:$0x12F20] =	vst v63  }
0x333: {  	_ =	swait.ge [sflag:s11], $0x6400  }
0x334: {  	[sflag:s11] =	ssyncset.done $0x0  }
0x335: {  	s16 =	simm.s32 $0x0;
	[sflag:s11] =	ssyncadd.s32 $0xFFFF9C00  }
0x336: {  	v0 =	vld [tilespmem:s16+$0xCC10]  }
0x337: {  	v1 =	vld [tilespmem:s16+$0xCB20]  }
0x338: {  	v2 =	vld [tilespmem:s16+$0xCB30]  }
0x339: {  	v3 =	vld [tilespmem:s16+$0xCB40]  }
0x33a: {  	v4 =	vld [tilespmem:s16+$0xCB50]  }
0x33b: {  	v5 =	vld [tilespmem:s16+$0xCB60]  }
0x33c: {  	v6 =	vld [tilespmem:s16+$0xCB70]  }
0x33d: {  	v7 =	vld [tilespmem:s16+$0xCB80]  }
0x33e: {  	v8 =	vld [tilespmem:s16+$0xCB90]  }
0x33f: {  	v9 =	vld [tilespmem:s16+$0xCBA0]  }
0x340: {  	v10 =	vld [tilespmem:s16+$0xCBB0]  }
0x341: {  	v11 =	vld [tilespmem:s16+$0xCBC0]  }
0x342: {  	v12 =	vld [tilespmem:s16+$0xCBD0]  }
0x343: {  	v13 =	vld [tilespmem:s16+$0xCBE0]  }
0x344: {  	v14 =	vld [tilespmem:s16+$0xCBF0]  }
0x345: {  	[tilespmem:s16+$0x410] =	vst.add.f32.msk $0xffff, v0  }
0x346: {  	v0 =	vld [tilespmem:s16+$0xCC00]  }
0x347: {  	[tilespmem:s16+$0x320] =	vst.add.f32.msk $0xffff, v1  }
0x348: {  	[tilespmem:s16+$0x330] =	vst.add.f32.msk $0xffff, v2  }
0x349: {  	[tilespmem:s16+$0x340] =	vst.add.f32.msk $0xffff, v3  }
0x34a: {  	[tilespmem:s16+$0x350] =	vst.add.f32.msk $0xffff, v4  }
0x34b: {  	[tilespmem:s16+$0x360] =	vst.add.f32.msk $0xffff, v5  }
0x34c: {  	[tilespmem:s16+$0x370] =	vst.add.f32.msk $0xffff, v6  }
0x34d: {  	[tilespmem:s16+$0x380] =	vst.add.f32.msk $0xffff, v7  }
0x34e: {  	[tilespmem:s16+$0x390] =	vst.add.f32.msk $0xffff, v8  }
0x34f: {  	[tilespmem:s16+$0x3A0] =	vst.add.f32.msk $0xffff, v9  }
0x350: {  	[tilespmem:s16+$0x3B0] =	vst.add.f32.msk $0xffff, v10  }
0x351: {  	[tilespmem:s16+$0x3C0] =	vst.add.f32.msk $0xffff, v11  }
0x352: {  	[tilespmem:s16+$0x3D0] =	vst.add.f32.msk $0xffff, v12  }
0x353: {  	[tilespmem:s16+$0x3E0] =	vst.add.f32.msk $0xffff, v13  }
0x354: {  	s17 =	simm.s32 $0x0;
	s18 =	simm.s32 $0x400;
	[tilespmem:s16+$0x3F0] =	vst.add.f32.msk $0xffff, v14  }
.LBB2_22:
0x355: {  	s17 =	sadd.s32 $0x4, s17;
	[tilespmem:s16+$0x400] =	vst.add.f32.msk $0xffff, v0;
	s16 =	sshra.s32 s18, $0x2  }
0x356: {  	v0 =	vld [tilespmem:s16+$0xCC10];
	p0 =	slt.u32 s17, $0x18C  }
0x357: {  	v1 =	vld [tilespmem:s16+$0xCB20]  }
0x358: {  	v2 =	vld [tilespmem:s16+$0xCB30]  }
0x359: {  	v3 =	vld [tilespmem:s16+$0xCB40]  }
0x35a: {  	v4 =	vld [tilespmem:s16+$0xCB50]  }
0x35b: {  	[tilespmem:s16+$0x410] =	vst.add.f32.msk $0xffff, v0  }
0x35c: {  	v5 =	vld [tilespmem:s16+$0xCB60]  }
0x35d: {  	v6 =	vld [tilespmem:s16+$0xCB70]  }
0x35e: {  	v7 =	vld [tilespmem:s16+$0xCB80]  }
0x35f: {  	v8 =	vld [tilespmem:s16+$0xCB90]  }
0x360: {  	v9 =	vld [tilespmem:s16+$0xCBA0]  }
0x361: {  	v10 =	vld [tilespmem:s16+$0xCBB0]  }
0x362: {  	v11 =	vld [tilespmem:s16+$0xCBC0]  }
0x363: {  	v12 =	vld [tilespmem:s16+$0xCBD0]  }
0x364: {  	v13 =	vld [tilespmem:s16+$0xCBE0]  }
0x365: {  	v14 =	vld [tilespmem:s16+$0xCBF0]  }
0x366: {  	v0 =	vld [tilespmem:s16+$0xCC00]  }
0x367: {  	[tilespmem:s16+$0x320] =	vst.add.f32.msk $0xffff, v1  }
0x368: {  	[tilespmem:s16+$0x330] =	vst.add.f32.msk $0xffff, v2  }
0x369: {  	[tilespmem:s16+$0x340] =	vst.add.f32.msk $0xffff, v3  }
0x36a: {  	[tilespmem:s16+$0x350] =	vst.add.f32.msk $0xffff, v4  }
0x36b: {  	[tilespmem:s16+$0x360] =	vst.add.f32.msk $0xffff, v5  }
0x36c: {  	[tilespmem:s16+$0x370] =	vst.add.f32.msk $0xffff, v6  }
0x36d: {  	[tilespmem:s16+$0x380] =	vst.add.f32.msk $0xffff, v7  }
0x36e: {  	[tilespmem:s16+$0x390] =	vst.add.f32.msk $0xffff, v8  }
0x36f: {  	[tilespmem:s16+$0x3A0] =	vst.add.f32.msk $0xffff, v9  }
.Ltmp10:
0x370: {  	[tilespmem:s16+$0x3B0] =	vst.add.f32.msk $0xffff, v10;
	(pc) =	sbr.rel @p0 .LBB2_22-.Ltmp10, $4  }
0x371: {  	[tilespmem:s16+$0x3C0] =	vst.add.f32.msk $0xffff, v11  }
0x372: {  	[tilespmem:s16+$0x3D0] =	vst.add.f32.msk $0xffff, v12  }
0x373: {  	[tilespmem:s16+$0x3E0] =	vst.add.f32.msk $0xffff, v13  }
0x374: {  	s18 =	sadd.s32 $0x400, s18;
	[tilespmem:s16+$0x3F0] =	vst.add.f32.msk $0xffff, v14  }
0x375: {  	[tilespmem:s16+$0x400] =	vst.add.f32.msk $0xffff, v0;
	s18 =	simm.s32 $0x0  }
0x376: {  	[hbm4b:s29+s18] =	stream.linear.scatter [tilespmem:s9], [sflag:$0x3], $0x6400, $0x38;
	[tilespmem:$0x12F20] =	vst v63  }
0x377: {  	_ =	swait.ge [sflag:s12], $0x6400  }
0x378: {  	[sflag:s12] =	ssyncset.done $0x0  }
0x379: {  	s17 =	rddreg [dreg:$0xf];
	[sflag:s12] =	ssyncadd.s32 $0xFFFF9C00  }
0x37a: {  	[tilespmem:s18], [sflag:$0x5] =	stream.linear.gather [hbm4b:s17+s18], $0x190, $0x38;
	[tilespmem:$0x12F20] =	vst v63  }
0x37b: {  	_ =	swait.ge [sflag:s7], $0x190  }
0x37c: {  	[sflag:s7] =	ssyncset.done $0x0  }
0x37d: {  	[sflag:s7] =	ssyncadd.s32 $0xFFFFFE70  }
0x37e: {  	[tilespmem:s9], [sflag:$0x1] =	stream.indirect.gather [hbm4b:s4+s8], $0x40, s18, s8, $0xb8;
	[tilespmem:$0x12F20] =	vst v63  }
0x37f: {  	_ =	swait.ge [sflag:s13], $0x6400  }
0x380: {  	[sflag:s13] =	ssyncset.done $0x0  }
0x381: {  	s16 =	simm.s32 $0x0;
	[sflag:s13] =	ssyncadd.s32 $0xFFFF9C00  }
0x382: {  	v0 =	vld [tilespmem:s16+$0xCC10]  }
0x383: {  	v1 =	vld [tilespmem:s16+$0xCB20]  }
0x384: {  	v2 =	vld [tilespmem:s16+$0xCB30]  }
0x385: {  	v3 =	vld [tilespmem:s16+$0xCB40]  }
0x386: {  	v4 =	vld [tilespmem:s16+$0xCB50]  }
0x387: {  	v5 =	vld [tilespmem:s16+$0xCB60]  }
0x388: {  	v6 =	vld [tilespmem:s16+$0xCB70]  }
0x389: {  	v7 =	vld [tilespmem:s16+$0xCB80]  }
0x38a: {  	v8 =	vld [tilespmem:s16+$0xCB90]  }
0x38b: {  	v9 =	vld [tilespmem:s16+$0xCBA0]  }
0x38c: {  	v10 =	vld [tilespmem:s16+$0xCBB0]  }
0x38d: {  	v11 =	vld [tilespmem:s16+$0xCBC0]  }
0x38e: {  	v12 =	vld [tilespmem:s16+$0xCBD0]  }
0x38f: {  	v13 =	vld [tilespmem:s16+$0xCBE0]  }
0x390: {  	v14 =	vld [tilespmem:s16+$0xCBF0]  }
0x391: {  	[tilespmem:s16+$0x6810] =	vst.add.f32.msk $0xffff, v0  }
0x392: {  	v0 =	vld [tilespmem:s16+$0xCC00]  }
0x393: {  	[tilespmem:s16+$0x6720] =	vst.add.f32.msk $0xffff, v1  }
0x394: {  	[tilespmem:s16+$0x6730] =	vst.add.f32.msk $0xffff, v2  }
0x395: {  	[tilespmem:s16+$0x6740] =	vst.add.f32.msk $0xffff, v3  }
0x396: {  	[tilespmem:s16+$0x6750] =	vst.add.f32.msk $0xffff, v4  }
0x397: {  	[tilespmem:s16+$0x6760] =	vst.add.f32.msk $0xffff, v5  }
0x398: {  	[tilespmem:s16+$0x6770] =	vst.add.f32.msk $0xffff, v6  }
0x399: {  	[tilespmem:s16+$0x6780] =	vst.add.f32.msk $0xffff, v7  }
0x39a: {  	[tilespmem:s16+$0x6790] =	vst.add.f32.msk $0xffff, v8  }
0x39b: {  	[tilespmem:s16+$0x67A0] =	vst.add.f32.msk $0xffff, v9  }
0x39c: {  	[tilespmem:s16+$0x67B0] =	vst.add.f32.msk $0xffff, v10  }
0x39d: {  	[tilespmem:s16+$0x67C0] =	vst.add.f32.msk $0xffff, v11  }
0x39e: {  	[tilespmem:s16+$0x67D0] =	vst.add.f32.msk $0xffff, v12  }
0x39f: {  	[tilespmem:s16+$0x67E0] =	vst.add.f32.msk $0xffff, v13  }
0x3a0: {  	s17 =	simm.s32 $0x0;
	s18 =	simm.s32 $0x400;
	[tilespmem:s16+$0x67F0] =	vst.add.f32.msk $0xffff, v14  }
.LBB2_24:
0x3a1: {  	s17 =	sadd.s32 $0x4, s17;
	[tilespmem:s16+$0x6800] =	vst.add.f32.msk $0xffff, v0;
	s16 =	sshra.s32 s18, $0x2  }
0x3a2: {  	v0 =	vld [tilespmem:s16+$0xCC10];
	p0 =	slt.u32 s17, $0x18C  }
0x3a3: {  	v1 =	vld [tilespmem:s16+$0xCB20]  }
0x3a4: {  	v2 =	vld [tilespmem:s16+$0xCB30]  }
0x3a5: {  	v3 =	vld [tilespmem:s16+$0xCB40]  }
0x3a6: {  	v4 =	vld [tilespmem:s16+$0xCB50]  }
0x3a7: {  	[tilespmem:s16+$0x6810] =	vst.add.f32.msk $0xffff, v0  }
0x3a8: {  	v5 =	vld [tilespmem:s16+$0xCB60]  }
0x3a9: {  	v6 =	vld [tilespmem:s16+$0xCB70]  }
0x3aa: {  	v7 =	vld [tilespmem:s16+$0xCB80]  }
0x3ab: {  	v8 =	vld [tilespmem:s16+$0xCB90]  }
0x3ac: {  	v9 =	vld [tilespmem:s16+$0xCBA0]  }
0x3ad: {  	v10 =	vld [tilespmem:s16+$0xCBB0]  }
0x3ae: {  	v11 =	vld [tilespmem:s16+$0xCBC0]  }
0x3af: {  	v12 =	vld [tilespmem:s16+$0xCBD0]  }
0x3b0: {  	v13 =	vld [tilespmem:s16+$0xCBE0]  }
0x3b1: {  	v14 =	vld [tilespmem:s16+$0xCBF0]  }
0x3b2: {  	v0 =	vld [tilespmem:s16+$0xCC00]  }
0x3b3: {  	[tilespmem:s16+$0x6720] =	vst.add.f32.msk $0xffff, v1  }
0x3b4: {  	[tilespmem:s16+$0x6730] =	vst.add.f32.msk $0xffff, v2  }
0x3b5: {  	[tilespmem:s16+$0x6740] =	vst.add.f32.msk $0xffff, v3  }
0x3b6: {  	[tilespmem:s16+$0x6750] =	vst.add.f32.msk $0xffff, v4  }
0x3b7: {  	[tilespmem:s16+$0x6760] =	vst.add.f32.msk $0xffff, v5  }
0x3b8: {  	[tilespmem:s16+$0x6770] =	vst.add.f32.msk $0xffff, v6  }
0x3b9: {  	[tilespmem:s16+$0x6780] =	vst.add.f32.msk $0xffff, v7  }
0x3ba: {  	[tilespmem:s16+$0x6790] =	vst.add.f32.msk $0xffff, v8  }
0x3bb: {  	[tilespmem:s16+$0x67A0] =	vst.add.f32.msk $0xffff, v9  }
.Ltmp11:
0x3bc: {  	[tilespmem:s16+$0x67B0] =	vst.add.f32.msk $0xffff, v10;
	(pc) =	sbr.rel @p0 .LBB2_24-.Ltmp11, $4  }
0x3bd: {  	[tilespmem:s16+$0x67C0] =	vst.add.f32.msk $0xffff, v11  }
0x3be: {  	[tilespmem:s16+$0x67D0] =	vst.add.f32.msk $0xffff, v12  }
0x3bf: {  	[tilespmem:s16+$0x67E0] =	vst.add.f32.msk $0xffff, v13  }
0x3c0: {  	s18 =	sadd.s32 $0x400, s18;
	[tilespmem:s16+$0x67F0] =	vst.add.f32.msk $0xffff, v14  }
0x3c1: {  	[tilespmem:s16+$0x6800] =	vst.add.f32.msk $0xffff, v0;
	s18 =	simm.s32 $0x0  }
0x3c2: {  	[hbm4b:s30+s18] =	stream.linear.scatter [tilespmem:s10], [sflag:$0x4], $0x6400, $0x38;
	[tilespmem:$0x12F20] =	vst v63  }
0x3c3: {  	_ =	swait.ge [sflag:s14], $0x6400  }
0x3c4: {  	[sflag:s14] =	ssyncset.done $0x0  }
0x3c5: {  	s17 =	rddreg [dreg:$0x10];
	[sflag:s14] =	ssyncadd.s32 $0xFFFF9C00  }
0x3c6: {  	[tilespmem:s8], [sflag:$0x5] =	stream.linear.gather [hbm4b:s17+s18], $0x190, $0x38;
	[tilespmem:$0x12F20] =	vst v63  }
0x3c7: {  	_ =	swait.ge [sflag:s7], $0x190  }
0x3c8: {  	[sflag:s7] =	ssyncset.done $0x0  }
0x3c9: {  	[sflag:s7] =	ssyncadd.s32 $0xFFFFFE70  }
0x3ca: {  	[tilespmem:s10], [sflag:$0x2] =	stream.indirect.gather [hbm4b:s4+s8], $0x40, s8, s8, $0xb8;
	[tilespmem:$0x12F20] =	vst v63  }
0x3cb: {  	_ =	swait.ge [sflag:s11], $0x6400  }
0x3cc: {  	[sflag:s11] =	ssyncset.done $0x0  }
0x3cd: {  	s16 =	simm.s32 $0x0;
	[sflag:s11] =	ssyncadd.s32 $0xFFFF9C00  }
0x3ce: {  	v0 =	vld [tilespmem:s16+$0xCC10]  }
0x3cf: {  	v1 =	vld [tilespmem:s16+$0xCB20]  }
0x3d0: {  	v2 =	vld [tilespmem:s16+$0xCB30]  }
0x3d1: {  	v3 =	vld [tilespmem:s16+$0xCB40]  }
0x3d2: {  	v4 =	vld [tilespmem:s16+$0xCB50]  }
0x3d3: {  	v5 =	vld [tilespmem:s16+$0xCB60]  }
0x3d4: {  	v6 =	vld [tilespmem:s16+$0xCB70]  }
0x3d5: {  	v7 =	vld [tilespmem:s16+$0xCB80]  }
0x3d6: {  	v8 =	vld [tilespmem:s16+$0xCB90]  }
0x3d7: {  	v9 =	vld [tilespmem:s16+$0xCBA0]  }
0x3d8: {  	v10 =	vld [tilespmem:s16+$0xCBB0]  }
0x3d9: {  	v11 =	vld [tilespmem:s16+$0xCBC0]  }
0x3da: {  	v12 =	vld [tilespmem:s16+$0xCBD0]  }
0x3db: {  	v13 =	vld [tilespmem:s16+$0xCBE0]  }
0x3dc: {  	v14 =	vld [tilespmem:s16+$0xCBF0]  }
0x3dd: {  	[tilespmem:s16+$0x410] =	vst.add.f32.msk $0xffff, v0  }
0x3de: {  	v0 =	vld [tilespmem:s16+$0xCC00]  }
0x3df: {  	[tilespmem:s16+$0x320] =	vst.add.f32.msk $0xffff, v1  }
0x3e0: {  	[tilespmem:s16+$0x330] =	vst.add.f32.msk $0xffff, v2  }
0x3e1: {  	[tilespmem:s16+$0x340] =	vst.add.f32.msk $0xffff, v3  }
0x3e2: {  	[tilespmem:s16+$0x350] =	vst.add.f32.msk $0xffff, v4  }
0x3e3: {  	[tilespmem:s16+$0x360] =	vst.add.f32.msk $0xffff, v5  }
0x3e4: {  	[tilespmem:s16+$0x370] =	vst.add.f32.msk $0xffff, v6  }
0x3e5: {  	[tilespmem:s16+$0x380] =	vst.add.f32.msk $0xffff, v7  }
0x3e6: {  	[tilespmem:s16+$0x390] =	vst.add.f32.msk $0xffff, v8  }
0x3e7: {  	[tilespmem:s16+$0x3A0] =	vst.add.f32.msk $0xffff, v9  }
0x3e8: {  	[tilespmem:s16+$0x3B0] =	vst.add.f32.msk $0xffff, v10  }
0x3e9: {  	[tilespmem:s16+$0x3C0] =	vst.add.f32.msk $0xffff, v11  }
0x3ea: {  	[tilespmem:s16+$0x3D0] =	vst.add.f32.msk $0xffff, v12  }
0x3eb: {  	[tilespmem:s16+$0x3E0] =	vst.add.f32.msk $0xffff, v13  }
0x3ec: {  	s17 =	simm.s32 $0x0;
	s18 =	simm.s32 $0x400;
	[tilespmem:s16+$0x3F0] =	vst.add.f32.msk $0xffff, v14  }
.LBB2_26:
0x3ed: {  	s17 =	sadd.s32 $0x4, s17;
	[tilespmem:s16+$0x400] =	vst.add.f32.msk $0xffff, v0;
	s16 =	sshra.s32 s18, $0x2  }
0x3ee: {  	v0 =	vld [tilespmem:s16+$0xCC10];
	p0 =	slt.u32 s17, $0x18C  }
0x3ef: {  	v1 =	vld [tilespmem:s16+$0xCB20]  }
0x3f0: {  	v2 =	vld [tilespmem:s16+$0xCB30]  }
0x3f1: {  	v3 =	vld [tilespmem:s16+$0xCB40]  }
0x3f2: {  	v4 =	vld [tilespmem:s16+$0xCB50]  }
0x3f3: {  	[tilespmem:s16+$0x410] =	vst.add.f32.msk $0xffff, v0  }
0x3f4: {  	v5 =	vld [tilespmem:s16+$0xCB60]  }
0x3f5: {  	v6 =	vld [tilespmem:s16+$0xCB70]  }
0x3f6: {  	v7 =	vld [tilespmem:s16+$0xCB80]  }
0x3f7: {  	v8 =	vld [tilespmem:s16+$0xCB90]  }
0x3f8: {  	v9 =	vld [tilespmem:s16+$0xCBA0]  }
0x3f9: {  	v10 =	vld [tilespmem:s16+$0xCBB0]  }
0x3fa: {  	v11 =	vld [tilespmem:s16+$0xCBC0]  }
0x3fb: {  	v12 =	vld [tilespmem:s16+$0xCBD0]  }
0x3fc: {  	v13 =	vld [tilespmem:s16+$0xCBE0]  }
0x3fd: {  	v14 =	vld [tilespmem:s16+$0xCBF0]  }
0x3fe: {  	v0 =	vld [tilespmem:s16+$0xCC00]  }
0x3ff: {  	[tilespmem:s16+$0x320] =	vst.add.f32.msk $0xffff, v1  }
0x400: {  	[tilespmem:s16+$0x330] =	vst.add.f32.msk $0xffff, v2  }
0x401: {  	[tilespmem:s16+$0x340] =	vst.add.f32.msk $0xffff, v3  }
0x402: {  	[tilespmem:s16+$0x350] =	vst.add.f32.msk $0xffff, v4  }
0x403: {  	[tilespmem:s16+$0x360] =	vst.add.f32.msk $0xffff, v5  }
0x404: {  	[tilespmem:s16+$0x370] =	vst.add.f32.msk $0xffff, v6  }
0x405: {  	[tilespmem:s16+$0x380] =	vst.add.f32.msk $0xffff, v7  }
0x406: {  	[tilespmem:s16+$0x390] =	vst.add.f32.msk $0xffff, v8  }
0x407: {  	[tilespmem:s16+$0x3A0] =	vst.add.f32.msk $0xffff, v9  }
.Ltmp12:
0x408: {  	[tilespmem:s16+$0x3B0] =	vst.add.f32.msk $0xffff, v10;
	(pc) =	sbr.rel @p0 .LBB2_26-.Ltmp12, $4  }
0x409: {  	[tilespmem:s16+$0x3C0] =	vst.add.f32.msk $0xffff, v11  }
0x40a: {  	[tilespmem:s16+$0x3D0] =	vst.add.f32.msk $0xffff, v12  }
0x40b: {  	[tilespmem:s16+$0x3E0] =	vst.add.f32.msk $0xffff, v13  }
0x40c: {  	s18 =	sadd.s32 $0x400, s18;
	[tilespmem:s16+$0x3F0] =	vst.add.f32.msk $0xffff, v14  }
0x40d: {  	[tilespmem:s16+$0x400] =	vst.add.f32.msk $0xffff, v0;
	s18 =	simm.s32 $0x0  }
0x40e: {  	[hbm4b:s31+s18] =	stream.linear.scatter [tilespmem:s9], [sflag:$0x3], $0x6400, $0x38;
	[tilespmem:$0x12F20] =	vst v63  }
0x40f: {  	_ =	swait.ge [sflag:s12], $0x6400  }
0x410: {  	[sflag:s12] =	ssyncset.done $0x0  }
0x411: {  	s17 =	rddreg [dreg:$0x11];
	[sflag:s12] =	ssyncadd.s32 $0xFFFF9C00  }
0x412: {  	[tilespmem:s18], [sflag:$0x5] =	stream.linear.gather [hbm4b:s17+s18], $0x190, $0x38;
	[tilespmem:$0x12F20] =	vst v63  }
0x413: {  	_ =	swait.ge [sflag:s7], $0x190  }
0x414: {  	[sflag:s7] =	ssyncset.done $0x0  }
0x415: {  	[sflag:s7] =	ssyncadd.s32 $0xFFFFFE70  }
0x416: {  	[tilespmem:s9], [sflag:$0x1] =	stream.indirect.gather [hbm4b:s4+s8], $0x40, s18, s8, $0xb8;
	[tilespmem:$0x12F20] =	vst v63  }
0x417: {  	_ =	swait.ge [sflag:s13], $0x6400  }
0x418: {  	[sflag:s13] =	ssyncset.done $0x0  }
0x419: {  	s16 =	simm.s32 $0x0;
	[sflag:s13] =	ssyncadd.s32 $0xFFFF9C00  }
0x41a: {  	v0 =	vld [tilespmem:s16+$0xCC10]  }
0x41b: {  	v1 =	vld [tilespmem:s16+$0xCB20]  }
0x41c: {  	v2 =	vld [tilespmem:s16+$0xCB30]  }
0x41d: {  	v3 =	vld [tilespmem:s16+$0xCB40]  }
0x41e: {  	v4 =	vld [tilespmem:s16+$0xCB50]  }
0x41f: {  	v5 =	vld [tilespmem:s16+$0xCB60]  }
0x420: {  	v6 =	vld [tilespmem:s16+$0xCB70]  }
0x421: {  	v7 =	vld [tilespmem:s16+$0xCB80]  }
0x422: {  	v8 =	vld [tilespmem:s16+$0xCB90]  }
0x423: {  	v9 =	vld [tilespmem:s16+$0xCBA0]  }
0x424: {  	v10 =	vld [tilespmem:s16+$0xCBB0]  }
0x425: {  	v11 =	vld [tilespmem:s16+$0xCBC0]  }
0x426: {  	v12 =	vld [tilespmem:s16+$0xCBD0]  }
0x427: {  	v13 =	vld [tilespmem:s16+$0xCBE0]  }
0x428: {  	v14 =	vld [tilespmem:s16+$0xCBF0]  }
0x429: {  	[tilespmem:s16+$0x6810] =	vst.add.f32.msk $0xffff, v0  }
0x42a: {  	v0 =	vld [tilespmem:s16+$0xCC00]  }
0x42b: {  	[tilespmem:s16+$0x6720] =	vst.add.f32.msk $0xffff, v1  }
0x42c: {  	[tilespmem:s16+$0x6730] =	vst.add.f32.msk $0xffff, v2  }
0x42d: {  	[tilespmem:s16+$0x6740] =	vst.add.f32.msk $0xffff, v3  }
0x42e: {  	[tilespmem:s16+$0x6750] =	vst.add.f32.msk $0xffff, v4  }
0x42f: {  	[tilespmem:s16+$0x6760] =	vst.add.f32.msk $0xffff, v5  }
0x430: {  	[tilespmem:s16+$0x6770] =	vst.add.f32.msk $0xffff, v6  }
0x431: {  	[tilespmem:s16+$0x6780] =	vst.add.f32.msk $0xffff, v7  }
0x432: {  	[tilespmem:s16+$0x6790] =	vst.add.f32.msk $0xffff, v8  }
0x433: {  	[tilespmem:s16+$0x67A0] =	vst.add.f32.msk $0xffff, v9  }
0x434: {  	[tilespmem:s16+$0x67B0] =	vst.add.f32.msk $0xffff, v10  }
0x435: {  	[tilespmem:s16+$0x67C0] =	vst.add.f32.msk $0xffff, v11  }
0x436: {  	[tilespmem:s16+$0x67D0] =	vst.add.f32.msk $0xffff, v12  }
0x437: {  	[tilespmem:s16+$0x67E0] =	vst.add.f32.msk $0xffff, v13  }
0x438: {  	s17 =	simm.s32 $0x0;
	s18 =	simm.s32 $0x400;
	[tilespmem:s16+$0x67F0] =	vst.add.f32.msk $0xffff, v14  }
.LBB2_28:
0x439: {  	s17 =	sadd.s32 $0x4, s17;
	[tilespmem:s16+$0x6800] =	vst.add.f32.msk $0xffff, v0;
	s16 =	sshra.s32 s18, $0x2  }
0x43a: {  	v0 =	vld [tilespmem:s16+$0xCC10];
	p0 =	slt.u32 s17, $0x18C  }
0x43b: {  	v1 =	vld [tilespmem:s16+$0xCB20]  }
0x43c: {  	v2 =	vld [tilespmem:s16+$0xCB30]  }
0x43d: {  	v3 =	vld [tilespmem:s16+$0xCB40]  }
0x43e: {  	v4 =	vld [tilespmem:s16+$0xCB50]  }
0x43f: {  	[tilespmem:s16+$0x6810] =	vst.add.f32.msk $0xffff, v0  }
0x440: {  	v5 =	vld [tilespmem:s16+$0xCB60]  }
0x441: {  	v6 =	vld [tilespmem:s16+$0xCB70]  }
0x442: {  	v7 =	vld [tilespmem:s16+$0xCB80]  }
0x443: {  	v8 =	vld [tilespmem:s16+$0xCB90]  }
0x444: {  	v9 =	vld [tilespmem:s16+$0xCBA0]  }
0x445: {  	v10 =	vld [tilespmem:s16+$0xCBB0]  }
0x446: {  	v11 =	vld [tilespmem:s16+$0xCBC0]  }
0x447: {  	v12 =	vld [tilespmem:s16+$0xCBD0]  }
0x448: {  	v13 =	vld [tilespmem:s16+$0xCBE0]  }
0x449: {  	v14 =	vld [tilespmem:s16+$0xCBF0]  }
0x44a: {  	v0 =	vld [tilespmem:s16+$0xCC00]  }
0x44b: {  	[tilespmem:s16+$0x6720] =	vst.add.f32.msk $0xffff, v1  }
0x44c: {  	[tilespmem:s16+$0x6730] =	vst.add.f32.msk $0xffff, v2  }
0x44d: {  	[tilespmem:s16+$0x6740] =	vst.add.f32.msk $0xffff, v3  }
0x44e: {  	[tilespmem:s16+$0x6750] =	vst.add.f32.msk $0xffff, v4  }
0x44f: {  	[tilespmem:s16+$0x6760] =	vst.add.f32.msk $0xffff, v5  }
0x450: {  	[tilespmem:s16+$0x6770] =	vst.add.f32.msk $0xffff, v6  }
0x451: {  	[tilespmem:s16+$0x6780] =	vst.add.f32.msk $0xffff, v7  }
0x452: {  	[tilespmem:s16+$0x6790] =	vst.add.f32.msk $0xffff, v8  }
0x453: {  	[tilespmem:s16+$0x67A0] =	vst.add.f32.msk $0xffff, v9  }
.Ltmp13:
0x454: {  	[tilespmem:s16+$0x67B0] =	vst.add.f32.msk $0xffff, v10;
	(pc) =	sbr.rel @p0 .LBB2_28-.Ltmp13, $4  }
0x455: {  	[tilespmem:s16+$0x67C0] =	vst.add.f32.msk $0xffff, v11  }
0x456: {  	[tilespmem:s16+$0x67D0] =	vst.add.f32.msk $0xffff, v12  }
0x457: {  	[tilespmem:s16+$0x67E0] =	vst.add.f32.msk $0xffff, v13  }
0x458: {  	s18 =	sadd.s32 $0x400, s18;
	[tilespmem:s16+$0x67F0] =	vst.add.f32.msk $0xffff, v14  }
0x459: {  	[tilespmem:s16+$0x6800] =	vst.add.f32.msk $0xffff, v0;
	s18 =	simm.s32 $0x0  }
0x45a: {  	[hbm4b:s0+s18] =	stream.linear.scatter [tilespmem:s10], [sflag:$0x4], $0x6400, $0x38;
	[tilespmem:$0x12F20] =	vst v63  }
0x45b: {  	_ =	swait.ge [sflag:s14], $0x6400  }
0x45c: {  	[sflag:s14] =	ssyncset.done $0x0  }
0x45d: {  	s17 =	rddreg [dreg:$0x12];
	[sflag:s14] =	ssyncadd.s32 $0xFFFF9C00  }
0x45e: {  	[tilespmem:s8], [sflag:$0x5] =	stream.linear.gather [hbm4b:s17+s18], $0x190, $0x38;
	[tilespmem:$0x12F20] =	vst v63  }
0x45f: {  	_ =	swait.ge [sflag:s7], $0x190  }
0x460: {  	[sflag:s7] =	ssyncset.done $0x0  }
0x461: {  	[sflag:s7] =	ssyncadd.s32 $0xFFFFFE70  }
0x462: {  	[tilespmem:s10], [sflag:$0x2] =	stream.indirect.gather [hbm4b:s4+s8], $0x40, s8, s8, $0xb8;
	[tilespmem:$0x12F20] =	vst v63  }
0x463: {  	_ =	swait.ge [sflag:s11], $0x6400  }
0x464: {  	[sflag:s11] =	ssyncset.done $0x0  }
0x465: {  	s16 =	simm.s32 $0x0;
	[sflag:s11] =	ssyncadd.s32 $0xFFFF9C00  }
0x466: {  	v0 =	vld [tilespmem:s16+$0xCC10]  }
0x467: {  	v1 =	vld [tilespmem:s16+$0xCB20]  }
0x468: {  	v2 =	vld [tilespmem:s16+$0xCB30]  }
0x469: {  	v3 =	vld [tilespmem:s16+$0xCB40]  }
0x46a: {  	v4 =	vld [tilespmem:s16+$0xCB50]  }
0x46b: {  	v5 =	vld [tilespmem:s16+$0xCB60]  }
0x46c: {  	v6 =	vld [tilespmem:s16+$0xCB70]  }
0x46d: {  	v7 =	vld [tilespmem:s16+$0xCB80]  }
0x46e: {  	v8 =	vld [tilespmem:s16+$0xCB90]  }
0x46f: {  	v9 =	vld [tilespmem:s16+$0xCBA0]  }
0x470: {  	v10 =	vld [tilespmem:s16+$0xCBB0]  }
0x471: {  	v11 =	vld [tilespmem:s16+$0xCBC0]  }
0x472: {  	v12 =	vld [tilespmem:s16+$0xCBD0]  }
0x473: {  	v13 =	vld [tilespmem:s16+$0xCBE0]  }
0x474: {  	v14 =	vld [tilespmem:s16+$0xCBF0]  }
0x475: {  	[tilespmem:s16+$0x410] =	vst.add.f32.msk $0xffff, v0  }
0x476: {  	v0 =	vld [tilespmem:s16+$0xCC00]  }
0x477: {  	[tilespmem:s16+$0x320] =	vst.add.f32.msk $0xffff, v1  }
0x478: {  	[tilespmem:s16+$0x330] =	vst.add.f32.msk $0xffff, v2  }
0x479: {  	[tilespmem:s16+$0x340] =	vst.add.f32.msk $0xffff, v3  }
0x47a: {  	[tilespmem:s16+$0x350] =	vst.add.f32.msk $0xffff, v4  }
0x47b: {  	[tilespmem:s16+$0x360] =	vst.add.f32.msk $0xffff, v5  }
0x47c: {  	[tilespmem:s16+$0x370] =	vst.add.f32.msk $0xffff, v6  }
0x47d: {  	[tilespmem:s16+$0x380] =	vst.add.f32.msk $0xffff, v7  }
0x47e: {  	[tilespmem:s16+$0x390] =	vst.add.f32.msk $0xffff, v8  }
0x47f: {  	[tilespmem:s16+$0x3A0] =	vst.add.f32.msk $0xffff, v9  }
0x480: {  	[tilespmem:s16+$0x3B0] =	vst.add.f32.msk $0xffff, v10  }
0x481: {  	[tilespmem:s16+$0x3C0] =	vst.add.f32.msk $0xffff, v11  }
0x482: {  	[tilespmem:s16+$0x3D0] =	vst.add.f32.msk $0xffff, v12  }
0x483: {  	[tilespmem:s16+$0x3E0] =	vst.add.f32.msk $0xffff, v13  }
0x484: {  	s17 =	simm.s32 $0x0;
	s18 =	simm.s32 $0x400;
	[tilespmem:s16+$0x3F0] =	vst.add.f32.msk $0xffff, v14  }
.LBB2_30:
0x485: {  	s17 =	sadd.s32 $0x4, s17;
	[tilespmem:s16+$0x400] =	vst.add.f32.msk $0xffff, v0;
	s16 =	sshra.s32 s18, $0x2  }
0x486: {  	v0 =	vld [tilespmem:s16+$0xCC10];
	p0 =	slt.u32 s17, $0x18C  }
0x487: {  	v1 =	vld [tilespmem:s16+$0xCB20]  }
0x488: {  	v2 =	vld [tilespmem:s16+$0xCB30]  }
0x489: {  	v3 =	vld [tilespmem:s16+$0xCB40]  }
0x48a: {  	v4 =	vld [tilespmem:s16+$0xCB50]  }
0x48b: {  	[tilespmem:s16+$0x410] =	vst.add.f32.msk $0xffff, v0  }
0x48c: {  	v5 =	vld [tilespmem:s16+$0xCB60]  }
0x48d: {  	v6 =	vld [tilespmem:s16+$0xCB70]  }
0x48e: {  	v7 =	vld [tilespmem:s16+$0xCB80]  }
0x48f: {  	v8 =	vld [tilespmem:s16+$0xCB90]  }
0x490: {  	v9 =	vld [tilespmem:s16+$0xCBA0]  }
0x491: {  	v10 =	vld [tilespmem:s16+$0xCBB0]  }
0x492: {  	v11 =	vld [tilespmem:s16+$0xCBC0]  }
0x493: {  	v12 =	vld [tilespmem:s16+$0xCBD0]  }
0x494: {  	v13 =	vld [tilespmem:s16+$0xCBE0]  }
0x495: {  	v14 =	vld [tilespmem:s16+$0xCBF0]  }
0x496: {  	v0 =	vld [tilespmem:s16+$0xCC00]  }
0x497: {  	[tilespmem:s16+$0x320] =	vst.add.f32.msk $0xffff, v1  }
0x498: {  	[tilespmem:s16+$0x330] =	vst.add.f32.msk $0xffff, v2  }
0x499: {  	[tilespmem:s16+$0x340] =	vst.add.f32.msk $0xffff, v3  }
0x49a: {  	[tilespmem:s16+$0x350] =	vst.add.f32.msk $0xffff, v4  }
0x49b: {  	[tilespmem:s16+$0x360] =	vst.add.f32.msk $0xffff, v5  }
0x49c: {  	[tilespmem:s16+$0x370] =	vst.add.f32.msk $0xffff, v6  }
0x49d: {  	[tilespmem:s16+$0x380] =	vst.add.f32.msk $0xffff, v7  }
0x49e: {  	[tilespmem:s16+$0x390] =	vst.add.f32.msk $0xffff, v8  }
0x49f: {  	[tilespmem:s16+$0x3A0] =	vst.add.f32.msk $0xffff, v9  }
.Ltmp14:
0x4a0: {  	[tilespmem:s16+$0x3B0] =	vst.add.f32.msk $0xffff, v10;
	(pc) =	sbr.rel @p0 .LBB2_30-.Ltmp14, $4  }
0x4a1: {  	[tilespmem:s16+$0x3C0] =	vst.add.f32.msk $0xffff, v11  }
0x4a2: {  	[tilespmem:s16+$0x3D0] =	vst.add.f32.msk $0xffff, v12  }
0x4a3: {  	[tilespmem:s16+$0x3E0] =	vst.add.f32.msk $0xffff, v13  }
0x4a4: {  	s18 =	sadd.s32 $0x400, s18;
	[tilespmem:s16+$0x3F0] =	vst.add.f32.msk $0xffff, v14  }
0x4a5: {  	[tilespmem:s16+$0x400] =	vst.add.f32.msk $0xffff, v0;
	s18 =	simm.s32 $0x0  }
0x4a6: {  	[hbm4b:s2+s18] =	stream.linear.scatter [tilespmem:s9], [sflag:$0x3], $0x6400, $0x38;
	[tilespmem:$0x12F20] =	vst v63  }
0x4a7: {  	_ =	swait.ge [sflag:s13], $0x6400  }
0x4a8: {  	[sflag:s13] =	ssyncset.done $0x0  }
0x4a9: {  	s16 =	simm.s32 $0x0;
	[sflag:s13] =	ssyncadd.s32 $0xFFFF9C00  }
0x4aa: {  	v0 =	vld [tilespmem:s16+$0xCC10]  }
0x4ab: {  	v1 =	vld [tilespmem:s16+$0xCB20]  }
0x4ac: {  	v2 =	vld [tilespmem:s16+$0xCB30]  }
0x4ad: {  	v3 =	vld [tilespmem:s16+$0xCB40]  }
0x4ae: {  	v4 =	vld [tilespmem:s16+$0xCB50]  }
0x4af: {  	v5 =	vld [tilespmem:s16+$0xCB60]  }
0x4b0: {  	v6 =	vld [tilespmem:s16+$0xCB70]  }
0x4b1: {  	v7 =	vld [tilespmem:s16+$0xCB80]  }
0x4b2: {  	v8 =	vld [tilespmem:s16+$0xCB90]  }
0x4b3: {  	v9 =	vld [tilespmem:s16+$0xCBA0]  }
0x4b4: {  	v10 =	vld [tilespmem:s16+$0xCBB0]  }
0x4b5: {  	v11 =	vld [tilespmem:s16+$0xCBC0]  }
0x4b6: {  	v12 =	vld [tilespmem:s16+$0xCBD0]  }
0x4b7: {  	v13 =	vld [tilespmem:s16+$0xCBE0]  }
0x4b8: {  	v14 =	vld [tilespmem:s16+$0xCBF0]  }
0x4b9: {  	[tilespmem:s16+$0x6810] =	vst.add.f32.msk $0xffff, v0  }
0x4ba: {  	v0 =	vld [tilespmem:s16+$0xCC00]  }
0x4bb: {  	[tilespmem:s16+$0x6720] =	vst.add.f32.msk $0xffff, v1  }
0x4bc: {  	[tilespmem:s16+$0x6730] =	vst.add.f32.msk $0xffff, v2  }
0x4bd: {  	[tilespmem:s16+$0x6740] =	vst.add.f32.msk $0xffff, v3  }
0x4be: {  	[tilespmem:s16+$0x6750] =	vst.add.f32.msk $0xffff, v4  }
0x4bf: {  	[tilespmem:s16+$0x6760] =	vst.add.f32.msk $0xffff, v5  }
0x4c0: {  	[tilespmem:s16+$0x6770] =	vst.add.f32.msk $0xffff, v6  }
0x4c1: {  	[tilespmem:s16+$0x6780] =	vst.add.f32.msk $0xffff, v7  }
0x4c2: {  	[tilespmem:s16+$0x6790] =	vst.add.f32.msk $0xffff, v8  }
0x4c3: {  	[tilespmem:s16+$0x67A0] =	vst.add.f32.msk $0xffff, v9  }
0x4c4: {  	[tilespmem:s16+$0x67B0] =	vst.add.f32.msk $0xffff, v10  }
0x4c5: {  	[tilespmem:s16+$0x67C0] =	vst.add.f32.msk $0xffff, v11  }
0x4c6: {  	[tilespmem:s16+$0x67D0] =	vst.add.f32.msk $0xffff, v12  }
0x4c7: {  	[tilespmem:s16+$0x67E0] =	vst.add.f32.msk $0xffff, v13  }
0x4c8: {  	s17 =	simm.s32 $0x0;
	s18 =	simm.s32 $0x400;
	[tilespmem:s16+$0x67F0] =	vst.add.f32.msk $0xffff, v14  }
.LBB2_32:
0x4c9: {  	s17 =	sadd.s32 $0x4, s17;
	[tilespmem:s16+$0x6800] =	vst.add.f32.msk $0xffff, v0;
	s16 =	sshra.s32 s18, $0x2  }
0x4ca: {  	v0 =	vld [tilespmem:s16+$0xCC10];
	p0 =	slt.u32 s17, $0x18C  }
0x4cb: {  	v1 =	vld [tilespmem:s16+$0xCB20]  }
0x4cc: {  	v2 =	vld [tilespmem:s16+$0xCB30]  }
0x4cd: {  	v3 =	vld [tilespmem:s16+$0xCB40]  }
0x4ce: {  	v4 =	vld [tilespmem:s16+$0xCB50]  }
0x4cf: {  	[tilespmem:s16+$0x6810] =	vst.add.f32.msk $0xffff, v0  }
0x4d0: {  	v5 =	vld [tilespmem:s16+$0xCB60]  }
0x4d1: {  	v6 =	vld [tilespmem:s16+$0xCB70]  }
0x4d2: {  	v7 =	vld [tilespmem:s16+$0xCB80]  }
0x4d3: {  	v8 =	vld [tilespmem:s16+$0xCB90]  }
0x4d4: {  	v9 =	vld [tilespmem:s16+$0xCBA0]  }
0x4d5: {  	v10 =	vld [tilespmem:s16+$0xCBB0]  }
0x4d6: {  	v11 =	vld [tilespmem:s16+$0xCBC0]  }
0x4d7: {  	v12 =	vld [tilespmem:s16+$0xCBD0]  }
0x4d8: {  	v13 =	vld [tilespmem:s16+$0xCBE0]  }
0x4d9: {  	v14 =	vld [tilespmem:s16+$0xCBF0]  }
0x4da: {  	v0 =	vld [tilespmem:s16+$0xCC00]  }
0x4db: {  	[tilespmem:s16+$0x6720] =	vst.add.f32.msk $0xffff, v1  }
0x4dc: {  	[tilespmem:s16+$0x6730] =	vst.add.f32.msk $0xffff, v2  }
0x4dd: {  	[tilespmem:s16+$0x6740] =	vst.add.f32.msk $0xffff, v3  }
0x4de: {  	[tilespmem:s16+$0x6750] =	vst.add.f32.msk $0xffff, v4  }
0x4df: {  	[tilespmem:s16+$0x6760] =	vst.add.f32.msk $0xffff, v5  }
0x4e0: {  	[tilespmem:s16+$0x6770] =	vst.add.f32.msk $0xffff, v6  }
0x4e1: {  	[tilespmem:s16+$0x6780] =	vst.add.f32.msk $0xffff, v7  }
0x4e2: {  	[tilespmem:s16+$0x6790] =	vst.add.f32.msk $0xffff, v8  }
0x4e3: {  	[tilespmem:s16+$0x67A0] =	vst.add.f32.msk $0xffff, v9  }
.Ltmp15:
0x4e4: {  	[tilespmem:s16+$0x67B0] =	vst.add.f32.msk $0xffff, v10;
	(pc) =	sbr.rel @p0 .LBB2_32-.Ltmp15, $4  }
0x4e5: {  	[tilespmem:s16+$0x67C0] =	vst.add.f32.msk $0xffff, v11  }
0x4e6: {  	[tilespmem:s16+$0x67D0] =	vst.add.f32.msk $0xffff, v12  }
0x4e7: {  	[tilespmem:s16+$0x67E0] =	vst.add.f32.msk $0xffff, v13  }
0x4e8: {  	s18 =	sadd.s32 $0x400, s18;
	[tilespmem:s16+$0x67F0] =	vst.add.f32.msk $0xffff, v14  }
0x4e9: {  	[tilespmem:s16+$0x6800] =	vst.add.f32.msk $0xffff, v0;
	s15 =	sadd.s32 $0x1, s15  }
0x4ea: {  	[hbm4b:s3+s1] =	stream.linear.scatter [tilespmem:s10], [sflag:$0x4], $0x6400, $0x38;
	[tilespmem:$0x12F20] =	vst v63  }
0x4eb: {  	p0 =	sne.s32 s15, s6;
	_ =	swait.ge [sflag:s14], $0x6400  }
.Ltmp16:
0x4ec: {  	[sflag:s14] =	ssyncset.done $0x0;
	(pc) =	sbr.rel @p0 .LBB2_1-.Ltmp16, $4  }
0x4ed: {  	[sflag:s14] =	ssyncadd.s32 $0xFFFF9C00  }
0x4ee: {  	_ =	swait.ge [sflag:s12], $0x6400  }
0x4ef: {  	[sflag:s12] =	ssyncset.done $0x0  }
0x4f0: {  	[sflag:s12] =	ssyncadd.s32 $0xFFFF9C00  }
0x4f1: {  	_ =	sfence.sel $0x180000  }
0x4f2: {  	[bflag:$0x0] =	sbarrier.arrive $0xFFFF  }
0x4f3: {  	_ =	strace $0x90000047  }
0x4f4: {  	s0 =	stileid.u32;
	[bflag:$0x2] =	sbarrier.arrive $0xFFFF  }
0x4f5: {  	p0 =	sne.s32 s0, $0x0;
	s0 =	rddreg [dreg:$0x2]  }
0x4f6: {  	s0 =	sadd.s32 @!p0 $0x100000, s0  }
0x4f7: {  	[sflag:s0] =	ssyncadd.tile.s32 @!p0 $0x1;
	_ =	shalt  }
.Lfunc_end2:
_tile_overlayer_lowered:
.L_overlay_start_2:
0x4f8: {  	(tag) =	ssettag $0x2  }
0x4f9: {  	s0 =	rddreg [dreg:$0x0];
	s2 =	stileid.u32  }
0x4fa: {  	s1 =	rddreg [dreg:$0x1];
	p0 =	sne.s32 s2, $0x0  }
0x4fb: {  	s3 =	rddreg [dreg:$0x2];
	[bflag:$0x3] =	sbarrier.arrive $0xFFFF;
	s2 =	simm.s32 @!p0 $0x1C05  }
0x4fc: {  	[timem:s3], [sflag:s2] =	dma.local @!p0 [hbm:s0], s1  }
0x4fd: {  	s0 =	simm.s32 @!p0 $0x5  }
0x4fe: {  	_ =	swait.ge @!p0 [sflag:s0], s1  }
0x4ff: {  	s1 =	ssub.s32 @!p0 $0x0, s1;
	[sflag:s0] =	ssyncset.done @!p0 $0x0  }
0x500: {  	[sflag:s0] =	ssyncadd.s32 @!p0 s1  }
0x501: {  	[bflag:$0x3] =	sbarrier.arrive $0xFFFF  }
0x502: {  	_ =	shalt  }

// kernel: sparse-core-data-format-call.cloned.1.call-start
scs
called_computation_lowered:
.L_overlay_start_0:
0x0: {  	s2 =	sld [smem:$0x3FD9]  }
0x1: {  	s3 =	sld [smem:$0x3FFE];
	_ =	sdelay $0x1  }
0x2: {  	s1 =	srdreg.scid  }
0x3: {  	s0 =	sand.u32 $0x1, s1  }
0x4: {  	s18 =	sshll.u32 s0, $0xA;
	s2 =	sadd.s32 s3, s2  }
0x5: {  	s2 =	sadd.s32 s2, s18  }
0x6: {  	[smem:$0x3FC5] =	sst s2  }
0x7: {  	_ = 	snop  }
0x8: {  	s2 =	sld [smem:$0x3FD0];
	(tm) =	ssettm $0x1  }
0x9: {  	s19 =	sld [smem:$0x3FFB];
	_ =	sdelay $0x3  }
0xa: {  	_ =	strace s19  }
0xb: {  	s3 =	sld [smem:$0x3FFC];
	_ =	sdelay $0x3  }
0xc: {  	_ =	strace s3  }
0xd: {  	s3 =	sld [smem:$0x3FFD];
	_ =	sdelay $0x3  }
0xe: {  	_ =	strace s3  }
0xf: {  	_ =	strace $0x8FFFFFFF  }
0x10: {  	s20 =	sld [smem:$0x3FDB];
	_ =	sdelay $0x1  }
0x11: {  	s4 =	simm.s32 $_scs_section_size  }
0x12: {  	s5 =	simm.s32 $_size__tile_overlayer_lowered;
	s6 =	simm.s32 $_tile_overlayer_lowered  }
0x13: {  	s23 =	simm.s32 $0x1BFF;
	s22 =	sshll.u32 s6, $0x1;
	s3 =	sadd.s32 s4, s20  }
0x14: {  	s7 =	simm.s32 $0x0;
	s21 =	sshll.u32 s5, $0x1;
	s5 =	sadd.s32 s22, s3  }
0x15: {  	[timem:s7], [sflag:s23] =	dma.local [hbm:s5], s21  }
0x16: {  	_ =	swait.ge [sflag:s23], s21  }
0x17: {  	s4 =	ssub.s32 $0x0, s21;
	[sflag:s23] =	ssyncset.done $0x0  }
0x18: {  	[sflag:s23] =	ssyncadd.s32 s4;
	_ =	sdelay $0x1  }
0x19: {  	s24 =	simm.s32 $0x1B8B  }
0x1a: {  	_ =	swait.ge [sflag:s24], $0x1  }
0x1b: {  	[sflag:s24] =	ssyncset.done $0x0  }
0x1c: {  	s26 =	simm.s32 $0x1B8E;
	s25 =	sld [smem:$0x3FFE];
	[sflag:s24] =	ssyncadd.s32 $0xFFFFFFFF  }
0x1d: {  	s27 =	simm.s32 $execute0_lowered;
	[smem:$0x3FD2] =	sst s26  }
0x1e: {  	s5 =	sshll.u32 s27, $0x1;
	_ =	strace $0x80000049;
	[dreg:$0x1] =	wrdreg $0xFFFFFFFF  }
0x1f: {  	s28 =	simm.s32 $_size_execute0_lowered;
	s3 =	sadd.s32 s3, s5;
	[dreg:$0x0] =	wrdreg $0x0  }
0x20: {  	s5 =	sshll.u32 s28, $0x1;
	[dreg:$0x2] =	wrdreg s3  }
0x21: {  	[dreg:$0x3] =	wrdreg s5  }
0x22: {  	[dreg:$0x4] =	wrdreg $0xC0  }
0x23: {  	_ =	task [dreg:s7], $0x5FFFF  }
0x24: {  	[dreg:$0x1] =	wrdreg $0xFFFFFFFF  }
0x25: {  	[dreg:$0x0] =	wrdreg $0x60  }
0x26: {  	[dreg:$0x2] =	wrdreg s25  }
0x27: {  	[dreg:$0x3] =	wrdreg s2  }
0x28: {  	[dreg:$0x4] =	wrdreg $0x9  }
0x29: {  	_ =	task.clear_ibuf [dreg:s7], $0x5FFFF;
	_ =	strace $0x90000049  }
0x2a: {  	s29 =	simm.s32 $0x9;
	_ =	strace $0x8000004B  }
0x2b: {  	_ =	swait.ge [sflag:s29], $0x1  }
0x2c: {  	[sflag:s29] =	ssyncadd.s32 $0xFFFFFFFF  }
0x2d: {  	_ =	strace $0x9000004B  }
0x2e: {  	_ =	sfence  }
0x2f: {  	s30 =	sld [smem:$0x0];
	_ =	sdelay $0x2  }
0x30: {  	s31 =	sshll.u32 s1, $0xD;
	s1 =	sshrl.u32 s1, $0x2  }
0x31: {  	s3 =	sand.u32 $0x4000, s31;
	s1 =	sadd.s32 s1, s30  }
0x32: {  	s0 =	sor.u32 s3, s0;
	s1 =	sshll.u32 s1, $0x11  }
0x33: {  	s0 =	sor.u32 s1, s0  }
0x34: {  	s0 =	sadd.s32 $0x8F2B, s0  }
0x35: {  	[sflag:s0] =	ssyncadd.remote.s32 $0x1  }
0x36: {  	_ =	sfence.sel $0xFFFF  }
0x37: {  	[dreg:$0x0] =	wrdreg $0xFFFFFFFF;
	(pc) =	sbr.abs _section_cstart, $3  }
0x38: {  	[dreg:$0x1] =	wrdreg $0xFFFFFFFF  }
0x39: {  	_ =	task.clear_ibuf [dreg:s7], $0x2FFFF;
	_ =	strace $0x9FFFFFFF  }
0x3a: {  	(tm) =	ssettm $0x7FFFFFFF  }
0x3b: {  	_ =	shalt  }
tec
execute0_lowered:
.L_overlay_start_1:
0x0: {  	(tag) =	ssettag $0x1  }
0x1: {  	s0 =	stileid.u32;
	s6 =	rddreg [dreg:$0x0]  }
0x2: {  	s2 =	rddreg [dreg:$0x1];
	s5 =	srdreg.scid  }
0x3: {  	s31 =	simm.s32 $0x2;
	s13 =	simm.s32 $0x0;
	s1 =	sshll.u32 s0, $0x7  }
0x4: {  	s14 =	simm.s32 $0x0;
	s12 =	simm.s32 $0x0;
	s3 =	sand.u32 $0x380, s1  }
0x5: {  	s5 =	sshll.u32 s5, $0x4;
	s6 =	sadd.s32 $0xC00, s6;
	s4 =	ssub.s32 $0x400, s3  }
0x6: {  	s1 =	rddreg [dreg:$0x2];
	_ =	strace $0x8000004A;
	s7 =	sand.u32 $0x380, s4  }
0x7: {  	s5 =	sand.u32 $0x10, s5;
	p0 =	sne.s32 s7, $0x0;
	s7 =	simm.s32 $0x1  }
.Ltmp0:
0x8: {  	s8 =	sshrl.u32 s4, $0xA;
	s7 =	simm.s32 @!p0 $0x0;
	(pc) =	sbr.rel .LBB1_1-.Ltmp0, $4  }
0x9: {  	s9 =	sor.u32 s0, s5;
	s4 =	simm.s32 $0x1;
	s30 =	sadd.s32 s7, s8  }
0xa: {  	s11 =	smov.u32 s3;
	[sflag:s4] =	ssyncpa.u1 $0x0;
	s5 =	smul.u32 $0x32, s30  }
0xb: {  	[sflag:s31] =	ssyncpa.u1 $0x0;
	p0 =	por $0x0, $0x0;
	s7 =	sshrl.u32 s9, $0x3  }
0xc: {  	s9 =	simm.s32 $0x2000;
	s10 =	smov.u32 s7;
	s8 =	sor.u32 $0x1, s5  }
.LBB1_4:
0xd: {  	s17 =	sand.u32 $0x1F80, s14;
	s13 =	sshll.u32 s13, $0xD  }
0xe: {  	[tilespmem:s16+$0x810 ss:$0x81] =	vst.msk $0xffff, v2;
	s18 =	sshrl.u32 s14, $0x3;
	s31 =	sand.u32 $0x7, s14;
	s17 =	sadd.s32 s2, s17  }
0xf: {  	[tilespmem:s16+$0x1020 ss:$0x81] =	vst.msk $0xffff, v0;
	s18 =	sand.u32 $0xF, s18;
	s14 =	sshll.u32 s31, $0x12;
	s13 =	sadd.s32 s13, s17  }
0x10: {  	[tilespmem:s16+$0x0 ss:$0x81] =	vst.msk $0xffff, v1;
	s14 =	sor.u32 $0x400, s14;
	s13 =	sadd.s32 s18, s13  }
0x11: {  	[hbm4b:s13+s14] =	stream.strided.scatter [tilespmem:s15], [sflag:$0x2], $0x2000, s9, s14, $0x20;
	[tilespmem:$0x8080] =	vst v63  }
.LBB1_5:
0x12: {  	s15 =	sadd.s32 $0x4, s10  }
0x13: {  	s13 =	sadd.s32 $0x400, s11;
	s17 =	smov.u32 s11;
	p2 =	sgt.s32 s15, $0xC7  }
0x14: {  	s17 =	smov.u32 @p2 s13  }
0x15: {  	s15 =	smov.u32 @p2 s7;
	p2 =	sgt.s32 s17, $0x3FF  }
0x16: {  	s17 =	smov.u32 @p2 s3;
	p2 =	sne.s32 s12, s8  }
.Ltmp1:
0x17: {  	p1 =	slt.u32 s12, $0x2;
	(pc) =	sbr.rel @!p2 .LBB1_6-.Ltmp1, $4  }
0x18: {  	s16 =	simm.s32 @!p1 $0x2  }
0x19: {  	s14 =	smov.u32 s11;
	p0 =	por !p0, !p0;
	_ =	swait.ge @!p1 [sflag:s16], $0x2000  }
0x1a: {  	s13 =	smov.u32 s10;
	[sflag:s16] =	ssyncset.done @!p1 $0x0;
	s10 =	smov.u32 s15  }
0x1b: {  	s12 =	sadd.s32 $0x1, s12;
	[sflag:s16] =	ssyncadd.s32 @!p1 $0xFFFFE000;
	s11 =	smov.u32 s17  }
.LBB1_1:
0x1c: {  	p1 =	sge.u32 s12, s5  }
0x1d: {  	s15 =	sand.u32 @!p1 $0x1FFFFFF, s10  }
0x1e: {  	s16 =	smulhi.u32 @!p1 $0x147AE15, s15;
	_ =	sdelay $0x1  }
0x1f: {  	s16 =	smul.u32 @!p1 $0xC8, s16  }
0x20: {  	s17 =	sxor.u32 @!p1 $0xFFFFFFFF, s12;
	s18 =	smul.u32 @!p1 $0xC80, s11  }
0x21: {  	s31 =	sadd.s32 $0xFFFFFFFF, s12;
	s17 =	sshll.u32 @!p1 s17, $0xD;
	s15 =	ssub.s32 @!p1 s15, s16  }
0x22: {  	s16 =	sand.u32 @!p1 $0x2000, s17;
	s17 =	sadd.s32 @!p1 s6, s18;
	s15 =	sshll.u32 @!p1 s15, $0x4  }
0x23: {  	s18 =	simm.s32 @!p1 $0x6400;
	s15 =	sadd.s32 @!p1 s15, s17;
	s17 =	simm.s32 @!p1 $0x40  }
0x24: {  	[tilespmem:s16], [sflag:$0x1] =	stream.strided.gather @!p1 [hbm4b:s15+s17], $0x2000, s18, s17, $0x38;
	[tilespmem:$0x8080] =	vst v63  }
0x25: {  	p1 =	sge.u32 s31, s5  }
.Ltmp2:
0x26: {  	_ = 	snop;
	(pc) =	sbr.rel @p1 .LBB1_5-.Ltmp2, $1  }
0x27: {  	_ =	sdelay $0x3  }
0x28: {  	s15 =	simm.s32 $0x1  }
0x29: {  	_ =	swait.ge [sflag:s4], $0x2000;
	s15 =	simm.s32 @!p0 $0x0  }
0x2a: {  	[sflag:s4] =	ssyncset.done $0x0;
	s16 =	sshll.u32 s15, $0xD  }
0x2b: {  	[sflag:s4] =	ssyncadd.s32 $0xFFFFE000;
	s19 =	sor.u32 $0x20, s16  }
0x2c: {  	s15 =	smul.u32 $0x8100, s15;
	v3 =	vld [tilespmem:s19+$0x10]  }
0x2d: {  	s30 =	sand.u32 $0x1, s12;
	v2 =	vld [tilespmem:s19+$0xFFFFFFF0]  }
0x2e: {  	s16 =	smul.u32 $0x8100, s30;
	s15 =	sshrl.u32 s15, $0x2;
	v0 =	vld [tilespmem:s19+$0x0]  }
0x2f: {  	v1 =	vld [tilespmem:s19+$0xFFFFFFE0];
	s17 =	sor.u32 $0x4000, s15  }
0x30: {  	s31 =	sshrl.u32 s16, $0x2;
	s16 =	sadd.s32 $0x0, s17  }
0x31: {  	s18 =	simm.s32 $0x4;
	s19 =	sadd.s32 $0x40, s19;
	s15 =	sor.u32 $0x4000, s31;
	[tilespmem:s16+$0x1830 ss:$0x81] =	vst.msk $0xffff, v3  }
.LBB1_3:
0x32: {  	v3 =	vld [tilespmem:s19+$0x10];
	p1 =	sne.s32 s18, $0x1FC;
	[tilespmem:s16+$0x810 ss:$0x81] =	vst.msk $0xffff, v2;
	s20 =	smov.u32 s18;
	s18 =	sadd.s32 $0x4, s18  }
.Ltmp3:
0x33: {  	v2 =	vld [tilespmem:s19+$0xFFFFFFF0];
	[tilespmem:s16+$0x1020 ss:$0x81] =	vst.msk $0xffff, v0;
	(pc) =	sbr.rel @p1 .LBB1_3-.Ltmp3, $4  }
0x34: {  	v0 =	vld [tilespmem:s19+$0x0];
	[tilespmem:s16+$0x0 ss:$0x81] =	vst.msk $0xffff, v1  }
0x35: {  	s16 =	sshra.s32 s20, $0x2;
	v1 =	vld [tilespmem:s19+$0xFFFFFFE0]  }
0x36: {  	s16 =	sadd.s32 s16, s17  }
0x37: {  	s19 =	sadd.s32 $0x40, s19;
	[tilespmem:s16+$0x1830 ss:$0x81] =	vst.msk $0xffff, v3  }
.Ltmp4:
0x38: {  	_ = 	snop;
	(pc) =	sbr.rel .LBB1_4-.Ltmp4, $1  }
0x39: {  	_ =	sdelay $0x3  }
.LBB1_6:
0x3a: {  	_ =	sfence.sel $0x180000  }
0x3b: {  	s2 =	simm.s32 $0x1;
	[bflag:$0x0] =	sbarrier.arrive $0xFFFF  }
0x3c: {  	s31 =	simm.s32 $0x2;
	[sflag:s2] =	ssyncpa.u1 $0x1  }
0x3d: {  	[sflag:s31] =	ssyncpa.u1 $0x1  }
0x3e: {  	p0 =	sne.s32 s0, $0x0;
	_ =	strace $0x9000004A  }
0x3f: {  	s0 =	sadd.s32 @!p0 $0x100000, s1;
	[bflag:$0x2] =	sbarrier.arrive $0xFFFF  }
0x40: {  	[sflag:s0] =	ssyncadd.tile.s32 @!p0 $0x1;
	_ =	shalt  }
.Lfunc_end1:
_tile_overlayer_lowered:
.L_overlay_start_2:
0x41: {  	(tag) =	ssettag $0x2  }
0x42: {  	s0 =	rddreg [dreg:$0x0];
	s2 =	stileid.u32  }
0x43: {  	s1 =	rddreg [dreg:$0x1];
	p0 =	sne.s32 s2, $0x0  }
0x44: {  	s3 =	rddreg [dreg:$0x2];
	[bflag:$0x3] =	sbarrier.arrive $0xFFFF;
	s2 =	simm.s32 @!p0 $0x1C01  }
0x45: {  	[timem:s3], [sflag:s2] =	dma.local @!p0 [hbm:s0], s1  }
0x46: {  	s0 =	simm.s32 @!p0 $0x1  }
0x47: {  	_ =	swait.ge @!p0 [sflag:s0], s1  }
0x48: {  	s1 =	ssub.s32 @!p0 $0x0, s1;
	[sflag:s0] =	ssyncset.done @!p0 $0x0  }
0x49: {  	[sflag:s0] =	ssyncadd.s32 @!p0 s1  }
0x4a: {  	[bflag:$0x3] =	sbarrier.arrive $0xFFFF  }
0x4b: {  	_ =	shalt  }

</sc_bundles>
